<compile_context>
chip_gen: v7x
topology: tpu7x:2x2x1
jax: 0.10.2.dev20260603
libtpu: 0.0.44.dev20260713+nightly
codegen_flags: <defaults>
</compile_context>

<pallas_src>
import functools

import jax
import jax.numpy as jnp
from jax import lax
from jax.experimental import pallas as pl
from jax.experimental.pallas import tpu as pltpu
from jax.experimental.pallas import tpu_sc as plsc

N = 10000
E = 320000
D_IN = 128
DH = 32
D_OUT = 128

NC = 2
NS = 16
NW = NC * NS
L = 16

K = 80
NBLK = 125
EPW = K * NBLK
N_PAD = 10112
RPS = N_PAD // NS

_MESH = plsc.VectorSubcoreMesh(
    core_axis_name="c", subcore_axis_name="s", num_cores=NC, num_subcores=NS
)
_SC_PARAMS = pltpu.CompilerParams(
    needs_layout_passes=False, use_tc_tiling_on_sc=False,
    skip_device_barrier=True,
)


@functools.partial(
    pl.kernel,
    out_type=jax.ShapeDtypeStruct((NW, N_PAD), jnp.float32),
    mesh=_MESH,
    scratch_types=[
        pltpu.VMEM((N_PAD,), jnp.float32),
        pltpu.VMEM((NBLK, K), jnp.int32),
    ],
    compiler_params=_SC_PARAMS,
)
def _sc_degree(edge_ref, out_ref, hist, cbuf):
    c = lax.axis_index("c")
    s = lax.axis_index("s")
    wid = s * NC + c

    pltpu.sync_copy(edge_ref.at[1, wid], cbuf)

    zero16 = jnp.zeros((L,), jnp.float32)

    def zero_body(i, carry):
        for u in range(4):
            hist[pl.ds(i * 4 * L + u * L, L)] = zero16
        return carry

    lax.fori_loop(0, N_PAD // (4 * L), zero_body, 0)

    ones16 = jnp.ones((L,), jnp.float32)

    def edge_body(i, carry):
        for u in range(K // L):
            cv = cbuf[i, pl.ds(u * L, L)]
            plsc.addupdate_scatter(hist, [cv], ones16)
        return carry

    lax.fori_loop(0, NBLK, edge_body, 0)

    pltpu.sync_copy(hist, out_ref.at[wid])


def _edge_pipeline(edge_ref, wid, rbuf, cbuf, gath0, gath1, sem0, sem1,
                   xin_sh, acc):
    pltpu.sync_copy(edge_ref.at[0, wid], rbuf)
    pltpu.sync_copy(edge_ref.at[1, wid], cbuf)

    gbufs = (gath0, gath1)
    sems = (sem0, sem1)

    def start_gather(i, b):
        pltpu.make_async_copy(xin_sh.at[rbuf.at[i]], gbufs[b], sems[b]).start()

    def finish_block(i, b):
        pltpu.make_async_copy(xin_sh.at[rbuf.at[i]], gbufs[b], sems[b]).wait()
        pltpu.sync_copy(gbufs[b], acc.at[cbuf.at[i]], add=True)

    start_gather(0, 0)

    def edge_body(j, carry):
        i0 = 2 * j
        start_gather(i0 + 1, 1)
        finish_block(i0, 0)
        start_gather(i0 + 2, 0)
        finish_block(i0 + 1, 1)
        return carry

    lax.fori_loop(0, (NBLK - 1) // 2, edge_body, 0)
    finish_block(NBLK - 1, 0)


@functools.partial(
    pl.kernel,
    out_type=jax.ShapeDtypeStruct((NC * N_PAD, DH), jnp.float32),
    mesh=_MESH,
    scratch_types=[
        pltpu.VMEM_SHARED((N_PAD, DH), jnp.float32),
        pltpu.VMEM_SHARED((N_PAD, DH), jnp.float32),
        pltpu.VMEM((NBLK, K), jnp.int32),
        pltpu.VMEM((NBLK, K), jnp.int32),
        pltpu.VMEM((K, DH), jnp.float32),
        pltpu.VMEM((K, DH), jnp.float32),
        pltpu.SemaphoreType.DMA,
        pltpu.SemaphoreType.DMA,
        pltpu.SemaphoreType.DMA,
    ],
    compiler_params=_SC_PARAMS,
)
def _sc_scatter1(xin_ref, edge_ref, zeros_ref, out_ref,
                 acc, xin_sh, rbuf, cbuf, gath0, gath1, sem0, sem1, sem2):
    c = lax.axis_index("c")
    s = lax.axis_index("s")
    wid = s * NC + c

    rsl = pl.ds(s * RPS, RPS)
    zcopy = pltpu.make_async_copy(zeros_ref.at[rsl], acc.at[rsl], sem1)
    zcopy.start()
    xcopy = pltpu.make_async_copy(xin_ref.at[rsl], xin_sh.at[rsl], sem2)
    xcopy.start()
    zcopy.wait()
    xcopy.wait()
    plsc.subcore_barrier()

    _edge_pipeline(edge_ref, wid, rbuf, cbuf, gath0, gath1, sem0, sem1,
                   xin_sh, acc)

    plsc.subcore_barrier()
    pltpu.sync_copy(acc.at[rsl], out_ref.at[pl.ds(c * N_PAD + s * RPS, RPS)])


@functools.partial(
    pl.kernel,
    out_type=jax.ShapeDtypeStruct((NC * N_PAD, DH), jnp.float32),
    mesh=_MESH,
    scratch_types=[
        pltpu.VMEM_SHARED((N_PAD, DH), jnp.float32),
        pltpu.VMEM_SHARED((N_PAD, DH), jnp.float32),
        pltpu.VMEM((NBLK, K), jnp.int32),
        pltpu.VMEM((NBLK, K), jnp.int32),
        pltpu.VMEM((K, DH), jnp.float32),
        pltpu.VMEM((K, DH), jnp.float32),
        pltpu.VMEM((RPS // 4, DH), jnp.float32),
        pltpu.VMEM((RPS // 4, DH), jnp.float32),
        pltpu.VMEM((RPS // 4, DH), jnp.float32),
        pltpu.VMEM((RPS // 4, DH), jnp.float32),
        pltpu.VMEM((RPS // 4, DH), jnp.float32),
        pltpu.VMEM((RPS // 4, DH), jnp.float32),
        pltpu.VMEM((RPS // 4, DH), jnp.float32),
        pltpu.VMEM((RPS // 4, DH), jnp.float32),
        pltpu.VMEM((DH,), jnp.float32),
        pltpu.SemaphoreType.DMA,
        pltpu.SemaphoreType.DMA,
        pltpu.SemaphoreType.DMA,
        pltpu.SemaphoreType.DMA,
        pltpu.SemaphoreType.DMA,
        pltpu.SemaphoreType.DMA,
        pltpu.SemaphoreType.DMA,
        pltpu.SemaphoreType.DMA,
        pltpu.SemaphoreType.DMA,
        pltpu.SemaphoreType.DMA,
    ],
    compiler_params=_SC_PARAMS,
)
def _sc_scatter2(p_ref, h0s_ref, disx_ref, b1_ref, edge_ref, zeros_ref,
                 out_ref, acc, xin_sh, rbuf, cbuf, gath0, gath1,
                 paA, pbA, h0bA, dxbA, paB, pbB, h0bB, dxbB, bbuf,
                 semA0, semA1, semA2, semA3, semB0, semB1, semB2, semB3,
                 semZ, semW):
    c = lax.axis_index("c")
    s = lax.axis_index("s")
    wid = s * NC + c

    HC = RPS // 4
    sets = ((paA, pbA, h0bA, dxbA), (paB, pbB, h0bB, dxbB))
    ssems = ((semA0, semA1, semA2, semA3), (semB0, semB1, semB2, semB3))
    rsl = pl.ds(s * RPS, RPS)
    zcopy = pltpu.make_async_copy(zeros_ref.at[rsl], acc.at[rsl], semZ)
    zcopy.start()
    pltpu.sync_copy(b1_ref, bbuf)

    def _load_descs(ch, st):
        off = pl.ds(s * RPS + ch * HC, HC)
        pa, pb, h0b, dxb = sets[st]
        s0, s1, s2, s3 = ssems[st]
        return (
            pltpu.make_async_copy(p_ref.at[pl.ds(s * RPS + ch * HC, HC)], pa,
                                  s0),
            pltpu.make_async_copy(
                p_ref.at[pl.ds(N_PAD + s * RPS + ch * HC, HC)], pb, s1),
            pltpu.make_async_copy(h0s_ref.at[off], h0b, s2),
            pltpu.make_async_copy(disx_ref.at[off], dxb, s3),
        )

    def _wdesc(ch, st):
        off = pl.ds(s * RPS + ch * HC, HC)
        return pltpu.make_async_copy(sets[st][0], xin_sh.at[off], semW)

    def _mk_hs_body(st):
        pa, pb, h0b, dxb = sets[st]

        def hs_body(i2, carry):
            for r in range(2):
                i = 2 * i2 + r
                for u in range(DH // L):
                    csl = pl.ds(u * L, L)
                    d = dxb[i, csl]
                    v = d * (pa[i, csl] + pb[i, csl] + h0b[i, csl]) + bbuf[csl]
                    pa[i, csl] = d * jnp.maximum(v, 0.0)
            return carry

        return hs_body

    for d in _load_descs(0, 0):
        d.start()
    for ch in range(4):
        st = ch % 2
        if ch + 1 < 4:
            if ch >= 1:
                _wdesc(ch - 1, 1 - st).wait()
            for d in _load_descs(ch + 1, 1 - st):
                d.start()
        for d in _load_descs(ch, st):
            d.wait()
        lax.fori_loop(0, HC // 2, _mk_hs_body(st), 0)
        _wdesc(ch, st).start()
    _wdesc(2, 0).wait()
    _wdesc(3, 1).wait()

    zcopy.wait()
    plsc.subcore_barrier()

    _edge_pipeline(edge_ref, wid, rbuf, cbuf, gath0, gath1, semA0, semB0,
                   xin_sh, acc)

    plsc.subcore_barrier()

    def _eload_descs(ch, st):
        off = pl.ds(s * RPS + ch * HC, HC)
        pa, pb, h0b, dxb = sets[st]
        s0, s1, s2, s3 = ssems[st]
        return (
            pltpu.make_async_copy(acc.at[off], pb, s0),
            pltpu.make_async_copy(disx_ref.at[off], dxb, s1),
            pltpu.make_async_copy(xin_sh.at[off], h0b, s2),
        )

    def _ewdesc(ch, st):
        off = pl.ds(c * N_PAD + s * RPS + ch * HC, HC)
        return pltpu.make_async_copy(sets[st][1], out_ref.at[off], semW)

    def _mk_ep_body(st, with_hs):
        pa, pb, h0b, dxb = sets[st]

        def ep_body(i2, carry):
            for r in range(2):
                i = 2 * i2 + r
                for u in range(DH // L):
                    csl = pl.ds(u * L, L)
                    q = pb[i, csl]
                    if with_hs:
                        q = q + h0b[i, csl]
                    pb[i, csl] = dxb[i, csl] * q
            return carry

        return ep_body

    for d in _eload_descs(0, 0):
        d.start()
    for ch in range(4):
        st = ch % 2
        if ch + 1 < 4:
            if ch >= 1:
                _ewdesc(ch - 1, 1 - st).wait()
            for d in _eload_descs(ch + 1, 1 - st):
                d.start()
        for d in _eload_descs(ch, st):
            d.wait()

        @pl.when(c == 0)
        def _():
            lax.fori_loop(0, HC // 2, _mk_ep_body(st, True), 0)

        @pl.when(c != 0)
        def _():
            lax.fori_loop(0, HC // 2, _mk_ep_body(st, False), 0)

        _ewdesc(ch, st).start()
    _ewdesc(2, 0).wait()
    _ewdesc(3, 1).wait()


def _tc_mm_body(x_ref, w1_ref, h0_ref):
    h0_ref[...] = jnp.dot(x_ref[...], w1_ref[...],
                          preferred_element_type=jnp.float32)


def _tc_scale_body(parts_ref, h0_ref, h0s_ref, disx_ref):
    deg = jnp.sum(parts_ref[...], axis=0) + 1.0
    disx = jnp.broadcast_to(lax.rsqrt(deg)[:, None], (N_PAD, DH))
    h0p = jnp.concatenate(
        [h0_ref[...], jnp.zeros((N_PAD - N, DH), jnp.float32)], axis=0)
    h0s_ref[...] = disx * h0p
    disx_ref[...] = disx


def _tc_final_body(r_ref, w2_ref, b2_ref, out_ref):
    rall = r_ref[...]
    agg = rall[0:N] + rall[N_PAD:N_PAD + N]
    out = jnp.dot(agg, w2_ref[...], preferred_element_type=jnp.float32)
    out_ref[...] = out + b2_ref[...]


_tc_mm = pl.pallas_call(
    _tc_mm_body,
    out_shape=jax.ShapeDtypeStruct((N, DH), jnp.float32),
)

_tc_scale = pl.pallas_call(
    _tc_scale_body,
    out_shape=(
        jax.ShapeDtypeStruct((N_PAD, DH), jnp.float32),
        jax.ShapeDtypeStruct((N_PAD, DH), jnp.float32),
    ),
)

_tc_final = pl.pallas_call(
    _tc_final_body,
    out_shape=jax.ShapeDtypeStruct((N, D_OUT), jnp.float32),
)


def kernel(x, edge_index, W1, b1, W2, b2):
    edge3 = edge_index.reshape(2, NW, NBLK, K)
    zeros2 = jnp.zeros((N_PAD, DH), jnp.float32)

    parts = _sc_degree(edge3)
    h0 = _tc_mm(x, W1)
    h0s, disx = _tc_scale(parts, h0)
    p = _sc_scatter1(h0s, edge3, zeros2)
    r = _sc_scatter2(p, h0s, disx, b1, edge3, zeros2)
    out = _tc_final(r, W2, b2.reshape(1, D_OUT))
    return out

# --- scband reference (transcript-rebuilt; emitter-appended) ---
"""Pipeline reference for scband-two-layer-model-33328946217826 (READ-ONLY COPY).

The authoritative reference and input builder live on the scoring server;
editing this copy changes nothing except your own understanding.
"""

import jax, jax.numpy as jnp
import numpy as np

N = 10000
E = 320000
D_IN = 128
D_HID1 = 32
D_OUT = 128


def _glorot(key, shape):
    stdv = float(np.sqrt(6.0 / (shape[0] + shape[1])))
    return jax.random.uniform(key, shape, dtype=jnp.float32, minval=-stdv, maxval=stdv)


def setup_inputs(seed: int = 0) -> dict:
    key = jax.random.key(seed)
    k1, k2, k3, k4 = jax.random.split(key, 4)
    x = jax.random.normal(k1, (N, D_IN), dtype=jnp.float32)
    edge_index = jax.random.randint(k2, (2, E), 0, N, dtype=jnp.int32)
    # conv1: GCNConv(feature_num=128, 32)
    W1 = _glorot(k3, (D_IN, D_HID1))
    b1 = jnp.zeros((D_HID1,), dtype=jnp.float32)
    # conv2 (NewSampleModelLayer eval path): propagate then matmul with weight [32, 128]
    W2 = _glorot(k4, (D_HID1, D_OUT))
    b2 = jnp.zeros((D_OUT,), dtype=jnp.float32)
    return {"x": x, "edge_index": edge_index, "W1": W1, "b1": b1, "W2": W2, "b2": b2}


def _gcn_propagate(x, row, col, n):
    # symmetric normalization with self loops already appended to (row, col)
    deg = jnp.zeros((n,), x.dtype).at[col].add(1.0)
    dis = jnp.where(deg > 0, 1.0 / jnp.sqrt(deg), 0.0)
    w = dis[row] * dis[col]
    msg = w[:, None] * jnp.take(x, row, axis=0)
    return jnp.zeros((n, x.shape[1]), x.dtype).at[col].add(msg)


def reference(x, edge_index, W1, b1, W2, b2):
    sl = jnp.arange(N, dtype=edge_index.dtype)
    row = jnp.concatenate([edge_index[0], sl])
    col = jnp.concatenate([edge_index[1], sl])
    # conv1: GCNConv -> x @ W1, propagate, + b1
    h = _gcn_propagate(x @ W1, row, col, N) + b1
    # relu; dropout is identity in eval mode
    h = jax.nn.relu(h)
    # conv2 eval path: propagate raw features with sym norm, then feature_result @ weight + bias
    agg = _gcn_propagate(h, row, col, N)
    out = agg @ W2 + b2
    return out

if __name__ == "__main__":
    import jax
    _d = setup_inputs()
    print(jax.jit(kernel)(*tuple(_d.values())))

</pallas_src>

<mosaic_0001>
#map = affine_map<(d0, d1) -> (0, 0, 0, 0)>
#map1 = affine_map<(d0, d1) -> (0, 0)>
module attributes {stable_mosaic.version = 14 : i64} {
  func.func @_sc_degree(%arg0: i32, %arg1: i32, %arg2: memref<2x32x125x80xi32, #tpu.memory_space<hbm>>, %arg3: memref<32x10112xf32, #tpu.memory_space<hbm>>, %arg4: memref<10112xf32, #tpu.memory_space<vmem>>, %arg5: memref<125x80xi32, #tpu.memory_space<vmem>>) attributes {dimension_semantics = [#tpu.dimension_semantics<core_parallel>, #tpu.dimension_semantics<subcore_parallel>], iteration_bounds = array<i64: 2, 16>, scalar_prefetch = 0 : i64, scratch_operands = 2 : i64, tpu.core_type = #tpu.core_type<sc_vector_subcore>, window_params = [{transform_indices = #map}, {transform_indices = #map1}]} {
    %mul3A = arith.constant 2 : i32
    %mul3A_0 = arith.muli %arg1, %mul3A : i32
    %add3A = arith.addi %mul3A_0, %arg0 : i32
    %run_scoped3A = arith.constant 1 : i32
    "tpu.region"() ({
      %run_scoped3A_15 = tpu.sem_alloc : memref<!tpu.dma_semaphore, #tpu.memory_space<semaphore_mem>>
      %dma_start3A = arith.constant 0 : i32
      %dma_start3A_16 = arith.constant 0 : i32
      %dma_start3A_17 = tpu.memref_slice %arg2[%run_scoped3A, %add3A, %dma_start3A, %dma_start3A_16] : memref<2x32x125x80xi32, #tpu.memory_space<hbm>> -> memref<1x1x125x80xi32, #tpu.memory_space<hbm>>
      %dma_start3A_18 = tpu.memref_squeeze %dma_start3A_17 : memref<1x1x125x80xi32, #tpu.memory_space<hbm>> -> memref<125x80xi32, #tpu.memory_space<hbm>>
      %dma_start3A_19 = arith.constant 0 : i32
      %dma_start3A_20 = arith.constant 0 : i32
      %dma_start3A_21 = tpu.memref_slice %arg2[%run_scoped3A, %add3A, %dma_start3A_19, %dma_start3A_20] : memref<2x32x125x80xi32, #tpu.memory_space<hbm>> -> memref<1x1x125x80xi32, #tpu.memory_space<hbm>>
      %dma_start3A_22 = tpu.memref_squeeze %dma_start3A_21 : memref<1x1x125x80xi32, #tpu.memory_space<hbm>> -> memref<125x80xi32, #tpu.memory_space<hbm>>
      tpu.enqueue_dma source(%dma_start3A_22 : memref<125x80xi32, #tpu.memory_space<hbm>>) target(%arg5 : memref<125x80xi32, #tpu.memory_space<vmem>>) target_semaphore(%run_scoped3A_15 : memref<!tpu.dma_semaphore, #tpu.memory_space<semaphore_mem>>)
      %dma_wait3A = arith.constant 0 : i32
      %dma_wait3A_23 = arith.constant 0 : i32
      %dma_wait3A_24 = tpu.memref_slice %arg2[%run_scoped3A, %add3A, %dma_wait3A, %dma_wait3A_23] : memref<2x32x125x80xi32, #tpu.memory_space<hbm>> -> memref<1x1x125x80xi32, #tpu.memory_space<hbm>>
      %dma_wait3A_25 = tpu.memref_squeeze %dma_wait3A_24 : memref<1x1x125x80xi32, #tpu.memory_space<hbm>> -> memref<125x80xi32, #tpu.memory_space<hbm>>
      %dma_wait3A_26 = arith.constant 0 : i32
      %dma_wait3A_27 = arith.constant 0 : i32
      %dma_wait3A_28 = tpu.memref_slice %arg2[%run_scoped3A, %add3A, %dma_wait3A_26, %dma_wait3A_27] : memref<2x32x125x80xi32, #tpu.memory_space<hbm>> -> memref<1x1x125x80xi32, #tpu.memory_space<hbm>>
      %dma_wait3A_29 = tpu.memref_squeeze %dma_wait3A_28 : memref<1x1x125x80xi32, #tpu.memory_space<hbm>> -> memref<125x80xi32, #tpu.memory_space<hbm>>
      tpu.wait_dma2 semaphore(%run_scoped3A_15 : memref<!tpu.dma_semaphore, #tpu.memory_space<semaphore_mem>>) src(%dma_wait3A_29 : memref<125x80xi32, #tpu.memory_space<hbm>>) dst(%arg5 : memref<125x80xi32, #tpu.memory_space<vmem>>)
      tpu.yield
    }) : () -> ()
    %broadcast_in_dim3A = arith.constant 0.000000e+00 : f32
    %broadcast_in_dim3A_1 = vector.broadcast %broadcast_in_dim3A : f32 to vector<16xf32>
    %scan3A = arith.constant 0 : i32
    %scan3A_2 = arith.constant 0 : i32
    %scan3A_3 = arith.constant 158 : i32
    %scan3A_4 = arith.addi %scan3A_2, %scan3A_3 : i32
    %scan3A_5 = arith.constant 1 : i32
    scf.for %scan3A_15 = %scan3A_2 to %scan3A_4 step %scan3A_5  : i32 {
      %mul3A_16 = arith.constant 4 : i32
      %mul3A_17 = arith.muli %scan3A_15, %mul3A_16 : i32
      %mul3A_18 = arith.constant 16 : i32
      %mul3A_19 = arith.muli %mul3A_17, %mul3A_18 : i32
      %add3A_20 = arith.constant 0 : i32
      %add3A_21 = arith.addi %mul3A_19, %add3A_20 : i32
      %swap3A = arith.index_cast %add3A_21 : i32 to index
      %swap3A_22 = tpu.vector_load %arg4[%swap3A] {strides = array<i32>} : memref<10112xf32, #tpu.memory_space<vmem>>, vector<16xf32>,
      tpu.vector_store %arg4[%swap3A], %broadcast_in_dim3A_1 {strides = array<i32>} : memref<10112xf32, #tpu.memory_space<vmem>>, vector<16xf32>,
      %mul3A_23 = arith.constant 4 : i32
      %mul3A_24 = arith.muli %scan3A_15, %mul3A_23 : i32
      %mul3A_25 = arith.constant 16 : i32
      %mul3A_26 = arith.muli %mul3A_24, %mul3A_25 : i32
      %add3A_27 = arith.constant 16 : i32
      %add3A_28 = arith.addi %mul3A_26, %add3A_27 : i32
      %swap3A_29 = arith.index_cast %add3A_28 : i32 to index
      %swap3A_30 = tpu.vector_load %arg4[%swap3A_29] {strides = array<i32>} : memref<10112xf32, #tpu.memory_space<vmem>>, vector<16xf32>,
      tpu.vector_store %arg4[%swap3A_29], %broadcast_in_dim3A_1 {strides = array<i32>} : memref<10112xf32, #tpu.memory_space<vmem>>, vector<16xf32>,
      %mul3A_31 = arith.constant 4 : i32
      %mul3A_32 = arith.muli %scan3A_15, %mul3A_31 : i32
      %mul3A_33 = arith.constant 16 : i32
      %mul3A_34 = arith.muli %mul3A_32, %mul3A_33 : i32
      %add3A_35 = arith.constant 32 : i32
      %add3A_36 = arith.addi %mul3A_34, %add3A_35 : i32
      %swap3A_37 = arith.index_cast %add3A_36 : i32 to index
      %swap3A_38 = tpu.vector_load %arg4[%swap3A_37] {strides = array<i32>} : memref<10112xf32, #tpu.memory_space<vmem>>, vector<16xf32>,
      tpu.vector_store %arg4[%swap3A_37], %broadcast_in_dim3A_1 {strides = array<i32>} : memref<10112xf32, #tpu.memory_space<vmem>>, vector<16xf32>,
      %mul3A_39 = arith.constant 4 : i32
      %mul3A_40 = arith.muli %scan3A_15, %mul3A_39 : i32
      %mul3A_41 = arith.constant 16 : i32
      %mul3A_42 = arith.muli %mul3A_40, %mul3A_41 : i32
      %add3A_43 = arith.constant 48 : i32
      %add3A_44 = arith.addi %mul3A_42, %add3A_43 : i32
      %swap3A_45 = arith.index_cast %add3A_44 : i32 to index
      %swap3A_46 = tpu.vector_load %arg4[%swap3A_45] {strides = array<i32>} : memref<10112xf32, #tpu.memory_space<vmem>>, vector<16xf32>,
      tpu.vector_store %arg4[%swap3A_45], %broadcast_in_dim3A_1 {strides = array<i32>} : memref<10112xf32, #tpu.memory_space<vmem>>, vector<16xf32>,
    }
    %scan3A_6 = arith.constant 158 : i32
    %broadcast_in_dim3A_7 = arith.constant 1.000000e+00 : f32
    %broadcast_in_dim3A_8 = vector.broadcast %broadcast_in_dim3A_7 : f32 to vector<16xf32>
    %scan3A_9 = arith.constant 0 : i32
    %scan3A_10 = arith.constant 0 : i32
    %scan3A_11 = arith.constant 125 : i32
    %scan3A_12 = arith.addi %scan3A_10, %scan3A_11 : i32
    %scan3A_13 = arith.constant 1 : i32
    scf.for %scan3A_15 = %scan3A_10 to %scan3A_12 step %scan3A_13  : i32 {
      %get3A = arith.index_cast %scan3A_15 : i32 to index
      %get3A_16 = arith.constant 0 : index
      %get3A_17 = tpu.vector_load %arg5[%get3A, %get3A_16] {strides = array<i32>} : memref<125x80xi32, #tpu.memory_space<vmem>>, vector<16xi32>,
      tpu.vector_store_idx %arg4[%get3A_17], %broadcast_in_dim3A_8 {add = true} : memref<10112xf32, #tpu.memory_space<vmem>>[vector<16xi32>], vector<16xf32>,
      %get3A_18 = arith.index_cast %scan3A_15 : i32 to index
      %get3A_19 = arith.constant 16 : index
      %get3A_20 = tpu.vector_load %arg5[%get3A_18, %get3A_19] {strides = array<i32>} : memref<125x80xi32, #tpu.memory_space<vmem>>, vector<16xi32>,
      tpu.vector_store_idx %arg4[%get3A_20], %broadcast_in_dim3A_8 {add = true} : memref<10112xf32, #tpu.memory_space<vmem>>[vector<16xi32>], vector<16xf32>,
      %get3A_21 = arith.index_cast %scan3A_15 : i32 to index
      %get3A_22 = arith.constant 32 : index
      %get3A_23 = tpu.vector_load %arg5[%get3A_21, %get3A_22] {strides = array<i32>} : memref<125x80xi32, #tpu.memory_space<vmem>>, vector<16xi32>,
      tpu.vector_store_idx %arg4[%get3A_23], %broadcast_in_dim3A_8 {add = true} : memref<10112xf32, #tpu.memory_space<vmem>>[vector<16xi32>], vector<16xf32>,
      %get3A_24 = arith.index_cast %scan3A_15 : i32 to index
      %get3A_25 = arith.constant 48 : index
      %get3A_26 = tpu.vector_load %arg5[%get3A_24, %get3A_25] {strides = array<i32>} : memref<125x80xi32, #tpu.memory_space<vmem>>, vector<16xi32>,
      tpu.vector_store_idx %arg4[%get3A_26], %broadcast_in_dim3A_8 {add = true} : memref<10112xf32, #tpu.memory_space<vmem>>[vector<16xi32>], vector<16xf32>,
      %get3A_27 = arith.index_cast %scan3A_15 : i32 to index
      %get3A_28 = arith.constant 64 : index
      %get3A_29 = tpu.vector_load %arg5[%get3A_27, %get3A_28] {strides = array<i32>} : memref<125x80xi32, #tpu.memory_space<vmem>>, vector<16xi32>,
      tpu.vector_store_idx %arg4[%get3A_29], %broadcast_in_dim3A_8 {add = true} : memref<10112xf32, #tpu.memory_space<vmem>>[vector<16xi32>], vector<16xf32>,
    }
    %scan3A_14 = arith.constant 125 : i32
    "tpu.region"() ({
      %run_scoped3A_15 = tpu.sem_alloc : memref<!tpu.dma_semaphore, #tpu.memory_space<semaphore_mem>>
      %dma_start3A = arith.constant 0 : i32
      %dma_start3A_16 = tpu.memref_slice %arg3[%add3A, %dma_start3A] : memref<32x10112xf32, #tpu.memory_space<hbm>> -> memref<1x10112xf32, #tpu.memory_space<hbm>>
      %dma_start3A_17 = tpu.memref_squeeze %dma_start3A_16 : memref<1x10112xf32, #tpu.memory_space<hbm>> -> memref<10112xf32, #tpu.memory_space<hbm>>
      %dma_start3A_18 = arith.constant 0 : i32
      %dma_start3A_19 = tpu.memref_slice %arg3[%add3A, %dma_start3A_18] : memref<32x10112xf32, #tpu.memory_space<hbm>> -> memref<1x10112xf32, #tpu.memory_space<hbm>>
      %dma_start3A_20 = tpu.memref_squeeze %dma_start3A_19 : memref<1x10112xf32, #tpu.memory_space<hbm>> -> memref<10112xf32, #tpu.memory_space<hbm>>
      tpu.enqueue_dma source(%arg4 : memref<10112xf32, #tpu.memory_space<vmem>>) target(%dma_start3A_20 : memref<10112xf32, #tpu.memory_space<hbm>>) target_semaphore(%run_scoped3A_15 : memref<!tpu.dma_semaphore, #tpu.memory_space<semaphore_mem>>)
      %dma_wait3A = arith.constant 0 : i32
      %dma_wait3A_21 = tpu.memref_slice %arg3[%add3A, %dma_wait3A] : memref<32x10112xf32, #tpu.memory_space<hbm>> -> memref<1x10112xf32, #tpu.memory_space<hbm>>
      %dma_wait3A_22 = tpu.memref_squeeze %dma_wait3A_21 : memref<1x10112xf32, #tpu.memory_space<hbm>> -> memref<10112xf32, #tpu.memory_space<hbm>>
      %dma_wait3A_23 = arith.constant 0 : i32
      %dma_wait3A_24 = tpu.memref_slice %arg3[%add3A, %dma_wait3A_23] : memref<32x10112xf32, #tpu.memory_space<hbm>> -> memref<1x10112xf32, #tpu.memory_space<hbm>>
      %dma_wait3A_25 = tpu.memref_squeeze %dma_wait3A_24 : memref<1x10112xf32, #tpu.memory_space<hbm>> -> memref<10112xf32, #tpu.memory_space<hbm>>
      tpu.wait_dma2 semaphore(%run_scoped3A_15 : memref<!tpu.dma_semaphore, #tpu.memory_space<semaphore_mem>>) src(%arg4 : memref<10112xf32, #tpu.memory_space<vmem>>) dst(%dma_wait3A_25 : memref<10112xf32, #tpu.memory_space<hbm>>)
      tpu.yield
    }) : () -> ()
    return
  }
}

#map = affine_map<(d0, d1) -> (0, 0)>
#map1 = affine_map<(d0, d1) -> (0, 0, 0, 0)>
module attributes {stable_mosaic.version = 14 : i64} {
  func.func @_sc_scatter1(%arg0: i32, %arg1: i32, %arg2: memref<10112x32xf32, #tpu.memory_space<hbm>>, %arg3: memref<2x32x125x80xi32, #tpu.memory_space<hbm>>, %arg4: memref<10112x32xf32, #tpu.memory_space<hbm>>, %arg5: memref<20224x32xf32, #tpu.memory_space<hbm>>, %arg6: memref<10112x32xf32, #tpu.memory_space<vmem_shared>>, %arg7: memref<10112x32xf32, #tpu.memory_space<vmem_shared>>, %arg8: memref<125x80xi32, #tpu.memory_space<vmem>>, %arg9: memref<125x80xi32, #tpu.memory_space<vmem>>, %arg10: memref<80x32xf32, #tpu.memory_space<vmem>>, %arg11: memref<80x32xf32, #tpu.memory_space<vmem>>, %arg12: memref<!tpu.dma_semaphore, #tpu.memory_space<semaphore_mem>>, %arg13: memref<!tpu.dma_semaphore, #tpu.memory_space<semaphore_mem>>, %arg14: memref<!tpu.dma_semaphore, #tpu.memory_space<semaphore_mem>>) attributes {dimension_semantics = [#tpu.dimension_semantics<core_parallel>, #tpu.dimension_semantics<subcore_parallel>], iteration_bounds = array<i64: 2, 16>, scalar_prefetch = 0 : i64, scratch_operands = 9 : i64, tpu.core_type = #tpu.core_type<sc_vector_subcore>, window_params = [{transform_indices = #map}, {transform_indices = #map1}, {transform_indices = #map}, {transform_indices = #map}]} {
    %mul3A = arith.constant 2 : i32
    %mul3A_0 = arith.muli %arg1, %mul3A : i32
    %add3A = arith.addi %mul3A_0, %arg0 : i32
    %mul3A_1 = arith.constant 632 : i32
    %mul3A_2 = arith.muli %arg1, %mul3A_1 : i32
    %dma_start3A = arith.constant 0 : i32
    %dma_start3A_3 = tpu.memref_slice %arg6[%mul3A_2, %dma_start3A] : memref<10112x32xf32, #tpu.memory_space<vmem_shared>> -> memref<632x32xf32, #tpu.memory_space<vmem_shared>>
    %dma_start3A_4 = arith.constant 0 : i32
    %dma_start3A_5 = tpu.memref_slice %arg4[%mul3A_2, %dma_start3A_4] : memref<10112x32xf32, #tpu.memory_space<hbm>> -> memref<632x32xf32, #tpu.memory_space<hbm>>
    tpu.enqueue_dma source(%dma_start3A_5 : memref<632x32xf32, #tpu.memory_space<hbm>>) target(%dma_start3A_3 : memref<632x32xf32, #tpu.memory_space<vmem_shared>>) target_semaphore(%arg13 : memref<!tpu.dma_semaphore, #tpu.memory_space<semaphore_mem>>)
    %dma_start3A_6 = arith.constant 0 : i32
    %dma_start3A_7 = tpu.memref_slice %arg7[%mul3A_2, %dma_start3A_6] : memref<10112x32xf32, #tpu.memory_space<vmem_shared>> -> memref<632x32xf32, #tpu.memory_space<vmem_shared>>
    %dma_start3A_8 = arith.constant 0 : i32
    %dma_start3A_9 = tpu.memref_slice %arg2[%mul3A_2, %dma_start3A_8] : memref<10112x32xf32, #tpu.memory_space<hbm>> -> memref<632x32xf32, #tpu.memory_space<hbm>>
    tpu.enqueue_dma source(%dma_start3A_9 : memref<632x32xf32, #tpu.memory_space<hbm>>) target(%dma_start3A_7 : memref<632x32xf32, #tpu.memory_space<vmem_shared>>) target_semaphore(%arg14 : memref<!tpu.dma_semaphore, #tpu.memory_space<semaphore_mem>>)
    %dma_wait3A = arith.constant 0 : i32
    %dma_wait3A_10 = tpu.memref_slice %arg6[%mul3A_2, %dma_wait3A] : memref<10112x32xf32, #tpu.memory_space<vmem_shared>> -> memref<632x32xf32, #tpu.memory_space<vmem_shared>>
    %dma_wait3A_11 = arith.constant 0 : i32
    %dma_wait3A_12 = tpu.memref_slice %arg4[%mul3A_2, %dma_wait3A_11] : memref<10112x32xf32, #tpu.memory_space<hbm>> -> memref<632x32xf32, #tpu.memory_space<hbm>>
    tpu.wait_dma2 semaphore(%arg13 : memref<!tpu.dma_semaphore, #tpu.memory_space<semaphore_mem>>) src(%dma_wait3A_12 : memref<632x32xf32, #tpu.memory_space<hbm>>) dst(%dma_wait3A_10 : memref<632x32xf32, #tpu.memory_space<vmem_shared>>)
    %dma_wait3A_13 = arith.constant 0 : i32
    %dma_wait3A_14 = tpu.memref_slice %arg7[%mul3A_2, %dma_wait3A_13] : memref<10112x32xf32, #tpu.memory_space<vmem_shared>> -> memref<632x32xf32, #tpu.memory_space<vmem_shared>>
    %dma_wait3A_15 = arith.constant 0 : i32
    %dma_wait3A_16 = tpu.memref_slice %arg2[%mul3A_2, %dma_wait3A_15] : memref<10112x32xf32, #tpu.memory_space<hbm>> -> memref<632x32xf32, #tpu.memory_space<hbm>>
    tpu.wait_dma2 semaphore(%arg14 : memref<!tpu.dma_semaphore, #tpu.memory_space<semaphore_mem>>) src(%dma_wait3A_16 : memref<632x32xf32, #tpu.memory_space<hbm>>) dst(%dma_wait3A_14 : memref<632x32xf32, #tpu.memory_space<vmem_shared>>)
    %barrier3A = arith.constant 0 : index
    tpu.barrier barrier_id(%barrier3A)
    %run_scoped3A = arith.constant 0 : i32
    "tpu.region"() ({
      %run_scoped3A_44 = tpu.sem_alloc : memref<!tpu.dma_semaphore, #tpu.memory_space<semaphore_mem>>
      %dma_start3A_45 = arith.constant 0 : i32
      %dma_start3A_46 = arith.constant 0 : i32
      %dma_start3A_47 = tpu.memref_slice %arg3[%run_scoped3A, %add3A, %dma_start3A_45, %dma_start3A_46] : memref<2x32x125x80xi32, #tpu.memory_space<hbm>> -> memref<1x1x125x80xi32, #tpu.memory_space<hbm>>
      %dma_start3A_48 = tpu.memref_squeeze %dma_start3A_47 : memref<1x1x125x80xi32, #tpu.memory_space<hbm>> -> memref<125x80xi32, #tpu.memory_space<hbm>>
      %dma_start3A_49 = arith.constant 0 : i32
      %dma_start3A_50 = arith.constant 0 : i32
      %dma_start3A_51 = tpu.memref_slice %arg3[%run_scoped3A, %add3A, %dma_start3A_49, %dma_start3A_50] : memref<2x32x125x80xi32, #tpu.memory_space<hbm>> -> memref<1x1x125x80xi32, #tpu.memory_space<hbm>>
      %dma_start3A_52 = tpu.memref_squeeze %dma_start3A_51 : memref<1x1x125x80xi32, #tpu.memory_space<hbm>> -> memref<125x80xi32, #tpu.memory_space<hbm>>
      tpu.enqueue_dma source(%dma_start3A_52 : memref<125x80xi32, #tpu.memory_space<hbm>>) target(%arg8 : memref<125x80xi32, #tpu.memory_space<vmem>>) target_semaphore(%run_scoped3A_44 : memref<!tpu.dma_semaphore, #tpu.memory_space<semaphore_mem>>)
      %dma_wait3A_53 = arith.constant 0 : i32
      %dma_wait3A_54 = arith.constant 0 : i32
      %dma_wait3A_55 = tpu.memref_slice %arg3[%run_scoped3A, %add3A, %dma_wait3A_53, %dma_wait3A_54] : memref<2x32x125x80xi32, #tpu.memory_space<hbm>> -> memref<1x1x125x80xi32, #tpu.memory_space<hbm>>
      %dma_wait3A_56 = tpu.memref_squeeze %dma_wait3A_55 : memref<1x1x125x80xi32, #tpu.memory_space<hbm>> -> memref<125x80xi32, #tpu.memory_space<hbm>>
      %dma_wait3A_57 = arith.constant 0 : i32
      %dma_wait3A_58 = arith.constant 0 : i32
      %dma_wait3A_59 = tpu.memref_slice %arg3[%run_scoped3A, %add3A, %dma_wait3A_57, %dma_wait3A_58] : memref<2x32x125x80xi32, #tpu.memory_space<hbm>> -> memref<1x1x125x80xi32, #tpu.memory_space<hbm>>
      %dma_wait3A_60 = tpu.memref_squeeze %dma_wait3A_59 : memref<1x1x125x80xi32, #tpu.memory_space<hbm>> -> memref<125x80xi32, #tpu.memory_space<hbm>>
      tpu.wait_dma2 semaphore(%run_scoped3A_44 : memref<!tpu.dma_semaphore, #tpu.memory_space<semaphore_mem>>) src(%dma_wait3A_60 : memref<125x80xi32, #tpu.memory_space<hbm>>) dst(%arg8 : memref<125x80xi32, #tpu.memory_space<vmem>>)
      tpu.yield
    }) : () -> ()
    %run_scoped3A_17 = arith.constant 1 : i32
    "tpu.region"() ({
      %run_scoped3A_44 = tpu.sem_alloc : memref<!tpu.dma_semaphore, #tpu.memory_space<semaphore_mem>>
      %dma_start3A_45 = arith.constant 0 : i32
      %dma_start3A_46 = arith.constant 0 : i32
      %dma_start3A_47 = tpu.memref_slice %arg3[%run_scoped3A_17, %add3A, %dma_start3A_45, %dma_start3A_46] : memref<2x32x125x80xi32, #tpu.memory_space<hbm>> -> memref<1x1x125x80xi32, #tpu.memory_space<hbm>>
      %dma_start3A_48 = tpu.memref_squeeze %dma_start3A_47 : memref<1x1x125x80xi32, #tpu.memory_space<hbm>> -> memref<125x80xi32, #tpu.memory_space<hbm>>
      %dma_start3A_49 = arith.constant 0 : i32
      %dma_start3A_50 = arith.constant 0 : i32
      %dma_start3A_51 = tpu.memref_slice %arg3[%run_scoped3A_17, %add3A, %dma_start3A_49, %dma_start3A_50] : memref<2x32x125x80xi32, #tpu.memory_space<hbm>> -> memref<1x1x125x80xi32, #tpu.memory_space<hbm>>
      %dma_start3A_52 = tpu.memref_squeeze %dma_start3A_51 : memref<1x1x125x80xi32, #tpu.memory_space<hbm>> -> memref<125x80xi32, #tpu.memory_space<hbm>>
      tpu.enqueue_dma source(%dma_start3A_52 : memref<125x80xi32, #tpu.memory_space<hbm>>) target(%arg9 : memref<125x80xi32, #tpu.memory_space<vmem>>) target_semaphore(%run_scoped3A_44 : memref<!tpu.dma_semaphore, #tpu.memory_space<semaphore_mem>>)
      %dma_wait3A_53 = arith.constant 0 : i32
      %dma_wait3A_54 = arith.constant 0 : i32
      %dma_wait3A_55 = tpu.memref_slice %arg3[%run_scoped3A_17, %add3A, %dma_wait3A_53, %dma_wait3A_54] : memref<2x32x125x80xi32, #tpu.memory_space<hbm>> -> memref<1x1x125x80xi32, #tpu.memory_space<hbm>>
      %dma_wait3A_56 = tpu.memref_squeeze %dma_wait3A_55 : memref<1x1x125x80xi32, #tpu.memory_space<hbm>> -> memref<125x80xi32, #tpu.memory_space<hbm>>
      %dma_wait3A_57 = arith.constant 0 : i32
      %dma_wait3A_58 = arith.constant 0 : i32
      %dma_wait3A_59 = tpu.memref_slice %arg3[%run_scoped3A_17, %add3A, %dma_wait3A_57, %dma_wait3A_58] : memref<2x32x125x80xi32, #tpu.memory_space<hbm>> -> memref<1x1x125x80xi32, #tpu.memory_space<hbm>>
      %dma_wait3A_60 = tpu.memref_squeeze %dma_wait3A_59 : memref<1x1x125x80xi32, #tpu.memory_space<hbm>> -> memref<125x80xi32, #tpu.memory_space<hbm>>
      tpu.wait_dma2 semaphore(%run_scoped3A_44 : memref<!tpu.dma_semaphore, #tpu.memory_space<semaphore_mem>>) src(%dma_wait3A_60 : memref<125x80xi32, #tpu.memory_space<hbm>>) dst(%arg9 : memref<125x80xi32, #tpu.memory_space<vmem>>)
      tpu.yield
    }) : () -> ()
    %dma_start3A_18 = arith.constant 0 : i32
    %dma_start3A_19 = arith.constant 0 : i32
    %dma_start3A_20 = tpu.memref_slice %arg8[%dma_start3A_18, %dma_start3A_19] : memref<125x80xi32, #tpu.memory_space<vmem>> -> memref<1x80xi32, #tpu.memory_space<vmem>>
    %dma_start3A_21 = tpu.memref_squeeze %dma_start3A_20 : memref<1x80xi32, #tpu.memory_space<vmem>> -> memref<80xi32, #tpu.memory_space<vmem>>
    %dma_start3A_22 = arith.constant 0 : i32
    %dma_start3A_23 = arith.constant 0 : i32
    %dma_start3A_24 = tpu.memref_slice %arg7[%dma_start3A_22, %dma_start3A_23] : memref<10112x32xf32, #tpu.memory_space<vmem_shared>> -> memref<10112x32xf32, #tpu.memory_space<vmem_shared>>
    tpu.enqueue_indirect_dma source(%dma_start3A_24 : memref<10112x32xf32, #tpu.memory_space<vmem_shared>>) target(%arg10 : memref<80x32xf32, #tpu.memory_space<vmem>>) offsets(%dma_start3A_21 : memref<80xi32, #tpu.memory_space<vmem>>) semaphore(%arg12 : memref<!tpu.dma_semaphore, #tpu.memory_space<semaphore_mem>>)
    %scan3A = arith.constant 0 : i32
    %scan3A_25 = arith.constant 0 : i32
    %scan3A_26 = arith.constant 62 : i32
    %scan3A_27 = arith.addi %scan3A_25, %scan3A_26 : i32
    %scan3A_28 = arith.constant 1 : i32
    scf.for %scan3A_44 = %scan3A_25 to %scan3A_27 step %scan3A_28  : i32 {
      %mul3A_45 = arith.constant 2 : i32
      %mul3A_46 = arith.muli %mul3A_45, %scan3A_44 : i32
      %add3A_47 = arith.constant 1 : i32
      %add3A_48 = arith.addi %mul3A_46, %add3A_47 : i32
      %dma_start3A_49 = arith.constant 0 : i32
      %dma_start3A_50 = tpu.memref_slice %arg8[%add3A_48, %dma_start3A_49] : memref<125x80xi32, #tpu.memory_space<vmem>> -> memref<1x80xi32, #tpu.memory_space<vmem>>
      %dma_start3A_51 = tpu.memref_squeeze %dma_start3A_50 : memref<1x80xi32, #tpu.memory_space<vmem>> -> memref<80xi32, #tpu.memory_space<vmem>>
      %dma_start3A_52 = arith.constant 0 : i32
      %dma_start3A_53 = arith.constant 0 : i32
      %dma_start3A_54 = tpu.memref_slice %arg7[%dma_start3A_52, %dma_start3A_53] : memref<10112x32xf32, #tpu.memory_space<vmem_shared>> -> memref<10112x32xf32, #tpu.memory_space<vmem_shared>>
      tpu.enqueue_indirect_dma source(%dma_start3A_54 : memref<10112x32xf32, #tpu.memory_space<vmem_shared>>) target(%arg11 : memref<80x32xf32, #tpu.memory_space<vmem>>) offsets(%dma_start3A_51 : memref<80xi32, #tpu.memory_space<vmem>>) semaphore(%arg13 : memref<!tpu.dma_semaphore, #tpu.memory_space<semaphore_mem>>)
      %dma_wait3A_55 = arith.constant 0 : i32
      %dma_wait3A_56 = tpu.memref_slice %arg8[%mul3A_46, %dma_wait3A_55] : memref<125x80xi32, #tpu.memory_space<vmem>> -> memref<1x80xi32, #tpu.memory_space<vmem>>
      %dma_wait3A_57 = tpu.memref_squeeze %dma_wait3A_56 : memref<1x80xi32, #tpu.memory_space<vmem>> -> memref<80xi32, #tpu.memory_space<vmem>>
      %dma_wait3A_58 = arith.constant 0 : i32
      %dma_wait3A_59 = arith.constant 0 : i32
      %dma_wait3A_60 = tpu.memref_slice %arg7[%dma_wait3A_58, %dma_wait3A_59] : memref<10112x32xf32, #tpu.memory_space<vmem_shared>> -> memref<10112x32xf32, #tpu.memory_space<vmem_shared>>
      tpu.wait_indirect_dma semaphore(%arg12 : memref<!tpu.dma_semaphore, #tpu.memory_space<semaphore_mem>>) src(%dma_wait3A_60 : memref<10112x32xf32, #tpu.memory_space<vmem_shared>>) dst(%arg10 : memref<80x32xf32, #tpu.memory_space<vmem>>)
      "tpu.region"() ({
        %run_scoped3A_77 = tpu.sem_alloc : memref<!tpu.dma_semaphore, #tpu.memory_space<semaphore_mem>>
        %dma_start3A_78 = arith.constant 0 : i32
        %dma_start3A_79 = tpu.memref_slice %arg9[%mul3A_46, %dma_start3A_78] : memref<125x80xi32, #tpu.memory_space<vmem>> -> memref<1x80xi32, #tpu.memory_space<vmem>>
        %dma_start3A_80 = tpu.memref_squeeze %dma_start3A_79 : memref<1x80xi32, #tpu.memory_space<vmem>> -> memref<80xi32, #tpu.memory_space<vmem>>
        %dma_start3A_81 = arith.constant 0 : i32
        %dma_start3A_82 = arith.constant 0 : i32
        %dma_start3A_83 = tpu.memref_slice %arg6[%dma_start3A_81, %dma_start3A_82] : memref<10112x32xf32, #tpu.memory_space<vmem_shared>> -> memref<10112x32xf32, #tpu.memory_space<vmem_shared>>
        tpu.enqueue_indirect_dma source(%arg10 : memref<80x32xf32, #tpu.memory_space<vmem>>) target(%dma_start3A_83 : memref<10112x32xf32, #tpu.memory_space<vmem_shared>>) offsets(%dma_start3A_80 : memref<80xi32, #tpu.memory_space<vmem>>) semaphore(%run_scoped3A_77 : memref<!tpu.dma_semaphore, #tpu.memory_space<semaphore_mem>>) {add = true}
        %dma_wait3A_84 = arith.constant 0 : i32
        %dma_wait3A_85 = tpu.memref_slice %arg9[%mul3A_46, %dma_wait3A_84] : memref<125x80xi32, #tpu.memory_space<vmem>> -> memref<1x80xi32, #tpu.memory_space<vmem>>
        %dma_wait3A_86 = tpu.memref_squeeze %dma_wait3A_85 : memref<1x80xi32, #tpu.memory_space<vmem>> -> memref<80xi32, #tpu.memory_space<vmem>>
        %dma_wait3A_87 = arith.constant 0 : i32
        %dma_wait3A_88 = arith.constant 0 : i32
        %dma_wait3A_89 = tpu.memref_slice %arg6[%dma_wait3A_87, %dma_wait3A_88] : memref<10112x32xf32, #tpu.memory_space<vmem_shared>> -> memref<10112x32xf32, #tpu.memory_space<vmem_shared>>
        tpu.wait_indirect_dma semaphore(%run_scoped3A_77 : memref<!tpu.dma_semaphore, #tpu.memory_space<semaphore_mem>>) src(%arg10 : memref<80x32xf32, #tpu.memory_space<vmem>>) dst(%dma_wait3A_89 : memref<10112x32xf32, #tpu.memory_space<vmem_shared>>)
        tpu.yield
      }) : () -> ()
      %add3A_61 = arith.constant 2 : i32
      %add3A_62 = arith.addi %mul3A_46, %add3A_61 : i32
      %dma_start3A_63 = arith.constant 0 : i32
      %dma_start3A_64 = tpu.memref_slice %arg8[%add3A_62, %dma_start3A_63] : memref<125x80xi32, #tpu.memory_space<vmem>> -> memref<1x80xi32, #tpu.memory_space<vmem>>
      %dma_start3A_65 = tpu.memref_squeeze %dma_start3A_64 : memref<1x80xi32, #tpu.memory_space<vmem>> -> memref<80xi32, #tpu.memory_space<vmem>>
      %dma_start3A_66 = arith.constant 0 : i32
      %dma_start3A_67 = arith.constant 0 : i32
      %dma_start3A_68 = tpu.memref_slice %arg7[%dma_start3A_66, %dma_start3A_67] : memref<10112x32xf32, #tpu.memory_space<vmem_shared>> -> memref<10112x32xf32, #tpu.memory_space<vmem_shared>>
      tpu.enqueue_indirect_dma source(%dma_start3A_68 : memref<10112x32xf32, #tpu.memory_space<vmem_shared>>) target(%arg10 : memref<80x32xf32, #tpu.memory_space<vmem>>) offsets(%dma_start3A_65 : memref<80xi32, #tpu.memory_space<vmem>>) semaphore(%arg12 : memref<!tpu.dma_semaphore, #tpu.memory_space<semaphore_mem>>)
      %add3A_69 = arith.constant 1 : i32
      %add3A_70 = arith.addi %mul3A_46, %add3A_69 : i32
      %dma_wait3A_71 = arith.constant 0 : i32
      %dma_wait3A_72 = tpu.memref_slice %arg8[%add3A_70, %dma_wait3A_71] : memref<125x80xi32, #tpu.memory_space<vmem>> -> memref<1x80xi32, #tpu.memory_space<vmem>>
      %dma_wait3A_73 = tpu.memref_squeeze %dma_wait3A_72 : memref<1x80xi32, #tpu.memory_space<vmem>> -> memref<80xi32, #tpu.memory_space<vmem>>
      %dma_wait3A_74 = arith.constant 0 : i32
      %dma_wait3A_75 = arith.constant 0 : i32
      %dma_wait3A_76 = tpu.memref_slice %arg7[%dma_wait3A_74, %dma_wait3A_75] : memref<10112x32xf32, #tpu.memory_space<vmem_shared>> -> memref<10112x32xf32, #tpu.memory_space<vmem_shared>>
      tpu.wait_indirect_dma semaphore(%arg13 : memref<!tpu.dma_semaphore, #tpu.memory_space<semaphore_mem>>) src(%dma_wait3A_76 : memref<10112x32xf32, #tpu.memory_space<vmem_shared>>) dst(%arg11 : memref<80x32xf32, #tpu.memory_space<vmem>>)
      "tpu.region"() ({
        %run_scoped3A_77 = tpu.sem_alloc : memref<!tpu.dma_semaphore, #tpu.memory_space<semaphore_mem>>
        %dma_start3A_78 = arith.constant 0 : i32
        %dma_start3A_79 = tpu.memref_slice %arg9[%add3A_70, %dma_start3A_78] : memref<125x80xi32, #tpu.memory_space<vmem>> -> memref<1x80xi32, #tpu.memory_space<vmem>>
        %dma_start3A_80 = tpu.memref_squeeze %dma_start3A_79 : memref<1x80xi32, #tpu.memory_space<vmem>> -> memref<80xi32, #tpu.memory_space<vmem>>
        %dma_start3A_81 = arith.constant 0 : i32
        %dma_start3A_82 = arith.constant 0 : i32
        %dma_start3A_83 = tpu.memref_slice %arg6[%dma_start3A_81, %dma_start3A_82] : memref<10112x32xf32, #tpu.memory_space<vmem_shared>> -> memref<10112x32xf32, #tpu.memory_space<vmem_shared>>
        tpu.enqueue_indirect_dma source(%arg11 : memref<80x32xf32, #tpu.memory_space<vmem>>) target(%dma_start3A_83 : memref<10112x32xf32, #tpu.memory_space<vmem_shared>>) offsets(%dma_start3A_80 : memref<80xi32, #tpu.memory_space<vmem>>) semaphore(%run_scoped3A_77 : memref<!tpu.dma_semaphore, #tpu.memory_space<semaphore_mem>>) {add = true}
        %dma_wait3A_84 = arith.constant 0 : i32
        %dma_wait3A_85 = tpu.memref_slice %arg9[%add3A_70, %dma_wait3A_84] : memref<125x80xi32, #tpu.memory_space<vmem>> -> memref<1x80xi32, #tpu.memory_space<vmem>>
        %dma_wait3A_86 = tpu.memref_squeeze %dma_wait3A_85 : memref<1x80xi32, #tpu.memory_space<vmem>> -> memref<80xi32, #tpu.memory_space<vmem>>
        %dma_wait3A_87 = arith.constant 0 : i32
        %dma_wait3A_88 = arith.constant 0 : i32
        %dma_wait3A_89 = tpu.memref_slice %arg6[%dma_wait3A_87, %dma_wait3A_88] : memref<10112x32xf32, #tpu.memory_space<vmem_shared>> -> memref<10112x32xf32, #tpu.memory_space<vmem_shared>>
        tpu.wait_indirect_dma semaphore(%run_scoped3A_77 : memref<!tpu.dma_semaphore, #tpu.memory_space<semaphore_mem>>) src(%arg11 : memref<80x32xf32, #tpu.memory_space<vmem>>) dst(%dma_wait3A_89 : memref<10112x32xf32, #tpu.memory_space<vmem_shared>>)
        tpu.yield
      }) : () -> ()
    }
    %scan3A_29 = arith.constant 62 : i32
    %dma_wait3A_30 = arith.constant 124 : i32
    %dma_wait3A_31 = arith.constant 0 : i32
    %dma_wait3A_32 = tpu.memref_slice %arg8[%dma_wait3A_30, %dma_wait3A_31] : memref<125x80xi32, #tpu.memory_space<vmem>> -> memref<1x80xi32, #tpu.memory_space<vmem>>
    %dma_wait3A_33 = tpu.memref_squeeze %dma_wait3A_32 : memref<1x80xi32, #tpu.memory_space<vmem>> -> memref<80xi32, #tpu.memory_space<vmem>>
    %dma_wait3A_34 = arith.constant 0 : i32
    %dma_wait3A_35 = arith.constant 0 : i32
    %dma_wait3A_36 = tpu.memref_slice %arg7[%dma_wait3A_34, %dma_wait3A_35] : memref<10112x32xf32, #tpu.memory_space<vmem_shared>> -> memref<10112x32xf32, #tpu.memory_space<vmem_shared>>
    tpu.wait_indirect_dma semaphore(%arg12 : memref<!tpu.dma_semaphore, #tpu.memory_space<semaphore_mem>>) src(%dma_wait3A_36 : memref<10112x32xf32, #tpu.memory_space<vmem_shared>>) dst(%arg10 : memref<80x32xf32, #tpu.memory_space<vmem>>)
    %run_scoped3A_37 = arith.constant 124 : i32
    "tpu.region"() ({
      %run_scoped3A_44 = tpu.sem_alloc : memref<!tpu.dma_semaphore, #tpu.memory_space<semaphore_mem>>
      %dma_start3A_45 = arith.constant 0 : i32
      %dma_start3A_46 = tpu.memref_slice %arg9[%run_scoped3A_37, %dma_start3A_45] : memref<125x80xi32, #tpu.memory_space<vmem>> -> memref<1x80xi32, #tpu.memory_space<vmem>>
      %dma_start3A_47 = tpu.memref_squeeze %dma_start3A_46 : memref<1x80xi32, #tpu.memory_space<vmem>> -> memref<80xi32, #tpu.memory_space<vmem>>
      %dma_start3A_48 = arith.constant 0 : i32
      %dma_start3A_49 = arith.constant 0 : i32
      %dma_start3A_50 = tpu.memref_slice %arg6[%dma_start3A_48, %dma_start3A_49] : memref<10112x32xf32, #tpu.memory_space<vmem_shared>> -> memref<10112x32xf32, #tpu.memory_space<vmem_shared>>
      tpu.enqueue_indirect_dma source(%arg10 : memref<80x32xf32, #tpu.memory_space<vmem>>) target(%dma_start3A_50 : memref<10112x32xf32, #tpu.memory_space<vmem_shared>>) offsets(%dma_start3A_47 : memref<80xi32, #tpu.memory_space<vmem>>) semaphore(%run_scoped3A_44 : memref<!tpu.dma_semaphore, #tpu.memory_space<semaphore_mem>>) {add = true}
      %dma_wait3A_51 = arith.constant 0 : i32
      %dma_wait3A_52 = tpu.memref_slice %arg9[%run_scoped3A_37, %dma_wait3A_51] : memref<125x80xi32, #tpu.memory_space<vmem>> -> memref<1x80xi32, #tpu.memory_space<vmem>>
      %dma_wait3A_53 = tpu.memref_squeeze %dma_wait3A_52 : memref<1x80xi32, #tpu.memory_space<vmem>> -> memref<80xi32, #tpu.memory_space<vmem>>
      %dma_wait3A_54 = arith.constant 0 : i32
      %dma_wait3A_55 = arith.constant 0 : i32
      %dma_wait3A_56 = tpu.memref_slice %arg6[%dma_wait3A_54, %dma_wait3A_55] : memref<10112x32xf32, #tpu.memory_space<vmem_shared>> -> memref<10112x32xf32, #tpu.memory_space<vmem_shared>>
      tpu.wait_indirect_dma semaphore(%run_scoped3A_44 : memref<!tpu.dma_semaphore, #tpu.memory_space<semaphore_mem>>) src(%arg10 : memref<80x32xf32, #tpu.memory_space<vmem>>) dst(%dma_wait3A_56 : memref<10112x32xf32, #tpu.memory_space<vmem_shared>>)
      tpu.yield
    }) : () -> ()
    %barrier3A_38 = arith.constant 0 : index
    tpu.barrier barrier_id(%barrier3A_38)
    %mul3A_39 = arith.constant 10112 : i32
    %mul3A_40 = arith.muli %arg0, %mul3A_39 : i32
    %mul3A_41 = arith.constant 632 : i32
    %mul3A_42 = arith.muli %arg1, %mul3A_41 : i32
    %add3A_43 = arith.addi %mul3A_40, %mul3A_42 : i32
    "tpu.region"() ({
      %run_scoped3A_44 = tpu.sem_alloc : memref<!tpu.dma_semaphore, #tpu.memory_space<semaphore_mem>>
      %dma_start3A_45 = arith.constant 0 : i32
      %dma_start3A_46 = tpu.memref_slice %arg5[%add3A_43, %dma_start3A_45] : memref<20224x32xf32, #tpu.memory_space<hbm>> -> memref<632x32xf32, #tpu.memory_space<hbm>>
      %dma_start3A_47 = arith.constant 0 : i32
      %dma_start3A_48 = tpu.memref_slice %arg6[%mul3A_2, %dma_start3A_47] : memref<10112x32xf32, #tpu.memory_space<vmem_shared>> -> memref<632x32xf32, #tpu.memory_space<vmem_shared>>
      tpu.enqueue_dma source(%dma_start3A_48 : memref<632x32xf32, #tpu.memory_space<vmem_shared>>) target(%dma_start3A_46 : memref<632x32xf32, #tpu.memory_space<hbm>>) target_semaphore(%run_scoped3A_44 : memref<!tpu.dma_semaphore, #tpu.memory_space<semaphore_mem>>)
      %dma_wait3A_49 = arith.constant 0 : i32
      %dma_wait3A_50 = tpu.memref_slice %arg5[%add3A_43, %dma_wait3A_49] : memref<20224x32xf32, #tpu.memory_space<hbm>> -> memref<632x32xf32, #tpu.memory_space<hbm>>
      %dma_wait3A_51 = arith.constant 0 : i32
      %dma_wait3A_52 = tpu.memref_slice %arg6[%mul3A_2, %dma_wait3A_51] : memref<10112x32xf32, #tpu.memory_space<vmem_shared>> -> memref<632x32xf32, #tpu.memory_space<vmem_shared>>
      tpu.wait_dma2 semaphore(%run_scoped3A_44 : memref<!tpu.dma_semaphore, #tpu.memory_space<semaphore_mem>>) src(%dma_wait3A_52 : memref<632x32xf32, #tpu.memory_space<vmem_shared>>) dst(%dma_wait3A_50 : memref<632x32xf32, #tpu.memory_space<hbm>>)
      tpu.yield
    }) : () -> ()
    return
  }
}

#map = affine_map<(d0, d1) -> (0, 0)>
#map1 = affine_map<(d0, d1) -> (0)>
#map2 = affine_map<(d0, d1) -> (0, 0, 0, 0)>
module attributes {stable_mosaic.version = 14 : i64} {
  func.func @_sc_scatter2(%arg0: i32, %arg1: i32, %arg2: memref<20224x32xf32, #tpu.memory_space<hbm>>, %arg3: memref<10112x32xf32, #tpu.memory_space<hbm>>, %arg4: memref<10112x32xf32, #tpu.memory_space<hbm>>, %arg5: memref<32xf32, #tpu.memory_space<hbm>>, %arg6: memref<2x32x125x80xi32, #tpu.memory_space<hbm>>, %arg7: memref<10112x32xf32, #tpu.memory_space<hbm>>, %arg8: memref<20224x32xf32, #tpu.memory_space<hbm>>, %arg9: memref<10112x32xf32, #tpu.memory_space<vmem_shared>>, %arg10: memref<10112x32xf32, #tpu.memory_space<vmem_shared>>, %arg11: memref<125x80xi32, #tpu.memory_space<vmem>>, %arg12: memref<125x80xi32, #tpu.memory_space<vmem>>, %arg13: memref<80x32xf32, #tpu.memory_space<vmem>>, %arg14: memref<80x32xf32, #tpu.memory_space<vmem>>, %arg15: memref<158x32xf32, #tpu.memory_space<vmem>>, %arg16: memref<158x32xf32, #tpu.memory_space<vmem>>, %arg17: memref<158x32xf32, #tpu.memory_space<vmem>>, %arg18: memref<158x32xf32, #tpu.memory_space<vmem>>, %arg19: memref<158x32xf32, #tpu.memory_space<vmem>>, %arg20: memref<158x32xf32, #tpu.memory_space<vmem>>, %arg21: memref<158x32xf32, #tpu.memory_space<vmem>>, %arg22: memref<158x32xf32, #tpu.memory_space<vmem>>, %arg23: memref<32xf32, #tpu.memory_space<vmem>>, %arg24: memref<!tpu.dma_semaphore, #tpu.memory_space<semaphore_mem>>, %arg25: memref<!tpu.dma_semaphore, #tpu.memory_space<semaphore_mem>>, %arg26: memref<!tpu.dma_semaphore, #tpu.memory_space<semaphore_mem>>, %arg27: memref<!tpu.dma_semaphore, #tpu.memory_space<semaphore_mem>>, %arg28: memref<!tpu.dma_semaphore, #tpu.memory_space<semaphore_mem>>, %arg29: memref<!tpu.dma_semaphore, #tpu.memory_space<semaphore_mem>>, %arg30: memref<!tpu.dma_semaphore, #tpu.memory_space<semaphore_mem>>, %arg31: memref<!tpu.dma_semaphore, #tpu.memory_space<semaphore_mem>>, %arg32: memref<!tpu.dma_semaphore, #tpu.memory_space<semaphore_mem>>, %arg33: memref<!tpu.dma_semaphore, #tpu.memory_space<semaphore_mem>>) attributes {dimension_semantics = [#tpu.dimension_semantics<core_parallel>, #tpu.dimension_semantics<subcore_parallel>], iteration_bounds = array<i64: 2, 16>, scalar_prefetch = 0 : i64, scratch_operands = 25 : i64, tpu.core_type = #tpu.core_type<sc_vector_subcore>, window_params = [{transform_indices = #map}, {transform_indices = #map}, {transform_indices = #map}, {transform_indices = #map1}, {transform_indices = #map2}, {transform_indices = #map}, {transform_indices = #map}]} {
    %mul3A = arith.constant 2 : i32
    %mul3A_0 = arith.muli %arg1, %mul3A : i32
    %add3A = arith.addi %mul3A_0, %arg0 : i32
    %mul3A_1 = arith.constant 632 : i32
    %mul3A_2 = arith.muli %arg1, %mul3A_1 : i32
    %dma_start3A = arith.constant 0 : i32
    %dma_start3A_3 = tpu.memref_slice %arg9[%mul3A_2, %dma_start3A] : memref<10112x32xf32, #tpu.memory_space<vmem_shared>> -> memref<632x32xf32, #tpu.memory_space<vmem_shared>>
    %dma_start3A_4 = arith.constant 0 : i32
    %dma_start3A_5 = tpu.memref_slice %arg7[%mul3A_2, %dma_start3A_4] : memref<10112x32xf32, #tpu.memory_space<hbm>> -> memref<632x32xf32, #tpu.memory_space<hbm>>
    tpu.enqueue_dma source(%dma_start3A_5 : memref<632x32xf32, #tpu.memory_space<hbm>>) target(%dma_start3A_3 : memref<632x32xf32, #tpu.memory_space<vmem_shared>>) target_semaphore(%arg32 : memref<!tpu.dma_semaphore, #tpu.memory_space<semaphore_mem>>)
    "tpu.region"() ({
      %run_scoped3A_611 = tpu.sem_alloc : memref<!tpu.dma_semaphore, #tpu.memory_space<semaphore_mem>>
      tpu.enqueue_dma source(%arg5 : memref<32xf32, #tpu.memory_space<hbm>>) target(%arg23 : memref<32xf32, #tpu.memory_space<vmem>>) target_semaphore(%run_scoped3A_611 : memref<!tpu.dma_semaphore, #tpu.memory_space<semaphore_mem>>)
      tpu.wait_dma2 semaphore(%run_scoped3A_611 : memref<!tpu.dma_semaphore, #tpu.memory_space<semaphore_mem>>) src(%arg5 : memref<32xf32, #tpu.memory_space<hbm>>) dst(%arg23 : memref<32xf32, #tpu.memory_space<vmem>>)
      tpu.yield
    }) : () -> ()
    %mul3A_6 = arith.constant 632 : i32
    %mul3A_7 = arith.muli %arg1, %mul3A_6 : i32
    %add3A_8 = arith.constant 0 : i32
    %add3A_9 = arith.addi %mul3A_7, %add3A_8 : i32
    %mul3A_10 = arith.constant 632 : i32
    %mul3A_11 = arith.muli %arg1, %mul3A_10 : i32
    %add3A_12 = arith.constant 0 : i32
    %add3A_13 = arith.addi %mul3A_11, %add3A_12 : i32
    %mul3A_14 = arith.constant 632 : i32
    %mul3A_15 = arith.muli %arg1, %mul3A_14 : i32
    %add3A_16 = arith.constant 10112 : i32
    %add3A_17 = arith.addi %add3A_16, %mul3A_15 : i32
    %add3A_18 = arith.constant 0 : i32
    %add3A_19 = arith.addi %add3A_17, %add3A_18 : i32
    %dma_start3A_20 = arith.constant 0 : i32
    %dma_start3A_21 = tpu.memref_slice %arg2[%add3A_13, %dma_start3A_20] : memref<20224x32xf32, #tpu.memory_space<hbm>> -> memref<158x32xf32, #tpu.memory_space<hbm>>
    %dma_start3A_22 = arith.constant 0 : i32
    %dma_start3A_23 = tpu.memref_slice %arg2[%add3A_13, %dma_start3A_22] : memref<20224x32xf32, #tpu.memory_space<hbm>> -> memref<158x32xf32, #tpu.memory_space<hbm>>
    tpu.enqueue_dma source(%dma_start3A_23 : memref<158x32xf32, #tpu.memory_space<hbm>>) target(%arg15 : memref<158x32xf32, #tpu.memory_space<vmem>>) target_semaphore(%arg24 : memref<!tpu.dma_semaphore, #tpu.memory_space<semaphore_mem>>)
    %dma_start3A_24 = arith.constant 0 : i32
    %dma_start3A_25 = tpu.memref_slice %arg2[%add3A_19, %dma_start3A_24] : memref<20224x32xf32, #tpu.memory_space<hbm>> -> memref<158x32xf32, #tpu.memory_space<hbm>>
    %dma_start3A_26 = arith.constant 0 : i32
    %dma_start3A_27 = tpu.memref_slice %arg2[%add3A_19, %dma_start3A_26] : memref<20224x32xf32, #tpu.memory_space<hbm>> -> memref<158x32xf32, #tpu.memory_space<hbm>>
    tpu.enqueue_dma source(%dma_start3A_27 : memref<158x32xf32, #tpu.memory_space<hbm>>) target(%arg16 : memref<158x32xf32, #tpu.memory_space<vmem>>) target_semaphore(%arg25 : memref<!tpu.dma_semaphore, #tpu.memory_space<semaphore_mem>>)
    %dma_start3A_28 = arith.constant 0 : i32
    %dma_start3A_29 = tpu.memref_slice %arg3[%add3A_9, %dma_start3A_28] : memref<10112x32xf32, #tpu.memory_space<hbm>> -> memref<158x32xf32, #tpu.memory_space<hbm>>
    %dma_start3A_30 = arith.constant 0 : i32
    %dma_start3A_31 = tpu.memref_slice %arg3[%add3A_9, %dma_start3A_30] : memref<10112x32xf32, #tpu.memory_space<hbm>> -> memref<158x32xf32, #tpu.memory_space<hbm>>
    tpu.enqueue_dma source(%dma_start3A_31 : memref<158x32xf32, #tpu.memory_space<hbm>>) target(%arg17 : memref<158x32xf32, #tpu.memory_space<vmem>>) target_semaphore(%arg26 : memref<!tpu.dma_semaphore, #tpu.memory_space<semaphore_mem>>)
    %dma_start3A_32 = arith.constant 0 : i32
    %dma_start3A_33 = tpu.memref_slice %arg4[%add3A_9, %dma_start3A_32] : memref<10112x32xf32, #tpu.memory_space<hbm>> -> memref<158x32xf32, #tpu.memory_space<hbm>>
    %dma_start3A_34 = arith.constant 0 : i32
    %dma_start3A_35 = tpu.memref_slice %arg4[%add3A_9, %dma_start3A_34] : memref<10112x32xf32, #tpu.memory_space<hbm>> -> memref<158x32xf32, #tpu.memory_space<hbm>>
    tpu.enqueue_dma source(%dma_start3A_35 : memref<158x32xf32, #tpu.memory_space<hbm>>) target(%arg18 : memref<158x32xf32, #tpu.memory_space<vmem>>) target_semaphore(%arg27 : memref<!tpu.dma_semaphore, #tpu.memory_space<semaphore_mem>>)
    %mul3A_36 = arith.constant 632 : i32
    %mul3A_37 = arith.muli %arg1, %mul3A_36 : i32
    %add3A_38 = arith.constant 158 : i32
    %add3A_39 = arith.addi %mul3A_37, %add3A_38 : i32
    %mul3A_40 = arith.constant 632 : i32
    %mul3A_41 = arith.muli %arg1, %mul3A_40 : i32
    %add3A_42 = arith.constant 158 : i32
    %add3A_43 = arith.addi %mul3A_41, %add3A_42 : i32
    %mul3A_44 = arith.constant 632 : i32
    %mul3A_45 = arith.muli %arg1, %mul3A_44 : i32
    %add3A_46 = arith.constant 10112 : i32
    %add3A_47 = arith.addi %add3A_46, %mul3A_45 : i32
    %add3A_48 = arith.constant 158 : i32
    %add3A_49 = arith.addi %add3A_47, %add3A_48 : i32
    %dma_start3A_50 = arith.constant 0 : i32
    %dma_start3A_51 = tpu.memref_slice %arg2[%add3A_43, %dma_start3A_50] : memref<20224x32xf32, #tpu.memory_space<hbm>> -> memref<158x32xf32, #tpu.memory_space<hbm>>
    %dma_start3A_52 = arith.constant 0 : i32
    %dma_start3A_53 = tpu.memref_slice %arg2[%add3A_43, %dma_start3A_52] : memref<20224x32xf32, #tpu.memory_space<hbm>> -> memref<158x32xf32, #tpu.memory_space<hbm>>
    tpu.enqueue_dma source(%dma_start3A_53 : memref<158x32xf32, #tpu.memory_space<hbm>>) target(%arg19 : memref<158x32xf32, #tpu.memory_space<vmem>>) target_semaphore(%arg28 : memref<!tpu.dma_semaphore, #tpu.memory_space<semaphore_mem>>)
    %dma_start3A_54 = arith.constant 0 : i32
    %dma_start3A_55 = tpu.memref_slice %arg2[%add3A_49, %dma_start3A_54] : memref<20224x32xf32, #tpu.memory_space<hbm>> -> memref<158x32xf32, #tpu.memory_space<hbm>>
    %dma_start3A_56 = arith.constant 0 : i32
    %dma_start3A_57 = tpu.memref_slice %arg2[%add3A_49, %dma_start3A_56] : memref<20224x32xf32, #tpu.memory_space<hbm>> -> memref<158x32xf32, #tpu.memory_space<hbm>>
    tpu.enqueue_dma source(%dma_start3A_57 : memref<158x32xf32, #tpu.memory_space<hbm>>) target(%arg20 : memref<158x32xf32, #tpu.memory_space<vmem>>) target_semaphore(%arg29 : memref<!tpu.dma_semaphore, #tpu.memory_space<semaphore_mem>>)
    %dma_start3A_58 = arith.constant 0 : i32
    %dma_start3A_59 = tpu.memref_slice %arg3[%add3A_39, %dma_start3A_58] : memref<10112x32xf32, #tpu.memory_space<hbm>> -> memref<158x32xf32, #tpu.memory_space<hbm>>
    %dma_start3A_60 = arith.constant 0 : i32
    %dma_start3A_61 = tpu.memref_slice %arg3[%add3A_39, %dma_start3A_60] : memref<10112x32xf32, #tpu.memory_space<hbm>> -> memref<158x32xf32, #tpu.memory_space<hbm>>
    tpu.enqueue_dma source(%dma_start3A_61 : memref<158x32xf32, #tpu.memory_space<hbm>>) target(%arg21 : memref<158x32xf32, #tpu.memory_space<vmem>>) target_semaphore(%arg30 : memref<!tpu.dma_semaphore, #tpu.memory_space<semaphore_mem>>)
    %dma_start3A_62 = arith.constant 0 : i32
    %dma_start3A_63 = tpu.memref_slice %arg4[%add3A_39, %dma_start3A_62] : memref<10112x32xf32, #tpu.memory_space<hbm>> -> memref<158x32xf32, #tpu.memory_space<hbm>>
    %dma_start3A_64 = arith.constant 0 : i32
    %dma_start3A_65 = tpu.memref_slice %arg4[%add3A_39, %dma_start3A_64] : memref<10112x32xf32, #tpu.memory_space<hbm>> -> memref<158x32xf32, #tpu.memory_space<hbm>>
    tpu.enqueue_dma source(%dma_start3A_65 : memref<158x32xf32, #tpu.memory_space<hbm>>) target(%arg22 : memref<158x32xf32, #tpu.memory_space<vmem>>) target_semaphore(%arg31 : memref<!tpu.dma_semaphore, #tpu.memory_space<semaphore_mem>>)
    %mul3A_66 = arith.constant 632 : i32
    %mul3A_67 = arith.muli %arg1, %mul3A_66 : i32
    %add3A_68 = arith.constant 0 : i32
    %add3A_69 = arith.addi %mul3A_67, %add3A_68 : i32
    %mul3A_70 = arith.constant 632 : i32
    %mul3A_71 = arith.muli %arg1, %mul3A_70 : i32
    %add3A_72 = arith.constant 0 : i32
    %add3A_73 = arith.addi %mul3A_71, %add3A_72 : i32
    %mul3A_74 = arith.constant 632 : i32
    %mul3A_75 = arith.muli %arg1, %mul3A_74 : i32
    %add3A_76 = arith.constant 10112 : i32
    %add3A_77 = arith.addi %add3A_76, %mul3A_75 : i32
    %add3A_78 = arith.constant 0 : i32
    %add3A_79 = arith.addi %add3A_77, %add3A_78 : i32
    %dma_wait3A = arith.constant 0 : i32
    %dma_wait3A_80 = tpu.memref_slice %arg2[%add3A_73, %dma_wait3A] : memref<20224x32xf32, #tpu.memory_space<hbm>> -> memref<158x32xf32, #tpu.memory_space<hbm>>
    %dma_wait3A_81 = arith.constant 0 : i32
    %dma_wait3A_82 = tpu.memref_slice %arg2[%add3A_73, %dma_wait3A_81] : memref<20224x32xf32, #tpu.memory_space<hbm>> -> memref<158x32xf32, #tpu.memory_space<hbm>>
    tpu.wait_dma2 semaphore(%arg24 : memref<!tpu.dma_semaphore, #tpu.memory_space<semaphore_mem>>) src(%dma_wait3A_82 : memref<158x32xf32, #tpu.memory_space<hbm>>) dst(%arg15 : memref<158x32xf32, #tpu.memory_space<vmem>>)
    %dma_wait3A_83 = arith.constant 0 : i32
    %dma_wait3A_84 = tpu.memref_slice %arg2[%add3A_79, %dma_wait3A_83] : memref<20224x32xf32, #tpu.memory_space<hbm>> -> memref<158x32xf32, #tpu.memory_space<hbm>>
    %dma_wait3A_85 = arith.constant 0 : i32
    %dma_wait3A_86 = tpu.memref_slice %arg2[%add3A_79, %dma_wait3A_85] : memref<20224x32xf32, #tpu.memory_space<hbm>> -> memref<158x32xf32, #tpu.memory_space<hbm>>
    tpu.wait_dma2 semaphore(%arg25 : memref<!tpu.dma_semaphore, #tpu.memory_space<semaphore_mem>>) src(%dma_wait3A_86 : memref<158x32xf32, #tpu.memory_space<hbm>>) dst(%arg16 : memref<158x32xf32, #tpu.memory_space<vmem>>)
    %dma_wait3A_87 = arith.constant 0 : i32
    %dma_wait3A_88 = tpu.memref_slice %arg3[%add3A_69, %dma_wait3A_87] : memref<10112x32xf32, #tpu.memory_space<hbm>> -> memref<158x32xf32, #tpu.memory_space<hbm>>
    %dma_wait3A_89 = arith.constant 0 : i32
    %dma_wait3A_90 = tpu.memref_slice %arg3[%add3A_69, %dma_wait3A_89] : memref<10112x32xf32, #tpu.memory_space<hbm>> -> memref<158x32xf32, #tpu.memory_space<hbm>>
    tpu.wait_dma2 semaphore(%arg26 : memref<!tpu.dma_semaphore, #tpu.memory_space<semaphore_mem>>) src(%dma_wait3A_90 : memref<158x32xf32, #tpu.memory_space<hbm>>) dst(%arg17 : memref<158x32xf32, #tpu.memory_space<vmem>>)
    %dma_wait3A_91 = arith.constant 0 : i32
    %dma_wait3A_92 = tpu.memref_slice %arg4[%add3A_69, %dma_wait3A_91] : memref<10112x32xf32, #tpu.memory_space<hbm>> -> memref<158x32xf32, #tpu.memory_space<hbm>>
    %dma_wait3A_93 = arith.constant 0 : i32
    %dma_wait3A_94 = tpu.memref_slice %arg4[%add3A_69, %dma_wait3A_93] : memref<10112x32xf32, #tpu.memory_space<hbm>> -> memref<158x32xf32, #tpu.memory_space<hbm>>
    tpu.wait_dma2 semaphore(%arg27 : memref<!tpu.dma_semaphore, #tpu.memory_space<semaphore_mem>>) src(%dma_wait3A_94 : memref<158x32xf32, #tpu.memory_space<hbm>>) dst(%arg18 : memref<158x32xf32, #tpu.memory_space<vmem>>)
    %scan3A = arith.constant 0 : i32
    %scan3A_95 = arith.constant 0 : i32
    %scan3A_96 = arith.constant 79 : i32
    %scan3A_97 = arith.addi %scan3A_95, %scan3A_96 : i32
    %scan3A_98 = arith.constant 1 : i32
    scf.for %scan3A_611 = %scan3A_95 to %scan3A_97 step %scan3A_98  : i32 {
      %mul3A_612 = arith.constant 2 : i32
      %mul3A_613 = arith.muli %mul3A_612, %scan3A_611 : i32
      %add3A_614 = arith.constant 0 : i32
      %add3A_615 = arith.addi %mul3A_613, %add3A_614 : i32
      %get3A = arith.index_cast %add3A_615 : i32 to index
      %get3A_616 = arith.constant 0 : index
      %get3A_617 = tpu.vector_load %arg18[%get3A, %get3A_616] {strides = array<i32>} : memref<158x32xf32, #tpu.memory_space<vmem>>, vector<16xf32>,
      %get3A_618 = arith.index_cast %add3A_615 : i32 to index
      %get3A_619 = arith.constant 0 : index
      %get3A_620 = tpu.vector_load %arg15[%get3A_618, %get3A_619] {strides = array<i32>} : memref<158x32xf32, #tpu.memory_space<vmem>>, vector<16xf32>,
      %get3A_621 = arith.index_cast %add3A_615 : i32 to index
      %get3A_622 = arith.constant 0 : index
      %get3A_623 = tpu.vector_load %arg16[%get3A_621, %get3A_622] {strides = array<i32>} : memref<158x32xf32, #tpu.memory_space<vmem>>, vector<16xf32>,
      %add3A_624 = arith.addf %get3A_620, %get3A_623 : vector<16xf32>
      %get3A_625 = arith.index_cast %add3A_615 : i32 to index
      %get3A_626 = arith.constant 0 : index
      %get3A_627 = tpu.vector_load %arg17[%get3A_625, %get3A_626] {strides = array<i32>} : memref<158x32xf32, #tpu.memory_space<vmem>>, vector<16xf32>,
      %add3A_628 = arith.addf %add3A_624, %get3A_627 : vector<16xf32>
      %mul3A_629 = arith.mulf %get3A_617, %add3A_628 : vector<16xf32>
      %get3A_630 = arith.constant 0 : index
      %get3A_631 = tpu.vector_load %arg23[%get3A_630] {strides = array<i32>} : memref<32xf32, #tpu.memory_space<vmem>>, vector<16xf32>,
      %add3A_632 = arith.addf %mul3A_629, %get3A_631 : vector<16xf32>
      %max3A = arith.constant 0.000000e+00 : f32
      %max3A_633 = vector.broadcast %max3A : f32 to vector<16xf32>
      %max3A_634 = arith.maximumf %add3A_632, %max3A_633 : vector<16xf32>
      %mul3A_635 = arith.mulf %get3A_617, %max3A_634 : vector<16xf32>
      %swap3A = arith.index_cast %add3A_615 : i32 to index
      %swap3A_636 = arith.constant 0 : index
      %swap3A_637 = tpu.vector_load %arg15[%swap3A, %swap3A_636] {strides = array<i32>} : memref<158x32xf32, #tpu.memory_space<vmem>>, vector<16xf32>,
      tpu.vector_store %arg15[%swap3A, %swap3A_636], %mul3A_635 {strides = array<i32>} : memref<158x32xf32, #tpu.memory_space<vmem>>, vector<16xf32>,
      %get3A_638 = arith.index_cast %add3A_615 : i32 to index
      %get3A_639 = arith.constant 16 : index
      %get3A_640 = tpu.vector_load %arg18[%get3A_638, %get3A_639] {strides = array<i32>} : memref<158x32xf32, #tpu.memory_space<vmem>>, vector<16xf32>,
      %get3A_641 = arith.index_cast %add3A_615 : i32 to index
      %get3A_642 = arith.constant 16 : index
      %get3A_643 = tpu.vector_load %arg15[%get3A_641, %get3A_642] {strides = array<i32>} : memref<158x32xf32, #tpu.memory_space<vmem>>, vector<16xf32>,
      %get3A_644 = arith.index_cast %add3A_615 : i32 to index
      %get3A_645 = arith.constant 16 : index
      %get3A_646 = tpu.vector_load %arg16[%get3A_644, %get3A_645] {strides = array<i32>} : memref<158x32xf32, #tpu.memory_space<vmem>>, vector<16xf32>,
      %add3A_647 = arith.addf %get3A_643, %get3A_646 : vector<16xf32>
      %get3A_648 = arith.index_cast %add3A_615 : i32 to index
      %get3A_649 = arith.constant 16 : index
      %get3A_650 = tpu.vector_load %arg17[%get3A_648, %get3A_649] {strides = array<i32>} : memref<158x32xf32, #tpu.memory_space<vmem>>, vector<16xf32>,
      %add3A_651 = arith.addf %add3A_647, %get3A_650 : vector<16xf32>
      %mul3A_652 = arith.mulf %get3A_640, %add3A_651 : vector<16xf32>
      %get3A_653 = arith.constant 16 : index
      %get3A_654 = tpu.vector_load %arg23[%get3A_653] {strides = array<i32>} : memref<32xf32, #tpu.memory_space<vmem>>, vector<16xf32>,
      %add3A_655 = arith.addf %mul3A_652, %get3A_654 : vector<16xf32>
      %max3A_656 = arith.constant 0.000000e+00 : f32
      %max3A_657 = vector.broadcast %max3A_656 : f32 to vector<16xf32>
      %max3A_658 = arith.maximumf %add3A_655, %max3A_657 : vector<16xf32>
      %mul3A_659 = arith.mulf %get3A_640, %max3A_658 : vector<16xf32>
      %swap3A_660 = arith.index_cast %add3A_615 : i32 to index
      %swap3A_661 = arith.constant 16 : index
      %swap3A_662 = tpu.vector_load %arg15[%swap3A_660, %swap3A_661] {strides = array<i32>} : memref<158x32xf32, #tpu.memory_space<vmem>>, vector<16xf32>,
      tpu.vector_store %arg15[%swap3A_660, %swap3A_661], %mul3A_659 {strides = array<i32>} : memref<158x32xf32, #tpu.memory_space<vmem>>, vector<16xf32>,
      %mul3A_663 = arith.constant 2 : i32
      %mul3A_664 = arith.muli %mul3A_663, %scan3A_611 : i32
      %add3A_665 = arith.constant 1 : i32
      %add3A_666 = arith.addi %mul3A_664, %add3A_665 : i32
      %get3A_667 = arith.index_cast %add3A_666 : i32 to index
      %get3A_668 = arith.constant 0 : index
      %get3A_669 = tpu.vector_load %arg18[%get3A_667, %get3A_668] {strides = array<i32>} : memref<158x32xf32, #tpu.memory_space<vmem>>, vector<16xf32>,
      %get3A_670 = arith.index_cast %add3A_666 : i32 to index
      %get3A_671 = arith.constant 0 : index
      %get3A_672 = tpu.vector_load %arg15[%get3A_670, %get3A_671] {strides = array<i32>} : memref<158x32xf32, #tpu.memory_space<vmem>>, vector<16xf32>,
      %get3A_673 = arith.index_cast %add3A_666 : i32 to index
      %get3A_674 = arith.constant 0 : index
      %get3A_675 = tpu.vector_load %arg16[%get3A_673, %get3A_674] {strides = array<i32>} : memref<158x32xf32, #tpu.memory_space<vmem>>, vector<16xf32>,
      %add3A_676 = arith.addf %get3A_672, %get3A_675 : vector<16xf32>
      %get3A_677 = arith.index_cast %add3A_666 : i32 to index
      %get3A_678 = arith.constant 0 : index
      %get3A_679 = tpu.vector_load %arg17[%get3A_677, %get3A_678] {strides = array<i32>} : memref<158x32xf32, #tpu.memory_space<vmem>>, vector<16xf32>,
      %add3A_680 = arith.addf %add3A_676, %get3A_679 : vector<16xf32>
      %mul3A_681 = arith.mulf %get3A_669, %add3A_680 : vector<16xf32>
      %get3A_682 = arith.constant 0 : index
      %get3A_683 = tpu.vector_load %arg23[%get3A_682] {strides = array<i32>} : memref<32xf32, #tpu.memory_space<vmem>>, vector<16xf32>,
      %add3A_684 = arith.addf %mul3A_681, %get3A_683 : vector<16xf32>
      %max3A_685 = arith.constant 0.000000e+00 : f32
      %max3A_686 = vector.broadcast %max3A_685 : f32 to vector<16xf32>
      %max3A_687 = arith.maximumf %add3A_684, %max3A_686 : vector<16xf32>
      %mul3A_688 = arith.mulf %get3A_669, %max3A_687 : vector<16xf32>
      %swap3A_689 = arith.index_cast %add3A_666 : i32 to index
      %swap3A_690 = arith.constant 0 : index
      %swap3A_691 = tpu.vector_load %arg15[%swap3A_689, %swap3A_690] {strides = array<i32>} : memref<158x32xf32, #tpu.memory_space<vmem>>, vector<16xf32>,
      tpu.vector_store %arg15[%swap3A_689, %swap3A_690], %mul3A_688 {strides = array<i32>} : memref<158x32xf32, #tpu.memory_space<vmem>>, vector<16xf32>,
      %get3A_692 = arith.index_cast %add3A_666 : i32 to index
      %get3A_693 = arith.constant 16 : index
      %get3A_694 = tpu.vector_load %arg18[%get3A_692, %get3A_693] {strides = array<i32>} : memref<158x32xf32, #tpu.memory_space<vmem>>, vector<16xf32>,
      %get3A_695 = arith.index_cast %add3A_666 : i32 to index
      %get3A_696 = arith.constant 16 : index
      %get3A_697 = tpu.vector_load %arg15[%get3A_695, %get3A_696] {strides = array<i32>} : memref<158x32xf32, #tpu.memory_space<vmem>>, vector<16xf32>,
      %get3A_698 = arith.index_cast %add3A_666 : i32 to index
      %get3A_699 = arith.constant 16 : index
      %get3A_700 = tpu.vector_load %arg16[%get3A_698, %get3A_699] {strides = array<i32>} : memref<158x32xf32, #tpu.memory_space<vmem>>, vector<16xf32>,
      %add3A_701 = arith.addf %get3A_697, %get3A_700 : vector<16xf32>
      %get3A_702 = arith.index_cast %add3A_666 : i32 to index
      %get3A_703 = arith.constant 16 : index
      %get3A_704 = tpu.vector_load %arg17[%get3A_702, %get3A_703] {strides = array<i32>} : memref<158x32xf32, #tpu.memory_space<vmem>>, vector<16xf32>,
      %add3A_705 = arith.addf %add3A_701, %get3A_704 : vector<16xf32>
      %mul3A_706 = arith.mulf %get3A_694, %add3A_705 : vector<16xf32>
      %get3A_707 = arith.constant 16 : index
      %get3A_708 = tpu.vector_load %arg23[%get3A_707] {strides = array<i32>} : memref<32xf32, #tpu.memory_space<vmem>>, vector<16xf32>,
      %add3A_709 = arith.addf %mul3A_706, %get3A_708 : vector<16xf32>
      %max3A_710 = arith.constant 0.000000e+00 : f32
      %max3A_711 = vector.broadcast %max3A_710 : f32 to vector<16xf32>
      %max3A_712 = arith.maximumf %add3A_709, %max3A_711 : vector<16xf32>
      %mul3A_713 = arith.mulf %get3A_694, %max3A_712 : vector<16xf32>
      %swap3A_714 = arith.index_cast %add3A_666 : i32 to index
      %swap3A_715 = arith.constant 16 : index
      %swap3A_716 = tpu.vector_load %arg15[%swap3A_714, %swap3A_715] {strides = array<i32>} : memref<158x32xf32, #tpu.memory_space<vmem>>, vector<16xf32>,
      tpu.vector_store %arg15[%swap3A_714, %swap3A_715], %mul3A_713 {strides = array<i32>} : memref<158x32xf32, #tpu.memory_space<vmem>>, vector<16xf32>,
    }
    %scan3A_99 = arith.constant 79 : i32
    %mul3A_100 = arith.constant 632 : i32
    %mul3A_101 = arith.muli %arg1, %mul3A_100 : i32
    %add3A_102 = arith.constant 0 : i32
    %add3A_103 = arith.addi %mul3A_101, %add3A_102 : i32
    %dma_start3A_104 = arith.constant 0 : i32
    %dma_start3A_105 = tpu.memref_slice %arg10[%add3A_103, %dma_start3A_104] : memref<10112x32xf32, #tpu.memory_space<vmem_shared>> -> memref<158x32xf32, #tpu.memory_space<vmem_shared>>
    %dma_start3A_106 = arith.constant 0 : i32
    %dma_start3A_107 = tpu.memref_slice %arg10[%add3A_103, %dma_start3A_106] : memref<10112x32xf32, #tpu.memory_space<vmem_shared>> -> memref<158x32xf32, #tpu.memory_space<vmem_shared>>
    tpu.enqueue_dma source(%arg15 : memref<158x32xf32, #tpu.memory_space<vmem>>) target(%dma_start3A_107 : memref<158x32xf32, #tpu.memory_space<vmem_shared>>) target_semaphore(%arg33 : memref<!tpu.dma_semaphore, #tpu.memory_space<semaphore_mem>>)
    %mul3A_108 = arith.constant 632 : i32
    %mul3A_109 = arith.muli %arg1, %mul3A_108 : i32
    %add3A_110 = arith.constant 0 : i32
    %add3A_111 = arith.addi %mul3A_109, %add3A_110 : i32
    %dma_wait3A_112 = arith.constant 0 : i32
    %dma_wait3A_113 = tpu.memref_slice %arg10[%add3A_111, %dma_wait3A_112] : memref<10112x32xf32, #tpu.memory_space<vmem_shared>> -> memref<158x32xf32, #tpu.memory_space<vmem_shared>>
    %dma_wait3A_114 = arith.constant 0 : i32
    %dma_wait3A_115 = tpu.memref_slice %arg10[%add3A_111, %dma_wait3A_114] : memref<10112x32xf32, #tpu.memory_space<vmem_shared>> -> memref<158x32xf32, #tpu.memory_space<vmem_shared>>
    tpu.wait_dma2 semaphore(%arg33 : memref<!tpu.dma_semaphore, #tpu.memory_space<semaphore_mem>>) src(%arg15 : memref<158x32xf32, #tpu.memory_space<vmem>>) dst(%dma_wait3A_115 : memref<158x32xf32, #tpu.memory_space<vmem_shared>>)
    %mul3A_116 = arith.constant 632 : i32
    %mul3A_117 = arith.muli %arg1, %mul3A_116 : i32
    %add3A_118 = arith.constant 316 : i32
    %add3A_119 = arith.addi %mul3A_117, %add3A_118 : i32
    %mul3A_120 = arith.constant 632 : i32
    %mul3A_121 = arith.muli %arg1, %mul3A_120 : i32
    %add3A_122 = arith.constant 316 : i32
    %add3A_123 = arith.addi %mul3A_121, %add3A_122 : i32
    %mul3A_124 = arith.constant 632 : i32
    %mul3A_125 = arith.muli %arg1, %mul3A_124 : i32
    %add3A_126 = arith.constant 10112 : i32
    %add3A_127 = arith.addi %add3A_126, %mul3A_125 : i32
    %add3A_128 = arith.constant 316 : i32
    %add3A_129 = arith.addi %add3A_127, %add3A_128 : i32
    %dma_start3A_130 = arith.constant 0 : i32
    %dma_start3A_131 = tpu.memref_slice %arg2[%add3A_123, %dma_start3A_130] : memref<20224x32xf32, #tpu.memory_space<hbm>> -> memref<158x32xf32, #tpu.memory_space<hbm>>
    %dma_start3A_132 = arith.constant 0 : i32
    %dma_start3A_133 = tpu.memref_slice %arg2[%add3A_123, %dma_start3A_132] : memref<20224x32xf32, #tpu.memory_space<hbm>> -> memref<158x32xf32, #tpu.memory_space<hbm>>
    tpu.enqueue_dma source(%dma_start3A_133 : memref<158x32xf32, #tpu.memory_space<hbm>>) target(%arg15 : memref<158x32xf32, #tpu.memory_space<vmem>>) target_semaphore(%arg24 : memref<!tpu.dma_semaphore, #tpu.memory_space<semaphore_mem>>)
    %dma_start3A_134 = arith.constant 0 : i32
    %dma_start3A_135 = tpu.memref_slice %arg2[%add3A_129, %dma_start3A_134] : memref<20224x32xf32, #tpu.memory_space<hbm>> -> memref<158x32xf32, #tpu.memory_space<hbm>>
    %dma_start3A_136 = arith.constant 0 : i32
    %dma_start3A_137 = tpu.memref_slice %arg2[%add3A_129, %dma_start3A_136] : memref<20224x32xf32, #tpu.memory_space<hbm>> -> memref<158x32xf32, #tpu.memory_space<hbm>>
    tpu.enqueue_dma source(%dma_start3A_137 : memref<158x32xf32, #tpu.memory_space<hbm>>) target(%arg16 : memref<158x32xf32, #tpu.memory_space<vmem>>) target_semaphore(%arg25 : memref<!tpu.dma_semaphore, #tpu.memory_space<semaphore_mem>>)
    %dma_start3A_138 = arith.constant 0 : i32
    %dma_start3A_139 = tpu.memref_slice %arg3[%add3A_119, %dma_start3A_138] : memref<10112x32xf32, #tpu.memory_space<hbm>> -> memref<158x32xf32, #tpu.memory_space<hbm>>
    %dma_start3A_140 = arith.constant 0 : i32
    %dma_start3A_141 = tpu.memref_slice %arg3[%add3A_119, %dma_start3A_140] : memref<10112x32xf32, #tpu.memory_space<hbm>> -> memref<158x32xf32, #tpu.memory_space<hbm>>
    tpu.enqueue_dma source(%dma_start3A_141 : memref<158x32xf32, #tpu.memory_space<hbm>>) target(%arg17 : memref<158x32xf32, #tpu.memory_space<vmem>>) target_semaphore(%arg26 : memref<!tpu.dma_semaphore, #tpu.memory_space<semaphore_mem>>)
    %dma_start3A_142 = arith.constant 0 : i32
    %dma_start3A_143 = tpu.memref_slice %arg4[%add3A_119, %dma_start3A_142] : memref<10112x32xf32, #tpu.memory_space<hbm>> -> memref<158x32xf32, #tpu.memory_space<hbm>>
    %dma_start3A_144 = arith.constant 0 : i32
    %dma_start3A_145 = tpu.memref_slice %arg4[%add3A_119, %dma_start3A_144] : memref<10112x32xf32, #tpu.memory_space<hbm>> -> memref<158x32xf32, #tpu.memory_space<hbm>>
    tpu.enqueue_dma source(%dma_start3A_145 : memref<158x32xf32, #tpu.memory_space<hbm>>) target(%arg18 : memref<158x32xf32, #tpu.memory_space<vmem>>) target_semaphore(%arg27 : memref<!tpu.dma_semaphore, #tpu.memory_space<semaphore_mem>>)
    %mul3A_146 = arith.constant 632 : i32
    %mul3A_147 = arith.muli %arg1, %mul3A_146 : i32
    %add3A_148 = arith.constant 158 : i32
    %add3A_149 = arith.addi %mul3A_147, %add3A_148 : i32
    %mul3A_150 = arith.constant 632 : i32
    %mul3A_151 = arith.muli %arg1, %mul3A_150 : i32
    %add3A_152 = arith.constant 158 : i32
    %add3A_153 = arith.addi %mul3A_151, %add3A_152 : i32
    %mul3A_154 = arith.constant 632 : i32
    %mul3A_155 = arith.muli %arg1, %mul3A_154 : i32
    %add3A_156 = arith.constant 10112 : i32
    %add3A_157 = arith.addi %add3A_156, %mul3A_155 : i32
    %add3A_158 = arith.constant 158 : i32
    %add3A_159 = arith.addi %add3A_157, %add3A_158 : i32
    %dma_wait3A_160 = arith.constant 0 : i32
    %dma_wait3A_161 = tpu.memref_slice %arg2[%add3A_153, %dma_wait3A_160] : memref<20224x32xf32, #tpu.memory_space<hbm>> -> memref<158x32xf32, #tpu.memory_space<hbm>>
    %dma_wait3A_162 = arith.constant 0 : i32
    %dma_wait3A_163 = tpu.memref_slice %arg2[%add3A_153, %dma_wait3A_162] : memref<20224x32xf32, #tpu.memory_space<hbm>> -> memref<158x32xf32, #tpu.memory_space<hbm>>
    tpu.wait_dma2 semaphore(%arg28 : memref<!tpu.dma_semaphore, #tpu.memory_space<semaphore_mem>>) src(%dma_wait3A_163 : memref<158x32xf32, #tpu.memory_space<hbm>>) dst(%arg19 : memref<158x32xf32, #tpu.memory_space<vmem>>)
    %dma_wait3A_164 = arith.constant 0 : i32
    %dma_wait3A_165 = tpu.memref_slice %arg2[%add3A_159, %dma_wait3A_164] : memref<20224x32xf32, #tpu.memory_space<hbm>> -> memref<158x32xf32, #tpu.memory_space<hbm>>
    %dma_wait3A_166 = arith.constant 0 : i32
    %dma_wait3A_167 = tpu.memref_slice %arg2[%add3A_159, %dma_wait3A_166] : memref<20224x32xf32, #tpu.memory_space<hbm>> -> memref<158x32xf32, #tpu.memory_space<hbm>>
    tpu.wait_dma2 semaphore(%arg29 : memref<!tpu.dma_semaphore, #tpu.memory_space<semaphore_mem>>) src(%dma_wait3A_167 : memref<158x32xf32, #tpu.memory_space<hbm>>) dst(%arg20 : memref<158x32xf32, #tpu.memory_space<vmem>>)
    %dma_wait3A_168 = arith.constant 0 : i32
    %dma_wait3A_169 = tpu.memref_slice %arg3[%add3A_149, %dma_wait3A_168] : memref<10112x32xf32, #tpu.memory_space<hbm>> -> memref<158x32xf32, #tpu.memory_space<hbm>>
    %dma_wait3A_170 = arith.constant 0 : i32
    %dma_wait3A_171 = tpu.memref_slice %arg3[%add3A_149, %dma_wait3A_170] : memref<10112x32xf32, #tpu.memory_space<hbm>> -> memref<158x32xf32, #tpu.memory_space<hbm>>
    tpu.wait_dma2 semaphore(%arg30 : memref<!tpu.dma_semaphore, #tpu.memory_space<semaphore_mem>>) src(%dma_wait3A_171 : memref<158x32xf32, #tpu.memory_space<hbm>>) dst(%arg21 : memref<158x32xf32, #tpu.memory_space<vmem>>)
    %dma_wait3A_172 = arith.constant 0 : i32
    %dma_wait3A_173 = tpu.memref_slice %arg4[%add3A_149, %dma_wait3A_172] : memref<10112x32xf32, #tpu.memory_space<hbm>> -> memref<158x32xf32, #tpu.memory_space<hbm>>
    %dma_wait3A_174 = arith.constant 0 : i32
    %dma_wait3A_175 = tpu.memref_slice %arg4[%add3A_149, %dma_wait3A_174] : memref<10112x32xf32, #tpu.memory_space<hbm>> -> memref<158x32xf32, #tpu.memory_space<hbm>>
    tpu.wait_dma2 semaphore(%arg31 : memref<!tpu.dma_semaphore, #tpu.memory_space<semaphore_mem>>) src(%dma_wait3A_175 : memref<158x32xf32, #tpu.memory_space<hbm>>) dst(%arg22 : memref<158x32xf32, #tpu.memory_space<vmem>>)
    %scan3A_176 = arith.constant 0 : i32
    %scan3A_177 = arith.constant 0 : i32
    %scan3A_178 = arith.constant 79 : i32
    %scan3A_179 = arith.addi %scan3A_177, %scan3A_178 : i32
    %scan3A_180 = arith.constant 1 : i32
    scf.for %scan3A_611 = %scan3A_177 to %scan3A_179 step %scan3A_180  : i32 {
      %mul3A_612 = arith.constant 2 : i32
      %mul3A_613 = arith.muli %mul3A_612, %scan3A_611 : i32
      %add3A_614 = arith.constant 0 : i32
      %add3A_615 = arith.addi %mul3A_613, %add3A_614 : i32
      %get3A = arith.index_cast %add3A_615 : i32 to index
      %get3A_616 = arith.constant 0 : index
      %get3A_617 = tpu.vector_load %arg22[%get3A, %get3A_616] {strides = array<i32>} : memref<158x32xf32, #tpu.memory_space<vmem>>, vector<16xf32>,
      %get3A_618 = arith.index_cast %add3A_615 : i32 to index
      %get3A_619 = arith.constant 0 : index
      %get3A_620 = tpu.vector_load %arg19[%get3A_618, %get3A_619] {strides = array<i32>} : memref<158x32xf32, #tpu.memory_space<vmem>>, vector<16xf32>,
      %get3A_621 = arith.index_cast %add3A_615 : i32 to index
      %get3A_622 = arith.constant 0 : index
      %get3A_623 = tpu.vector_load %arg20[%get3A_621, %get3A_622] {strides = array<i32>} : memref<158x32xf32, #tpu.memory_space<vmem>>, vector<16xf32>,
      %add3A_624 = arith.addf %get3A_620, %get3A_623 : vector<16xf32>
      %get3A_625 = arith.index_cast %add3A_615 : i32 to index
      %get3A_626 = arith.constant 0 : index
      %get3A_627 = tpu.vector_load %arg21[%get3A_625, %get3A_626] {strides = array<i32>} : memref<158x32xf32, #tpu.memory_space<vmem>>, vector<16xf32>,
      %add3A_628 = arith.addf %add3A_624, %get3A_627 : vector<16xf32>
      %mul3A_629 = arith.mulf %get3A_617, %add3A_628 : vector<16xf32>
      %get3A_630 = arith.constant 0 : index
      %get3A_631 = tpu.vector_load %arg23[%get3A_630] {strides = array<i32>} : memref<32xf32, #tpu.memory_space<vmem>>, vector<16xf32>,
      %add3A_632 = arith.addf %mul3A_629, %get3A_631 : vector<16xf32>
      %max3A = arith.constant 0.000000e+00 : f32
      %max3A_633 = vector.broadcast %max3A : f32 to vector<16xf32>
      %max3A_634 = arith.maximumf %add3A_632, %max3A_633 : vector<16xf32>
      %mul3A_635 = arith.mulf %get3A_617, %max3A_634 : vector<16xf32>
      %swap3A = arith.index_cast %add3A_615 : i32 to index
      %swap3A_636 = arith.constant 0 : index
      %swap3A_637 = tpu.vector_load %arg19[%swap3A, %swap3A_636] {strides = array<i32>} : memref<158x32xf32, #tpu.memory_space<vmem>>, vector<16xf32>,
      tpu.vector_store %arg19[%swap3A, %swap3A_636], %mul3A_635 {strides = array<i32>} : memref<158x32xf32, #tpu.memory_space<vmem>>, vector<16xf32>,
      %get3A_638 = arith.index_cast %add3A_615 : i32 to index
      %get3A_639 = arith.constant 16 : index
      %get3A_640 = tpu.vector_load %arg22[%get3A_638, %get3A_639] {strides = array<i32>} : memref<158x32xf32, #tpu.memory_space<vmem>>, vector<16xf32>,
      %get3A_641 = arith.index_cast %add3A_615 : i32 to index
      %get3A_642 = arith.constant 16 : index
      %get3A_643 = tpu.vector_load %arg19[%get3A_641, %get3A_642] {strides = array<i32>} : memref<158x32xf32, #tpu.memory_space<vmem>>, vector<16xf32>,
      %get3A_644 = arith.index_cast %add3A_615 : i32 to index
      %get3A_645 = arith.constant 16 : index
      %get3A_646 = tpu.vector_load %arg20[%get3A_644, %get3A_645] {strides = array<i32>} : memref<158x32xf32, #tpu.memory_space<vmem>>, vector<16xf32>,
      %add3A_647 = arith.addf %get3A_643, %get3A_646 : vector<16xf32>
      %get3A_648 = arith.index_cast %add3A_615 : i32 to index
      %get3A_649 = arith.constant 16 : index
      %get3A_650 = tpu.vector_load %arg21[%get3A_648, %get3A_649] {strides = array<i32>} : memref<158x32xf32, #tpu.memory_space<vmem>>, vector<16xf32>,
      %add3A_651 = arith.addf %add3A_647, %get3A_650 : vector<16xf32>
      %mul3A_652 = arith.mulf %get3A_640, %add3A_651 : vector<16xf32>
      %get3A_653 = arith.constant 16 : index
      %get3A_654 = tpu.vector_load %arg23[%get3A_653] {strides = array<i32>} : memref<32xf32, #tpu.memory_space<vmem>>, vector<16xf32>,
      %add3A_655 = arith.addf %mul3A_652, %get3A_654 : vector<16xf32>
      %max3A_656 = arith.constant 0.000000e+00 : f32
      %max3A_657 = vector.broadcast %max3A_656 : f32 to vector<16xf32>
      %max3A_658 = arith.maximumf %add3A_655, %max3A_657 : vector<16xf32>
      %mul3A_659 = arith.mulf %get3A_640, %max3A_658 : vector<16xf32>
      %swap3A_660 = arith.index_cast %add3A_615 : i32 to index
      %swap3A_661 = arith.constant 16 : index
      %swap3A_662 = tpu.vector_load %arg19[%swap3A_660, %swap3A_661] {strides = array<i32>} : memref<158x32xf32, #tpu.memory_space<vmem>>, vector<16xf32>,
      tpu.vector_store %arg19[%swap3A_660, %swap3A_661], %mul3A_659 {strides = array<i32>} : memref<158x32xf32, #tpu.memory_space<vmem>>, vector<16xf32>,
      %mul3A_663 = arith.constant 2 : i32
      %mul3A_664 = arith.muli %mul3A_663, %scan3A_611 : i32
      %add3A_665 = arith.constant 1 : i32
      %add3A_666 = arith.addi %mul3A_664, %add3A_665 : i32
      %get3A_667 = arith.index_cast %add3A_666 : i32 to index
      %get3A_668 = arith.constant 0 : index
      %get3A_669 = tpu.vector_load %arg22[%get3A_667, %get3A_668] {strides = array<i32>} : memref<158x32xf32, #tpu.memory_space<vmem>>, vector<16xf32>,
      %get3A_670 = arith.index_cast %add3A_666 : i32 to index
      %get3A_671 = arith.constant 0 : index
      %get3A_672 = tpu.vector_load %arg19[%get3A_670, %get3A_671] {strides = array<i32>} : memref<158x32xf32, #tpu.memory_space<vmem>>, vector<16xf32>,
      %get3A_673 = arith.index_cast %add3A_666 : i32 to index
      %get3A_674 = arith.constant 0 : index
      %get3A_675 = tpu.vector_load %arg20[%get3A_673, %get3A_674] {strides = array<i32>} : memref<158x32xf32, #tpu.memory_space<vmem>>, vector<16xf32>,
      %add3A_676 = arith.addf %get3A_672, %get3A_675 : vector<16xf32>
      %get3A_677 = arith.index_cast %add3A_666 : i32 to index
      %get3A_678 = arith.constant 0 : index
      %get3A_679 = tpu.vector_load %arg21[%get3A_677, %get3A_678] {strides = array<i32>} : memref<158x32xf32, #tpu.memory_space<vmem>>, vector<16xf32>,
      %add3A_680 = arith.addf %add3A_676, %get3A_679 : vector<16xf32>
      %mul3A_681 = arith.mulf %get3A_669, %add3A_680 : vector<16xf32>
      %get3A_682 = arith.constant 0 : index
      %get3A_683 = tpu.vector_load %arg23[%get3A_682] {strides = array<i32>} : memref<32xf32, #tpu.memory_space<vmem>>, vector<16xf32>,
      %add3A_684 = arith.addf %mul3A_681, %get3A_683 : vector<16xf32>
      %max3A_685 = arith.constant 0.000000e+00 : f32
      %max3A_686 = vector.broadcast %max3A_685 : f32 to vector<16xf32>
      %max3A_687 = arith.maximumf %add3A_684, %max3A_686 : vector<16xf32>
      %mul3A_688 = arith.mulf %get3A_669, %max3A_687 : vector<16xf32>
      %swap3A_689 = arith.index_cast %add3A_666 : i32 to index
      %swap3A_690 = arith.constant 0 : index
      %swap3A_691 = tpu.vector_load %arg19[%swap3A_689, %swap3A_690] {strides = array<i32>} : memref<158x32xf32, #tpu.memory_space<vmem>>, vector<16xf32>,
      tpu.vector_store %arg19[%swap3A_689, %swap3A_690], %mul3A_688 {strides = array<i32>} : memref<158x32xf32, #tpu.memory_space<vmem>>, vector<16xf32>,
      %get3A_692 = arith.index_cast %add3A_666 : i32 to index
      %get3A_693 = arith.constant 16 : index
      %get3A_694 = tpu.vector_load %arg22[%get3A_692, %get3A_693] {strides = array<i32>} : memref<158x32xf32, #tpu.memory_space<vmem>>, vector<16xf32>,
      %get3A_695 = arith.index_cast %add3A_666 : i32 to index
      %get3A_696 = arith.constant 16 : index
      %get3A_697 = tpu.vector_load %arg19[%get3A_695, %get3A_696] {strides = array<i32>} : memref<158x32xf32, #tpu.memory_space<vmem>>, vector<16xf32>,
      %get3A_698 = arith.index_cast %add3A_666 : i32 to index
      %get3A_699 = arith.constant 16 : index
      %get3A_700 = tpu.vector_load %arg20[%get3A_698, %get3A_699] {strides = array<i32>} : memref<158x32xf32, #tpu.memory_space<vmem>>, vector<16xf32>,
      %add3A_701 = arith.addf %get3A_697, %get3A_700 : vector<16xf32>
      %get3A_702 = arith.index_cast %add3A_666 : i32 to index
      %get3A_703 = arith.constant 16 : index
      %get3A_704 = tpu.vector_load %arg21[%get3A_702, %get3A_703] {strides = array<i32>} : memref<158x32xf32, #tpu.memory_space<vmem>>, vector<16xf32>,
      %add3A_705 = arith.addf %add3A_701, %get3A_704 : vector<16xf32>
      %mul3A_706 = arith.mulf %get3A_694, %add3A_705 : vector<16xf32>
      %get3A_707 = arith.constant 16 : index
      %get3A_708 = tpu.vector_load %arg23[%get3A_707] {strides = array<i32>} : memref<32xf32, #tpu.memory_space<vmem>>, vector<16xf32>,
      %add3A_709 = arith.addf %mul3A_706, %get3A_708 : vector<16xf32>
      %max3A_710 = arith.constant 0.000000e+00 : f32
      %max3A_711 = vector.broadcast %max3A_710 : f32 to vector<16xf32>
      %max3A_712 = arith.maximumf %add3A_709, %max3A_711 : vector<16xf32>
      %mul3A_713 = arith.mulf %get3A_694, %max3A_712 : vector<16xf32>
      %swap3A_714 = arith.index_cast %add3A_666 : i32 to index
      %swap3A_715 = arith.constant 16 : index
      %swap3A_716 = tpu.vector_load %arg19[%swap3A_714, %swap3A_715] {strides = array<i32>} : memref<158x32xf32, #tpu.memory_space<vmem>>, vector<16xf32>,
      tpu.vector_store %arg19[%swap3A_714, %swap3A_715], %mul3A_713 {strides = array<i32>} : memref<158x32xf32, #tpu.memory_space<vmem>>, vector<16xf32>,
    }
    %scan3A_181 = arith.constant 79 : i32
    %mul3A_182 = arith.constant 632 : i32
    %mul3A_183 = arith.muli %arg1, %mul3A_182 : i32
    %add3A_184 = arith.constant 158 : i32
    %add3A_185 = arith.addi %mul3A_183, %add3A_184 : i32
    %dma_start3A_186 = arith.constant 0 : i32
    %dma_start3A_187 = tpu.memref_slice %arg10[%add3A_185, %dma_start3A_186] : memref<10112x32xf32, #tpu.memory_space<vmem_shared>> -> memref<158x32xf32, #tpu.memory_space<vmem_shared>>
    %dma_start3A_188 = arith.constant 0 : i32
    %dma_start3A_189 = tpu.memref_slice %arg10[%add3A_185, %dma_start3A_188] : memref<10112x32xf32, #tpu.memory_space<vmem_shared>> -> memref<158x32xf32, #tpu.memory_space<vmem_shared>>
    tpu.enqueue_dma source(%arg19 : memref<158x32xf32, #tpu.memory_space<vmem>>) target(%dma_start3A_189 : memref<158x32xf32, #tpu.memory_space<vmem_shared>>) target_semaphore(%arg33 : memref<!tpu.dma_semaphore, #tpu.memory_space<semaphore_mem>>)
    %mul3A_190 = arith.constant 632 : i32
    %mul3A_191 = arith.muli %arg1, %mul3A_190 : i32
    %add3A_192 = arith.constant 158 : i32
    %add3A_193 = arith.addi %mul3A_191, %add3A_192 : i32
    %dma_wait3A_194 = arith.constant 0 : i32
    %dma_wait3A_195 = tpu.memref_slice %arg10[%add3A_193, %dma_wait3A_194] : memref<10112x32xf32, #tpu.memory_space<vmem_shared>> -> memref<158x32xf32, #tpu.memory_space<vmem_shared>>
    %dma_wait3A_196 = arith.constant 0 : i32
    %dma_wait3A_197 = tpu.memref_slice %arg10[%add3A_193, %dma_wait3A_196] : memref<10112x32xf32, #tpu.memory_space<vmem_shared>> -> memref<158x32xf32, #tpu.memory_space<vmem_shared>>
    tpu.wait_dma2 semaphore(%arg33 : memref<!tpu.dma_semaphore, #tpu.memory_space<semaphore_mem>>) src(%arg19 : memref<158x32xf32, #tpu.memory_space<vmem>>) dst(%dma_wait3A_197 : memref<158x32xf32, #tpu.memory_space<vmem_shared>>)
    %mul3A_198 = arith.constant 632 : i32
    %mul3A_199 = arith.muli %arg1, %mul3A_198 : i32
    %add3A_200 = arith.constant 474 : i32
    %add3A_201 = arith.addi %mul3A_199, %add3A_200 : i32
    %mul3A_202 = arith.constant 632 : i32
    %mul3A_203 = arith.muli %arg1, %mul3A_202 : i32
    %add3A_204 = arith.constant 474 : i32
    %add3A_205 = arith.addi %mul3A_203, %add3A_204 : i32
    %mul3A_206 = arith.constant 632 : i32
    %mul3A_207 = arith.muli %arg1, %mul3A_206 : i32
    %add3A_208 = arith.constant 10112 : i32
    %add3A_209 = arith.addi %add3A_208, %mul3A_207 : i32
    %add3A_210 = arith.constant 474 : i32
    %add3A_211 = arith.addi %add3A_209, %add3A_210 : i32
    %dma_start3A_212 = arith.constant 0 : i32
    %dma_start3A_213 = tpu.memref_slice %arg2[%add3A_205, %dma_start3A_212] : memref<20224x32xf32, #tpu.memory_space<hbm>> -> memref<158x32xf32, #tpu.memory_space<hbm>>
    %dma_start3A_214 = arith.constant 0 : i32
    %dma_start3A_215 = tpu.memref_slice %arg2[%add3A_205, %dma_start3A_214] : memref<20224x32xf32, #tpu.memory_space<hbm>> -> memref<158x32xf32, #tpu.memory_space<hbm>>
    tpu.enqueue_dma source(%dma_start3A_215 : memref<158x32xf32, #tpu.memory_space<hbm>>) target(%arg19 : memref<158x32xf32, #tpu.memory_space<vmem>>) target_semaphore(%arg28 : memref<!tpu.dma_semaphore, #tpu.memory_space<semaphore_mem>>)
    %dma_start3A_216 = arith.constant 0 : i32
    %dma_start3A_217 = tpu.memref_slice %arg2[%add3A_211, %dma_start3A_216] : memref<20224x32xf32, #tpu.memory_space<hbm>> -> memref<158x32xf32, #tpu.memory_space<hbm>>
    %dma_start3A_218 = arith.constant 0 : i32
    %dma_start3A_219 = tpu.memref_slice %arg2[%add3A_211, %dma_start3A_218] : memref<20224x32xf32, #tpu.memory_space<hbm>> -> memref<158x32xf32, #tpu.memory_space<hbm>>
    tpu.enqueue_dma source(%dma_start3A_219 : memref<158x32xf32, #tpu.memory_space<hbm>>) target(%arg20 : memref<158x32xf32, #tpu.memory_space<vmem>>) target_semaphore(%arg29 : memref<!tpu.dma_semaphore, #tpu.memory_space<semaphore_mem>>)
    %dma_start3A_220 = arith.constant 0 : i32
    %dma_start3A_221 = tpu.memref_slice %arg3[%add3A_201, %dma_start3A_220] : memref<10112x32xf32, #tpu.memory_space<hbm>> -> memref<158x32xf32, #tpu.memory_space<hbm>>
    %dma_start3A_222 = arith.constant 0 : i32
    %dma_start3A_223 = tpu.memref_slice %arg3[%add3A_201, %dma_start3A_222] : memref<10112x32xf32, #tpu.memory_space<hbm>> -> memref<158x32xf32, #tpu.memory_space<hbm>>
    tpu.enqueue_dma source(%dma_start3A_223 : memref<158x32xf32, #tpu.memory_space<hbm>>) target(%arg21 : memref<158x32xf32, #tpu.memory_space<vmem>>) target_semaphore(%arg30 : memref<!tpu.dma_semaphore, #tpu.memory_space<semaphore_mem>>)
    %dma_start3A_224 = arith.constant 0 : i32
    %dma_start3A_225 = tpu.memref_slice %arg4[%add3A_201, %dma_start3A_224] : memref<10112x32xf32, #tpu.memory_space<hbm>> -> memref<158x32xf32, #tpu.memory_space<hbm>>
    %dma_start3A_226 = arith.constant 0 : i32
    %dma_start3A_227 = tpu.memref_slice %arg4[%add3A_201, %dma_start3A_226] : memref<10112x32xf32, #tpu.memory_space<hbm>> -> memref<158x32xf32, #tpu.memory_space<hbm>>
    tpu.enqueue_dma source(%dma_start3A_227 : memref<158x32xf32, #tpu.memory_space<hbm>>) target(%arg22 : memref<158x32xf32, #tpu.memory_space<vmem>>) target_semaphore(%arg31 : memref<!tpu.dma_semaphore, #tpu.memory_space<semaphore_mem>>)
    %mul3A_228 = arith.constant 632 : i32
    %mul3A_229 = arith.muli %arg1, %mul3A_228 : i32
    %add3A_230 = arith.constant 316 : i32
    %add3A_231 = arith.addi %mul3A_229, %add3A_230 : i32
    %mul3A_232 = arith.constant 632 : i32
    %mul3A_233 = arith.muli %arg1, %mul3A_232 : i32
    %add3A_234 = arith.constant 316 : i32
    %add3A_235 = arith.addi %mul3A_233, %add3A_234 : i32
    %mul3A_236 = arith.constant 632 : i32
    %mul3A_237 = arith.muli %arg1, %mul3A_236 : i32
    %add3A_238 = arith.constant 10112 : i32
    %add3A_239 = arith.addi %add3A_238, %mul3A_237 : i32
    %add3A_240 = arith.constant 316 : i32
    %add3A_241 = arith.addi %add3A_239, %add3A_240 : i32
    %dma_wait3A_242 = arith.constant 0 : i32
    %dma_wait3A_243 = tpu.memref_slice %arg2[%add3A_235, %dma_wait3A_242] : memref<20224x32xf32, #tpu.memory_space<hbm>> -> memref<158x32xf32, #tpu.memory_space<hbm>>
    %dma_wait3A_244 = arith.constant 0 : i32
    %dma_wait3A_245 = tpu.memref_slice %arg2[%add3A_235, %dma_wait3A_244] : memref<20224x32xf32, #tpu.memory_space<hbm>> -> memref<158x32xf32, #tpu.memory_space<hbm>>
    tpu.wait_dma2 semaphore(%arg24 : memref<!tpu.dma_semaphore, #tpu.memory_space<semaphore_mem>>) src(%dma_wait3A_245 : memref<158x32xf32, #tpu.memory_space<hbm>>) dst(%arg15 : memref<158x32xf32, #tpu.memory_space<vmem>>)
    %dma_wait3A_246 = arith.constant 0 : i32
    %dma_wait3A_247 = tpu.memref_slice %arg2[%add3A_241, %dma_wait3A_246] : memref<20224x32xf32, #tpu.memory_space<hbm>> -> memref<158x32xf32, #tpu.memory_space<hbm>>
    %dma_wait3A_248 = arith.constant 0 : i32
    %dma_wait3A_249 = tpu.memref_slice %arg2[%add3A_241, %dma_wait3A_248] : memref<20224x32xf32, #tpu.memory_space<hbm>> -> memref<158x32xf32, #tpu.memory_space<hbm>>
    tpu.wait_dma2 semaphore(%arg25 : memref<!tpu.dma_semaphore, #tpu.memory_space<semaphore_mem>>) src(%dma_wait3A_249 : memref<158x32xf32, #tpu.memory_space<hbm>>) dst(%arg16 : memref<158x32xf32, #tpu.memory_space<vmem>>)
    %dma_wait3A_250 = arith.constant 0 : i32
    %dma_wait3A_251 = tpu.memref_slice %arg3[%add3A_231, %dma_wait3A_250] : memref<10112x32xf32, #tpu.memory_space<hbm>> -> memref<158x32xf32, #tpu.memory_space<hbm>>
    %dma_wait3A_252 = arith.constant 0 : i32
    %dma_wait3A_253 = tpu.memref_slice %arg3[%add3A_231, %dma_wait3A_252] : memref<10112x32xf32, #tpu.memory_space<hbm>> -> memref<158x32xf32, #tpu.memory_space<hbm>>
    tpu.wait_dma2 semaphore(%arg26 : memref<!tpu.dma_semaphore, #tpu.memory_space<semaphore_mem>>) src(%dma_wait3A_253 : memref<158x32xf32, #tpu.memory_space<hbm>>) dst(%arg17 : memref<158x32xf32, #tpu.memory_space<vmem>>)
    %dma_wait3A_254 = arith.constant 0 : i32
    %dma_wait3A_255 = tpu.memref_slice %arg4[%add3A_231, %dma_wait3A_254] : memref<10112x32xf32, #tpu.memory_space<hbm>> -> memref<158x32xf32, #tpu.memory_space<hbm>>
    %dma_wait3A_256 = arith.constant 0 : i32
    %dma_wait3A_257 = tpu.memref_slice %arg4[%add3A_231, %dma_wait3A_256] : memref<10112x32xf32, #tpu.memory_space<hbm>> -> memref<158x32xf32, #tpu.memory_space<hbm>>
    tpu.wait_dma2 semaphore(%arg27 : memref<!tpu.dma_semaphore, #tpu.memory_space<semaphore_mem>>) src(%dma_wait3A_257 : memref<158x32xf32, #tpu.memory_space<hbm>>) dst(%arg18 : memref<158x32xf32, #tpu.memory_space<vmem>>)
    %scan3A_258 = arith.constant 0 : i32
    %scan3A_259 = arith.constant 0 : i32
    %scan3A_260 = arith.constant 79 : i32
    %scan3A_261 = arith.addi %scan3A_259, %scan3A_260 : i32
    %scan3A_262 = arith.constant 1 : i32
    scf.for %scan3A_611 = %scan3A_259 to %scan3A_261 step %scan3A_262  : i32 {
      %mul3A_612 = arith.constant 2 : i32
      %mul3A_613 = arith.muli %mul3A_612, %scan3A_611 : i32
      %add3A_614 = arith.constant 0 : i32
      %add3A_615 = arith.addi %mul3A_613, %add3A_614 : i32
      %get3A = arith.index_cast %add3A_615 : i32 to index
      %get3A_616 = arith.constant 0 : index
      %get3A_617 = tpu.vector_load %arg18[%get3A, %get3A_616] {strides = array<i32>} : memref<158x32xf32, #tpu.memory_space<vmem>>, vector<16xf32>,
      %get3A_618 = arith.index_cast %add3A_615 : i32 to index
      %get3A_619 = arith.constant 0 : index
      %get3A_620 = tpu.vector_load %arg15[%get3A_618, %get3A_619] {strides = array<i32>} : memref<158x32xf32, #tpu.memory_space<vmem>>, vector<16xf32>,
      %get3A_621 = arith.index_cast %add3A_615 : i32 to index
      %get3A_622 = arith.constant 0 : index
      %get3A_623 = tpu.vector_load %arg16[%get3A_621, %get3A_622] {strides = array<i32>} : memref<158x32xf32, #tpu.memory_space<vmem>>, vector<16xf32>,
      %add3A_624 = arith.addf %get3A_620, %get3A_623 : vector<16xf32>
      %get3A_625 = arith.index_cast %add3A_615 : i32 to index
      %get3A_626 = arith.constant 0 : index
      %get3A_627 = tpu.vector_load %arg17[%get3A_625, %get3A_626] {strides = array<i32>} : memref<158x32xf32, #tpu.memory_space<vmem>>, vector<16xf32>,
      %add3A_628 = arith.addf %add3A_624, %get3A_627 : vector<16xf32>
      %mul3A_629 = arith.mulf %get3A_617, %add3A_628 : vector<16xf32>
      %get3A_630 = arith.constant 0 : index
      %get3A_631 = tpu.vector_load %arg23[%get3A_630] {strides = array<i32>} : memref<32xf32, #tpu.memory_space<vmem>>, vector<16xf32>,
      %add3A_632 = arith.addf %mul3A_629, %get3A_631 : vector<16xf32>
      %max3A = arith.constant 0.000000e+00 : f32
      %max3A_633 = vector.broadcast %max3A : f32 to vector<16xf32>
      %max3A_634 = arith.maximumf %add3A_632, %max3A_633 : vector<16xf32>
      %mul3A_635 = arith.mulf %get3A_617, %max3A_634 : vector<16xf32>
      %swap3A = arith.index_cast %add3A_615 : i32 to index
      %swap3A_636 = arith.constant 0 : index
      %swap3A_637 = tpu.vector_load %arg15[%swap3A, %swap3A_636] {strides = array<i32>} : memref<158x32xf32, #tpu.memory_space<vmem>>, vector<16xf32>,
      tpu.vector_store %arg15[%swap3A, %swap3A_636], %mul3A_635 {strides = array<i32>} : memref<158x32xf32, #tpu.memory_space<vmem>>, vector<16xf32>,
      %get3A_638 = arith.index_cast %add3A_615 : i32 to index
      %get3A_639 = arith.constant 16 : index
      %get3A_640 = tpu.vector_load %arg18[%get3A_638, %get3A_639] {strides = array<i32>} : memref<158x32xf32, #tpu.memory_space<vmem>>, vector<16xf32>,
      %get3A_641 = arith.index_cast %add3A_615 : i32 to index
      %get3A_642 = arith.constant 16 : index
      %get3A_643 = tpu.vector_load %arg15[%get3A_641, %get3A_642] {strides = array<i32>} : memref<158x32xf32, #tpu.memory_space<vmem>>, vector<16xf32>,
      %get3A_644 = arith.index_cast %add3A_615 : i32 to index
      %get3A_645 = arith.constant 16 : index
      %get3A_646 = tpu.vector_load %arg16[%get3A_644, %get3A_645] {strides = array<i32>} : memref<158x32xf32, #tpu.memory_space<vmem>>, vector<16xf32>,
      %add3A_647 = arith.addf %get3A_643, %get3A_646 : vector<16xf32>
      %get3A_648 = arith.index_cast %add3A_615 : i32 to index
      %get3A_649 = arith.constant 16 : index
      %get3A_650 = tpu.vector_load %arg17[%get3A_648, %get3A_649] {strides = array<i32>} : memref<158x32xf32, #tpu.memory_space<vmem>>, vector<16xf32>,
      %add3A_651 = arith.addf %add3A_647, %get3A_650 : vector<16xf32>
      %mul3A_652 = arith.mulf %get3A_640, %add3A_651 : vector<16xf32>
      %get3A_653 = arith.constant 16 : index
      %get3A_654 = tpu.vector_load %arg23[%get3A_653] {strides = array<i32>} : memref<32xf32, #tpu.memory_space<vmem>>, vector<16xf32>,
      %add3A_655 = arith.addf %mul3A_652, %get3A_654 : vector<16xf32>
      %max3A_656 = arith.constant 0.000000e+00 : f32
      %max3A_657 = vector.broadcast %max3A_656 : f32 to vector<16xf32>
      %max3A_658 = arith.maximumf %add3A_655, %max3A_657 : vector<16xf32>
      %mul3A_659 = arith.mulf %get3A_640, %max3A_658 : vector<16xf32>
      %swap3A_660 = arith.index_cast %add3A_615 : i32 to index
      %swap3A_661 = arith.constant 16 : index
      %swap3A_662 = tpu.vector_load %arg15[%swap3A_660, %swap3A_661] {strides = array<i32>} : memref<158x32xf32, #tpu.memory_space<vmem>>, vector<16xf32>,
      tpu.vector_store %arg15[%swap3A_660, %swap3A_661], %mul3A_659 {strides = array<i32>} : memref<158x32xf32, #tpu.memory_space<vmem>>, vector<16xf32>,
      %mul3A_663 = arith.constant 2 : i32
      %mul3A_664 = arith.muli %mul3A_663, %scan3A_611 : i32
      %add3A_665 = arith.constant 1 : i32
      %add3A_666 = arith.addi %mul3A_664, %add3A_665 : i32
      %get3A_667 = arith.index_cast %add3A_666 : i32 to index
      %get3A_668 = arith.constant 0 : index
      %get3A_669 = tpu.vector_load %arg18[%get3A_667, %get3A_668] {strides = array<i32>} : memref<158x32xf32, #tpu.memory_space<vmem>>, vector<16xf32>,
      %get3A_670 = arith.index_cast %add3A_666 : i32 to index
      %get3A_671 = arith.constant 0 : index
      %get3A_672 = tpu.vector_load %arg15[%get3A_670, %get3A_671] {strides = array<i32>} : memref<158x32xf32, #tpu.memory_space<vmem>>, vector<16xf32>,
      %get3A_673 = arith.index_cast %add3A_666 : i32 to index
      %get3A_674 = arith.constant 0 : index
      %get3A_675 = tpu.vector_load %arg16[%get3A_673, %get3A_674] {strides = array<i32>} : memref<158x32xf32, #tpu.memory_space<vmem>>, vector<16xf32>,
      %add3A_676 = arith.addf %get3A_672, %get3A_675 : vector<16xf32>
      %get3A_677 = arith.index_cast %add3A_666 : i32 to index
      %get3A_678 = arith.constant 0 : index
      %get3A_679 = tpu.vector_load %arg17[%get3A_677, %get3A_678] {strides = array<i32>} : memref<158x32xf32, #tpu.memory_space<vmem>>, vector<16xf32>,
      %add3A_680 = arith.addf %add3A_676, %get3A_679 : vector<16xf32>
      %mul3A_681 = arith.mulf %get3A_669, %add3A_680 : vector<16xf32>
      %get3A_682 = arith.constant 0 : index
      %get3A_683 = tpu.vector_load %arg23[%get3A_682] {strides = array<i32>} : memref<32xf32, #tpu.memory_space<vmem>>, vector<16xf32>,
      %add3A_684 = arith.addf %mul3A_681, %get3A_683 : vector<16xf32>
      %max3A_685 = arith.constant 0.000000e+00 : f32
      %max3A_686 = vector.broadcast %max3A_685 : f32 to vector<16xf32>
      %max3A_687 = arith.maximumf %add3A_684, %max3A_686 : vector<16xf32>
      %mul3A_688 = arith.mulf %get3A_669, %max3A_687 : vector<16xf32>
      %swap3A_689 = arith.index_cast %add3A_666 : i32 to index
      %swap3A_690 = arith.constant 0 : index
      %swap3A_691 = tpu.vector_load %arg15[%swap3A_689, %swap3A_690] {strides = array<i32>} : memref<158x32xf32, #tpu.memory_space<vmem>>, vector<16xf32>,
      tpu.vector_store %arg15[%swap3A_689, %swap3A_690], %mul3A_688 {strides = array<i32>} : memref<158x32xf32, #tpu.memory_space<vmem>>, vector<16xf32>,
      %get3A_692 = arith.index_cast %add3A_666 : i32 to index
      %get3A_693 = arith.constant 16 : index
      %get3A_694 = tpu.vector_load %arg18[%get3A_692, %get3A_693] {strides = array<i32>} : memref<158x32xf32, #tpu.memory_space<vmem>>, vector<16xf32>,
      %get3A_695 = arith.index_cast %add3A_666 : i32 to index
      %get3A_696 = arith.constant 16 : index
      %get3A_697 = tpu.vector_load %arg15[%get3A_695, %get3A_696] {strides = array<i32>} : memref<158x32xf32, #tpu.memory_space<vmem>>, vector<16xf32>,
      %get3A_698 = arith.index_cast %add3A_666 : i32 to index
      %get3A_699 = arith.constant 16 : index
      %get3A_700 = tpu.vector_load %arg16[%get3A_698, %get3A_699] {strides = array<i32>} : memref<158x32xf32, #tpu.memory_space<vmem>>, vector<16xf32>,
      %add3A_701 = arith.addf %get3A_697, %get3A_700 : vector<16xf32>
      %get3A_702 = arith.index_cast %add3A_666 : i32 to index
      %get3A_703 = arith.constant 16 : index
      %get3A_704 = tpu.vector_load %arg17[%get3A_702, %get3A_703] {strides = array<i32>} : memref<158x32xf32, #tpu.memory_space<vmem>>, vector<16xf32>,
      %add3A_705 = arith.addf %add3A_701, %get3A_704 : vector<16xf32>
      %mul3A_706 = arith.mulf %get3A_694, %add3A_705 : vector<16xf32>
      %get3A_707 = arith.constant 16 : index
      %get3A_708 = tpu.vector_load %arg23[%get3A_707] {strides = array<i32>} : memref<32xf32, #tpu.memory_space<vmem>>, vector<16xf32>,
      %add3A_709 = arith.addf %mul3A_706, %get3A_708 : vector<16xf32>
      %max3A_710 = arith.constant 0.000000e+00 : f32
      %max3A_711 = vector.broadcast %max3A_710 : f32 to vector<16xf32>
      %max3A_712 = arith.maximumf %add3A_709, %max3A_711 : vector<16xf32>
      %mul3A_713 = arith.mulf %get3A_694, %max3A_712 : vector<16xf32>
      %swap3A_714 = arith.index_cast %add3A_666 : i32 to index
      %swap3A_715 = arith.constant 16 : index
      %swap3A_716 = tpu.vector_load %arg15[%swap3A_714, %swap3A_715] {strides = array<i32>} : memref<158x32xf32, #tpu.memory_space<vmem>>, vector<16xf32>,
      tpu.vector_store %arg15[%swap3A_714, %swap3A_715], %mul3A_713 {strides = array<i32>} : memref<158x32xf32, #tpu.memory_space<vmem>>, vector<16xf32>,
    }
    %scan3A_263 = arith.constant 79 : i32
    %mul3A_264 = arith.constant 632 : i32
    %mul3A_265 = arith.muli %arg1, %mul3A_264 : i32
    %add3A_266 = arith.constant 316 : i32
    %add3A_267 = arith.addi %mul3A_265, %add3A_266 : i32
    %dma_start3A_268 = arith.constant 0 : i32
    %dma_start3A_269 = tpu.memref_slice %arg10[%add3A_267, %dma_start3A_268] : memref<10112x32xf32, #tpu.memory_space<vmem_shared>> -> memref<158x32xf32, #tpu.memory_space<vmem_shared>>
    %dma_start3A_270 = arith.constant 0 : i32
    %dma_start3A_271 = tpu.memref_slice %arg10[%add3A_267, %dma_start3A_270] : memref<10112x32xf32, #tpu.memory_space<vmem_shared>> -> memref<158x32xf32, #tpu.memory_space<vmem_shared>>
    tpu.enqueue_dma source(%arg15 : memref<158x32xf32, #tpu.memory_space<vmem>>) target(%dma_start3A_271 : memref<158x32xf32, #tpu.memory_space<vmem_shared>>) target_semaphore(%arg33 : memref<!tpu.dma_semaphore, #tpu.memory_space<semaphore_mem>>)
    %mul3A_272 = arith.constant 632 : i32
    %mul3A_273 = arith.muli %arg1, %mul3A_272 : i32
    %add3A_274 = arith.constant 474 : i32
    %add3A_275 = arith.addi %mul3A_273, %add3A_274 : i32
    %mul3A_276 = arith.constant 632 : i32
    %mul3A_277 = arith.muli %arg1, %mul3A_276 : i32
    %add3A_278 = arith.constant 474 : i32
    %add3A_279 = arith.addi %mul3A_277, %add3A_278 : i32
    %mul3A_280 = arith.constant 632 : i32
    %mul3A_281 = arith.muli %arg1, %mul3A_280 : i32
    %add3A_282 = arith.constant 10112 : i32
    %add3A_283 = arith.addi %add3A_282, %mul3A_281 : i32
    %add3A_284 = arith.constant 474 : i32
    %add3A_285 = arith.addi %add3A_283, %add3A_284 : i32
    %dma_wait3A_286 = arith.constant 0 : i32
    %dma_wait3A_287 = tpu.memref_slice %arg2[%add3A_279, %dma_wait3A_286] : memref<20224x32xf32, #tpu.memory_space<hbm>> -> memref<158x32xf32, #tpu.memory_space<hbm>>
    %dma_wait3A_288 = arith.constant 0 : i32
    %dma_wait3A_289 = tpu.memref_slice %arg2[%add3A_279, %dma_wait3A_288] : memref<20224x32xf32, #tpu.memory_space<hbm>> -> memref<158x32xf32, #tpu.memory_space<hbm>>
    tpu.wait_dma2 semaphore(%arg28 : memref<!tpu.dma_semaphore, #tpu.memory_space<semaphore_mem>>) src(%dma_wait3A_289 : memref<158x32xf32, #tpu.memory_space<hbm>>) dst(%arg19 : memref<158x32xf32, #tpu.memory_space<vmem>>)
    %dma_wait3A_290 = arith.constant 0 : i32
    %dma_wait3A_291 = tpu.memref_slice %arg2[%add3A_285, %dma_wait3A_290] : memref<20224x32xf32, #tpu.memory_space<hbm>> -> memref<158x32xf32, #tpu.memory_space<hbm>>
    %dma_wait3A_292 = arith.constant 0 : i32
    %dma_wait3A_293 = tpu.memref_slice %arg2[%add3A_285, %dma_wait3A_292] : memref<20224x32xf32, #tpu.memory_space<hbm>> -> memref<158x32xf32, #tpu.memory_space<hbm>>
    tpu.wait_dma2 semaphore(%arg29 : memref<!tpu.dma_semaphore, #tpu.memory_space<semaphore_mem>>) src(%dma_wait3A_293 : memref<158x32xf32, #tpu.memory_space<hbm>>) dst(%arg20 : memref<158x32xf32, #tpu.memory_space<vmem>>)
    %dma_wait3A_294 = arith.constant 0 : i32
    %dma_wait3A_295 = tpu.memref_slice %arg3[%add3A_275, %dma_wait3A_294] : memref<10112x32xf32, #tpu.memory_space<hbm>> -> memref<158x32xf32, #tpu.memory_space<hbm>>
    %dma_wait3A_296 = arith.constant 0 : i32
    %dma_wait3A_297 = tpu.memref_slice %arg3[%add3A_275, %dma_wait3A_296] : memref<10112x32xf32, #tpu.memory_space<hbm>> -> memref<158x32xf32, #tpu.memory_space<hbm>>
    tpu.wait_dma2 semaphore(%arg30 : memref<!tpu.dma_semaphore, #tpu.memory_space<semaphore_mem>>) src(%dma_wait3A_297 : memref<158x32xf32, #tpu.memory_space<hbm>>) dst(%arg21 : memref<158x32xf32, #tpu.memory_space<vmem>>)
    %dma_wait3A_298 = arith.constant 0 : i32
    %dma_wait3A_299 = tpu.memref_slice %arg4[%add3A_275, %dma_wait3A_298] : memref<10112x32xf32, #tpu.memory_space<hbm>> -> memref<158x32xf32, #tpu.memory_space<hbm>>
    %dma_wait3A_300 = arith.constant 0 : i32
    %dma_wait3A_301 = tpu.memref_slice %arg4[%add3A_275, %dma_wait3A_300] : memref<10112x32xf32, #tpu.memory_space<hbm>> -> memref<158x32xf32, #tpu.memory_space<hbm>>
    tpu.wait_dma2 semaphore(%arg31 : memref<!tpu.dma_semaphore, #tpu.memory_space<semaphore_mem>>) src(%dma_wait3A_301 : memref<158x32xf32, #tpu.memory_space<hbm>>) dst(%arg22 : memref<158x32xf32, #tpu.memory_space<vmem>>)
    %scan3A_302 = arith.constant 0 : i32
    %scan3A_303 = arith.constant 0 : i32
    %scan3A_304 = arith.constant 79 : i32
    %scan3A_305 = arith.addi %scan3A_303, %scan3A_304 : i32
    %scan3A_306 = arith.constant 1 : i32
    scf.for %scan3A_611 = %scan3A_303 to %scan3A_305 step %scan3A_306  : i32 {
      %mul3A_612 = arith.constant 2 : i32
      %mul3A_613 = arith.muli %mul3A_612, %scan3A_611 : i32
      %add3A_614 = arith.constant 0 : i32
      %add3A_615 = arith.addi %mul3A_613, %add3A_614 : i32
      %get3A = arith.index_cast %add3A_615 : i32 to index
      %get3A_616 = arith.constant 0 : index
      %get3A_617 = tpu.vector_load %arg22[%get3A, %get3A_616] {strides = array<i32>} : memref<158x32xf32, #tpu.memory_space<vmem>>, vector<16xf32>,
      %get3A_618 = arith.index_cast %add3A_615 : i32 to index
      %get3A_619 = arith.constant 0 : index
      %get3A_620 = tpu.vector_load %arg19[%get3A_618, %get3A_619] {strides = array<i32>} : memref<158x32xf32, #tpu.memory_space<vmem>>, vector<16xf32>,
      %get3A_621 = arith.index_cast %add3A_615 : i32 to index
      %get3A_622 = arith.constant 0 : index
      %get3A_623 = tpu.vector_load %arg20[%get3A_621, %get3A_622] {strides = array<i32>} : memref<158x32xf32, #tpu.memory_space<vmem>>, vector<16xf32>,
      %add3A_624 = arith.addf %get3A_620, %get3A_623 : vector<16xf32>
      %get3A_625 = arith.index_cast %add3A_615 : i32 to index
      %get3A_626 = arith.constant 0 : index
      %get3A_627 = tpu.vector_load %arg21[%get3A_625, %get3A_626] {strides = array<i32>} : memref<158x32xf32, #tpu.memory_space<vmem>>, vector<16xf32>,
      %add3A_628 = arith.addf %add3A_624, %get3A_627 : vector<16xf32>
      %mul3A_629 = arith.mulf %get3A_617, %add3A_628 : vector<16xf32>
      %get3A_630 = arith.constant 0 : index
      %get3A_631 = tpu.vector_load %arg23[%get3A_630] {strides = array<i32>} : memref<32xf32, #tpu.memory_space<vmem>>, vector<16xf32>,
      %add3A_632 = arith.addf %mul3A_629, %get3A_631 : vector<16xf32>
      %max3A = arith.constant 0.000000e+00 : f32
      %max3A_633 = vector.broadcast %max3A : f32 to vector<16xf32>
      %max3A_634 = arith.maximumf %add3A_632, %max3A_633 : vector<16xf32>
      %mul3A_635 = arith.mulf %get3A_617, %max3A_634 : vector<16xf32>
      %swap3A = arith.index_cast %add3A_615 : i32 to index
      %swap3A_636 = arith.constant 0 : index
      %swap3A_637 = tpu.vector_load %arg19[%swap3A, %swap3A_636] {strides = array<i32>} : memref<158x32xf32, #tpu.memory_space<vmem>>, vector<16xf32>,
      tpu.vector_store %arg19[%swap3A, %swap3A_636], %mul3A_635 {strides = array<i32>} : memref<158x32xf32, #tpu.memory_space<vmem>>, vector<16xf32>,
      %get3A_638 = arith.index_cast %add3A_615 : i32 to index
      %get3A_639 = arith.constant 16 : index
      %get3A_640 = tpu.vector_load %arg22[%get3A_638, %get3A_639] {strides = array<i32>} : memref<158x32xf32, #tpu.memory_space<vmem>>, vector<16xf32>,
      %get3A_641 = arith.index_cast %add3A_615 : i32 to index
      %get3A_642 = arith.constant 16 : index
      %get3A_643 = tpu.vector_load %arg19[%get3A_641, %get3A_642] {strides = array<i32>} : memref<158x32xf32, #tpu.memory_space<vmem>>, vector<16xf32>,
      %get3A_644 = arith.index_cast %add3A_615 : i32 to index
      %get3A_645 = arith.constant 16 : index
      %get3A_646 = tpu.vector_load %arg20[%get3A_644, %get3A_645] {strides = array<i32>} : memref<158x32xf32, #tpu.memory_space<vmem>>, vector<16xf32>,
      %add3A_647 = arith.addf %get3A_643, %get3A_646 : vector<16xf32>
      %get3A_648 = arith.index_cast %add3A_615 : i32 to index
      %get3A_649 = arith.constant 16 : index
      %get3A_650 = tpu.vector_load %arg21[%get3A_648, %get3A_649] {strides = array<i32>} : memref<158x32xf32, #tpu.memory_space<vmem>>, vector<16xf32>,
      %add3A_651 = arith.addf %add3A_647, %get3A_650 : vector<16xf32>
      %mul3A_652 = arith.mulf %get3A_640, %add3A_651 : vector<16xf32>
      %get3A_653 = arith.constant 16 : index
      %get3A_654 = tpu.vector_load %arg23[%get3A_653] {strides = array<i32>} : memref<32xf32, #tpu.memory_space<vmem>>, vector<16xf32>,
      %add3A_655 = arith.addf %mul3A_652, %get3A_654 : vector<16xf32>
      %max3A_656 = arith.constant 0.000000e+00 : f32
      %max3A_657 = vector.broadcast %max3A_656 : f32 to vector<16xf32>
      %max3A_658 = arith.maximumf %add3A_655, %max3A_657 : vector<16xf32>
      %mul3A_659 = arith.mulf %get3A_640, %max3A_658 : vector<16xf32>
      %swap3A_660 = arith.index_cast %add3A_615 : i32 to index
      %swap3A_661 = arith.constant 16 : index
      %swap3A_662 = tpu.vector_load %arg19[%swap3A_660, %swap3A_661] {strides = array<i32>} : memref<158x32xf32, #tpu.memory_space<vmem>>, vector<16xf32>,
      tpu.vector_store %arg19[%swap3A_660, %swap3A_661], %mul3A_659 {strides = array<i32>} : memref<158x32xf32, #tpu.memory_space<vmem>>, vector<16xf32>,
      %mul3A_663 = arith.constant 2 : i32
      %mul3A_664 = arith.muli %mul3A_663, %scan3A_611 : i32
      %add3A_665 = arith.constant 1 : i32
      %add3A_666 = arith.addi %mul3A_664, %add3A_665 : i32
      %get3A_667 = arith.index_cast %add3A_666 : i32 to index
      %get3A_668 = arith.constant 0 : index
      %get3A_669 = tpu.vector_load %arg22[%get3A_667, %get3A_668] {strides = array<i32>} : memref<158x32xf32, #tpu.memory_space<vmem>>, vector<16xf32>,
      %get3A_670 = arith.index_cast %add3A_666 : i32 to index
      %get3A_671 = arith.constant 0 : index
      %get3A_672 = tpu.vector_load %arg19[%get3A_670, %get3A_671] {strides = array<i32>} : memref<158x32xf32, #tpu.memory_space<vmem>>, vector<16xf32>,
      %get3A_673 = arith.index_cast %add3A_666 : i32 to index
      %get3A_674 = arith.constant 0 : index
      %get3A_675 = tpu.vector_load %arg20[%get3A_673, %get3A_674] {strides = array<i32>} : memref<158x32xf32, #tpu.memory_space<vmem>>, vector<16xf32>,
      %add3A_676 = arith.addf %get3A_672, %get3A_675 : vector<16xf32>
      %get3A_677 = arith.index_cast %add3A_666 : i32 to index
      %get3A_678 = arith.constant 0 : index
      %get3A_679 = tpu.vector_load %arg21[%get3A_677, %get3A_678] {strides = array<i32>} : memref<158x32xf32, #tpu.memory_space<vmem>>, vector<16xf32>,
      %add3A_680 = arith.addf %add3A_676, %get3A_679 : vector<16xf32>
      %mul3A_681 = arith.mulf %get3A_669, %add3A_680 : vector<16xf32>
      %get3A_682 = arith.constant 0 : index
      %get3A_683 = tpu.vector_load %arg23[%get3A_682] {strides = array<i32>} : memref<32xf32, #tpu.memory_space<vmem>>, vector<16xf32>,
      %add3A_684 = arith.addf %mul3A_681, %get3A_683 : vector<16xf32>
      %max3A_685 = arith.constant 0.000000e+00 : f32
      %max3A_686 = vector.broadcast %max3A_685 : f32 to vector<16xf32>
      %max3A_687 = arith.maximumf %add3A_684, %max3A_686 : vector<16xf32>
      %mul3A_688 = arith.mulf %get3A_669, %max3A_687 : vector<16xf32>
      %swap3A_689 = arith.index_cast %add3A_666 : i32 to index
      %swap3A_690 = arith.constant 0 : index
      %swap3A_691 = tpu.vector_load %arg19[%swap3A_689, %swap3A_690] {strides = array<i32>} : memref<158x32xf32, #tpu.memory_space<vmem>>, vector<16xf32>,
      tpu.vector_store %arg19[%swap3A_689, %swap3A_690], %mul3A_688 {strides = array<i32>} : memref<158x32xf32, #tpu.memory_space<vmem>>, vector<16xf32>,
      %get3A_692 = arith.index_cast %add3A_666 : i32 to index
      %get3A_693 = arith.constant 16 : index
      %get3A_694 = tpu.vector_load %arg22[%get3A_692, %get3A_693] {strides = array<i32>} : memref<158x32xf32, #tpu.memory_space<vmem>>, vector<16xf32>,
      %get3A_695 = arith.index_cast %add3A_666 : i32 to index
      %get3A_696 = arith.constant 16 : index
      %get3A_697 = tpu.vector_load %arg19[%get3A_695, %get3A_696] {strides = array<i32>} : memref<158x32xf32, #tpu.memory_space<vmem>>, vector<16xf32>,
      %get3A_698 = arith.index_cast %add3A_666 : i32 to index
      %get3A_699 = arith.constant 16 : index
      %get3A_700 = tpu.vector_load %arg20[%get3A_698, %get3A_699] {strides = array<i32>} : memref<158x32xf32, #tpu.memory_space<vmem>>, vector<16xf32>,
      %add3A_701 = arith.addf %get3A_697, %get3A_700 : vector<16xf32>
      %get3A_702 = arith.index_cast %add3A_666 : i32 to index
      %get3A_703 = arith.constant 16 : index
      %get3A_704 = tpu.vector_load %arg21[%get3A_702, %get3A_703] {strides = array<i32>} : memref<158x32xf32, #tpu.memory_space<vmem>>, vector<16xf32>,
      %add3A_705 = arith.addf %add3A_701, %get3A_704 : vector<16xf32>
      %mul3A_706 = arith.mulf %get3A_694, %add3A_705 : vector<16xf32>
      %get3A_707 = arith.constant 16 : index
      %get3A_708 = tpu.vector_load %arg23[%get3A_707] {strides = array<i32>} : memref<32xf32, #tpu.memory_space<vmem>>, vector<16xf32>,
      %add3A_709 = arith.addf %mul3A_706, %get3A_708 : vector<16xf32>
      %max3A_710 = arith.constant 0.000000e+00 : f32
      %max3A_711 = vector.broadcast %max3A_710 : f32 to vector<16xf32>
      %max3A_712 = arith.maximumf %add3A_709, %max3A_711 : vector<16xf32>
      %mul3A_713 = arith.mulf %get3A_694, %max3A_712 : vector<16xf32>
      %swap3A_714 = arith.index_cast %add3A_666 : i32 to index
      %swap3A_715 = arith.constant 16 : index
      %swap3A_716 = tpu.vector_load %arg19[%swap3A_714, %swap3A_715] {strides = array<i32>} : memref<158x32xf32, #tpu.memory_space<vmem>>, vector<16xf32>,
      tpu.vector_store %arg19[%swap3A_714, %swap3A_715], %mul3A_713 {strides = array<i32>} : memref<158x32xf32, #tpu.memory_space<vmem>>, vector<16xf32>,
    }
    %scan3A_307 = arith.constant 79 : i32
    %mul3A_308 = arith.constant 632 : i32
    %mul3A_309 = arith.muli %arg1, %mul3A_308 : i32
    %add3A_310 = arith.constant 474 : i32
    %add3A_311 = arith.addi %mul3A_309, %add3A_310 : i32
    %dma_start3A_312 = arith.constant 0 : i32
    %dma_start3A_313 = tpu.memref_slice %arg10[%add3A_311, %dma_start3A_312] : memref<10112x32xf32, #tpu.memory_space<vmem_shared>> -> memref<158x32xf32, #tpu.memory_space<vmem_shared>>
    %dma_start3A_314 = arith.constant 0 : i32
    %dma_start3A_315 = tpu.memref_slice %arg10[%add3A_311, %dma_start3A_314] : memref<10112x32xf32, #tpu.memory_space<vmem_shared>> -> memref<158x32xf32, #tpu.memory_space<vmem_shared>>
    tpu.enqueue_dma source(%arg19 : memref<158x32xf32, #tpu.memory_space<vmem>>) target(%dma_start3A_315 : memref<158x32xf32, #tpu.memory_space<vmem_shared>>) target_semaphore(%arg33 : memref<!tpu.dma_semaphore, #tpu.memory_space<semaphore_mem>>)
    %mul3A_316 = arith.constant 632 : i32
    %mul3A_317 = arith.muli %arg1, %mul3A_316 : i32
    %add3A_318 = arith.constant 316 : i32
    %add3A_319 = arith.addi %mul3A_317, %add3A_318 : i32
    %dma_wait3A_320 = arith.constant 0 : i32
    %dma_wait3A_321 = tpu.memref_slice %arg10[%add3A_319, %dma_wait3A_320] : memref<10112x32xf32, #tpu.memory_space<vmem_shared>> -> memref<158x32xf32, #tpu.memory_space<vmem_shared>>
    %dma_wait3A_322 = arith.constant 0 : i32
    %dma_wait3A_323 = tpu.memref_slice %arg10[%add3A_319, %dma_wait3A_322] : memref<10112x32xf32, #tpu.memory_space<vmem_shared>> -> memref<158x32xf32, #tpu.memory_space<vmem_shared>>
    tpu.wait_dma2 semaphore(%arg33 : memref<!tpu.dma_semaphore, #tpu.memory_space<semaphore_mem>>) src(%arg15 : memref<158x32xf32, #tpu.memory_space<vmem>>) dst(%dma_wait3A_323 : memref<158x32xf32, #tpu.memory_space<vmem_shared>>)
    %mul3A_324 = arith.constant 632 : i32
    %mul3A_325 = arith.muli %arg1, %mul3A_324 : i32
    %add3A_326 = arith.constant 474 : i32
    %add3A_327 = arith.addi %mul3A_325, %add3A_326 : i32
    %dma_wait3A_328 = arith.constant 0 : i32
    %dma_wait3A_329 = tpu.memref_slice %arg10[%add3A_327, %dma_wait3A_328] : memref<10112x32xf32, #tpu.memory_space<vmem_shared>> -> memref<158x32xf32, #tpu.memory_space<vmem_shared>>
    %dma_wait3A_330 = arith.constant 0 : i32
    %dma_wait3A_331 = tpu.memref_slice %arg10[%add3A_327, %dma_wait3A_330] : memref<10112x32xf32, #tpu.memory_space<vmem_shared>> -> memref<158x32xf32, #tpu.memory_space<vmem_shared>>
    tpu.wait_dma2 semaphore(%arg33 : memref<!tpu.dma_semaphore, #tpu.memory_space<semaphore_mem>>) src(%arg19 : memref<158x32xf32, #tpu.memory_space<vmem>>) dst(%dma_wait3A_331 : memref<158x32xf32, #tpu.memory_space<vmem_shared>>)
    %dma_wait3A_332 = arith.constant 0 : i32
    %dma_wait3A_333 = tpu.memref_slice %arg9[%mul3A_2, %dma_wait3A_332] : memref<10112x32xf32, #tpu.memory_space<vmem_shared>> -> memref<632x32xf32, #tpu.memory_space<vmem_shared>>
    %dma_wait3A_334 = arith.constant 0 : i32
    %dma_wait3A_335 = tpu.memref_slice %arg7[%mul3A_2, %dma_wait3A_334] : memref<10112x32xf32, #tpu.memory_space<hbm>> -> memref<632x32xf32, #tpu.memory_space<hbm>>
    tpu.wait_dma2 semaphore(%arg32 : memref<!tpu.dma_semaphore, #tpu.memory_space<semaphore_mem>>) src(%dma_wait3A_335 : memref<632x32xf32, #tpu.memory_space<hbm>>) dst(%dma_wait3A_333 : memref<632x32xf32, #tpu.memory_space<vmem_shared>>)
    %barrier3A = arith.constant 0 : index
    tpu.barrier barrier_id(%barrier3A)
    %run_scoped3A = arith.constant 0 : i32
    "tpu.region"() ({
      %run_scoped3A_611 = tpu.sem_alloc : memref<!tpu.dma_semaphore, #tpu.memory_space<semaphore_mem>>
      %dma_start3A_612 = arith.constant 0 : i32
      %dma_start3A_613 = arith.constant 0 : i32
      %dma_start3A_614 = tpu.memref_slice %arg6[%run_scoped3A, %add3A, %dma_start3A_612, %dma_start3A_613] : memref<2x32x125x80xi32, #tpu.memory_space<hbm>> -> memref<1x1x125x80xi32, #tpu.memory_space<hbm>>
      %dma_start3A_615 = tpu.memref_squeeze %dma_start3A_614 : memref<1x1x125x80xi32, #tpu.memory_space<hbm>> -> memref<125x80xi32, #tpu.memory_space<hbm>>
      %dma_start3A_616 = arith.constant 0 : i32
      %dma_start3A_617 = arith.constant 0 : i32
      %dma_start3A_618 = tpu.memref_slice %arg6[%run_scoped3A, %add3A, %dma_start3A_616, %dma_start3A_617] : memref<2x32x125x80xi32, #tpu.memory_space<hbm>> -> memref<1x1x125x80xi32, #tpu.memory_space<hbm>>
      %dma_start3A_619 = tpu.memref_squeeze %dma_start3A_618 : memref<1x1x125x80xi32, #tpu.memory_space<hbm>> -> memref<125x80xi32, #tpu.memory_space<hbm>>
      tpu.enqueue_dma source(%dma_start3A_619 : memref<125x80xi32, #tpu.memory_space<hbm>>) target(%arg11 : memref<125x80xi32, #tpu.memory_space<vmem>>) target_semaphore(%run_scoped3A_611 : memref<!tpu.dma_semaphore, #tpu.memory_space<semaphore_mem>>)
      %dma_wait3A_620 = arith.constant 0 : i32
      %dma_wait3A_621 = arith.constant 0 : i32
      %dma_wait3A_622 = tpu.memref_slice %arg6[%run_scoped3A, %add3A, %dma_wait3A_620, %dma_wait3A_621] : memref<2x32x125x80xi32, #tpu.memory_space<hbm>> -> memref<1x1x125x80xi32, #tpu.memory_space<hbm>>
      %dma_wait3A_623 = tpu.memref_squeeze %dma_wait3A_622 : memref<1x1x125x80xi32, #tpu.memory_space<hbm>> -> memref<125x80xi32, #tpu.memory_space<hbm>>
      %dma_wait3A_624 = arith.constant 0 : i32
      %dma_wait3A_625 = arith.constant 0 : i32
      %dma_wait3A_626 = tpu.memref_slice %arg6[%run_scoped3A, %add3A, %dma_wait3A_624, %dma_wait3A_625] : memref<2x32x125x80xi32, #tpu.memory_space<hbm>> -> memref<1x1x125x80xi32, #tpu.memory_space<hbm>>
      %dma_wait3A_627 = tpu.memref_squeeze %dma_wait3A_626 : memref<1x1x125x80xi32, #tpu.memory_space<hbm>> -> memref<125x80xi32, #tpu.memory_space<hbm>>
      tpu.wait_dma2 semaphore(%run_scoped3A_611 : memref<!tpu.dma_semaphore, #tpu.memory_space<semaphore_mem>>) src(%dma_wait3A_627 : memref<125x80xi32, #tpu.memory_space<hbm>>) dst(%arg11 : memref<125x80xi32, #tpu.memory_space<vmem>>)
      tpu.yield
    }) : () -> ()
    %run_scoped3A_336 = arith.constant 1 : i32
    "tpu.region"() ({
      %run_scoped3A_611 = tpu.sem_alloc : memref<!tpu.dma_semaphore, #tpu.memory_space<semaphore_mem>>
      %dma_start3A_612 = arith.constant 0 : i32
      %dma_start3A_613 = arith.constant 0 : i32
      %dma_start3A_614 = tpu.memref_slice %arg6[%run_scoped3A_336, %add3A, %dma_start3A_612, %dma_start3A_613] : memref<2x32x125x80xi32, #tpu.memory_space<hbm>> -> memref<1x1x125x80xi32, #tpu.memory_space<hbm>>
      %dma_start3A_615 = tpu.memref_squeeze %dma_start3A_614 : memref<1x1x125x80xi32, #tpu.memory_space<hbm>> -> memref<125x80xi32, #tpu.memory_space<hbm>>
      %dma_start3A_616 = arith.constant 0 : i32
      %dma_start3A_617 = arith.constant 0 : i32
      %dma_start3A_618 = tpu.memref_slice %arg6[%run_scoped3A_336, %add3A, %dma_start3A_616, %dma_start3A_617] : memref<2x32x125x80xi32, #tpu.memory_space<hbm>> -> memref<1x1x125x80xi32, #tpu.memory_space<hbm>>
      %dma_start3A_619 = tpu.memref_squeeze %dma_start3A_618 : memref<1x1x125x80xi32, #tpu.memory_space<hbm>> -> memref<125x80xi32, #tpu.memory_space<hbm>>
      tpu.enqueue_dma source(%dma_start3A_619 : memref<125x80xi32, #tpu.memory_space<hbm>>) target(%arg12 : memref<125x80xi32, #tpu.memory_space<vmem>>) target_semaphore(%run_scoped3A_611 : memref<!tpu.dma_semaphore, #tpu.memory_space<semaphore_mem>>)
      %dma_wait3A_620 = arith.constant 0 : i32
      %dma_wait3A_621 = arith.constant 0 : i32
      %dma_wait3A_622 = tpu.memref_slice %arg6[%run_scoped3A_336, %add3A, %dma_wait3A_620, %dma_wait3A_621] : memref<2x32x125x80xi32, #tpu.memory_space<hbm>> -> memref<1x1x125x80xi32, #tpu.memory_space<hbm>>
      %dma_wait3A_623 = tpu.memref_squeeze %dma_wait3A_622 : memref<1x1x125x80xi32, #tpu.memory_space<hbm>> -> memref<125x80xi32, #tpu.memory_space<hbm>>
      %dma_wait3A_624 = arith.constant 0 : i32
      %dma_wait3A_625 = arith.constant 0 : i32
      %dma_wait3A_626 = tpu.memref_slice %arg6[%run_scoped3A_336, %add3A, %dma_wait3A_624, %dma_wait3A_625] : memref<2x32x125x80xi32, #tpu.memory_space<hbm>> -> memref<1x1x125x80xi32, #tpu.memory_space<hbm>>
      %dma_wait3A_627 = tpu.memref_squeeze %dma_wait3A_626 : memref<1x1x125x80xi32, #tpu.memory_space<hbm>> -> memref<125x80xi32, #tpu.memory_space<hbm>>
      tpu.wait_dma2 semaphore(%run_scoped3A_611 : memref<!tpu.dma_semaphore, #tpu.memory_space<semaphore_mem>>) src(%dma_wait3A_627 : memref<125x80xi32, #tpu.memory_space<hbm>>) dst(%arg12 : memref<125x80xi32, #tpu.memory_space<vmem>>)
      tpu.yield
    }) : () -> ()
    %dma_start3A_337 = arith.constant 0 : i32
    %dma_start3A_338 = arith.constant 0 : i32
    %dma_start3A_339 = tpu.memref_slice %arg11[%dma_start3A_337, %dma_start3A_338] : memref<125x80xi32, #tpu.memory_space<vmem>> -> memref<1x80xi32, #tpu.memory_space<vmem>>
    %dma_start3A_340 = tpu.memref_squeeze %dma_start3A_339 : memref<1x80xi32, #tpu.memory_space<vmem>> -> memref<80xi32, #tpu.memory_space<vmem>>
    %dma_start3A_341 = arith.constant 0 : i32
    %dma_start3A_342 = arith.constant 0 : i32
    %dma_start3A_343 = tpu.memref_slice %arg10[%dma_start3A_341, %dma_start3A_342] : memref<10112x32xf32, #tpu.memory_space<vmem_shared>> -> memref<10112x32xf32, #tpu.memory_space<vmem_shared>>
    tpu.enqueue_indirect_dma source(%dma_start3A_343 : memref<10112x32xf32, #tpu.memory_space<vmem_shared>>) target(%arg13 : memref<80x32xf32, #tpu.memory_space<vmem>>) offsets(%dma_start3A_340 : memref<80xi32, #tpu.memory_space<vmem>>) semaphore(%arg24 : memref<!tpu.dma_semaphore, #tpu.memory_space<semaphore_mem>>)
    %scan3A_344 = arith.constant 0 : i32
    %scan3A_345 = arith.constant 0 : i32
    %scan3A_346 = arith.constant 62 : i32
    %scan3A_347 = arith.addi %scan3A_345, %scan3A_346 : i32
    %scan3A_348 = arith.constant 1 : i32
    scf.for %scan3A_611 = %scan3A_345 to %scan3A_347 step %scan3A_348  : i32 {
      %mul3A_612 = arith.constant 2 : i32
      %mul3A_613 = arith.muli %mul3A_612, %scan3A_611 : i32
      %add3A_614 = arith.constant 1 : i32
      %add3A_615 = arith.addi %mul3A_613, %add3A_614 : i32
      %dma_start3A_616 = arith.constant 0 : i32
      %dma_start3A_617 = tpu.memref_slice %arg11[%add3A_615, %dma_start3A_616] : memref<125x80xi32, #tpu.memory_space<vmem>> -> memref<1x80xi32, #tpu.memory_space<vmem>>
      %dma_start3A_618 = tpu.memref_squeeze %dma_start3A_617 : memref<1x80xi32, #tpu.memory_space<vmem>> -> memref<80xi32, #tpu.memory_space<vmem>>
      %dma_start3A_619 = arith.constant 0 : i32
      %dma_start3A_620 = arith.constant 0 : i32
      %dma_start3A_621 = tpu.memref_slice %arg10[%dma_start3A_619, %dma_start3A_620] : memref<10112x32xf32, #tpu.memory_space<vmem_shared>> -> memref<10112x32xf32, #tpu.memory_space<vmem_shared>>
      tpu.enqueue_indirect_dma source(%dma_start3A_621 : memref<10112x32xf32, #tpu.memory_space<vmem_shared>>) target(%arg14 : memref<80x32xf32, #tpu.memory_space<vmem>>) offsets(%dma_start3A_618 : memref<80xi32, #tpu.memory_space<vmem>>) semaphore(%arg28 : memref<!tpu.dma_semaphore, #tpu.memory_space<semaphore_mem>>)
      %dma_wait3A_622 = arith.constant 0 : i32
      %dma_wait3A_623 = tpu.memref_slice %arg11[%mul3A_613, %dma_wait3A_622] : memref<125x80xi32, #tpu.memory_space<vmem>> -> memref<1x80xi32, #tpu.memory_space<vmem>>
      %dma_wait3A_624 = tpu.memref_squeeze %dma_wait3A_623 : memref<1x80xi32, #tpu.memory_space<vmem>> -> memref<80xi32, #tpu.memory_space<vmem>>
      %dma_wait3A_625 = arith.constant 0 : i32
      %dma_wait3A_626 = arith.constant 0 : i32
      %dma_wait3A_627 = tpu.memref_slice %arg10[%dma_wait3A_625, %dma_wait3A_626] : memref<10112x32xf32, #tpu.memory_space<vmem_shared>> -> memref<10112x32xf32, #tpu.memory_space<vmem_shared>>
      tpu.wait_indirect_dma semaphore(%arg24 : memref<!tpu.dma_semaphore, #tpu.memory_space<semaphore_mem>>) src(%dma_wait3A_627 : memref<10112x32xf32, #tpu.memory_space<vmem_shared>>) dst(%arg13 : memref<80x32xf32, #tpu.memory_space<vmem>>)
      "tpu.region"() ({
        %run_scoped3A_644 = tpu.sem_alloc : memref<!tpu.dma_semaphore, #tpu.memory_space<semaphore_mem>>
        %dma_start3A_645 = arith.constant 0 : i32
        %dma_start3A_646 = tpu.memref_slice %arg12[%mul3A_613, %dma_start3A_645] : memref<125x80xi32, #tpu.memory_space<vmem>> -> memref<1x80xi32, #tpu.memory_space<vmem>>
        %dma_start3A_647 = tpu.memref_squeeze %dma_start3A_646 : memref<1x80xi32, #tpu.memory_space<vmem>> -> memref<80xi32, #tpu.memory_space<vmem>>
        %dma_start3A_648 = arith.constant 0 : i32
        %dma_start3A_649 = arith.constant 0 : i32
        %dma_start3A_650 = tpu.memref_slice %arg9[%dma_start3A_648, %dma_start3A_649] : memref<10112x32xf32, #tpu.memory_space<vmem_shared>> -> memref<10112x32xf32, #tpu.memory_space<vmem_shared>>
        tpu.enqueue_indirect_dma source(%arg13 : memref<80x32xf32, #tpu.memory_space<vmem>>) target(%dma_start3A_650 : memref<10112x32xf32, #tpu.memory_space<vmem_shared>>) offsets(%dma_start3A_647 : memref<80xi32, #tpu.memory_space<vmem>>) semaphore(%run_scoped3A_644 : memref<!tpu.dma_semaphore, #tpu.memory_space<semaphore_mem>>) {add = true}
        %dma_wait3A_651 = arith.constant 0 : i32
        %dma_wait3A_652 = tpu.memref_slice %arg12[%mul3A_613, %dma_wait3A_651] : memref<125x80xi32, #tpu.memory_space<vmem>> -> memref<1x80xi32, #tpu.memory_space<vmem>>
        %dma_wait3A_653 = tpu.memref_squeeze %dma_wait3A_652 : memref<1x80xi32, #tpu.memory_space<vmem>> -> memref<80xi32, #tpu.memory_space<vmem>>
        %dma_wait3A_654 = arith.constant 0 : i32
        %dma_wait3A_655 = arith.constant 0 : i32
        %dma_wait3A_656 = tpu.memref_slice %arg9[%dma_wait3A_654, %dma_wait3A_655] : memref<10112x32xf32, #tpu.memory_space<vmem_shared>> -> memref<10112x32xf32, #tpu.memory_space<vmem_shared>>
        tpu.wait_indirect_dma semaphore(%run_scoped3A_644 : memref<!tpu.dma_semaphore, #tpu.memory_space<semaphore_mem>>) src(%arg13 : memref<80x32xf32, #tpu.memory_space<vmem>>) dst(%dma_wait3A_656 : memref<10112x32xf32, #tpu.memory_space<vmem_shared>>)
        tpu.yield
      }) : () -> ()
      %add3A_628 = arith.constant 2 : i32
      %add3A_629 = arith.addi %mul3A_613, %add3A_628 : i32
      %dma_start3A_630 = arith.constant 0 : i32
      %dma_start3A_631 = tpu.memref_slice %arg11[%add3A_629, %dma_start3A_630] : memref<125x80xi32, #tpu.memory_space<vmem>> -> memref<1x80xi32, #tpu.memory_space<vmem>>
      %dma_start3A_632 = tpu.memref_squeeze %dma_start3A_631 : memref<1x80xi32, #tpu.memory_space<vmem>> -> memref<80xi32, #tpu.memory_space<vmem>>
      %dma_start3A_633 = arith.constant 0 : i32
      %dma_start3A_634 = arith.constant 0 : i32
      %dma_start3A_635 = tpu.memref_slice %arg10[%dma_start3A_633, %dma_start3A_634] : memref<10112x32xf32, #tpu.memory_space<vmem_shared>> -> memref<10112x32xf32, #tpu.memory_space<vmem_shared>>
      tpu.enqueue_indirect_dma source(%dma_start3A_635 : memref<10112x32xf32, #tpu.memory_space<vmem_shared>>) target(%arg13 : memref<80x32xf32, #tpu.memory_space<vmem>>) offsets(%dma_start3A_632 : memref<80xi32, #tpu.memory_space<vmem>>) semaphore(%arg24 : memref<!tpu.dma_semaphore, #tpu.memory_space<semaphore_mem>>)
      %add3A_636 = arith.constant 1 : i32
      %add3A_637 = arith.addi %mul3A_613, %add3A_636 : i32
      %dma_wait3A_638 = arith.constant 0 : i32
      %dma_wait3A_639 = tpu.memref_slice %arg11[%add3A_637, %dma_wait3A_638] : memref<125x80xi32, #tpu.memory_space<vmem>> -> memref<1x80xi32, #tpu.memory_space<vmem>>
      %dma_wait3A_640 = tpu.memref_squeeze %dma_wait3A_639 : memref<1x80xi32, #tpu.memory_space<vmem>> -> memref<80xi32, #tpu.memory_space<vmem>>
      %dma_wait3A_641 = arith.constant 0 : i32
      %dma_wait3A_642 = arith.constant 0 : i32
      %dma_wait3A_643 = tpu.memref_slice %arg10[%dma_wait3A_641, %dma_wait3A_642] : memref<10112x32xf32, #tpu.memory_space<vmem_shared>> -> memref<10112x32xf32, #tpu.memory_space<vmem_shared>>
      tpu.wait_indirect_dma semaphore(%arg28 : memref<!tpu.dma_semaphore, #tpu.memory_space<semaphore_mem>>) src(%dma_wait3A_643 : memref<10112x32xf32, #tpu.memory_space<vmem_shared>>) dst(%arg14 : memref<80x32xf32, #tpu.memory_space<vmem>>)
      "tpu.region"() ({
        %run_scoped3A_644 = tpu.sem_alloc : memref<!tpu.dma_semaphore, #tpu.memory_space<semaphore_mem>>
        %dma_start3A_645 = arith.constant 0 : i32
        %dma_start3A_646 = tpu.memref_slice %arg12[%add3A_637, %dma_start3A_645] : memref<125x80xi32, #tpu.memory_space<vmem>> -> memref<1x80xi32, #tpu.memory_space<vmem>>
        %dma_start3A_647 = tpu.memref_squeeze %dma_start3A_646 : memref<1x80xi32, #tpu.memory_space<vmem>> -> memref<80xi32, #tpu.memory_space<vmem>>
        %dma_start3A_648 = arith.constant 0 : i32
        %dma_start3A_649 = arith.constant 0 : i32
        %dma_start3A_650 = tpu.memref_slice %arg9[%dma_start3A_648, %dma_start3A_649] : memref<10112x32xf32, #tpu.memory_space<vmem_shared>> -> memref<10112x32xf32, #tpu.memory_space<vmem_shared>>
        tpu.enqueue_indirect_dma source(%arg14 : memref<80x32xf32, #tpu.memory_space<vmem>>) target(%dma_start3A_650 : memref<10112x32xf32, #tpu.memory_space<vmem_shared>>) offsets(%dma_start3A_647 : memref<80xi32, #tpu.memory_space<vmem>>) semaphore(%run_scoped3A_644 : memref<!tpu.dma_semaphore, #tpu.memory_space<semaphore_mem>>) {add = true}
        %dma_wait3A_651 = arith.constant 0 : i32
        %dma_wait3A_652 = tpu.memref_slice %arg12[%add3A_637, %dma_wait3A_651] : memref<125x80xi32, #tpu.memory_space<vmem>> -> memref<1x80xi32, #tpu.memory_space<vmem>>
        %dma_wait3A_653 = tpu.memref_squeeze %dma_wait3A_652 : memref<1x80xi32, #tpu.memory_space<vmem>> -> memref<80xi32, #tpu.memory_space<vmem>>
        %dma_wait3A_654 = arith.constant 0 : i32
        %dma_wait3A_655 = arith.constant 0 : i32
        %dma_wait3A_656 = tpu.memref_slice %arg9[%dma_wait3A_654, %dma_wait3A_655] : memref<10112x32xf32, #tpu.memory_space<vmem_shared>> -> memref<10112x32xf32, #tpu.memory_space<vmem_shared>>
        tpu.wait_indirect_dma semaphore(%run_scoped3A_644 : memref<!tpu.dma_semaphore, #tpu.memory_space<semaphore_mem>>) src(%arg14 : memref<80x32xf32, #tpu.memory_space<vmem>>) dst(%dma_wait3A_656 : memref<10112x32xf32, #tpu.memory_space<vmem_shared>>)
        tpu.yield
      }) : () -> ()
    }
    %scan3A_349 = arith.constant 62 : i32
    %dma_wait3A_350 = arith.constant 124 : i32
    %dma_wait3A_351 = arith.constant 0 : i32
    %dma_wait3A_352 = tpu.memref_slice %arg11[%dma_wait3A_350, %dma_wait3A_351] : memref<125x80xi32, #tpu.memory_space<vmem>> -> memref<1x80xi32, #tpu.memory_space<vmem>>
    %dma_wait3A_353 = tpu.memref_squeeze %dma_wait3A_352 : memref<1x80xi32, #tpu.memory_space<vmem>> -> memref<80xi32, #tpu.memory_space<vmem>>
    %dma_wait3A_354 = arith.constant 0 : i32
    %dma_wait3A_355 = arith.constant 0 : i32
    %dma_wait3A_356 = tpu.memref_slice %arg10[%dma_wait3A_354, %dma_wait3A_355] : memref<10112x32xf32, #tpu.memory_space<vmem_shared>> -> memref<10112x32xf32, #tpu.memory_space<vmem_shared>>
    tpu.wait_indirect_dma semaphore(%arg24 : memref<!tpu.dma_semaphore, #tpu.memory_space<semaphore_mem>>) src(%dma_wait3A_356 : memref<10112x32xf32, #tpu.memory_space<vmem_shared>>) dst(%arg13 : memref<80x32xf32, #tpu.memory_space<vmem>>)
    %run_scoped3A_357 = arith.constant 124 : i32
    "tpu.region"() ({
      %run_scoped3A_611 = tpu.sem_alloc : memref<!tpu.dma_semaphore, #tpu.memory_space<semaphore_mem>>
      %dma_start3A_612 = arith.constant 0 : i32
      %dma_start3A_613 = tpu.memref_slice %arg12[%run_scoped3A_357, %dma_start3A_612] : memref<125x80xi32, #tpu.memory_space<vmem>> -> memref<1x80xi32, #tpu.memory_space<vmem>>
      %dma_start3A_614 = tpu.memref_squeeze %dma_start3A_613 : memref<1x80xi32, #tpu.memory_space<vmem>> -> memref<80xi32, #tpu.memory_space<vmem>>
      %dma_start3A_615 = arith.constant 0 : i32
      %dma_start3A_616 = arith.constant 0 : i32
      %dma_start3A_617 = tpu.memref_slice %arg9[%dma_start3A_615, %dma_start3A_616] : memref<10112x32xf32, #tpu.memory_space<vmem_shared>> -> memref<10112x32xf32, #tpu.memory_space<vmem_shared>>
      tpu.enqueue_indirect_dma source(%arg13 : memref<80x32xf32, #tpu.memory_space<vmem>>) target(%dma_start3A_617 : memref<10112x32xf32, #tpu.memory_space<vmem_shared>>) offsets(%dma_start3A_614 : memref<80xi32, #tpu.memory_space<vmem>>) semaphore(%run_scoped3A_611 : memref<!tpu.dma_semaphore, #tpu.memory_space<semaphore_mem>>) {add = true}
      %dma_wait3A_618 = arith.constant 0 : i32
      %dma_wait3A_619 = tpu.memref_slice %arg12[%run_scoped3A_357, %dma_wait3A_618] : memref<125x80xi32, #tpu.memory_space<vmem>> -> memref<1x80xi32, #tpu.memory_space<vmem>>
      %dma_wait3A_620 = tpu.memref_squeeze %dma_wait3A_619 : memref<1x80xi32, #tpu.memory_space<vmem>> -> memref<80xi32, #tpu.memory_space<vmem>>
      %dma_wait3A_621 = arith.constant 0 : i32
      %dma_wait3A_622 = arith.constant 0 : i32
      %dma_wait3A_623 = tpu.memref_slice %arg9[%dma_wait3A_621, %dma_wait3A_622] : memref<10112x32xf32, #tpu.memory_space<vmem_shared>> -> memref<10112x32xf32, #tpu.memory_space<vmem_shared>>
      tpu.wait_indirect_dma semaphore(%run_scoped3A_611 : memref<!tpu.dma_semaphore, #tpu.memory_space<semaphore_mem>>) src(%arg13 : memref<80x32xf32, #tpu.memory_space<vmem>>) dst(%dma_wait3A_623 : memref<10112x32xf32, #tpu.memory_space<vmem_shared>>)
      tpu.yield
    }) : () -> ()
    %barrier3A_358 = arith.constant 0 : index
    tpu.barrier barrier_id(%barrier3A_358)
    %mul3A_359 = arith.constant 632 : i32
    %mul3A_360 = arith.muli %arg1, %mul3A_359 : i32
    %add3A_361 = arith.constant 0 : i32
    %add3A_362 = arith.addi %mul3A_360, %add3A_361 : i32
    %dma_start3A_363 = arith.constant 0 : i32
    %dma_start3A_364 = tpu.memref_slice %arg9[%add3A_362, %dma_start3A_363] : memref<10112x32xf32, #tpu.memory_space<vmem_shared>> -> memref<158x32xf32, #tpu.memory_space<vmem_shared>>
    %dma_start3A_365 = arith.constant 0 : i32
    %dma_start3A_366 = tpu.memref_slice %arg9[%add3A_362, %dma_start3A_365] : memref<10112x32xf32, #tpu.memory_space<vmem_shared>> -> memref<158x32xf32, #tpu.memory_space<vmem_shared>>
    tpu.enqueue_dma source(%dma_start3A_366 : memref<158x32xf32, #tpu.memory_space<vmem_shared>>) target(%arg16 : memref<158x32xf32, #tpu.memory_space<vmem>>) target_semaphore(%arg24 : memref<!tpu.dma_semaphore, #tpu.memory_space<semaphore_mem>>)
    %dma_start3A_367 = arith.constant 0 : i32
    %dma_start3A_368 = tpu.memref_slice %arg4[%add3A_362, %dma_start3A_367] : memref<10112x32xf32, #tpu.memory_space<hbm>> -> memref<158x32xf32, #tpu.memory_space<hbm>>
    %dma_start3A_369 = arith.constant 0 : i32
    %dma_start3A_370 = tpu.memref_slice %arg4[%add3A_362, %dma_start3A_369] : memref<10112x32xf32, #tpu.memory_space<hbm>> -> memref<158x32xf32, #tpu.memory_space<hbm>>
    tpu.enqueue_dma source(%dma_start3A_370 : memref<158x32xf32, #tpu.memory_space<hbm>>) target(%arg18 : memref<158x32xf32, #tpu.memory_space<vmem>>) target_semaphore(%arg25 : memref<!tpu.dma_semaphore, #tpu.memory_space<semaphore_mem>>)
    %dma_start3A_371 = arith.constant 0 : i32
    %dma_start3A_372 = tpu.memref_slice %arg10[%add3A_362, %dma_start3A_371] : memref<10112x32xf32, #tpu.memory_space<vmem_shared>> -> memref<158x32xf32, #tpu.memory_space<vmem_shared>>
    %dma_start3A_373 = arith.constant 0 : i32
    %dma_start3A_374 = tpu.memref_slice %arg10[%add3A_362, %dma_start3A_373] : memref<10112x32xf32, #tpu.memory_space<vmem_shared>> -> memref<158x32xf32, #tpu.memory_space<vmem_shared>>
    tpu.enqueue_dma source(%dma_start3A_374 : memref<158x32xf32, #tpu.memory_space<vmem_shared>>) target(%arg17 : memref<158x32xf32, #tpu.memory_space<vmem>>) target_semaphore(%arg26 : memref<!tpu.dma_semaphore, #tpu.memory_space<semaphore_mem>>)
    %mul3A_375 = arith.constant 632 : i32
    %mul3A_376 = arith.muli %arg1, %mul3A_375 : i32
    %add3A_377 = arith.constant 158 : i32
    %add3A_378 = arith.addi %mul3A_376, %add3A_377 : i32
    %dma_start3A_379 = arith.constant 0 : i32
    %dma_start3A_380 = tpu.memref_slice %arg9[%add3A_378, %dma_start3A_379] : memref<10112x32xf32, #tpu.memory_space<vmem_shared>> -> memref<158x32xf32, #tpu.memory_space<vmem_shared>>
    %dma_start3A_381 = arith.constant 0 : i32
    %dma_start3A_382 = tpu.memref_slice %arg9[%add3A_378, %dma_start3A_381] : memref<10112x32xf32, #tpu.memory_space<vmem_shared>> -> memref<158x32xf32, #tpu.memory_space<vmem_shared>>
    tpu.enqueue_dma source(%dma_start3A_382 : memref<158x32xf32, #tpu.memory_space<vmem_shared>>) target(%arg20 : memref<158x32xf32, #tpu.memory_space<vmem>>) target_semaphore(%arg28 : memref<!tpu.dma_semaphore, #tpu.memory_space<semaphore_mem>>)
    %dma_start3A_383 = arith.constant 0 : i32
    %dma_start3A_384 = tpu.memref_slice %arg4[%add3A_378, %dma_start3A_383] : memref<10112x32xf32, #tpu.memory_space<hbm>> -> memref<158x32xf32, #tpu.memory_space<hbm>>
    %dma_start3A_385 = arith.constant 0 : i32
    %dma_start3A_386 = tpu.memref_slice %arg4[%add3A_378, %dma_start3A_385] : memref<10112x32xf32, #tpu.memory_space<hbm>> -> memref<158x32xf32, #tpu.memory_space<hbm>>
    tpu.enqueue_dma source(%dma_start3A_386 : memref<158x32xf32, #tpu.memory_space<hbm>>) target(%arg22 : memref<158x32xf32, #tpu.memory_space<vmem>>) target_semaphore(%arg29 : memref<!tpu.dma_semaphore, #tpu.memory_space<semaphore_mem>>)
    %dma_start3A_387 = arith.constant 0 : i32
    %dma_start3A_388 = tpu.memref_slice %arg10[%add3A_378, %dma_start3A_387] : memref<10112x32xf32, #tpu.memory_space<vmem_shared>> -> memref<158x32xf32, #tpu.memory_space<vmem_shared>>
    %dma_start3A_389 = arith.constant 0 : i32
    %dma_start3A_390 = tpu.memref_slice %arg10[%add3A_378, %dma_start3A_389] : memref<10112x32xf32, #tpu.memory_space<vmem_shared>> -> memref<158x32xf32, #tpu.memory_space<vmem_shared>>
    tpu.enqueue_dma source(%dma_start3A_390 : memref<158x32xf32, #tpu.memory_space<vmem_shared>>) target(%arg21 : memref<158x32xf32, #tpu.memory_space<vmem>>) target_semaphore(%arg30 : memref<!tpu.dma_semaphore, #tpu.memory_space<semaphore_mem>>)
    %mul3A_391 = arith.constant 632 : i32
    %mul3A_392 = arith.muli %arg1, %mul3A_391 : i32
    %add3A_393 = arith.constant 0 : i32
    %add3A_394 = arith.addi %mul3A_392, %add3A_393 : i32
    %dma_wait3A_395 = arith.constant 0 : i32
    %dma_wait3A_396 = tpu.memref_slice %arg9[%add3A_394, %dma_wait3A_395] : memref<10112x32xf32, #tpu.memory_space<vmem_shared>> -> memref<158x32xf32, #tpu.memory_space<vmem_shared>>
    %dma_wait3A_397 = arith.constant 0 : i32
    %dma_wait3A_398 = tpu.memref_slice %arg9[%add3A_394, %dma_wait3A_397] : memref<10112x32xf32, #tpu.memory_space<vmem_shared>> -> memref<158x32xf32, #tpu.memory_space<vmem_shared>>
    tpu.wait_dma2 semaphore(%arg24 : memref<!tpu.dma_semaphore, #tpu.memory_space<semaphore_mem>>) src(%dma_wait3A_398 : memref<158x32xf32, #tpu.memory_space<vmem_shared>>) dst(%arg16 : memref<158x32xf32, #tpu.memory_space<vmem>>)
    %dma_wait3A_399 = arith.constant 0 : i32
    %dma_wait3A_400 = tpu.memref_slice %arg4[%add3A_394, %dma_wait3A_399] : memref<10112x32xf32, #tpu.memory_space<hbm>> -> memref<158x32xf32, #tpu.memory_space<hbm>>
    %dma_wait3A_401 = arith.constant 0 : i32
    %dma_wait3A_402 = tpu.memref_slice %arg4[%add3A_394, %dma_wait3A_401] : memref<10112x32xf32, #tpu.memory_space<hbm>> -> memref<158x32xf32, #tpu.memory_space<hbm>>
    tpu.wait_dma2 semaphore(%arg25 : memref<!tpu.dma_semaphore, #tpu.memory_space<semaphore_mem>>) src(%dma_wait3A_402 : memref<158x32xf32, #tpu.memory_space<hbm>>) dst(%arg18 : memref<158x32xf32, #tpu.memory_space<vmem>>)
    %dma_wait3A_403 = arith.constant 0 : i32
    %dma_wait3A_404 = tpu.memref_slice %arg10[%add3A_394, %dma_wait3A_403] : memref<10112x32xf32, #tpu.memory_space<vmem_shared>> -> memref<158x32xf32, #tpu.memory_space<vmem_shared>>
    %dma_wait3A_405 = arith.constant 0 : i32
    %dma_wait3A_406 = tpu.memref_slice %arg10[%add3A_394, %dma_wait3A_405] : memref<10112x32xf32, #tpu.memory_space<vmem_shared>> -> memref<158x32xf32, #tpu.memory_space<vmem_shared>>
    tpu.wait_dma2 semaphore(%arg26 : memref<!tpu.dma_semaphore, #tpu.memory_space<semaphore_mem>>) src(%dma_wait3A_406 : memref<158x32xf32, #tpu.memory_space<vmem_shared>>) dst(%arg17 : memref<158x32xf32, #tpu.memory_space<vmem>>)
    %eq3A = arith.constant 0 : i32
    %eq3A_407 = arith.cmpi eq, %arg0, %eq3A : i32
    %convert_element_type3A = arith.extui %eq3A_407 : i1 to i32
    %cond3A = arith.constant 0 : i32
    %cond3A_408 = arith.cmpi ne, %convert_element_type3A, %cond3A : i32
    scf.if %cond3A_408 {
      %scan3A_611 = arith.constant 0 : i32
      %scan3A_612 = arith.constant 0 : i32
      %scan3A_613 = arith.constant 79 : i32
      %scan3A_614 = arith.addi %scan3A_612, %scan3A_613 : i32
      %scan3A_615 = arith.constant 1 : i32
      scf.for %scan3A_617 = %scan3A_612 to %scan3A_614 step %scan3A_615  : i32 {
        %mul3A_618 = arith.constant 2 : i32
        %mul3A_619 = arith.muli %mul3A_618, %scan3A_617 : i32
        %add3A_620 = arith.constant 0 : i32
        %add3A_621 = arith.addi %mul3A_619, %add3A_620 : i32
        %get3A = arith.index_cast %add3A_621 : i32 to index
        %get3A_622 = arith.constant 0 : index
        %get3A_623 = tpu.vector_load %arg16[%get3A, %get3A_622] {strides = array<i32>} : memref<158x32xf32, #tpu.memory_space<vmem>>, vector<16xf32>,
        %get3A_624 = arith.index_cast %add3A_621 : i32 to index
        %get3A_625 = arith.constant 0 : index
        %get3A_626 = tpu.vector_load %arg17[%get3A_624, %get3A_625] {strides = array<i32>} : memref<158x32xf32, #tpu.memory_space<vmem>>, vector<16xf32>,
        %add3A_627 = arith.addf %get3A_623, %get3A_626 : vector<16xf32>
        %get3A_628 = arith.index_cast %add3A_621 : i32 to index
        %get3A_629 = arith.constant 0 : index
        %get3A_630 = tpu.vector_load %arg18[%get3A_628, %get3A_629] {strides = array<i32>} : memref<158x32xf32, #tpu.memory_space<vmem>>, vector<16xf32>,
        %mul3A_631 = arith.mulf %get3A_630, %add3A_627 : vector<16xf32>
        %swap3A = arith.index_cast %add3A_621 : i32 to index
        %swap3A_632 = arith.constant 0 : index
        %swap3A_633 = tpu.vector_load %arg16[%swap3A, %swap3A_632] {strides = array<i32>} : memref<158x32xf32, #tpu.memory_space<vmem>>, vector<16xf32>,
        tpu.vector_store %arg16[%swap3A, %swap3A_632], %mul3A_631 {strides = array<i32>} : memref<158x32xf32, #tpu.memory_space<vmem>>, vector<16xf32>,
        %get3A_634 = arith.index_cast %add3A_621 : i32 to index
        %get3A_635 = arith.constant 16 : index
        %get3A_636 = tpu.vector_load %arg16[%get3A_634, %get3A_635] {strides = array<i32>} : memref<158x32xf32, #tpu.memory_space<vmem>>, vector<16xf32>,
        %get3A_637 = arith.index_cast %add3A_621 : i32 to index
        %get3A_638 = arith.constant 16 : index
        %get3A_639 = tpu.vector_load %arg17[%get3A_637, %get3A_638] {strides = array<i32>} : memref<158x32xf32, #tpu.memory_space<vmem>>, vector<16xf32>,
        %add3A_640 = arith.addf %get3A_636, %get3A_639 : vector<16xf32>
        %get3A_641 = arith.index_cast %add3A_621 : i32 to index
        %get3A_642 = arith.constant 16 : index
        %get3A_643 = tpu.vector_load %arg18[%get3A_641, %get3A_642] {strides = array<i32>} : memref<158x32xf32, #tpu.memory_space<vmem>>, vector<16xf32>,
        %mul3A_644 = arith.mulf %get3A_643, %add3A_640 : vector<16xf32>
        %swap3A_645 = arith.index_cast %add3A_621 : i32 to index
        %swap3A_646 = arith.constant 16 : index
        %swap3A_647 = tpu.vector_load %arg16[%swap3A_645, %swap3A_646] {strides = array<i32>} : memref<158x32xf32, #tpu.memory_space<vmem>>, vector<16xf32>,
        tpu.vector_store %arg16[%swap3A_645, %swap3A_646], %mul3A_644 {strides = array<i32>} : memref<158x32xf32, #tpu.memory_space<vmem>>, vector<16xf32>,
        %mul3A_648 = arith.constant 2 : i32
        %mul3A_649 = arith.muli %mul3A_648, %scan3A_617 : i32
        %add3A_650 = arith.constant 1 : i32
        %add3A_651 = arith.addi %mul3A_649, %add3A_650 : i32
        %get3A_652 = arith.index_cast %add3A_651 : i32 to index
        %get3A_653 = arith.constant 0 : index
        %get3A_654 = tpu.vector_load %arg16[%get3A_652, %get3A_653] {strides = array<i32>} : memref<158x32xf32, #tpu.memory_space<vmem>>, vector<16xf32>,
        %get3A_655 = arith.index_cast %add3A_651 : i32 to index
        %get3A_656 = arith.constant 0 : index
        %get3A_657 = tpu.vector_load %arg17[%get3A_655, %get3A_656] {strides = array<i32>} : memref<158x32xf32, #tpu.memory_space<vmem>>, vector<16xf32>,
        %add3A_658 = arith.addf %get3A_654, %get3A_657 : vector<16xf32>
        %get3A_659 = arith.index_cast %add3A_651 : i32 to index
        %get3A_660 = arith.constant 0 : index
        %get3A_661 = tpu.vector_load %arg18[%get3A_659, %get3A_660] {strides = array<i32>} : memref<158x32xf32, #tpu.memory_space<vmem>>, vector<16xf32>,
        %mul3A_662 = arith.mulf %get3A_661, %add3A_658 : vector<16xf32>
        %swap3A_663 = arith.index_cast %add3A_651 : i32 to index
        %swap3A_664 = arith.constant 0 : index
        %swap3A_665 = tpu.vector_load %arg16[%swap3A_663, %swap3A_664] {strides = array<i32>} : memref<158x32xf32, #tpu.memory_space<vmem>>, vector<16xf32>,
        tpu.vector_store %arg16[%swap3A_663, %swap3A_664], %mul3A_662 {strides = array<i32>} : memref<158x32xf32, #tpu.memory_space<vmem>>, vector<16xf32>,
        %get3A_666 = arith.index_cast %add3A_651 : i32 to index
        %get3A_667 = arith.constant 16 : index
        %get3A_668 = tpu.vector_load %arg16[%get3A_666, %get3A_667] {strides = array<i32>} : memref<158x32xf32, #tpu.memory_space<vmem>>, vector<16xf32>,
        %get3A_669 = arith.index_cast %add3A_651 : i32 to index
        %get3A_670 = arith.constant 16 : index
        %get3A_671 = tpu.vector_load %arg17[%get3A_669, %get3A_670] {strides = array<i32>} : memref<158x32xf32, #tpu.memory_space<vmem>>, vector<16xf32>,
        %add3A_672 = arith.addf %get3A_668, %get3A_671 : vector<16xf32>
        %get3A_673 = arith.index_cast %add3A_651 : i32 to index
        %get3A_674 = arith.constant 16 : index
        %get3A_675 = tpu.vector_load %arg18[%get3A_673, %get3A_674] {strides = array<i32>} : memref<158x32xf32, #tpu.memory_space<vmem>>, vector<16xf32>,
        %mul3A_676 = arith.mulf %get3A_675, %add3A_672 : vector<16xf32>
        %swap3A_677 = arith.index_cast %add3A_651 : i32 to index
        %swap3A_678 = arith.constant 16 : index
        %swap3A_679 = tpu.vector_load %arg16[%swap3A_677, %swap3A_678] {strides = array<i32>} : memref<158x32xf32, #tpu.memory_space<vmem>>, vector<16xf32>,
        tpu.vector_store %arg16[%swap3A_677, %swap3A_678], %mul3A_676 {strides = array<i32>} : memref<158x32xf32, #tpu.memory_space<vmem>>, vector<16xf32>,
      }
      %scan3A_616 = arith.constant 79 : i32
    } else {
    }
    %ne3A = arith.constant 0 : i32
    %ne3A_409 = arith.cmpi ne, %arg0, %ne3A : i32
    %convert_element_type3A_410 = arith.extui %ne3A_409 : i1 to i32
    %cond3A_411 = arith.constant 0 : i32
    %cond3A_412 = arith.cmpi ne, %convert_element_type3A_410, %cond3A_411 : i32
    scf.if %cond3A_412 {
      %scan3A_611 = arith.constant 0 : i32
      %scan3A_612 = arith.constant 0 : i32
      %scan3A_613 = arith.constant 79 : i32
      %scan3A_614 = arith.addi %scan3A_612, %scan3A_613 : i32
      %scan3A_615 = arith.constant 1 : i32
      scf.for %scan3A_617 = %scan3A_612 to %scan3A_614 step %scan3A_615  : i32 {
        %mul3A_618 = arith.constant 2 : i32
        %mul3A_619 = arith.muli %mul3A_618, %scan3A_617 : i32
        %add3A_620 = arith.constant 0 : i32
        %add3A_621 = arith.addi %mul3A_619, %add3A_620 : i32
        %get3A = arith.index_cast %add3A_621 : i32 to index
        %get3A_622 = arith.constant 0 : index
        %get3A_623 = tpu.vector_load %arg16[%get3A, %get3A_622] {strides = array<i32>} : memref<158x32xf32, #tpu.memory_space<vmem>>, vector<16xf32>,
        %get3A_624 = arith.index_cast %add3A_621 : i32 to index
        %get3A_625 = arith.constant 0 : index
        %get3A_626 = tpu.vector_load %arg18[%get3A_624, %get3A_625] {strides = array<i32>} : memref<158x32xf32, #tpu.memory_space<vmem>>, vector<16xf32>,
        %mul3A_627 = arith.mulf %get3A_626, %get3A_623 : vector<16xf32>
        %swap3A = arith.index_cast %add3A_621 : i32 to index
        %swap3A_628 = arith.constant 0 : index
        %swap3A_629 = tpu.vector_load %arg16[%swap3A, %swap3A_628] {strides = array<i32>} : memref<158x32xf32, #tpu.memory_space<vmem>>, vector<16xf32>,
        tpu.vector_store %arg16[%swap3A, %swap3A_628], %mul3A_627 {strides = array<i32>} : memref<158x32xf32, #tpu.memory_space<vmem>>, vector<16xf32>,
        %get3A_630 = arith.index_cast %add3A_621 : i32 to index
        %get3A_631 = arith.constant 16 : index
        %get3A_632 = tpu.vector_load %arg16[%get3A_630, %get3A_631] {strides = array<i32>} : memref<158x32xf32, #tpu.memory_space<vmem>>, vector<16xf32>,
        %get3A_633 = arith.index_cast %add3A_621 : i32 to index
        %get3A_634 = arith.constant 16 : index
        %get3A_635 = tpu.vector_load %arg18[%get3A_633, %get3A_634] {strides = array<i32>} : memref<158x32xf32, #tpu.memory_space<vmem>>, vector<16xf32>,
        %mul3A_636 = arith.mulf %get3A_635, %get3A_632 : vector<16xf32>
        %swap3A_637 = arith.index_cast %add3A_621 : i32 to index
        %swap3A_638 = arith.constant 16 : index
        %swap3A_639 = tpu.vector_load %arg16[%swap3A_637, %swap3A_638] {strides = array<i32>} : memref<158x32xf32, #tpu.memory_space<vmem>>, vector<16xf32>,
        tpu.vector_store %arg16[%swap3A_637, %swap3A_638], %mul3A_636 {strides = array<i32>} : memref<158x32xf32, #tpu.memory_space<vmem>>, vector<16xf32>,
        %mul3A_640 = arith.constant 2 : i32
        %mul3A_641 = arith.muli %mul3A_640, %scan3A_617 : i32
        %add3A_642 = arith.constant 1 : i32
        %add3A_643 = arith.addi %mul3A_641, %add3A_642 : i32
        %get3A_644 = arith.index_cast %add3A_643 : i32 to index
        %get3A_645 = arith.constant 0 : index
        %get3A_646 = tpu.vector_load %arg16[%get3A_644, %get3A_645] {strides = array<i32>} : memref<158x32xf32, #tpu.memory_space<vmem>>, vector<16xf32>,
        %get3A_647 = arith.index_cast %add3A_643 : i32 to index
        %get3A_648 = arith.constant 0 : index
        %get3A_649 = tpu.vector_load %arg18[%get3A_647, %get3A_648] {strides = array<i32>} : memref<158x32xf32, #tpu.memory_space<vmem>>, vector<16xf32>,
        %mul3A_650 = arith.mulf %get3A_649, %get3A_646 : vector<16xf32>
        %swap3A_651 = arith.index_cast %add3A_643 : i32 to index
        %swap3A_652 = arith.constant 0 : index
        %swap3A_653 = tpu.vector_load %arg16[%swap3A_651, %swap3A_652] {strides = array<i32>} : memref<158x32xf32, #tpu.memory_space<vmem>>, vector<16xf32>,
        tpu.vector_store %arg16[%swap3A_651, %swap3A_652], %mul3A_650 {strides = array<i32>} : memref<158x32xf32, #tpu.memory_space<vmem>>, vector<16xf32>,
        %get3A_654 = arith.index_cast %add3A_643 : i32 to index
        %get3A_655 = arith.constant 16 : index
        %get3A_656 = tpu.vector_load %arg16[%get3A_654, %get3A_655] {strides = array<i32>} : memref<158x32xf32, #tpu.memory_space<vmem>>, vector<16xf32>,
        %get3A_657 = arith.index_cast %add3A_643 : i32 to index
        %get3A_658 = arith.constant 16 : index
        %get3A_659 = tpu.vector_load %arg18[%get3A_657, %get3A_658] {strides = array<i32>} : memref<158x32xf32, #tpu.memory_space<vmem>>, vector<16xf32>,
        %mul3A_660 = arith.mulf %get3A_659, %get3A_656 : vector<16xf32>
        %swap3A_661 = arith.index_cast %add3A_643 : i32 to index
        %swap3A_662 = arith.constant 16 : index
        %swap3A_663 = tpu.vector_load %arg16[%swap3A_661, %swap3A_662] {strides = array<i32>} : memref<158x32xf32, #tpu.memory_space<vmem>>, vector<16xf32>,
        tpu.vector_store %arg16[%swap3A_661, %swap3A_662], %mul3A_660 {strides = array<i32>} : memref<158x32xf32, #tpu.memory_space<vmem>>, vector<16xf32>,
      }
      %scan3A_616 = arith.constant 79 : i32
    } else {
    }
    %mul3A_413 = arith.constant 10112 : i32
    %mul3A_414 = arith.muli %arg0, %mul3A_413 : i32
    %mul3A_415 = arith.constant 632 : i32
    %mul3A_416 = arith.muli %arg1, %mul3A_415 : i32
    %add3A_417 = arith.addi %mul3A_414, %mul3A_416 : i32
    %add3A_418 = arith.constant 0 : i32
    %add3A_419 = arith.addi %add3A_417, %add3A_418 : i32
    %dma_start3A_420 = arith.constant 0 : i32
    %dma_start3A_421 = tpu.memref_slice %arg8[%add3A_419, %dma_start3A_420] : memref<20224x32xf32, #tpu.memory_space<hbm>> -> memref<158x32xf32, #tpu.memory_space<hbm>>
    %dma_start3A_422 = arith.constant 0 : i32
    %dma_start3A_423 = tpu.memref_slice %arg8[%add3A_419, %dma_start3A_422] : memref<20224x32xf32, #tpu.memory_space<hbm>> -> memref<158x32xf32, #tpu.memory_space<hbm>>
    tpu.enqueue_dma source(%arg16 : memref<158x32xf32, #tpu.memory_space<vmem>>) target(%dma_start3A_423 : memref<158x32xf32, #tpu.memory_space<hbm>>) target_semaphore(%arg33 : memref<!tpu.dma_semaphore, #tpu.memory_space<semaphore_mem>>)
    %mul3A_424 = arith.constant 10112 : i32
    %mul3A_425 = arith.muli %arg0, %mul3A_424 : i32
    %mul3A_426 = arith.constant 632 : i32
    %mul3A_427 = arith.muli %arg1, %mul3A_426 : i32
    %add3A_428 = arith.addi %mul3A_425, %mul3A_427 : i32
    %add3A_429 = arith.constant 0 : i32
    %add3A_430 = arith.addi %add3A_428, %add3A_429 : i32
    %dma_wait3A_431 = arith.constant 0 : i32
    %dma_wait3A_432 = tpu.memref_slice %arg8[%add3A_430, %dma_wait3A_431] : memref<20224x32xf32, #tpu.memory_space<hbm>> -> memref<158x32xf32, #tpu.memory_space<hbm>>
    %dma_wait3A_433 = arith.constant 0 : i32
    %dma_wait3A_434 = tpu.memref_slice %arg8[%add3A_430, %dma_wait3A_433] : memref<20224x32xf32, #tpu.memory_space<hbm>> -> memref<158x32xf32, #tpu.memory_space<hbm>>
    tpu.wait_dma2 semaphore(%arg33 : memref<!tpu.dma_semaphore, #tpu.memory_space<semaphore_mem>>) src(%arg16 : memref<158x32xf32, #tpu.memory_space<vmem>>) dst(%dma_wait3A_434 : memref<158x32xf32, #tpu.memory_space<hbm>>)
    %mul3A_435 = arith.constant 632 : i32
    %mul3A_436 = arith.muli %arg1, %mul3A_435 : i32
    %add3A_437 = arith.constant 316 : i32
    %add3A_438 = arith.addi %mul3A_436, %add3A_437 : i32
    %dma_start3A_439 = arith.constant 0 : i32
    %dma_start3A_440 = tpu.memref_slice %arg9[%add3A_438, %dma_start3A_439] : memref<10112x32xf32, #tpu.memory_space<vmem_shared>> -> memref<158x32xf32, #tpu.memory_space<vmem_shared>>
    %dma_start3A_441 = arith.constant 0 : i32
    %dma_start3A_442 = tpu.memref_slice %arg9[%add3A_438, %dma_start3A_441] : memref<10112x32xf32, #tpu.memory_space<vmem_shared>> -> memref<158x32xf32, #tpu.memory_space<vmem_shared>>
    tpu.enqueue_dma source(%dma_start3A_442 : memref<158x32xf32, #tpu.memory_space<vmem_shared>>) target(%arg16 : memref<158x32xf32, #tpu.memory_space<vmem>>) target_semaphore(%arg24 : memref<!tpu.dma_semaphore, #tpu.memory_space<semaphore_mem>>)
    %dma_start3A_443 = arith.constant 0 : i32
    %dma_start3A_444 = tpu.memref_slice %arg4[%add3A_438, %dma_start3A_443] : memref<10112x32xf32, #tpu.memory_space<hbm>> -> memref<158x32xf32, #tpu.memory_space<hbm>>
    %dma_start3A_445 = arith.constant 0 : i32
    %dma_start3A_446 = tpu.memref_slice %arg4[%add3A_438, %dma_start3A_445] : memref<10112x32xf32, #tpu.memory_space<hbm>> -> memref<158x32xf32, #tpu.memory_space<hbm>>
    tpu.enqueue_dma source(%dma_start3A_446 : memref<158x32xf32, #tpu.memory_space<hbm>>) target(%arg18 : memref<158x32xf32, #tpu.memory_space<vmem>>) target_semaphore(%arg25 : memref<!tpu.dma_semaphore, #tpu.memory_space<semaphore_mem>>)
    %dma_start3A_447 = arith.constant 0 : i32
    %dma_start3A_448 = tpu.memref_slice %arg10[%add3A_438, %dma_start3A_447] : memref<10112x32xf32, #tpu.memory_space<vmem_shared>> -> memref<158x32xf32, #tpu.memory_space<vmem_shared>>
    %dma_start3A_449 = arith.constant 0 : i32
    %dma_start3A_450 = tpu.memref_slice %arg10[%add3A_438, %dma_start3A_449] : memref<10112x32xf32, #tpu.memory_space<vmem_shared>> -> memref<158x32xf32, #tpu.memory_space<vmem_shared>>
    tpu.enqueue_dma source(%dma_start3A_450 : memref<158x32xf32, #tpu.memory_space<vmem_shared>>) target(%arg17 : memref<158x32xf32, #tpu.memory_space<vmem>>) target_semaphore(%arg26 : memref<!tpu.dma_semaphore, #tpu.memory_space<semaphore_mem>>)
    %mul3A_451 = arith.constant 632 : i32
    %mul3A_452 = arith.muli %arg1, %mul3A_451 : i32
    %add3A_453 = arith.constant 158 : i32
    %add3A_454 = arith.addi %mul3A_452, %add3A_453 : i32
    %dma_wait3A_455 = arith.constant 0 : i32
    %dma_wait3A_456 = tpu.memref_slice %arg9[%add3A_454, %dma_wait3A_455] : memref<10112x32xf32, #tpu.memory_space<vmem_shared>> -> memref<158x32xf32, #tpu.memory_space<vmem_shared>>
    %dma_wait3A_457 = arith.constant 0 : i32
    %dma_wait3A_458 = tpu.memref_slice %arg9[%add3A_454, %dma_wait3A_457] : memref<10112x32xf32, #tpu.memory_space<vmem_shared>> -> memref<158x32xf32, #tpu.memory_space<vmem_shared>>
    tpu.wait_dma2 semaphore(%arg28 : memref<!tpu.dma_semaphore, #tpu.memory_space<semaphore_mem>>) src(%dma_wait3A_458 : memref<158x32xf32, #tpu.memory_space<vmem_shared>>) dst(%arg20 : memref<158x32xf32, #tpu.memory_space<vmem>>)
    %dma_wait3A_459 = arith.constant 0 : i32
    %dma_wait3A_460 = tpu.memref_slice %arg4[%add3A_454, %dma_wait3A_459] : memref<10112x32xf32, #tpu.memory_space<hbm>> -> memref<158x32xf32, #tpu.memory_space<hbm>>
    %dma_wait3A_461 = arith.constant 0 : i32
    %dma_wait3A_462 = tpu.memref_slice %arg4[%add3A_454, %dma_wait3A_461] : memref<10112x32xf32, #tpu.memory_space<hbm>> -> memref<158x32xf32, #tpu.memory_space<hbm>>
    tpu.wait_dma2 semaphore(%arg29 : memref<!tpu.dma_semaphore, #tpu.memory_space<semaphore_mem>>) src(%dma_wait3A_462 : memref<158x32xf32, #tpu.memory_space<hbm>>) dst(%arg22 : memref<158x32xf32, #tpu.memory_space<vmem>>)
    %dma_wait3A_463 = arith.constant 0 : i32
    %dma_wait3A_464 = tpu.memref_slice %arg10[%add3A_454, %dma_wait3A_463] : memref<10112x32xf32, #tpu.memory_space<vmem_shared>> -> memref<158x32xf32, #tpu.memory_space<vmem_shared>>
    %dma_wait3A_465 = arith.constant 0 : i32
    %dma_wait3A_466 = tpu.memref_slice %arg10[%add3A_454, %dma_wait3A_465] : memref<10112x32xf32, #tpu.memory_space<vmem_shared>> -> memref<158x32xf32, #tpu.memory_space<vmem_shared>>
    tpu.wait_dma2 semaphore(%arg30 : memref<!tpu.dma_semaphore, #tpu.memory_space<semaphore_mem>>) src(%dma_wait3A_466 : memref<158x32xf32, #tpu.memory_space<vmem_shared>>) dst(%arg21 : memref<158x32xf32, #tpu.memory_space<vmem>>)
    %eq3A_467 = arith.constant 0 : i32
    %eq3A_468 = arith.cmpi eq, %arg0, %eq3A_467 : i32
    %convert_element_type3A_469 = arith.extui %eq3A_468 : i1 to i32
    %cond3A_470 = arith.constant 0 : i32
    %cond3A_471 = arith.cmpi ne, %convert_element_type3A_469, %cond3A_470 : i32
    scf.if %cond3A_471 {
      %scan3A_611 = arith.constant 0 : i32
      %scan3A_612 = arith.constant 0 : i32
      %scan3A_613 = arith.constant 79 : i32
      %scan3A_614 = arith.addi %scan3A_612, %scan3A_613 : i32
      %scan3A_615 = arith.constant 1 : i32
      scf.for %scan3A_617 = %scan3A_612 to %scan3A_614 step %scan3A_615  : i32 {
        %mul3A_618 = arith.constant 2 : i32
        %mul3A_619 = arith.muli %mul3A_618, %scan3A_617 : i32
        %add3A_620 = arith.constant 0 : i32
        %add3A_621 = arith.addi %mul3A_619, %add3A_620 : i32
        %get3A = arith.index_cast %add3A_621 : i32 to index
        %get3A_622 = arith.constant 0 : index
        %get3A_623 = tpu.vector_load %arg20[%get3A, %get3A_622] {strides = array<i32>} : memref<158x32xf32, #tpu.memory_space<vmem>>, vector<16xf32>,
        %get3A_624 = arith.index_cast %add3A_621 : i32 to index
        %get3A_625 = arith.constant 0 : index
        %get3A_626 = tpu.vector_load %arg21[%get3A_624, %get3A_625] {strides = array<i32>} : memref<158x32xf32, #tpu.memory_space<vmem>>, vector<16xf32>,
        %add3A_627 = arith.addf %get3A_623, %get3A_626 : vector<16xf32>
        %get3A_628 = arith.index_cast %add3A_621 : i32 to index
        %get3A_629 = arith.constant 0 : index
        %get3A_630 = tpu.vector_load %arg22[%get3A_628, %get3A_629] {strides = array<i32>} : memref<158x32xf32, #tpu.memory_space<vmem>>, vector<16xf32>,
        %mul3A_631 = arith.mulf %get3A_630, %add3A_627 : vector<16xf32>
        %swap3A = arith.index_cast %add3A_621 : i32 to index
        %swap3A_632 = arith.constant 0 : index
        %swap3A_633 = tpu.vector_load %arg20[%swap3A, %swap3A_632] {strides = array<i32>} : memref<158x32xf32, #tpu.memory_space<vmem>>, vector<16xf32>,
        tpu.vector_store %arg20[%swap3A, %swap3A_632], %mul3A_631 {strides = array<i32>} : memref<158x32xf32, #tpu.memory_space<vmem>>, vector<16xf32>,
        %get3A_634 = arith.index_cast %add3A_621 : i32 to index
        %get3A_635 = arith.constant 16 : index
        %get3A_636 = tpu.vector_load %arg20[%get3A_634, %get3A_635] {strides = array<i32>} : memref<158x32xf32, #tpu.memory_space<vmem>>, vector<16xf32>,
        %get3A_637 = arith.index_cast %add3A_621 : i32 to index
        %get3A_638 = arith.constant 16 : index
        %get3A_639 = tpu.vector_load %arg21[%get3A_637, %get3A_638] {strides = array<i32>} : memref<158x32xf32, #tpu.memory_space<vmem>>, vector<16xf32>,
        %add3A_640 = arith.addf %get3A_636, %get3A_639 : vector<16xf32>
        %get3A_641 = arith.index_cast %add3A_621 : i32 to index
        %get3A_642 = arith.constant 16 : index
        %get3A_643 = tpu.vector_load %arg22[%get3A_641, %get3A_642] {strides = array<i32>} : memref<158x32xf32, #tpu.memory_space<vmem>>, vector<16xf32>,
        %mul3A_644 = arith.mulf %get3A_643, %add3A_640 : vector<16xf32>
        %swap3A_645 = arith.index_cast %add3A_621 : i32 to index
        %swap3A_646 = arith.constant 16 : index
        %swap3A_647 = tpu.vector_load %arg20[%swap3A_645, %swap3A_646] {strides = array<i32>} : memref<158x32xf32, #tpu.memory_space<vmem>>, vector<16xf32>,
        tpu.vector_store %arg20[%swap3A_645, %swap3A_646], %mul3A_644 {strides = array<i32>} : memref<158x32xf32, #tpu.memory_space<vmem>>, vector<16xf32>,
        %mul3A_648 = arith.constant 2 : i32
        %mul3A_649 = arith.muli %mul3A_648, %scan3A_617 : i32
        %add3A_650 = arith.constant 1 : i32
        %add3A_651 = arith.addi %mul3A_649, %add3A_650 : i32
        %get3A_652 = arith.index_cast %add3A_651 : i32 to index
        %get3A_653 = arith.constant 0 : index
        %get3A_654 = tpu.vector_load %arg20[%get3A_652, %get3A_653] {strides = array<i32>} : memref<158x32xf32, #tpu.memory_space<vmem>>, vector<16xf32>,
        %get3A_655 = arith.index_cast %add3A_651 : i32 to index
        %get3A_656 = arith.constant 0 : index
        %get3A_657 = tpu.vector_load %arg21[%get3A_655, %get3A_656] {strides = array<i32>} : memref<158x32xf32, #tpu.memory_space<vmem>>, vector<16xf32>,
        %add3A_658 = arith.addf %get3A_654, %get3A_657 : vector<16xf32>
        %get3A_659 = arith.index_cast %add3A_651 : i32 to index
        %get3A_660 = arith.constant 0 : index
        %get3A_661 = tpu.vector_load %arg22[%get3A_659, %get3A_660] {strides = array<i32>} : memref<158x32xf32, #tpu.memory_space<vmem>>, vector<16xf32>,
        %mul3A_662 = arith.mulf %get3A_661, %add3A_658 : vector<16xf32>
        %swap3A_663 = arith.index_cast %add3A_651 : i32 to index
        %swap3A_664 = arith.constant 0 : index
        %swap3A_665 = tpu.vector_load %arg20[%swap3A_663, %swap3A_664] {strides = array<i32>} : memref<158x32xf32, #tpu.memory_space<vmem>>, vector<16xf32>,
        tpu.vector_store %arg20[%swap3A_663, %swap3A_664], %mul3A_662 {strides = array<i32>} : memref<158x32xf32, #tpu.memory_space<vmem>>, vector<16xf32>,
        %get3A_666 = arith.index_cast %add3A_651 : i32 to index
        %get3A_667 = arith.constant 16 : index
        %get3A_668 = tpu.vector_load %arg20[%get3A_666, %get3A_667] {strides = array<i32>} : memref<158x32xf32, #tpu.memory_space<vmem>>, vector<16xf32>,
        %get3A_669 = arith.index_cast %add3A_651 : i32 to index
        %get3A_670 = arith.constant 16 : index
        %get3A_671 = tpu.vector_load %arg21[%get3A_669, %get3A_670] {strides = array<i32>} : memref<158x32xf32, #tpu.memory_space<vmem>>, vector<16xf32>,
        %add3A_672 = arith.addf %get3A_668, %get3A_671 : vector<16xf32>
        %get3A_673 = arith.index_cast %add3A_651 : i32 to index
        %get3A_674 = arith.constant 16 : index
        %get3A_675 = tpu.vector_load %arg22[%get3A_673, %get3A_674] {strides = array<i32>} : memref<158x32xf32, #tpu.memory_space<vmem>>, vector<16xf32>,
        %mul3A_676 = arith.mulf %get3A_675, %add3A_672 : vector<16xf32>
        %swap3A_677 = arith.index_cast %add3A_651 : i32 to index
        %swap3A_678 = arith.constant 16 : index
        %swap3A_679 = tpu.vector_load %arg20[%swap3A_677, %swap3A_678] {strides = array<i32>} : memref<158x32xf32, #tpu.memory_space<vmem>>, vector<16xf32>,
        tpu.vector_store %arg20[%swap3A_677, %swap3A_678], %mul3A_676 {strides = array<i32>} : memref<158x32xf32, #tpu.memory_space<vmem>>, vector<16xf32>,
      }
      %scan3A_616 = arith.constant 79 : i32
    } else {
    }
    %ne3A_472 = arith.constant 0 : i32
    %ne3A_473 = arith.cmpi ne, %arg0, %ne3A_472 : i32
    %convert_element_type3A_474 = arith.extui %ne3A_473 : i1 to i32
    %cond3A_475 = arith.constant 0 : i32
    %cond3A_476 = arith.cmpi ne, %convert_element_type3A_474, %cond3A_475 : i32
    scf.if %cond3A_476 {
      %scan3A_611 = arith.constant 0 : i32
      %scan3A_612 = arith.constant 0 : i32
      %scan3A_613 = arith.constant 79 : i32
      %scan3A_614 = arith.addi %scan3A_612, %scan3A_613 : i32
      %scan3A_615 = arith.constant 1 : i32
      scf.for %scan3A_617 = %scan3A_612 to %scan3A_614 step %scan3A_615  : i32 {
        %mul3A_618 = arith.constant 2 : i32
        %mul3A_619 = arith.muli %mul3A_618, %scan3A_617 : i32
        %add3A_620 = arith.constant 0 : i32
        %add3A_621 = arith.addi %mul3A_619, %add3A_620 : i32
        %get3A = arith.index_cast %add3A_621 : i32 to index
        %get3A_622 = arith.constant 0 : index
        %get3A_623 = tpu.vector_load %arg20[%get3A, %get3A_622] {strides = array<i32>} : memref<158x32xf32, #tpu.memory_space<vmem>>, vector<16xf32>,
        %get3A_624 = arith.index_cast %add3A_621 : i32 to index
        %get3A_625 = arith.constant 0 : index
        %get3A_626 = tpu.vector_load %arg22[%get3A_624, %get3A_625] {strides = array<i32>} : memref<158x32xf32, #tpu.memory_space<vmem>>, vector<16xf32>,
        %mul3A_627 = arith.mulf %get3A_626, %get3A_623 : vector<16xf32>
        %swap3A = arith.index_cast %add3A_621 : i32 to index
        %swap3A_628 = arith.constant 0 : index
        %swap3A_629 = tpu.vector_load %arg20[%swap3A, %swap3A_628] {strides = array<i32>} : memref<158x32xf32, #tpu.memory_space<vmem>>, vector<16xf32>,
        tpu.vector_store %arg20[%swap3A, %swap3A_628], %mul3A_627 {strides = array<i32>} : memref<158x32xf32, #tpu.memory_space<vmem>>, vector<16xf32>,
        %get3A_630 = arith.index_cast %add3A_621 : i32 to index
        %get3A_631 = arith.constant 16 : index
        %get3A_632 = tpu.vector_load %arg20[%get3A_630, %get3A_631] {strides = array<i32>} : memref<158x32xf32, #tpu.memory_space<vmem>>, vector<16xf32>,
        %get3A_633 = arith.index_cast %add3A_621 : i32 to index
        %get3A_634 = arith.constant 16 : index
        %get3A_635 = tpu.vector_load %arg22[%get3A_633, %get3A_634] {strides = array<i32>} : memref<158x32xf32, #tpu.memory_space<vmem>>, vector<16xf32>,
        %mul3A_636 = arith.mulf %get3A_635, %get3A_632 : vector<16xf32>
        %swap3A_637 = arith.index_cast %add3A_621 : i32 to index
        %swap3A_638 = arith.constant 16 : index
        %swap3A_639 = tpu.vector_load %arg20[%swap3A_637, %swap3A_638] {strides = array<i32>} : memref<158x32xf32, #tpu.memory_space<vmem>>, vector<16xf32>,
        tpu.vector_store %arg20[%swap3A_637, %swap3A_638], %mul3A_636 {strides = array<i32>} : memref<158x32xf32, #tpu.memory_space<vmem>>, vector<16xf32>,
        %mul3A_640 = arith.constant 2 : i32
        %mul3A_641 = arith.muli %mul3A_640, %scan3A_617 : i32
        %add3A_642 = arith.constant 1 : i32
        %add3A_643 = arith.addi %mul3A_641, %add3A_642 : i32
        %get3A_644 = arith.index_cast %add3A_643 : i32 to index
        %get3A_645 = arith.constant 0 : index
        %get3A_646 = tpu.vector_load %arg20[%get3A_644, %get3A_645] {strides = array<i32>} : memref<158x32xf32, #tpu.memory_space<vmem>>, vector<16xf32>,
        %get3A_647 = arith.index_cast %add3A_643 : i32 to index
        %get3A_648 = arith.constant 0 : index
        %get3A_649 = tpu.vector_load %arg22[%get3A_647, %get3A_648] {strides = array<i32>} : memref<158x32xf32, #tpu.memory_space<vmem>>, vector<16xf32>,
        %mul3A_650 = arith.mulf %get3A_649, %get3A_646 : vector<16xf32>
        %swap3A_651 = arith.index_cast %add3A_643 : i32 to index
        %swap3A_652 = arith.constant 0 : index
        %swap3A_653 = tpu.vector_load %arg20[%swap3A_651, %swap3A_652] {strides = array<i32>} : memref<158x32xf32, #tpu.memory_space<vmem>>, vector<16xf32>,
        tpu.vector_store %arg20[%swap3A_651, %swap3A_652], %mul3A_650 {strides = array<i32>} : memref<158x32xf32, #tpu.memory_space<vmem>>, vector<16xf32>,
        %get3A_654 = arith.index_cast %add3A_643 : i32 to index
        %get3A_655 = arith.constant 16 : index
        %get3A_656 = tpu.vector_load %arg20[%get3A_654, %get3A_655] {strides = array<i32>} : memref<158x32xf32, #tpu.memory_space<vmem>>, vector<16xf32>,
        %get3A_657 = arith.index_cast %add3A_643 : i32 to index
        %get3A_658 = arith.constant 16 : index
        %get3A_659 = tpu.vector_load %arg22[%get3A_657, %get3A_658] {strides = array<i32>} : memref<158x32xf32, #tpu.memory_space<vmem>>, vector<16xf32>,
        %mul3A_660 = arith.mulf %get3A_659, %get3A_656 : vector<16xf32>
        %swap3A_661 = arith.index_cast %add3A_643 : i32 to index
        %swap3A_662 = arith.constant 16 : index
        %swap3A_663 = tpu.vector_load %arg20[%swap3A_661, %swap3A_662] {strides = array<i32>} : memref<158x32xf32, #tpu.memory_space<vmem>>, vector<16xf32>,
        tpu.vector_store %arg20[%swap3A_661, %swap3A_662], %mul3A_660 {strides = array<i32>} : memref<158x32xf32, #tpu.memory_space<vmem>>, vector<16xf32>,
      }
      %scan3A_616 = arith.constant 79 : i32
    } else {
    }
    %mul3A_477 = arith.constant 10112 : i32
    %mul3A_478 = arith.muli %arg0, %mul3A_477 : i32
    %mul3A_479 = arith.constant 632 : i32
    %mul3A_480 = arith.muli %arg1, %mul3A_479 : i32
    %add3A_481 = arith.addi %mul3A_478, %mul3A_480 : i32
    %add3A_482 = arith.constant 158 : i32
    %add3A_483 = arith.addi %add3A_481, %add3A_482 : i32
    %dma_start3A_484 = arith.constant 0 : i32
    %dma_start3A_485 = tpu.memref_slice %arg8[%add3A_483, %dma_start3A_484] : memref<20224x32xf32, #tpu.memory_space<hbm>> -> memref<158x32xf32, #tpu.memory_space<hbm>>
    %dma_start3A_486 = arith.constant 0 : i32
    %dma_start3A_487 = tpu.memref_slice %arg8[%add3A_483, %dma_start3A_486] : memref<20224x32xf32, #tpu.memory_space<hbm>> -> memref<158x32xf32, #tpu.memory_space<hbm>>
    tpu.enqueue_dma source(%arg20 : memref<158x32xf32, #tpu.memory_space<vmem>>) target(%dma_start3A_487 : memref<158x32xf32, #tpu.memory_space<hbm>>) target_semaphore(%arg33 : memref<!tpu.dma_semaphore, #tpu.memory_space<semaphore_mem>>)
    %mul3A_488 = arith.constant 10112 : i32
    %mul3A_489 = arith.muli %arg0, %mul3A_488 : i32
    %mul3A_490 = arith.constant 632 : i32
    %mul3A_491 = arith.muli %arg1, %mul3A_490 : i32
    %add3A_492 = arith.addi %mul3A_489, %mul3A_491 : i32
    %add3A_493 = arith.constant 158 : i32
    %add3A_494 = arith.addi %add3A_492, %add3A_493 : i32
    %dma_wait3A_495 = arith.constant 0 : i32
    %dma_wait3A_496 = tpu.memref_slice %arg8[%add3A_494, %dma_wait3A_495] : memref<20224x32xf32, #tpu.memory_space<hbm>> -> memref<158x32xf32, #tpu.memory_space<hbm>>
    %dma_wait3A_497 = arith.constant 0 : i32
    %dma_wait3A_498 = tpu.memref_slice %arg8[%add3A_494, %dma_wait3A_497] : memref<20224x32xf32, #tpu.memory_space<hbm>> -> memref<158x32xf32, #tpu.memory_space<hbm>>
    tpu.wait_dma2 semaphore(%arg33 : memref<!tpu.dma_semaphore, #tpu.memory_space<semaphore_mem>>) src(%arg20 : memref<158x32xf32, #tpu.memory_space<vmem>>) dst(%dma_wait3A_498 : memref<158x32xf32, #tpu.memory_space<hbm>>)
    %mul3A_499 = arith.constant 632 : i32
    %mul3A_500 = arith.muli %arg1, %mul3A_499 : i32
    %add3A_501 = arith.constant 474 : i32
    %add3A_502 = arith.addi %mul3A_500, %add3A_501 : i32
    %dma_start3A_503 = arith.constant 0 : i32
    %dma_start3A_504 = tpu.memref_slice %arg9[%add3A_502, %dma_start3A_503] : memref<10112x32xf32, #tpu.memory_space<vmem_shared>> -> memref<158x32xf32, #tpu.memory_space<vmem_shared>>
    %dma_start3A_505 = arith.constant 0 : i32
    %dma_start3A_506 = tpu.memref_slice %arg9[%add3A_502, %dma_start3A_505] : memref<10112x32xf32, #tpu.memory_space<vmem_shared>> -> memref<158x32xf32, #tpu.memory_space<vmem_shared>>
    tpu.enqueue_dma source(%dma_start3A_506 : memref<158x32xf32, #tpu.memory_space<vmem_shared>>) target(%arg20 : memref<158x32xf32, #tpu.memory_space<vmem>>) target_semaphore(%arg28 : memref<!tpu.dma_semaphore, #tpu.memory_space<semaphore_mem>>)
    %dma_start3A_507 = arith.constant 0 : i32
    %dma_start3A_508 = tpu.memref_slice %arg4[%add3A_502, %dma_start3A_507] : memref<10112x32xf32, #tpu.memory_space<hbm>> -> memref<158x32xf32, #tpu.memory_space<hbm>>
    %dma_start3A_509 = arith.constant 0 : i32
    %dma_start3A_510 = tpu.memref_slice %arg4[%add3A_502, %dma_start3A_509] : memref<10112x32xf32, #tpu.memory_space<hbm>> -> memref<158x32xf32, #tpu.memory_space<hbm>>
    tpu.enqueue_dma source(%dma_start3A_510 : memref<158x32xf32, #tpu.memory_space<hbm>>) target(%arg22 : memref<158x32xf32, #tpu.memory_space<vmem>>) target_semaphore(%arg29 : memref<!tpu.dma_semaphore, #tpu.memory_space<semaphore_mem>>)
    %dma_start3A_511 = arith.constant 0 : i32
    %dma_start3A_512 = tpu.memref_slice %arg10[%add3A_502, %dma_start3A_511] : memref<10112x32xf32, #tpu.memory_space<vmem_shared>> -> memref<158x32xf32, #tpu.memory_space<vmem_shared>>
    %dma_start3A_513 = arith.constant 0 : i32
    %dma_start3A_514 = tpu.memref_slice %arg10[%add3A_502, %dma_start3A_513] : memref<10112x32xf32, #tpu.memory_space<vmem_shared>> -> memref<158x32xf32, #tpu.memory_space<vmem_shared>>
    tpu.enqueue_dma source(%dma_start3A_514 : memref<158x32xf32, #tpu.memory_space<vmem_shared>>) target(%arg21 : memref<158x32xf32, #tpu.memory_space<vmem>>) target_semaphore(%arg30 : memref<!tpu.dma_semaphore, #tpu.memory_space<semaphore_mem>>)
    %mul3A_515 = arith.constant 632 : i32
    %mul3A_516 = arith.muli %arg1, %mul3A_515 : i32
    %add3A_517 = arith.constant 316 : i32
    %add3A_518 = arith.addi %mul3A_516, %add3A_517 : i32
    %dma_wait3A_519 = arith.constant 0 : i32
    %dma_wait3A_520 = tpu.memref_slice %arg9[%add3A_518, %dma_wait3A_519] : memref<10112x32xf32, #tpu.memory_space<vmem_shared>> -> memref<158x32xf32, #tpu.memory_space<vmem_shared>>
    %dma_wait3A_521 = arith.constant 0 : i32
    %dma_wait3A_522 = tpu.memref_slice %arg9[%add3A_518, %dma_wait3A_521] : memref<10112x32xf32, #tpu.memory_space<vmem_shared>> -> memref<158x32xf32, #tpu.memory_space<vmem_shared>>
    tpu.wait_dma2 semaphore(%arg24 : memref<!tpu.dma_semaphore, #tpu.memory_space<semaphore_mem>>) src(%dma_wait3A_522 : memref<158x32xf32, #tpu.memory_space<vmem_shared>>) dst(%arg16 : memref<158x32xf32, #tpu.memory_space<vmem>>)
    %dma_wait3A_523 = arith.constant 0 : i32
    %dma_wait3A_524 = tpu.memref_slice %arg4[%add3A_518, %dma_wait3A_523] : memref<10112x32xf32, #tpu.memory_space<hbm>> -> memref<158x32xf32, #tpu.memory_space<hbm>>
    %dma_wait3A_525 = arith.constant 0 : i32
    %dma_wait3A_526 = tpu.memref_slice %arg4[%add3A_518, %dma_wait3A_525] : memref<10112x32xf32, #tpu.memory_space<hbm>> -> memref<158x32xf32, #tpu.memory_space<hbm>>
    tpu.wait_dma2 semaphore(%arg25 : memref<!tpu.dma_semaphore, #tpu.memory_space<semaphore_mem>>) src(%dma_wait3A_526 : memref<158x32xf32, #tpu.memory_space<hbm>>) dst(%arg18 : memref<158x32xf32, #tpu.memory_space<vmem>>)
    %dma_wait3A_527 = arith.constant 0 : i32
    %dma_wait3A_528 = tpu.memref_slice %arg10[%add3A_518, %dma_wait3A_527] : memref<10112x32xf32, #tpu.memory_space<vmem_shared>> -> memref<158x32xf32, #tpu.memory_space<vmem_shared>>
    %dma_wait3A_529 = arith.constant 0 : i32
    %dma_wait3A_530 = tpu.memref_slice %arg10[%add3A_518, %dma_wait3A_529] : memref<10112x32xf32, #tpu.memory_space<vmem_shared>> -> memref<158x32xf32, #tpu.memory_space<vmem_shared>>
    tpu.wait_dma2 semaphore(%arg26 : memref<!tpu.dma_semaphore, #tpu.memory_space<semaphore_mem>>) src(%dma_wait3A_530 : memref<158x32xf32, #tpu.memory_space<vmem_shared>>) dst(%arg17 : memref<158x32xf32, #tpu.memory_space<vmem>>)
    %eq3A_531 = arith.constant 0 : i32
    %eq3A_532 = arith.cmpi eq, %arg0, %eq3A_531 : i32
    %convert_element_type3A_533 = arith.extui %eq3A_532 : i1 to i32
    %cond3A_534 = arith.constant 0 : i32
    %cond3A_535 = arith.cmpi ne, %convert_element_type3A_533, %cond3A_534 : i32
    scf.if %cond3A_535 {
      %scan3A_611 = arith.constant 0 : i32
      %scan3A_612 = arith.constant 0 : i32
      %scan3A_613 = arith.constant 79 : i32
      %scan3A_614 = arith.addi %scan3A_612, %scan3A_613 : i32
      %scan3A_615 = arith.constant 1 : i32
      scf.for %scan3A_617 = %scan3A_612 to %scan3A_614 step %scan3A_615  : i32 {
        %mul3A_618 = arith.constant 2 : i32
        %mul3A_619 = arith.muli %mul3A_618, %scan3A_617 : i32
        %add3A_620 = arith.constant 0 : i32
        %add3A_621 = arith.addi %mul3A_619, %add3A_620 : i32
        %get3A = arith.index_cast %add3A_621 : i32 to index
        %get3A_622 = arith.constant 0 : index
        %get3A_623 = tpu.vector_load %arg16[%get3A, %get3A_622] {strides = array<i32>} : memref<158x32xf32, #tpu.memory_space<vmem>>, vector<16xf32>,
        %get3A_624 = arith.index_cast %add3A_621 : i32 to index
        %get3A_625 = arith.constant 0 : index
        %get3A_626 = tpu.vector_load %arg17[%get3A_624, %get3A_625] {strides = array<i32>} : memref<158x32xf32, #tpu.memory_space<vmem>>, vector<16xf32>,
        %add3A_627 = arith.addf %get3A_623, %get3A_626 : vector<16xf32>
        %get3A_628 = arith.index_cast %add3A_621 : i32 to index
        %get3A_629 = arith.constant 0 : index
        %get3A_630 = tpu.vector_load %arg18[%get3A_628, %get3A_629] {strides = array<i32>} : memref<158x32xf32, #tpu.memory_space<vmem>>, vector<16xf32>,
        %mul3A_631 = arith.mulf %get3A_630, %add3A_627 : vector<16xf32>
        %swap3A = arith.index_cast %add3A_621 : i32 to index
        %swap3A_632 = arith.constant 0 : index
        %swap3A_633 = tpu.vector_load %arg16[%swap3A, %swap3A_632] {strides = array<i32>} : memref<158x32xf32, #tpu.memory_space<vmem>>, vector<16xf32>,
        tpu.vector_store %arg16[%swap3A, %swap3A_632], %mul3A_631 {strides = array<i32>} : memref<158x32xf32, #tpu.memory_space<vmem>>, vector<16xf32>,
        %get3A_634 = arith.index_cast %add3A_621 : i32 to index
        %get3A_635 = arith.constant 16 : index
        %get3A_636 = tpu.vector_load %arg16[%get3A_634, %get3A_635] {strides = array<i32>} : memref<158x32xf32, #tpu.memory_space<vmem>>, vector<16xf32>,
        %get3A_637 = arith.index_cast %add3A_621 : i32 to index
        %get3A_638 = arith.constant 16 : index
        %get3A_639 = tpu.vector_load %arg17[%get3A_637, %get3A_638] {strides = array<i32>} : memref<158x32xf32, #tpu.memory_space<vmem>>, vector<16xf32>,
        %add3A_640 = arith.addf %get3A_636, %get3A_639 : vector<16xf32>
        %get3A_641 = arith.index_cast %add3A_621 : i32 to index
        %get3A_642 = arith.constant 16 : index
        %get3A_643 = tpu.vector_load %arg18[%get3A_641, %get3A_642] {strides = array<i32>} : memref<158x32xf32, #tpu.memory_space<vmem>>, vector<16xf32>,
        %mul3A_644 = arith.mulf %get3A_643, %add3A_640 : vector<16xf32>
        %swap3A_645 = arith.index_cast %add3A_621 : i32 to index
        %swap3A_646 = arith.constant 16 : index
        %swap3A_647 = tpu.vector_load %arg16[%swap3A_645, %swap3A_646] {strides = array<i32>} : memref<158x32xf32, #tpu.memory_space<vmem>>, vector<16xf32>,
        tpu.vector_store %arg16[%swap3A_645, %swap3A_646], %mul3A_644 {strides = array<i32>} : memref<158x32xf32, #tpu.memory_space<vmem>>, vector<16xf32>,
        %mul3A_648 = arith.constant 2 : i32
        %mul3A_649 = arith.muli %mul3A_648, %scan3A_617 : i32
        %add3A_650 = arith.constant 1 : i32
        %add3A_651 = arith.addi %mul3A_649, %add3A_650 : i32
        %get3A_652 = arith.index_cast %add3A_651 : i32 to index
        %get3A_653 = arith.constant 0 : index
        %get3A_654 = tpu.vector_load %arg16[%get3A_652, %get3A_653] {strides = array<i32>} : memref<158x32xf32, #tpu.memory_space<vmem>>, vector<16xf32>,
        %get3A_655 = arith.index_cast %add3A_651 : i32 to index
        %get3A_656 = arith.constant 0 : index
        %get3A_657 = tpu.vector_load %arg17[%get3A_655, %get3A_656] {strides = array<i32>} : memref<158x32xf32, #tpu.memory_space<vmem>>, vector<16xf32>,
        %add3A_658 = arith.addf %get3A_654, %get3A_657 : vector<16xf32>
        %get3A_659 = arith.index_cast %add3A_651 : i32 to index
        %get3A_660 = arith.constant 0 : index
        %get3A_661 = tpu.vector_load %arg18[%get3A_659, %get3A_660] {strides = array<i32>} : memref<158x32xf32, #tpu.memory_space<vmem>>, vector<16xf32>,
        %mul3A_662 = arith.mulf %get3A_661, %add3A_658 : vector<16xf32>
        %swap3A_663 = arith.index_cast %add3A_651 : i32 to index
        %swap3A_664 = arith.constant 0 : index
        %swap3A_665 = tpu.vector_load %arg16[%swap3A_663, %swap3A_664] {strides = array<i32>} : memref<158x32xf32, #tpu.memory_space<vmem>>, vector<16xf32>,
        tpu.vector_store %arg16[%swap3A_663, %swap3A_664], %mul3A_662 {strides = array<i32>} : memref<158x32xf32, #tpu.memory_space<vmem>>, vector<16xf32>,
        %get3A_666 = arith.index_cast %add3A_651 : i32 to index
        %get3A_667 = arith.constant 16 : index
        %get3A_668 = tpu.vector_load %arg16[%get3A_666, %get3A_667] {strides = array<i32>} : memref<158x32xf32, #tpu.memory_space<vmem>>, vector<16xf32>,
        %get3A_669 = arith.index_cast %add3A_651 : i32 to index
        %get3A_670 = arith.constant 16 : index
        %get3A_671 = tpu.vector_load %arg17[%get3A_669, %get3A_670] {strides = array<i32>} : memref<158x32xf32, #tpu.memory_space<vmem>>, vector<16xf32>,
        %add3A_672 = arith.addf %get3A_668, %get3A_671 : vector<16xf32>
        %get3A_673 = arith.index_cast %add3A_651 : i32 to index
        %get3A_674 = arith.constant 16 : index
        %get3A_675 = tpu.vector_load %arg18[%get3A_673, %get3A_674] {strides = array<i32>} : memref<158x32xf32, #tpu.memory_space<vmem>>, vector<16xf32>,
        %mul3A_676 = arith.mulf %get3A_675, %add3A_672 : vector<16xf32>
        %swap3A_677 = arith.index_cast %add3A_651 : i32 to index
        %swap3A_678 = arith.constant 16 : index
        %swap3A_679 = tpu.vector_load %arg16[%swap3A_677, %swap3A_678] {strides = array<i32>} : memref<158x32xf32, #tpu.memory_space<vmem>>, vector<16xf32>,
        tpu.vector_store %arg16[%swap3A_677, %swap3A_678], %mul3A_676 {strides = array<i32>} : memref<158x32xf32, #tpu.memory_space<vmem>>, vector<16xf32>,
      }
      %scan3A_616 = arith.constant 79 : i32
    } else {
    }
    %ne3A_536 = arith.constant 0 : i32
    %ne3A_537 = arith.cmpi ne, %arg0, %ne3A_536 : i32
    %convert_element_type3A_538 = arith.extui %ne3A_537 : i1 to i32
    %cond3A_539 = arith.constant 0 : i32
    %cond3A_540 = arith.cmpi ne, %convert_element_type3A_538, %cond3A_539 : i32
    scf.if %cond3A_540 {
      %scan3A_611 = arith.constant 0 : i32
      %scan3A_612 = arith.constant 0 : i32
      %scan3A_613 = arith.constant 79 : i32
      %scan3A_614 = arith.addi %scan3A_612, %scan3A_613 : i32
      %scan3A_615 = arith.constant 1 : i32
      scf.for %scan3A_617 = %scan3A_612 to %scan3A_614 step %scan3A_615  : i32 {
        %mul3A_618 = arith.constant 2 : i32
        %mul3A_619 = arith.muli %mul3A_618, %scan3A_617 : i32
        %add3A_620 = arith.constant 0 : i32
        %add3A_621 = arith.addi %mul3A_619, %add3A_620 : i32
        %get3A = arith.index_cast %add3A_621 : i32 to index
        %get3A_622 = arith.constant 0 : index
        %get3A_623 = tpu.vector_load %arg16[%get3A, %get3A_622] {strides = array<i32>} : memref<158x32xf32, #tpu.memory_space<vmem>>, vector<16xf32>,
        %get3A_624 = arith.index_cast %add3A_621 : i32 to index
        %get3A_625 = arith.constant 0 : index
        %get3A_626 = tpu.vector_load %arg18[%get3A_624, %get3A_625] {strides = array<i32>} : memref<158x32xf32, #tpu.memory_space<vmem>>, vector<16xf32>,
        %mul3A_627 = arith.mulf %get3A_626, %get3A_623 : vector<16xf32>
        %swap3A = arith.index_cast %add3A_621 : i32 to index
        %swap3A_628 = arith.constant 0 : index
        %swap3A_629 = tpu.vector_load %arg16[%swap3A, %swap3A_628] {strides = array<i32>} : memref<158x32xf32, #tpu.memory_space<vmem>>, vector<16xf32>,
        tpu.vector_store %arg16[%swap3A, %swap3A_628], %mul3A_627 {strides = array<i32>} : memref<158x32xf32, #tpu.memory_space<vmem>>, vector<16xf32>,
        %get3A_630 = arith.index_cast %add3A_621 : i32 to index
        %get3A_631 = arith.constant 16 : index
        %get3A_632 = tpu.vector_load %arg16[%get3A_630, %get3A_631] {strides = array<i32>} : memref<158x32xf32, #tpu.memory_space<vmem>>, vector<16xf32>,
        %get3A_633 = arith.index_cast %add3A_621 : i32 to index
        %get3A_634 = arith.constant 16 : index
        %get3A_635 = tpu.vector_load %arg18[%get3A_633, %get3A_634] {strides = array<i32>} : memref<158x32xf32, #tpu.memory_space<vmem>>, vector<16xf32>,
        %mul3A_636 = arith.mulf %get3A_635, %get3A_632 : vector<16xf32>
        %swap3A_637 = arith.index_cast %add3A_621 : i32 to index
        %swap3A_638 = arith.constant 16 : index
        %swap3A_639 = tpu.vector_load %arg16[%swap3A_637, %swap3A_638] {strides = array<i32>} : memref<158x32xf32, #tpu.memory_space<vmem>>, vector<16xf32>,
        tpu.vector_store %arg16[%swap3A_637, %swap3A_638], %mul3A_636 {strides = array<i32>} : memref<158x32xf32, #tpu.memory_space<vmem>>, vector<16xf32>,
        %mul3A_640 = arith.constant 2 : i32
        %mul3A_641 = arith.muli %mul3A_640, %scan3A_617 : i32
        %add3A_642 = arith.constant 1 : i32
        %add3A_643 = arith.addi %mul3A_641, %add3A_642 : i32
        %get3A_644 = arith.index_cast %add3A_643 : i32 to index
        %get3A_645 = arith.constant 0 : index
        %get3A_646 = tpu.vector_load %arg16[%get3A_644, %get3A_645] {strides = array<i32>} : memref<158x32xf32, #tpu.memory_space<vmem>>, vector<16xf32>,
        %get3A_647 = arith.index_cast %add3A_643 : i32 to index
        %get3A_648 = arith.constant 0 : index
        %get3A_649 = tpu.vector_load %arg18[%get3A_647, %get3A_648] {strides = array<i32>} : memref<158x32xf32, #tpu.memory_space<vmem>>, vector<16xf32>,
        %mul3A_650 = arith.mulf %get3A_649, %get3A_646 : vector<16xf32>
        %swap3A_651 = arith.index_cast %add3A_643 : i32 to index
        %swap3A_652 = arith.constant 0 : index
        %swap3A_653 = tpu.vector_load %arg16[%swap3A_651, %swap3A_652] {strides = array<i32>} : memref<158x32xf32, #tpu.memory_space<vmem>>, vector<16xf32>,
        tpu.vector_store %arg16[%swap3A_651, %swap3A_652], %mul3A_650 {strides = array<i32>} : memref<158x32xf32, #tpu.memory_space<vmem>>, vector<16xf32>,
        %get3A_654 = arith.index_cast %add3A_643 : i32 to index
        %get3A_655 = arith.constant 16 : index
        %get3A_656 = tpu.vector_load %arg16[%get3A_654, %get3A_655] {strides = array<i32>} : memref<158x32xf32, #tpu.memory_space<vmem>>, vector<16xf32>,
        %get3A_657 = arith.index_cast %add3A_643 : i32 to index
        %get3A_658 = arith.constant 16 : index
        %get3A_659 = tpu.vector_load %arg18[%get3A_657, %get3A_658] {strides = array<i32>} : memref<158x32xf32, #tpu.memory_space<vmem>>, vector<16xf32>,
        %mul3A_660 = arith.mulf %get3A_659, %get3A_656 : vector<16xf32>
        %swap3A_661 = arith.index_cast %add3A_643 : i32 to index
        %swap3A_662 = arith.constant 16 : index
        %swap3A_663 = tpu.vector_load %arg16[%swap3A_661, %swap3A_662] {strides = array<i32>} : memref<158x32xf32, #tpu.memory_space<vmem>>, vector<16xf32>,
        tpu.vector_store %arg16[%swap3A_661, %swap3A_662], %mul3A_660 {strides = array<i32>} : memref<158x32xf32, #tpu.memory_space<vmem>>, vector<16xf32>,
      }
      %scan3A_616 = arith.constant 79 : i32
    } else {
    }
    %mul3A_541 = arith.constant 10112 : i32
    %mul3A_542 = arith.muli %arg0, %mul3A_541 : i32
    %mul3A_543 = arith.constant 632 : i32
    %mul3A_544 = arith.muli %arg1, %mul3A_543 : i32
    %add3A_545 = arith.addi %mul3A_542, %mul3A_544 : i32
    %add3A_546 = arith.constant 316 : i32
    %add3A_547 = arith.addi %add3A_545, %add3A_546 : i32
    %dma_start3A_548 = arith.constant 0 : i32
    %dma_start3A_549 = tpu.memref_slice %arg8[%add3A_547, %dma_start3A_548] : memref<20224x32xf32, #tpu.memory_space<hbm>> -> memref<158x32xf32, #tpu.memory_space<hbm>>
    %dma_start3A_550 = arith.constant 0 : i32
    %dma_start3A_551 = tpu.memref_slice %arg8[%add3A_547, %dma_start3A_550] : memref<20224x32xf32, #tpu.memory_space<hbm>> -> memref<158x32xf32, #tpu.memory_space<hbm>>
    tpu.enqueue_dma source(%arg16 : memref<158x32xf32, #tpu.memory_space<vmem>>) target(%dma_start3A_551 : memref<158x32xf32, #tpu.memory_space<hbm>>) target_semaphore(%arg33 : memref<!tpu.dma_semaphore, #tpu.memory_space<semaphore_mem>>)
    %mul3A_552 = arith.constant 632 : i32
    %mul3A_553 = arith.muli %arg1, %mul3A_552 : i32
    %add3A_554 = arith.constant 474 : i32
    %add3A_555 = arith.addi %mul3A_553, %add3A_554 : i32
    %dma_wait3A_556 = arith.constant 0 : i32
    %dma_wait3A_557 = tpu.memref_slice %arg9[%add3A_555, %dma_wait3A_556] : memref<10112x32xf32, #tpu.memory_space<vmem_shared>> -> memref<158x32xf32, #tpu.memory_space<vmem_shared>>
    %dma_wait3A_558 = arith.constant 0 : i32
    %dma_wait3A_559 = tpu.memref_slice %arg9[%add3A_555, %dma_wait3A_558] : memref<10112x32xf32, #tpu.memory_space<vmem_shared>> -> memref<158x32xf32, #tpu.memory_space<vmem_shared>>
    tpu.wait_dma2 semaphore(%arg28 : memref<!tpu.dma_semaphore, #tpu.memory_space<semaphore_mem>>) src(%dma_wait3A_559 : memref<158x32xf32, #tpu.memory_space<vmem_shared>>) dst(%arg20 : memref<158x32xf32, #tpu.memory_space<vmem>>)
    %dma_wait3A_560 = arith.constant 0 : i32
    %dma_wait3A_561 = tpu.memref_slice %arg4[%add3A_555, %dma_wait3A_560] : memref<10112x32xf32, #tpu.memory_space<hbm>> -> memref<158x32xf32, #tpu.memory_space<hbm>>
    %dma_wait3A_562 = arith.constant 0 : i32
    %dma_wait3A_563 = tpu.memref_slice %arg4[%add3A_555, %dma_wait3A_562] : memref<10112x32xf32, #tpu.memory_space<hbm>> -> memref<158x32xf32, #tpu.memory_space<hbm>>
    tpu.wait_dma2 semaphore(%arg29 : memref<!tpu.dma_semaphore, #tpu.memory_space<semaphore_mem>>) src(%dma_wait3A_563 : memref<158x32xf32, #tpu.memory_space<hbm>>) dst(%arg22 : memref<158x32xf32, #tpu.memory_space<vmem>>)
    %dma_wait3A_564 = arith.constant 0 : i32
    %dma_wait3A_565 = tpu.memref_slice %arg10[%add3A_555, %dma_wait3A_564] : memref<10112x32xf32, #tpu.memory_space<vmem_shared>> -> memref<158x32xf32, #tpu.memory_space<vmem_shared>>
    %dma_wait3A_566 = arith.constant 0 : i32
    %dma_wait3A_567 = tpu.memref_slice %arg10[%add3A_555, %dma_wait3A_566] : memref<10112x32xf32, #tpu.memory_space<vmem_shared>> -> memref<158x32xf32, #tpu.memory_space<vmem_shared>>
    tpu.wait_dma2 semaphore(%arg30 : memref<!tpu.dma_semaphore, #tpu.memory_space<semaphore_mem>>) src(%dma_wait3A_567 : memref<158x32xf32, #tpu.memory_space<vmem_shared>>) dst(%arg21 : memref<158x32xf32, #tpu.memory_space<vmem>>)
    %eq3A_568 = arith.constant 0 : i32
    %eq3A_569 = arith.cmpi eq, %arg0, %eq3A_568 : i32
    %convert_element_type3A_570 = arith.extui %eq3A_569 : i1 to i32
    %cond3A_571 = arith.constant 0 : i32
    %cond3A_572 = arith.cmpi ne, %convert_element_type3A_570, %cond3A_571 : i32
    scf.if %cond3A_572 {
      %scan3A_611 = arith.constant 0 : i32
      %scan3A_612 = arith.constant 0 : i32
      %scan3A_613 = arith.constant 79 : i32
      %scan3A_614 = arith.addi %scan3A_612, %scan3A_613 : i32
      %scan3A_615 = arith.constant 1 : i32
      scf.for %scan3A_617 = %scan3A_612 to %scan3A_614 step %scan3A_615  : i32 {
        %mul3A_618 = arith.constant 2 : i32
        %mul3A_619 = arith.muli %mul3A_618, %scan3A_617 : i32
        %add3A_620 = arith.constant 0 : i32
        %add3A_621 = arith.addi %mul3A_619, %add3A_620 : i32
        %get3A = arith.index_cast %add3A_621 : i32 to index
        %get3A_622 = arith.constant 0 : index
        %get3A_623 = tpu.vector_load %arg20[%get3A, %get3A_622] {strides = array<i32>} : memref<158x32xf32, #tpu.memory_space<vmem>>, vector<16xf32>,
        %get3A_624 = arith.index_cast %add3A_621 : i32 to index
        %get3A_625 = arith.constant 0 : index
        %get3A_626 = tpu.vector_load %arg21[%get3A_624, %get3A_625] {strides = array<i32>} : memref<158x32xf32, #tpu.memory_space<vmem>>, vector<16xf32>,
        %add3A_627 = arith.addf %get3A_623, %get3A_626 : vector<16xf32>
        %get3A_628 = arith.index_cast %add3A_621 : i32 to index
        %get3A_629 = arith.constant 0 : index
        %get3A_630 = tpu.vector_load %arg22[%get3A_628, %get3A_629] {strides = array<i32>} : memref<158x32xf32, #tpu.memory_space<vmem>>, vector<16xf32>,
        %mul3A_631 = arith.mulf %get3A_630, %add3A_627 : vector<16xf32>
        %swap3A = arith.index_cast %add3A_621 : i32 to index
        %swap3A_632 = arith.constant 0 : index
        %swap3A_633 = tpu.vector_load %arg20[%swap3A, %swap3A_632] {strides = array<i32>} : memref<158x32xf32, #tpu.memory_space<vmem>>, vector<16xf32>,
        tpu.vector_store %arg20[%swap3A, %swap3A_632], %mul3A_631 {strides = array<i32>} : memref<158x32xf32, #tpu.memory_space<vmem>>, vector<16xf32>,
        %get3A_634 = arith.index_cast %add3A_621 : i32 to index
        %get3A_635 = arith.constant 16 : index
        %get3A_636 = tpu.vector_load %arg20[%get3A_634, %get3A_635] {strides = array<i32>} : memref<158x32xf32, #tpu.memory_space<vmem>>, vector<16xf32>,
        %get3A_637 = arith.index_cast %add3A_621 : i32 to index
        %get3A_638 = arith.constant 16 : index
        %get3A_639 = tpu.vector_load %arg21[%get3A_637, %get3A_638] {strides = array<i32>} : memref<158x32xf32, #tpu.memory_space<vmem>>, vector<16xf32>,
        %add3A_640 = arith.addf %get3A_636, %get3A_639 : vector<16xf32>
        %get3A_641 = arith.index_cast %add3A_621 : i32 to index
        %get3A_642 = arith.constant 16 : index
        %get3A_643 = tpu.vector_load %arg22[%get3A_641, %get3A_642] {strides = array<i32>} : memref<158x32xf32, #tpu.memory_space<vmem>>, vector<16xf32>,
        %mul3A_644 = arith.mulf %get3A_643, %add3A_640 : vector<16xf32>
        %swap3A_645 = arith.index_cast %add3A_621 : i32 to index
        %swap3A_646 = arith.constant 16 : index
        %swap3A_647 = tpu.vector_load %arg20[%swap3A_645, %swap3A_646] {strides = array<i32>} : memref<158x32xf32, #tpu.memory_space<vmem>>, vector<16xf32>,
        tpu.vector_store %arg20[%swap3A_645, %swap3A_646], %mul3A_644 {strides = array<i32>} : memref<158x32xf32, #tpu.memory_space<vmem>>, vector<16xf32>,
        %mul3A_648 = arith.constant 2 : i32
        %mul3A_649 = arith.muli %mul3A_648, %scan3A_617 : i32
        %add3A_650 = arith.constant 1 : i32
        %add3A_651 = arith.addi %mul3A_649, %add3A_650 : i32
        %get3A_652 = arith.index_cast %add3A_651 : i32 to index
        %get3A_653 = arith.constant 0 : index
        %get3A_654 = tpu.vector_load %arg20[%get3A_652, %get3A_653] {strides = array<i32>} : memref<158x32xf32, #tpu.memory_space<vmem>>, vector<16xf32>,
        %get3A_655 = arith.index_cast %add3A_651 : i32 to index
        %get3A_656 = arith.constant 0 : index
        %get3A_657 = tpu.vector_load %arg21[%get3A_655, %get3A_656] {strides = array<i32>} : memref<158x32xf32, #tpu.memory_space<vmem>>, vector<16xf32>,
        %add3A_658 = arith.addf %get3A_654, %get3A_657 : vector<16xf32>
        %get3A_659 = arith.index_cast %add3A_651 : i32 to index
        %get3A_660 = arith.constant 0 : index
        %get3A_661 = tpu.vector_load %arg22[%get3A_659, %get3A_660] {strides = array<i32>} : memref<158x32xf32, #tpu.memory_space<vmem>>, vector<16xf32>,
        %mul3A_662 = arith.mulf %get3A_661, %add3A_658 : vector<16xf32>
        %swap3A_663 = arith.index_cast %add3A_651 : i32 to index
        %swap3A_664 = arith.constant 0 : index
        %swap3A_665 = tpu.vector_load %arg20[%swap3A_663, %swap3A_664] {strides = array<i32>} : memref<158x32xf32, #tpu.memory_space<vmem>>, vector<16xf32>,
        tpu.vector_store %arg20[%swap3A_663, %swap3A_664], %mul3A_662 {strides = array<i32>} : memref<158x32xf32, #tpu.memory_space<vmem>>, vector<16xf32>,
        %get3A_666 = arith.index_cast %add3A_651 : i32 to index
        %get3A_667 = arith.constant 16 : index
        %get3A_668 = tpu.vector_load %arg20[%get3A_666, %get3A_667] {strides = array<i32>} : memref<158x32xf32, #tpu.memory_space<vmem>>, vector<16xf32>,
        %get3A_669 = arith.index_cast %add3A_651 : i32 to index
        %get3A_670 = arith.constant 16 : index
        %get3A_671 = tpu.vector_load %arg21[%get3A_669, %get3A_670] {strides = array<i32>} : memref<158x32xf32, #tpu.memory_space<vmem>>, vector<16xf32>,
        %add3A_672 = arith.addf %get3A_668, %get3A_671 : vector<16xf32>
        %get3A_673 = arith.index_cast %add3A_651 : i32 to index
        %get3A_674 = arith.constant 16 : index
        %get3A_675 = tpu.vector_load %arg22[%get3A_673, %get3A_674] {strides = array<i32>} : memref<158x32xf32, #tpu.memory_space<vmem>>, vector<16xf32>,
        %mul3A_676 = arith.mulf %get3A_675, %add3A_672 : vector<16xf32>
        %swap3A_677 = arith.index_cast %add3A_651 : i32 to index
        %swap3A_678 = arith.constant 16 : index
        %swap3A_679 = tpu.vector_load %arg20[%swap3A_677, %swap3A_678] {strides = array<i32>} : memref<158x32xf32, #tpu.memory_space<vmem>>, vector<16xf32>,
        tpu.vector_store %arg20[%swap3A_677, %swap3A_678], %mul3A_676 {strides = array<i32>} : memref<158x32xf32, #tpu.memory_space<vmem>>, vector<16xf32>,
      }
      %scan3A_616 = arith.constant 79 : i32
    } else {
    }
    %ne3A_573 = arith.constant 0 : i32
    %ne3A_574 = arith.cmpi ne, %arg0, %ne3A_573 : i32
    %convert_element_type3A_575 = arith.extui %ne3A_574 : i1 to i32
    %cond3A_576 = arith.constant 0 : i32
    %cond3A_577 = arith.cmpi ne, %convert_element_type3A_575, %cond3A_576 : i32
    scf.if %cond3A_577 {
      %scan3A_611 = arith.constant 0 : i32
      %scan3A_612 = arith.constant 0 : i32
      %scan3A_613 = arith.constant 79 : i32
      %scan3A_614 = arith.addi %scan3A_612, %scan3A_613 : i32
      %scan3A_615 = arith.constant 1 : i32
      scf.for %scan3A_617 = %scan3A_612 to %scan3A_614 step %scan3A_615  : i32 {
        %mul3A_618 = arith.constant 2 : i32
        %mul3A_619 = arith.muli %mul3A_618, %scan3A_617 : i32
        %add3A_620 = arith.constant 0 : i32
        %add3A_621 = arith.addi %mul3A_619, %add3A_620 : i32
        %get3A = arith.index_cast %add3A_621 : i32 to index
        %get3A_622 = arith.constant 0 : index
        %get3A_623 = tpu.vector_load %arg20[%get3A, %get3A_622] {strides = array<i32>} : memref<158x32xf32, #tpu.memory_space<vmem>>, vector<16xf32>,
        %get3A_624 = arith.index_cast %add3A_621 : i32 to index
        %get3A_625 = arith.constant 0 : index
        %get3A_626 = tpu.vector_load %arg22[%get3A_624, %get3A_625] {strides = array<i32>} : memref<158x32xf32, #tpu.memory_space<vmem>>, vector<16xf32>,
        %mul3A_627 = arith.mulf %get3A_626, %get3A_623 : vector<16xf32>
        %swap3A = arith.index_cast %add3A_621 : i32 to index
        %swap3A_628 = arith.constant 0 : index
        %swap3A_629 = tpu.vector_load %arg20[%swap3A, %swap3A_628] {strides = array<i32>} : memref<158x32xf32, #tpu.memory_space<vmem>>, vector<16xf32>,
        tpu.vector_store %arg20[%swap3A, %swap3A_628], %mul3A_627 {strides = array<i32>} : memref<158x32xf32, #tpu.memory_space<vmem>>, vector<16xf32>,
        %get3A_630 = arith.index_cast %add3A_621 : i32 to index
        %get3A_631 = arith.constant 16 : index
        %get3A_632 = tpu.vector_load %arg20[%get3A_630, %get3A_631] {strides = array<i32>} : memref<158x32xf32, #tpu.memory_space<vmem>>, vector<16xf32>,
        %get3A_633 = arith.index_cast %add3A_621 : i32 to index
        %get3A_634 = arith.constant 16 : index
        %get3A_635 = tpu.vector_load %arg22[%get3A_633, %get3A_634] {strides = array<i32>} : memref<158x32xf32, #tpu.memory_space<vmem>>, vector<16xf32>,
        %mul3A_636 = arith.mulf %get3A_635, %get3A_632 : vector<16xf32>
        %swap3A_637 = arith.index_cast %add3A_621 : i32 to index
        %swap3A_638 = arith.constant 16 : index
        %swap3A_639 = tpu.vector_load %arg20[%swap3A_637, %swap3A_638] {strides = array<i32>} : memref<158x32xf32, #tpu.memory_space<vmem>>, vector<16xf32>,
        tpu.vector_store %arg20[%swap3A_637, %swap3A_638], %mul3A_636 {strides = array<i32>} : memref<158x32xf32, #tpu.memory_space<vmem>>, vector<16xf32>,
        %mul3A_640 = arith.constant 2 : i32
        %mul3A_641 = arith.muli %mul3A_640, %scan3A_617 : i32
        %add3A_642 = arith.constant 1 : i32
        %add3A_643 = arith.addi %mul3A_641, %add3A_642 : i32
        %get3A_644 = arith.index_cast %add3A_643 : i32 to index
        %get3A_645 = arith.constant 0 : index
        %get3A_646 = tpu.vector_load %arg20[%get3A_644, %get3A_645] {strides = array<i32>} : memref<158x32xf32, #tpu.memory_space<vmem>>, vector<16xf32>,
        %get3A_647 = arith.index_cast %add3A_643 : i32 to index
        %get3A_648 = arith.constant 0 : index
        %get3A_649 = tpu.vector_load %arg22[%get3A_647, %get3A_648] {strides = array<i32>} : memref<158x32xf32, #tpu.memory_space<vmem>>, vector<16xf32>,
        %mul3A_650 = arith.mulf %get3A_649, %get3A_646 : vector<16xf32>
        %swap3A_651 = arith.index_cast %add3A_643 : i32 to index
        %swap3A_652 = arith.constant 0 : index
        %swap3A_653 = tpu.vector_load %arg20[%swap3A_651, %swap3A_652] {strides = array<i32>} : memref<158x32xf32, #tpu.memory_space<vmem>>, vector<16xf32>,
        tpu.vector_store %arg20[%swap3A_651, %swap3A_652], %mul3A_650 {strides = array<i32>} : memref<158x32xf32, #tpu.memory_space<vmem>>, vector<16xf32>,
        %get3A_654 = arith.index_cast %add3A_643 : i32 to index
        %get3A_655 = arith.constant 16 : index
        %get3A_656 = tpu.vector_load %arg20[%get3A_654, %get3A_655] {strides = array<i32>} : memref<158x32xf32, #tpu.memory_space<vmem>>, vector<16xf32>,
        %get3A_657 = arith.index_cast %add3A_643 : i32 to index
        %get3A_658 = arith.constant 16 : index
        %get3A_659 = tpu.vector_load %arg22[%get3A_657, %get3A_658] {strides = array<i32>} : memref<158x32xf32, #tpu.memory_space<vmem>>, vector<16xf32>,
        %mul3A_660 = arith.mulf %get3A_659, %get3A_656 : vector<16xf32>
        %swap3A_661 = arith.index_cast %add3A_643 : i32 to index
        %swap3A_662 = arith.constant 16 : index
        %swap3A_663 = tpu.vector_load %arg20[%swap3A_661, %swap3A_662] {strides = array<i32>} : memref<158x32xf32, #tpu.memory_space<vmem>>, vector<16xf32>,
        tpu.vector_store %arg20[%swap3A_661, %swap3A_662], %mul3A_660 {strides = array<i32>} : memref<158x32xf32, #tpu.memory_space<vmem>>, vector<16xf32>,
      }
      %scan3A_616 = arith.constant 79 : i32
    } else {
    }
    %mul3A_578 = arith.constant 10112 : i32
    %mul3A_579 = arith.muli %arg0, %mul3A_578 : i32
    %mul3A_580 = arith.constant 632 : i32
    %mul3A_581 = arith.muli %arg1, %mul3A_580 : i32
    %add3A_582 = arith.addi %mul3A_579, %mul3A_581 : i32
    %add3A_583 = arith.constant 474 : i32
    %add3A_584 = arith.addi %add3A_582, %add3A_583 : i32
    %dma_start3A_585 = arith.constant 0 : i32
    %dma_start3A_586 = tpu.memref_slice %arg8[%add3A_584, %dma_start3A_585] : memref<20224x32xf32, #tpu.memory_space<hbm>> -> memref<158x32xf32, #tpu.memory_space<hbm>>
    %dma_start3A_587 = arith.constant 0 : i32
    %dma_start3A_588 = tpu.memref_slice %arg8[%add3A_584, %dma_start3A_587] : memref<20224x32xf32, #tpu.memory_space<hbm>> -> memref<158x32xf32, #tpu.memory_space<hbm>>
    tpu.enqueue_dma source(%arg20 : memref<158x32xf32, #tpu.memory_space<vmem>>) target(%dma_start3A_588 : memref<158x32xf32, #tpu.memory_space<hbm>>) target_semaphore(%arg33 : memref<!tpu.dma_semaphore, #tpu.memory_space<semaphore_mem>>)
    %mul3A_589 = arith.constant 10112 : i32
    %mul3A_590 = arith.muli %arg0, %mul3A_589 : i32
    %mul3A_591 = arith.constant 632 : i32
    %mul3A_592 = arith.muli %arg1, %mul3A_591 : i32
    %add3A_593 = arith.addi %mul3A_590, %mul3A_592 : i32
    %add3A_594 = arith.constant 316 : i32
    %add3A_595 = arith.addi %add3A_593, %add3A_594 : i32
    %dma_wait3A_596 = arith.constant 0 : i32
    %dma_wait3A_597 = tpu.memref_slice %arg8[%add3A_595, %dma_wait3A_596] : memref<20224x32xf32, #tpu.memory_space<hbm>> -> memref<158x32xf32, #tpu.memory_space<hbm>>
    %dma_wait3A_598 = arith.constant 0 : i32
    %dma_wait3A_599 = tpu.memref_slice %arg8[%add3A_595, %dma_wait3A_598] : memref<20224x32xf32, #tpu.memory_space<hbm>> -> memref<158x32xf32, #tpu.memory_space<hbm>>
    tpu.wait_dma2 semaphore(%arg33 : memref<!tpu.dma_semaphore, #tpu.memory_space<semaphore_mem>>) src(%arg16 : memref<158x32xf32, #tpu.memory_space<vmem>>) dst(%dma_wait3A_599 : memref<158x32xf32, #tpu.memory_space<hbm>>)
    %mul3A_600 = arith.constant 10112 : i32
    %mul3A_601 = arith.muli %arg0, %mul3A_600 : i32
    %mul3A_602 = arith.constant 632 : i32
    %mul3A_603 = arith.muli %arg1, %mul3A_602 : i32
    %add3A_604 = arith.addi %mul3A_601, %mul3A_603 : i32
    %add3A_605 = arith.constant 474 : i32
    %add3A_606 = arith.addi %add3A_604, %add3A_605 : i32
    %dma_wait3A_607 = arith.constant 0 : i32
    %dma_wait3A_608 = tpu.memref_slice %arg8[%add3A_606, %dma_wait3A_607] : memref<20224x32xf32, #tpu.memory_space<hbm>> -> memref<158x32xf32, #tpu.memory_space<hbm>>
    %dma_wait3A_609 = arith.constant 0 : i32
    %dma_wait3A_610 = tpu.memref_slice %arg8[%add3A_606, %dma_wait3A_609] : memref<20224x32xf32, #tpu.memory_space<hbm>> -> memref<158x32xf32, #tpu.memory_space<hbm>>
    tpu.wait_dma2 semaphore(%arg33 : memref<!tpu.dma_semaphore, #tpu.memory_space<semaphore_mem>>) src(%arg20 : memref<158x32xf32, #tpu.memory_space<vmem>>) dst(%dma_wait3A_610 : memref<158x32xf32, #tpu.memory_space<hbm>>)
    return
  }
}

module attributes {stable_mosaic.version = 14 : i64} {
  func.func @_tc_scale_body(%arg0: memref<32x10112xf32, #tpu.memory_space<vmem>>, %arg1: memref<10000x32xf32, #tpu.memory_space<vmem>>, %arg2: memref<10112x32xf32, #tpu.memory_space<vmem>>, %arg3: memref<10112x32xf32, #tpu.memory_space<vmem>>) attributes {dimension_semantics = [], scalar_prefetch = 0 : i64, scratch_operands = 0 : i64, tpu.core_type = #tpu.core_type<tc>} {
    %get3A = arith.constant 0 : index
    %get3A_0 = arith.constant 0 : index
    %get3A_1 = vector.load %arg0[%get3A, %get3A_0] : memref<32x10112xf32, #tpu.memory_space<vmem>>, vector<32x10112xf32>
    %reduce_sum3A = arith.constant dense<0.000000e+00> : vector<10112xf32>
    %reduce_sum3A_2 = vector.multi_reduction <add>, %get3A_1, %reduce_sum3A [0] : vector<32x10112xf32> to vector<10112xf32>
    %add3A = arith.constant 1.000000e+00 : f32
    %add3A_3 = vector.broadcast %add3A : f32 to vector<10112xf32>
    %add3A_4 = arith.addf %reduce_sum3A_2, %add3A_3 : vector<10112xf32>
    %rsqrt3A = math.rsqrt %add3A_4 : vector<10112xf32>
    %broadcast_in_dim3A = vector.shape_cast %rsqrt3A : vector<10112xf32> to vector<10112x1xf32>
    %broadcast_in_dim3A_5 = vector.shape_cast %broadcast_in_dim3A : vector<10112x1xf32> to vector<10112x1xf32>
    %broadcast_in_dim3A_6 = vector.broadcast %broadcast_in_dim3A_5 : vector<10112x1xf32> to vector<10112x32xf32>
    %get3A_7 = arith.constant 0 : index
    %get3A_8 = arith.constant 0 : index
    %get3A_9 = vector.load %arg1[%get3A_7, %get3A_8] : memref<10000x32xf32, #tpu.memory_space<vmem>>, vector<10000x32xf32>
    %broadcast_in_dim3A_10 = arith.constant 0.000000e+00 : f32
    %broadcast_in_dim3A_11 = vector.broadcast %broadcast_in_dim3A_10 : f32 to vector<112x32xf32>
    %concatenate3A = tpu.concatenate %get3A_9, %broadcast_in_dim3A_11 in 0 : vector<10000x32xf32>, vector<112x32xf32> -> vector<10112x32xf32>
    %mul3A = arith.mulf %broadcast_in_dim3A_6, %concatenate3A : vector<10112x32xf32>
    %swap3A = arith.constant 0 : index
    %swap3A_12 = arith.constant 0 : index
    %swap3A_13 = vector.load %arg2[%swap3A, %swap3A_12] : memref<10112x32xf32, #tpu.memory_space<vmem>>, vector<10112x32xf32>
    tpu.vector_store %arg2[%swap3A, %swap3A_12], %mul3A {strides = array<i32>} : memref<10112x32xf32, #tpu.memory_space<vmem>>, vector<10112x32xf32>,
    %swap3A_14 = arith.constant 0 : index
    %swap3A_15 = arith.constant 0 : index
    %swap3A_16 = vector.load %arg3[%swap3A_14, %swap3A_15] : memref<10112x32xf32, #tpu.memory_space<vmem>>, vector<10112x32xf32>
    tpu.vector_store %arg3[%swap3A_14, %swap3A_15], %broadcast_in_dim3A_6 {strides = array<i32>} : memref<10112x32xf32, #tpu.memory_space<vmem>>, vector<10112x32xf32>,
    return
  }
}

module attributes {stable_mosaic.version = 14 : i64} {
  func.func @_tc_mm_body(%arg0: memref<10000x128xf32, #tpu.memory_space<vmem>>, %arg1: memref<128x32xf32, #tpu.memory_space<vmem>>, %arg2: memref<10000x32xf32, #tpu.memory_space<vmem>>) attributes {dimension_semantics = [], scalar_prefetch = 0 : i64, scratch_operands = 0 : i64, tpu.core_type = #tpu.core_type<tc>} {
    %get3A = arith.constant 0 : index
    %get3A_0 = arith.constant 0 : index
    %get3A_1 = vector.load %arg0[%get3A, %get3A_0] : memref<10000x128xf32, #tpu.memory_space<vmem>>, vector<10000x128xf32>
    %get3A_2 = arith.constant 0 : index
    %get3A_3 = arith.constant 0 : index
    %get3A_4 = vector.load %arg1[%get3A_2, %get3A_3] : memref<128x32xf32, #tpu.memory_space<vmem>>, vector<128x32xf32>
    %dot_general3A = arith.constant dense<0.000000e+00> : vector<10000x32xf32>
    %dot_general3A_5 = tpu.matmul %get3A_1, %get3A_4, %dot_general3A {dimension_numbers = #tpu.dot_dimension_numbers<[1], [0], [0], [1], [0, 0, 1, 1], [], []>, transpose_lhs_hint = false} : vector<10000x128xf32>, vector<128x32xf32>, vector<10000x32xf32> -> vector<10000x32xf32>
    %swap3A = arith.constant 0 : index
    %swap3A_6 = arith.constant 0 : index
    %swap3A_7 = vector.load %arg2[%swap3A, %swap3A_6] : memref<10000x32xf32, #tpu.memory_space<vmem>>, vector<10000x32xf32>
    tpu.vector_store %arg2[%swap3A, %swap3A_6], %dot_general3A_5 {strides = array<i32>} : memref<10000x32xf32, #tpu.memory_space<vmem>>, vector<10000x32xf32>,
    return
  }
}

module attributes {stable_mosaic.version = 14 : i64} {
  func.func @_tc_final_body(%arg0: memref<20224x32xf32, #tpu.memory_space<vmem>>, %arg1: memref<32x128xf32, #tpu.memory_space<vmem>>, %arg2: memref<1x128xf32, #tpu.memory_space<vmem>>, %arg3: memref<10000x128xf32, #tpu.memory_space<vmem>>) attributes {dimension_semantics = [], scalar_prefetch = 0 : i64, scratch_operands = 0 : i64, tpu.core_type = #tpu.core_type<tc>} {
    %get3A = arith.constant 0 : index
    %get3A_0 = arith.constant 0 : index
    %get3A_1 = vector.load %arg0[%get3A, %get3A_0] : memref<20224x32xf32, #tpu.memory_space<vmem>>, vector<20224x32xf32>
    %slice3A = vector.extract_strided_slice %get3A_1 {offsets = [0, 0], sizes = [10000, 32], strides = [1, 1]} : vector<20224x32xf32> to vector<10000x32xf32>
    %slice3A_2 = vector.extract_strided_slice %get3A_1 {offsets = [10112, 0], sizes = [10000, 32], strides = [1, 1]} : vector<20224x32xf32> to vector<10000x32xf32>
    %add3A = arith.addf %slice3A, %slice3A_2 : vector<10000x32xf32>
    %get3A_3 = arith.constant 0 : index
    %get3A_4 = arith.constant 0 : index
    %get3A_5 = vector.load %arg1[%get3A_3, %get3A_4] : memref<32x128xf32, #tpu.memory_space<vmem>>, vector<32x128xf32>
    %dot_general3A = arith.constant dense<0.000000e+00> : vector<10000x128xf32>
    %dot_general3A_6 = tpu.matmul %add3A, %get3A_5, %dot_general3A {dimension_numbers = #tpu.dot_dimension_numbers<[1], [0], [0], [1], [0, 0, 1, 1], [], []>, transpose_lhs_hint = false} : vector<10000x32xf32>, vector<32x128xf32>, vector<10000x128xf32> -> vector<10000x128xf32>
    %get3A_7 = arith.constant 0 : index
    %get3A_8 = arith.constant 0 : index
    %get3A_9 = vector.load %arg2[%get3A_7, %get3A_8] : memref<1x128xf32, #tpu.memory_space<vmem>>, vector<1x128xf32>
    %add3A_10 = vector.broadcast %get3A_9 : vector<1x128xf32> to vector<10000x128xf32>
    %add3A_11 = arith.addf %dot_general3A_6, %add3A_10 : vector<10000x128xf32>
    %swap3A = arith.constant 0 : index
    %swap3A_12 = arith.constant 0 : index
    %swap3A_13 = vector.load %arg3[%swap3A, %swap3A_12] : memref<10000x128xf32, #tpu.memory_space<vmem>>, vector<10000x128xf32>
    tpu.vector_store %arg3[%swap3A, %swap3A_12], %add3A_11 {strides = array<i32>} : memref<10000x128xf32, #tpu.memory_space<vmem>>, vector<10000x128xf32>,
    return
  }
}

</mosaic_0001>

<sc_bundles>
// kernel: kernel.11.cloned.1.call-start
scs
__scs_entry_jumppad:
0x0: {  	(pc) =	sbr.rel $0x88, $3  }
0x1: {  	(tag) =	ssettag $0x0;
	lr =	simm.s32 $0x1  }
0x2: {  	[smem:$0x3F9B] =	sst lr;
	_ =	strace $0xD0000000  }
0x3: {  	_ = 	snop  }
0x4: {  	_ = 	snop  }
0x5: {  	_ = 	snop  }
0x6: {  	_ = 	snop  }
0x7: {  	_ = 	snop  }
__scs_overlays_trampoline_lowered:
0x8: {  	[smem:$0x3FAA] =	sst s0  }
0x9: {  	[smem:$0x3FAB] =	sst s1  }
0xa: {  	[smem:$0x3FAC] =	sst s2  }
0xb: {  	[smem:$0x3FAD] =	sst s3  }
0xc: {  	[smem:$0x3FAE] =	sst s4  }
0xd: {  	[smem:$0x3FAF] =	sst s5  }
0xe: {  	[smem:$0x3FB0] =	sst s6  }
0xf: {  	[smem:$0x3FB1] =	sst s7  }
0x10: {  	[smem:$0x3FB2] =	sst s8  }
0x11: {  	[smem:$0x3FB3] =	sst s9;
	s0 =	simm.s32 @!p0 $0x0  }
0x12: {  	s1 =	sld [smem:$0x3F99];
	s0 =	simm.s32 @p0 $0x1  }
0x13: {  	[smem:$0x3FB4] =	sst s0;
	s0 =	simm.s32 @!p1 $0x0  }
0x14: {  	s2 =	sld [smem:$0x3F98];
	s0 =	simm.s32 @p1 $0x1  }
0x15: {  	[smem:$0x3FB5] =	sst s0;
	s0 =	simm.s32 @!p2 $0x0  }
0x16: {  	s3 =	sld [smem:$0x3FDB];
	s0 =	simm.s32 @p2 $0x1  }
0x17: {  	s4 =	simm.s32 $0x1BF5;
	[smem:$0x3FB7] =	sst s0  }
0x18: {  	s0 =	sld [smem:$0x3F9A];
	_ =	swait.ge [sflag:s4], $0x0  }
0x19: {  	s7 =	sld [smem:$0x3F9B]  }
0x1a: {  	s8 =	sadd.s32 $0xFFFFE003, lr  }
0x1b: {  	s9 =	sadd.s32 $0xFFFFFEF7, lr;
	s5 =	simm.s32 $0xFFFFFFFF;
	p2 =	slt.u32 s8, $0xFFFFF086  }
0x1c: {  	p1 =	slt.u32 s9, $0xF7A;
	s5 =	simm.s32 @!p2 $0x0  }
0x1d: {  	s5 =	simm.s32 @p1 $0x1;
	p0 =	seq.s32 s7, s2  }
0x1e: {  	s7 =	smul.u32 @!p0 $0xF7A, s2;
	p2 =	seq.s32 @!p0 s5, $0x0  }
0x1f: {  	s9 =	smul.u32 $0xF7A, s1;
	s8 =	simm.s32 @!p0 $0x1BF5;
	p2 =	por !p2, p0  }
0x20: {  	[sflag:s8] =	ssyncset.s32 @!p0 $0xFFFFF086;
	s6 =	sadd.s32 @!p0 s3, s7;
	s7 =	simm.s32 @!p0 $0x108  }
0x21: {  	s3 =	sadd.s32 s3, s9;
	s6 =	sadd.s32 @!p0 $0x88, s6;
	s7 =	simm.s32 @p2 $0x1082  }
0x22: {  	[simem:s7], [sflag:s8] =	dma.local @!p0 [hbm:s6], $0xF7A  }
0x23: {  	s9 =	sor.u32 $0xD0000000, s2;
	s6 =	simm.s32 $0x108;
	_ =	swait.ge @!p0 [sflag:s8], $0x0  }
0x24: {  	s3 =	sadd.s32 $0x88, s3;
	s6 =	simm.s32 @!p1 $0x1082;
	[sflag:s4] =	ssyncset.s32 $0xFFFFF086  }
0x25: {  	[simem:s6], [sflag:s4] =	dma.local [hbm:s3], $0xF7A  }
0x26: {  	[smem:$0x3F9B] =	sst s1;
	(tag) =	ssettag s2;
	_ =	strace s9  }
0x27: {  	s1 =	sld [smem:$0x3FAB]  }
0x28: {  	s2 =	sld [smem:$0x3FAC]  }
0x29: {  	s4 =	sld [smem:$0x3FAE]  }
0x2a: {  	p0 =	seq.s32 s5, $0x0;
	s5 =	sld [smem:$0x3FAF]  }
0x2b: {  	s6 =	sld [smem:$0x3FB0]  }
0x2c: {  	s7 =	sld [smem:$0x3FB1]  }
0x2d: {  	s3 =	simm.s32 $0x108;
	s8 =	sld [smem:$0x3FB2]  }
0x2e: {  	s3 =	simm.s32 @!p0 $0x1082;
	s9 =	sld [smem:$0x3FB3]  }
0x2f: {  	lr =	sadd.s32 s0, s3;
	s0 =	sld [smem:$0x3FAA]  }
0x30: {  	s3 =	sld [smem:$0x3FAD]  }
0x31: {  	[smem:$0x3FB6] =	sst s10  }
0x32: {  	s10 =	sld [smem:$0x3FB4];
	_ =	sdelay $0x3  }
0x33: {  	p0 =	seq.s32 s10, $0x1;
	s10 =	sld [smem:$0x3FB6];
	_ =	sdelay $0x3  }
0x34: {  	[smem:$0x3FB6] =	sst s10  }
0x35: {  	s10 =	sld [smem:$0x3FB5];
	_ =	sdelay $0x3  }
0x36: {  	p1 =	seq.s32 s10, $0x1;
	s10 =	sld [smem:$0x3FB6];
	_ =	sdelay $0x3  }
0x37: {  	[smem:$0x3FB6] =	sst s10  }
0x38: {  	s10 =	sld [smem:$0x3FB7]  }
0x39: {  	_ = 	snop;
	(pc) =	sbr.ind lr, $3  }
0x3a: {  	_ = 	snop  }
0x3b: {  	_ = 	snop  }
0x3c: {  	p2 =	seq.s32 s10, $0x1;
	s10 =	sld [smem:$0x3FB6]  }
0x3d: {  	_ =	shalt  }
0x3e: {  	_ =	shalt  }
0x3f: {  	_ =	shalt  }
0x40: {  	_ =	shalt  }
0x41: {  	_ =	shalt  }
0x42: {  	_ =	shalt  }
0x43: {  	_ =	shalt  }
0x44: {  	_ =	shalt  }
0x45: {  	_ =	shalt  }
0x46: {  	_ =	shalt  }
0x47: {  	_ =	shalt  }
0x48: {  	_ =	shalt  }
0x49: {  	_ =	shalt  }
0x4a: {  	_ =	shalt  }
0x4b: {  	_ =	shalt  }
0x4c: {  	_ =	shalt  }
0x4d: {  	_ =	shalt  }
0x4e: {  	_ =	shalt  }
0x4f: {  	_ =	shalt  }
0x50: {  	_ =	shalt  }
0x51: {  	_ =	shalt  }
0x52: {  	_ =	shalt  }
0x53: {  	_ =	shalt  }
0x54: {  	_ =	shalt  }
0x55: {  	_ =	shalt  }
0x56: {  	_ =	shalt  }
0x57: {  	_ =	shalt  }
0x58: {  	_ =	shalt  }
0x59: {  	_ =	shalt  }
0x5a: {  	_ =	shalt  }
0x5b: {  	_ =	shalt  }
0x5c: {  	_ =	shalt  }
0x5d: {  	_ =	shalt  }
0x5e: {  	_ =	shalt  }
0x5f: {  	_ =	shalt  }
0x60: {  	_ =	shalt  }
0x61: {  	_ =	shalt  }
0x62: {  	_ =	shalt  }
0x63: {  	_ =	shalt  }
0x64: {  	_ =	shalt  }
0x65: {  	_ =	shalt  }
0x66: {  	_ =	shalt  }
0x67: {  	_ =	shalt  }
0x68: {  	_ =	shalt  }
0x69: {  	_ =	shalt  }
0x6a: {  	_ =	shalt  }
0x6b: {  	_ =	shalt  }
0x6c: {  	_ =	shalt  }
0x6d: {  	_ =	shalt  }
0x6e: {  	_ =	shalt  }
0x6f: {  	_ =	shalt  }
0x70: {  	_ =	shalt  }
0x71: {  	_ =	shalt  }
0x72: {  	_ =	shalt  }
0x73: {  	_ =	shalt  }
0x74: {  	_ =	shalt  }
0x75: {  	_ =	shalt  }
0x76: {  	_ =	shalt  }
0x77: {  	_ =	shalt  }
0x78: {  	_ =	shalt  }
0x79: {  	_ =	shalt  }
0x7a: {  	_ =	shalt  }
0x7b: {  	_ =	shalt  }
0x7c: {  	_ =	shalt  }
0x7d: {  	_ =	shalt  }
0x7e: {  	_ =	shalt  }
0x7f: {  	_ =	shalt  }
0x80: {  	_ =	shalt  }
0x81: {  	_ =	shalt  }
0x82: {  	_ =	shalt  }
0x83: {  	_ =	shalt  }
0x84: {  	_ =	shalt  }
0x85: {  	_ =	shalt  }
0x86: {  	_ =	shalt  }
0x87: {  	_ =	shalt  }
.Lfunc_end0:
.L_simem_size_0:
called_computation.1_lowered:
.L_overlay_start_0:
0x88: {  	s2 =	sld [smem:$0x3FD9]  }
0x89: {  	s3 =	sld [smem:$0x3FFE];
	_ =	sdelay $0x1  }
0x8a: {  	s1 =	srdreg.scid  }
0x8b: {  	s0 =	sand.u32 $0x1, s1  }
0x8c: {  	s16 =	sshll.u32 s0, $0xA;
	s2 =	sadd.s32 s3, s2  }
0x8d: {  	s2 =	sadd.s32 s2, s16  }
0x8e: {  	[smem:$0x3FC2] =	sst s2  }
0x8f: {  	_ = 	snop  }
0x90: {  	(tm) =	ssettm $0x1  }
0x91: {  	s17 =	sld [smem:$0x3FFB];
	_ =	sdelay $0x3  }
0x92: {  	_ =	strace s17  }
0x93: {  	s2 =	sld [smem:$0x3FFC];
	_ =	sdelay $0x3  }
0x94: {  	_ =	strace s2  }
0x95: {  	s2 =	sld [smem:$0x3FFD];
	_ =	sdelay $0x3  }
0x96: {  	_ =	strace s2  }
0x97: {  	_ =	strace $0x8FFFFFFF  }
0x98: {  	s18 =	sld [smem:$0x3FDB];
	_ =	sdelay $0x1  }
0x99: {  	s19 =	simm.s32 $_scs_section_size  }
0x9a: {  	s4 =	simm.s32 $_size__tile_overlayer_lowered;
	s5 =	simm.s32 $_tile_overlayer_lowered  }
0x9b: {  	s22 =	simm.s32 $0x1BFF;
	s21 =	sshll.u32 s5, $0x1;
	s2 =	sadd.s32 s19, s18  }
0x9c: {  	s6 =	simm.s32 $0x0;
	s20 =	sshll.u32 s4, $0x1;
	s4 =	sadd.s32 s21, s2  }
0x9d: {  	[timem:s6], [sflag:s22] =	dma.local [hbm:s4], s20  }
0x9e: {  	_ =	swait.ge [sflag:s22], s20  }
0x9f: {  	s3 =	ssub.s32 $0x0, s20;
	[sflag:s22] =	ssyncset.done $0x0  }
0xa0: {  	[sflag:s22] =	ssyncadd.s32 s3;
	_ =	sdelay $0x1  }
0xa1: {  	s23 =	simm.s32 $0x1B8B  }
0xa2: {  	_ =	swait.ge [sflag:s23], $0x1  }
0xa3: {  	[sflag:s23] =	ssyncset.done $0x0  }
0xa4: {  	s25 =	simm.s32 $0x1B8E;
	s24 =	sld [smem:$0x3FFE];
	[sflag:s23] =	ssyncadd.s32 $0xFFFFFFFF  }
0xa5: {  	s26 =	simm.s32 $execute0_lowered;
	[smem:$0x3FD2] =	sst s25  }
0xa6: {  	s4 =	sshll.u32 s26, $0x1;
	_ =	strace $0x80000049;
	[dreg:$0x1] =	wrdreg $0xFFFFFFFF  }
0xa7: {  	s28 =	simm.s32 $_size_execute0_lowered;
	s2 =	sadd.s32 s2, s4;
	[dreg:$0x0] =	wrdreg $0x0  }
0xa8: {  	s4 =	sshll.u32 s28, $0x1;
	[dreg:$0x2] =	wrdreg s2  }
0xa9: {  	[dreg:$0x3] =	wrdreg s4  }
0xaa: {  	[dreg:$0x4] =	wrdreg $0xC0  }
0xab: {  	_ =	task [dreg:s6], $0x5FFFF  }
0xac: {  	[dreg:$0x1] =	wrdreg $0xFFFFFFFF  }
0xad: {  	[dreg:$0x0] =	wrdreg $0x60  }
0xae: {  	[dreg:$0x2] =	wrdreg s24  }
0xaf: {  	[dreg:$0x3] =	wrdreg $0x0  }
0xb0: {  	[dreg:$0x4] =	wrdreg $0x4F000  }
0xb1: {  	[dreg:$0x5] =	wrdreg $0x9  }
0xb2: {  	_ =	task.clear_ibuf [dreg:s6], $0x6FFFF;
	_ =	strace $0x90000049  }
0xb3: {  	s29 =	simm.s32 $0x9;
	_ =	strace $0x8000004B  }
0xb4: {  	_ =	swait.ge [sflag:s29], $0x1  }
0xb5: {  	[sflag:s29] =	ssyncadd.s32 $0xFFFFFFFF  }
0xb6: {  	_ =	strace $0x9000004B  }
0xb7: {  	_ =	sfence  }
0xb8: {  	s30 =	sld [smem:$0x0];
	_ =	sdelay $0x2  }
0xb9: {  	s31 =	sshll.u32 s1, $0xD;
	s1 =	sshrl.u32 s1, $0x2  }
0xba: {  	s3 =	sand.u32 $0x4000, s31;
	s1 =	sadd.s32 s1, s30  }
0xbb: {  	s0 =	sor.u32 s3, s0;
	s1 =	sshll.u32 s1, $0x11  }
0xbc: {  	s0 =	sor.u32 s1, s0  }
0xbd: {  	s0 =	sadd.s32 $0x8F2B, s0  }
0xbe: {  	[sflag:s0] =	ssyncadd.remote.s32 $0x1  }
0xbf: {  	_ =	sfence.sel $0xFFFF  }
0xc0: {  	[dreg:$0x0] =	wrdreg $0xFFFFFFFF;
	(pc) =	sbr.abs _section_cstart, $3  }
0xc1: {  	[dreg:$0x1] =	wrdreg $0xFFFFFFFF  }
0xc2: {  	_ =	task.clear_ibuf [dreg:s6], $0x2FFFF;
	_ =	strace $0x9FFFFFFF  }
0xc3: {  	(tm) =	ssettm $0x7FFFFFFF  }
tec
execute0_lowered:
.L_overlay_start_1:
0x0: {  	(tag) =	ssettag $0x1  }
0x1: {  	s5 =	rddreg [dreg:$0x0]  }
0x2: {  	s0 =	stileid.u32;
	s2 =	rddreg [dreg:$0x1]  }
0x3: {  	s1 =	srdreg.scid;
	s3 =	rddreg [dreg:$0x2];
	s4 =	simm.s32 $0x0  }
0x4: {  	s17 =	simm.s32 $0x3;
	s18 =	simm.s32 $0x9E00;
	s19 =	simm.s32 $0x4  }
0x5: {  	s20 =	simm.s32 $0xC510;
	s21 =	simm.s32 $0x50;
	s22 =	simm.s32 $0xEC20  }
0x6: {  	s23 =	simm.s32 $0xF620;
	s24 =	simm.s32 $0x1;
	s25 =	simm.s32 $0xEBD0  }
0x7: {  	s26 =	simm.s32 $0x0;
	s6 =	sand.u32 $0x1, s1;
	s8 =	smul.u32 $0x4F00, s0  }
0x8: {  	s30 =	sshll.u32 s0, $0x1;
	s9 =	smul.u32 $0x9E0, s0;
	[smem:$0x7FF] =	sst s4  }
0x9: {  	s1 =	sor.u32 s6, s30;
	s11 =	smul.u32 $0x9E00, s6;
	_ =	strace $0x8000004A  }
0xa: {  	s6 =	ssub.s32 $0x2, s6;
	s7 =	smul.u32 $0x2710, s1;
	s10 =	sshrl.u32 s8, $0x3  }
0xb: {  	s31 =	sshrl.u32 s6, $0x1;
	s15 =	sadd.s32 s8, s2;
	s16 =	sadd.s32 s8, s3  }
0xc: {  	s10 =	sadd.s32 s10, s5;
	s9 =	sadd.s32 s9, s11;
	s14 =	ssub.s32 s6, s31  }
0xd: {  	s6 =	sshll.u32 s0, $0x6;
	s7 =	sshrl.u32 s7, $0x3;
	s13 =	sadd.s32 s9, s5  }
0xe: {  	s8 =	sadd.s32 $0x15600, s10;
	s12 =	sadd.s32 s7, s5;
	s5 =	sadd.s32 $0x1F400, s10  }
0xf: {  	s7 =	sor.u32 $0x1C02, s6;
	s11 =	sadd.s32 $0x29200, s13;
	s13 =	sshrl.u32 s15, $0x3  }
0x10: {  	s15 =	sshrl.u32 s16, $0x3;
	s16 =	simm.s32 $0x2;
	s9 =	sadd.s32 $0x1C00, s12  }
0x11: {  	s10 =	sadd.s32 $0xB840, s12;
	s12 =	smax.u32 s14, $0x1;
	s14 =	sor.u32 $0x1C03, s6  }
.LBB2_1:
0x12: {  	[spmem:s13], [sflag:s7] =	dma.local [hbm:s5], $0x9E0  }
0x13: {  	[spmem:s15], [sflag:s14] =	dma.local [hbm:s8], $0x9E0  }
0x14: {  	_ =	swait.ge [sflag:s16], $0x9E0  }
0x15: {  	[sflag:s16] =	ssyncset.done $0x0  }
0x16: {  	[sflag:s16] =	ssyncadd.s32 $0xFFFFF620  }
0x17: {  	_ =	swait.ge [sflag:s17], $0x9E0  }
0x18: {  	[sflag:s17] =	ssyncset.done $0x0  }
0x19: {  	[sflag:s17] =	ssyncadd.s32 $0xFFFFF620  }
0x1a: {  	[bflag:$0x0] =	sbarrier.arrive $0xFFFF  }
0x1b: {  	[tilespmem:s18], [sflag:$0x4] =	stream.linear.gather [hbm4b:s9+s4], $0x2710, $0x38;
	[tilespmem:$0x10020] =	vst v63  }
0x1c: {  	_ =	swait.ge [sflag:s19], $0x2710  }
0x1d: {  	[sflag:s19] =	ssyncset.done $0x0  }
0x1e: {  	[sflag:s19] =	ssyncadd.s32 $0xFFFFD8F0  }
0x1f: {  	[tilespmem:s20], [sflag:$0x4] =	stream.linear.gather [hbm4b:s10+s4], $0x2710, $0x38;
	[tilespmem:$0x10020] =	vst v63  }
0x20: {  	_ =	swait.ge [sflag:s19], $0x2710  }
0x21: {  	[sflag:s19] =	ssyncset.done $0x0  }
0x22: {  	[sflag:s19] =	ssyncadd.s32 $0xFFFFD8F0  }
0x23: {  	[tilespmem:s22], [sflag:$0x1] =	stream.indirect.gather [spmem:s3], $0x20, s18, s21, $0xb8;
	[tilespmem:$0x10020] =	vst v63  }
0x24: {  	s28 =	simm.s32 $0x9E50  }
0x25: {  	[tilespmem:s23], [sflag:$0x2] =	stream.indirect.gather [spmem:s3], $0x20, s28, s21, $0xb8;
	[tilespmem:$0x10020] =	vst v63  }
0x26: {  	_ =	swait.ge [sflag:s24], $0xA00  }
0x27: {  	[sflag:s24] =	ssyncset.done $0x0  }
0x28: {  	s28 =	simm.s32 $0xC510;
	[sflag:s24] =	ssyncadd.s32 $0xFFFFF600  }
0x29: {  	[spmem:s2] =	stream.indirect.scatter.add.f32 [tilespmem:s22], [sflag:$0x4], $0x20, s28, s21, $0xb8;
	[tilespmem:$0x10020] =	vst v63  }
0x2a: {  	_ =	swait.ge [sflag:s19], $0xA00  }
0x2b: {  	[sflag:s19] =	ssyncset.done $0x0  }
0x2c: {  	s28 =	simm.s32 $0x9EA0;
	[sflag:s19] =	ssyncadd.s32 $0xFFFFF600  }
0x2d: {  	[tilespmem:s22], [sflag:$0x1] =	stream.indirect.gather [spmem:s3], $0x20, s28, s21, $0xb8;
	[tilespmem:$0x10020] =	vst v63  }
0x2e: {  	_ =	swait.ge [sflag:s16], $0xA00  }
0x2f: {  	[sflag:s16] =	ssyncset.done $0x0  }
0x30: {  	s28 =	simm.s32 $0xC560;
	[sflag:s16] =	ssyncadd.s32 $0xFFFFF600  }
0x31: {  	[spmem:s2] =	stream.indirect.scatter.add.f32 [tilespmem:s23], [sflag:$0x4], $0x20, s28, s21, $0xb8;
	[tilespmem:$0x10020] =	vst v63  }
0x32: {  	_ =	swait.ge [sflag:s19], $0xA00  }
0x33: {  	s29 =	simm.s32 $0x500;
	s28 =	simm.s32 $0xA0;
	[sflag:s19] =	ssyncset.done $0x0  }
.LBB2_2:
0x34: {  	s30 =	sadd.s32 $0x9E50, s28  }
0x35: {  	[sflag:s19] =	ssyncadd.s32 $0xFFFFF600;
	s31 =	smov.u32 s29;
	s1 =	sadd.s32 $0x280, s29  }
0x36: {  	[tilespmem:s23], [sflag:$0x2] =	stream.indirect.gather [spmem:s3], $0x20, s30, s21, $0xb8;
	[tilespmem:$0x10020] =	vst v63  }
0x37: {  	p0 =	sne.s32 s29, $0x9880;
	_ =	swait.ge [sflag:s24], $0xA00  }
0x38: {  	[sflag:s24] =	ssyncset.done $0x0  }
0x39: {  	s29 =	sadd.s32 $0xC510, s28;
	[sflag:s24] =	ssyncadd.s32 $0xFFFFF600  }
0x3a: {  	[spmem:s2] =	stream.indirect.scatter.add.f32 [tilespmem:s22], [sflag:$0x4], $0x20, s29, s21, $0xb8;
	[tilespmem:$0x10020] =	vst v63  }
0x3b: {  	_ =	swait.ge [sflag:s19], $0xA00  }
0x3c: {  	[sflag:s19] =	ssyncset.done $0x0  }
0x3d: {  	s29 =	sadd.s32 $0x9EA0, s28;
	[sflag:s19] =	ssyncadd.s32 $0xFFFFF600  }
0x3e: {  	[tilespmem:s22], [sflag:$0x1] =	stream.indirect.gather [spmem:s3], $0x20, s29, s21, $0xb8;
	[tilespmem:$0x10020] =	vst v63  }
0x3f: {  	_ =	swait.ge [sflag:s16], $0xA00  }
.Ltmp0:
0x40: {  	[sflag:s16] =	ssyncset.done $0x0;
	(pc) =	sbr.rel @p0 .LBB2_2-.Ltmp0, $4  }
0x41: {  	s28 =	sadd.s32 $0xC560, s28;
	[sflag:s16] =	ssyncadd.s32 $0xFFFFF600  }
0x42: {  	[spmem:s2] =	stream.indirect.scatter.add.f32 [tilespmem:s23], [sflag:$0x4], $0x20, s28, s21, $0xb8;
	[tilespmem:$0x10020] =	vst v63  }
0x43: {  	_ =	swait.ge [sflag:s19], $0xA00  }
0x44: {  	s29 =	smov.u32 s1;
	s28 =	sshra.s32 s31, $0x2;
	[sflag:s19] =	ssyncset.done $0x0  }
0x45: {  	s1 =	sadd.s32 $0x9E50, s28;
	[sflag:s19] =	ssyncadd.s32 $0xFFFFF600  }
0x46: {  	[tilespmem:s23], [sflag:$0x2] =	stream.indirect.gather [spmem:s3], $0x20, s1, s21, $0xb8;
	[tilespmem:$0x10020] =	vst v63  }
0x47: {  	_ =	swait.ge [sflag:s24], $0xA00  }
0x48: {  	[sflag:s24] =	ssyncset.done $0x0  }
0x49: {  	s31 =	sadd.s32 $0xC510, s28;
	[sflag:s24] =	ssyncadd.s32 $0xFFFFF600  }
0x4a: {  	[spmem:s2] =	stream.indirect.scatter.add.f32 [tilespmem:s22], [sflag:$0x4], $0x20, s31, s21, $0xb8;
	[tilespmem:$0x10020] =	vst v63  }
0x4b: {  	_ =	swait.ge [sflag:s19], $0xA00  }
0x4c: {  	[sflag:s19] =	ssyncset.done $0x0  }
0x4d: {  	s29 =	sadd.s32 $0x9EA0, s28;
	[sflag:s19] =	ssyncadd.s32 $0xFFFFF600  }
0x4e: {  	[tilespmem:s22], [sflag:$0x1] =	stream.indirect.gather [spmem:s3], $0x20, s29, s21, $0xb8;
	[tilespmem:$0x10020] =	vst v63  }
0x4f: {  	_ =	swait.ge [sflag:s16], $0xA00  }
0x50: {  	[sflag:s16] =	ssyncset.done $0x0  }
0x51: {  	s30 =	sadd.s32 $0xC560, s28;
	[sflag:s16] =	ssyncadd.s32 $0xFFFFF600  }
0x52: {  	[spmem:s2] =	stream.indirect.scatter.add.f32 [tilespmem:s23], [sflag:$0x4], $0x20, s30, s21, $0xb8;
	[tilespmem:$0x10020] =	vst v63  }
0x53: {  	_ =	swait.ge [sflag:s19], $0xA00  }
0x54: {  	[sflag:s19] =	ssyncset.done $0x0  }
0x55: {  	[sflag:s19] =	ssyncadd.s32 $0xFFFFF600  }
0x56: {  	_ =	swait.ge [sflag:s24], $0xA00  }
0x57: {  	[sflag:s24] =	ssyncset.done $0x0  }
0x58: {  	[sflag:s24] =	ssyncadd.s32 $0xFFFFF600  }
0x59: {  	[spmem:s2] =	stream.indirect.scatter.add.f32 [tilespmem:s22], [sflag:$0x4], $0x20, s25, s21, $0xb8;
	[tilespmem:$0x10020] =	vst v63  }
0x5a: {  	_ =	swait.ge [sflag:s19], $0xA00  }
0x5b: {  	s26 =	sadd.s32 $0x1, s26;
	[sflag:s19] =	ssyncset.done $0x0  }
0x5c: {  	p0 =	sne.s32 s26, s12;
	[sflag:s19] =	ssyncadd.s32 $0xFFFFF600  }
.Ltmp1:
0x5d: {  	s31 =	sor.u32 $0x1C04, s6;
	[bflag:$0x0] =	sbarrier.arrive $0xFFFF;
	(pc) =	sbr.rel @p0 .LBB2_1-.Ltmp1, $4  }
0x5e: {  	[hbm:s11], [sflag:s31] =	dma.local [spmem:s13], $0x9E0  }
0x5f: {  	_ =	swait.ge [sflag:s19], $0x9E0  }
0x60: {  	[sflag:s19] =	ssyncset.done $0x0  }
0x61: {  	[sflag:s19] =	ssyncadd.s32 $0xFFFFF620  }
0x62: {  	_ =	sfence.sel $0x180000  }
0x63: {  	[bflag:$0x0] =	sbarrier.arrive $0xFFFF  }
0x64: {  	_ =	strace $0x9000004A  }
0x65: {  	[bflag:$0x2] =	sbarrier.arrive $0xFFFF  }
0x66: {  	p0 =	sne.s32 s0, $0x0;
	s0 =	rddreg [dreg:$0x3]  }
0x67: {  	s0 =	sadd.s32 @!p0 $0x100000, s0  }
0x68: {  	[sflag:s0] =	ssyncadd.tile.s32 @!p0 $0x1;
	_ =	shalt  }
.Lfunc_end2:
_tile_overlayer_lowered:
.L_overlay_start_2:
0x69: {  	(tag) =	ssettag $0x2  }
0x6a: {  	s0 =	rddreg [dreg:$0x0];
	s2 =	stileid.u32  }
0x6b: {  	s1 =	rddreg [dreg:$0x1];
	p0 =	sne.s32 s2, $0x0  }
0x6c: {  	s3 =	rddreg [dreg:$0x2];
	[bflag:$0x3] =	sbarrier.arrive $0xFFFF;
	s2 =	simm.s32 @!p0 $0x1C04  }
0x6d: {  	[timem:s3], [sflag:s2] =	dma.local @!p0 [hbm:s0], s1  }
0x6e: {  	s0 =	simm.s32 @!p0 $0x4  }
0x6f: {  	_ =	swait.ge @!p0 [sflag:s0], s1  }
0x70: {  	s1 =	ssub.s32 @!p0 $0x0, s1;
	[sflag:s0] =	ssyncset.done @!p0 $0x0  }
0x71: {  	[sflag:s0] =	ssyncadd.s32 @!p0 s1  }
0x72: {  	[bflag:$0x3] =	sbarrier.arrive $0xFFFF  }
0x73: {  	_ =	shalt  }

// kernel: kernel.14.cloned.1.call-start
scs
__scs_entry_jumppad:
0x0: {  	(pc) =	sbr.rel $0x88, $3  }
0x1: {  	(tag) =	ssettag $0x0;
	lr =	simm.s32 $0x1  }
0x2: {  	[smem:$0x3F9B] =	sst lr;
	_ =	strace $0xD0000000  }
0x3: {  	_ = 	snop  }
0x4: {  	_ = 	snop  }
0x5: {  	_ = 	snop  }
0x6: {  	_ = 	snop  }
0x7: {  	_ = 	snop  }
__scs_overlays_trampoline_lowered:
0x8: {  	[smem:$0x3FAA] =	sst s0  }
0x9: {  	[smem:$0x3FAB] =	sst s1  }
0xa: {  	[smem:$0x3FAC] =	sst s2  }
0xb: {  	[smem:$0x3FAD] =	sst s3  }
0xc: {  	[smem:$0x3FAE] =	sst s4  }
0xd: {  	[smem:$0x3FAF] =	sst s5  }
0xe: {  	[smem:$0x3FB0] =	sst s6  }
0xf: {  	[smem:$0x3FB1] =	sst s7  }
0x10: {  	[smem:$0x3FB2] =	sst s8  }
0x11: {  	[smem:$0x3FB3] =	sst s9;
	s0 =	simm.s32 @!p0 $0x0  }
0x12: {  	s1 =	sld [smem:$0x3F99];
	s0 =	simm.s32 @p0 $0x1  }
0x13: {  	[smem:$0x3FB4] =	sst s0;
	s0 =	simm.s32 @!p1 $0x0  }
0x14: {  	s2 =	sld [smem:$0x3F98];
	s0 =	simm.s32 @p1 $0x1  }
0x15: {  	[smem:$0x3FB5] =	sst s0;
	s0 =	simm.s32 @!p2 $0x0  }
0x16: {  	s3 =	sld [smem:$0x3FDB];
	s0 =	simm.s32 @p2 $0x1  }
0x17: {  	s4 =	simm.s32 $0x1BF5;
	[smem:$0x3FB7] =	sst s0  }
0x18: {  	s0 =	sld [smem:$0x3F9A];
	_ =	swait.ge [sflag:s4], $0x0  }
0x19: {  	s7 =	sld [smem:$0x3F9B]  }
0x1a: {  	s8 =	sadd.s32 $0xFFFFE003, lr  }
0x1b: {  	s9 =	sadd.s32 $0xFFFFFEF7, lr;
	s5 =	simm.s32 $0xFFFFFFFF;
	p2 =	slt.u32 s8, $0xFFFFF086  }
0x1c: {  	p1 =	slt.u32 s9, $0xF7A;
	s5 =	simm.s32 @!p2 $0x0  }
0x1d: {  	s5 =	simm.s32 @p1 $0x1;
	p0 =	seq.s32 s7, s2  }
0x1e: {  	s7 =	smul.u32 @!p0 $0xF7A, s2;
	p2 =	seq.s32 @!p0 s5, $0x0  }
0x1f: {  	s9 =	smul.u32 $0xF7A, s1;
	s8 =	simm.s32 @!p0 $0x1BF5;
	p2 =	por !p2, p0  }
0x20: {  	[sflag:s8] =	ssyncset.s32 @!p0 $0xFFFFF086;
	s6 =	sadd.s32 @!p0 s3, s7;
	s7 =	simm.s32 @!p0 $0x108  }
0x21: {  	s3 =	sadd.s32 s3, s9;
	s6 =	sadd.s32 @!p0 $0x88, s6;
	s7 =	simm.s32 @p2 $0x1082  }
0x22: {  	[simem:s7], [sflag:s8] =	dma.local @!p0 [hbm:s6], $0xF7A  }
0x23: {  	s9 =	sor.u32 $0xD0000000, s2;
	s6 =	simm.s32 $0x108;
	_ =	swait.ge @!p0 [sflag:s8], $0x0  }
0x24: {  	s3 =	sadd.s32 $0x88, s3;
	s6 =	simm.s32 @!p1 $0x1082;
	[sflag:s4] =	ssyncset.s32 $0xFFFFF086  }
0x25: {  	[simem:s6], [sflag:s4] =	dma.local [hbm:s3], $0xF7A  }
0x26: {  	[smem:$0x3F9B] =	sst s1;
	(tag) =	ssettag s2;
	_ =	strace s9  }
0x27: {  	s1 =	sld [smem:$0x3FAB]  }
0x28: {  	s2 =	sld [smem:$0x3FAC]  }
0x29: {  	s4 =	sld [smem:$0x3FAE]  }
0x2a: {  	p0 =	seq.s32 s5, $0x0;
	s5 =	sld [smem:$0x3FAF]  }
0x2b: {  	s6 =	sld [smem:$0x3FB0]  }
0x2c: {  	s7 =	sld [smem:$0x3FB1]  }
0x2d: {  	s3 =	simm.s32 $0x108;
	s8 =	sld [smem:$0x3FB2]  }
0x2e: {  	s3 =	simm.s32 @!p0 $0x1082;
	s9 =	sld [smem:$0x3FB3]  }
0x2f: {  	lr =	sadd.s32 s0, s3;
	s0 =	sld [smem:$0x3FAA]  }
0x30: {  	s3 =	sld [smem:$0x3FAD]  }
0x31: {  	[smem:$0x3FB6] =	sst s10  }
0x32: {  	s10 =	sld [smem:$0x3FB4];
	_ =	sdelay $0x3  }
0x33: {  	p0 =	seq.s32 s10, $0x1;
	s10 =	sld [smem:$0x3FB6];
	_ =	sdelay $0x3  }
0x34: {  	[smem:$0x3FB6] =	sst s10  }
0x35: {  	s10 =	sld [smem:$0x3FB5];
	_ =	sdelay $0x3  }
0x36: {  	p1 =	seq.s32 s10, $0x1;
	s10 =	sld [smem:$0x3FB6];
	_ =	sdelay $0x3  }
0x37: {  	[smem:$0x3FB6] =	sst s10  }
0x38: {  	s10 =	sld [smem:$0x3FB7]  }
0x39: {  	_ = 	snop;
	(pc) =	sbr.ind lr, $3  }
0x3a: {  	_ = 	snop  }
0x3b: {  	_ = 	snop  }
0x3c: {  	p2 =	seq.s32 s10, $0x1;
	s10 =	sld [smem:$0x3FB6]  }
0x3d: {  	_ =	shalt  }
0x3e: {  	_ =	shalt  }
0x3f: {  	_ =	shalt  }
0x40: {  	_ =	shalt  }
0x41: {  	_ =	shalt  }
0x42: {  	_ =	shalt  }
0x43: {  	_ =	shalt  }
0x44: {  	_ =	shalt  }
0x45: {  	_ =	shalt  }
0x46: {  	_ =	shalt  }
0x47: {  	_ =	shalt  }
0x48: {  	_ =	shalt  }
0x49: {  	_ =	shalt  }
0x4a: {  	_ =	shalt  }
0x4b: {  	_ =	shalt  }
0x4c: {  	_ =	shalt  }
0x4d: {  	_ =	shalt  }
0x4e: {  	_ =	shalt  }
0x4f: {  	_ =	shalt  }
0x50: {  	_ =	shalt  }
0x51: {  	_ =	shalt  }
0x52: {  	_ =	shalt  }
0x53: {  	_ =	shalt  }
0x54: {  	_ =	shalt  }
0x55: {  	_ =	shalt  }
0x56: {  	_ =	shalt  }
0x57: {  	_ =	shalt  }
0x58: {  	_ =	shalt  }
0x59: {  	_ =	shalt  }
0x5a: {  	_ =	shalt  }
0x5b: {  	_ =	shalt  }
0x5c: {  	_ =	shalt  }
0x5d: {  	_ =	shalt  }
0x5e: {  	_ =	shalt  }
0x5f: {  	_ =	shalt  }
0x60: {  	_ =	shalt  }
0x61: {  	_ =	shalt  }
0x62: {  	_ =	shalt  }
0x63: {  	_ =	shalt  }
0x64: {  	_ =	shalt  }
0x65: {  	_ =	shalt  }
0x66: {  	_ =	shalt  }
0x67: {  	_ =	shalt  }
0x68: {  	_ =	shalt  }
0x69: {  	_ =	shalt  }
0x6a: {  	_ =	shalt  }
0x6b: {  	_ =	shalt  }
0x6c: {  	_ =	shalt  }
0x6d: {  	_ =	shalt  }
0x6e: {  	_ =	shalt  }
0x6f: {  	_ =	shalt  }
0x70: {  	_ =	shalt  }
0x71: {  	_ =	shalt  }
0x72: {  	_ =	shalt  }
0x73: {  	_ =	shalt  }
0x74: {  	_ =	shalt  }
0x75: {  	_ =	shalt  }
0x76: {  	_ =	shalt  }
0x77: {  	_ =	shalt  }
0x78: {  	_ =	shalt  }
0x79: {  	_ =	shalt  }
0x7a: {  	_ =	shalt  }
0x7b: {  	_ =	shalt  }
0x7c: {  	_ =	shalt  }
0x7d: {  	_ =	shalt  }
0x7e: {  	_ =	shalt  }
0x7f: {  	_ =	shalt  }
0x80: {  	_ =	shalt  }
0x81: {  	_ =	shalt  }
0x82: {  	_ =	shalt  }
0x83: {  	_ =	shalt  }
0x84: {  	_ =	shalt  }
0x85: {  	_ =	shalt  }
0x86: {  	_ =	shalt  }
0x87: {  	_ =	shalt  }
.Lfunc_end0:
.L_simem_size_0:
called_computation.2_lowered:
.L_overlay_start_0:
0x88: {  	s2 =	sld [smem:$0x3FD9]  }
0x89: {  	s3 =	sld [smem:$0x3FFE];
	_ =	sdelay $0x1  }
0x8a: {  	s1 =	srdreg.scid  }
0x8b: {  	s0 =	sand.u32 $0x1, s1  }
0x8c: {  	s17 =	sshll.u32 s0, $0xA;
	s2 =	sadd.s32 s3, s2  }
0x8d: {  	s2 =	sadd.s32 s2, s17  }
0x8e: {  	[smem:$0x3FC2] =	sst s2  }
0x8f: {  	_ = 	snop  }
0x90: {  	s2 =	sld [smem:$0x3FC6]  }
0x91: {  	s18 =	sld [smem:$0x3FD0];
	(tm) =	ssettm $0x1  }
0x92: {  	s4 =	sld [smem:$0x3FFB];
	_ =	sdelay $0x3  }
0x93: {  	_ =	strace s4  }
0x94: {  	s4 =	sld [smem:$0x3FFC];
	_ =	sdelay $0x3  }
0x95: {  	_ =	strace s4  }
0x96: {  	s4 =	sld [smem:$0x3FFD];
	_ =	sdelay $0x3  }
0x97: {  	_ =	strace s4  }
0x98: {  	_ =	strace $0x8FFFFFFF  }
0x99: {  	s19 =	sld [smem:$0x3FDB];
	_ =	sdelay $0x1  }
0x9a: {  	s5 =	simm.s32 $_scs_section_size  }
0x9b: {  	s6 =	simm.s32 $_size__tile_overlayer_lowered;
	s7 =	simm.s32 $_tile_overlayer_lowered  }
0x9c: {  	s22 =	simm.s32 $0x1BFF;
	s21 =	sshll.u32 s7, $0x1;
	s4 =	sadd.s32 s5, s19  }
0x9d: {  	s8 =	simm.s32 $0x0;
	s20 =	sshll.u32 s6, $0x1;
	s6 =	sadd.s32 s21, s4  }
0x9e: {  	[timem:s8], [sflag:s22] =	dma.local [hbm:s6], s20  }
0x9f: {  	_ =	swait.ge [sflag:s22], s20  }
0xa0: {  	s5 =	ssub.s32 $0x0, s20;
	[sflag:s22] =	ssyncset.done $0x0  }
0xa1: {  	[sflag:s22] =	ssyncadd.s32 s5;
	_ =	sdelay $0x1  }
0xa2: {  	s23 =	simm.s32 $0x1B8B  }
0xa3: {  	_ =	swait.ge [sflag:s23], $0x1  }
0xa4: {  	[sflag:s23] =	ssyncset.done $0x0  }
0xa5: {  	s25 =	simm.s32 $0x1B8E;
	s24 =	sld [smem:$0x3FFE];
	[sflag:s23] =	ssyncadd.s32 $0xFFFFFFFF  }
0xa6: {  	s26 =	simm.s32 $execute0_lowered;
	[smem:$0x3FD2] =	sst s25  }
0xa7: {  	s6 =	sshll.u32 s26, $0x1;
	_ =	strace $0x8000004C;
	[dreg:$0x1] =	wrdreg $0xFFFFFFFF  }
0xa8: {  	s28 =	simm.s32 $_size_execute0_lowered;
	s4 =	sadd.s32 s4, s6;
	[dreg:$0x0] =	wrdreg $0x0  }
0xa9: {  	s6 =	sshll.u32 s28, $0x1;
	[dreg:$0x2] =	wrdreg s4  }
0xaa: {  	[dreg:$0x3] =	wrdreg s6  }
0xab: {  	[dreg:$0x4] =	wrdreg $0xC0  }
0xac: {  	_ =	task [dreg:s8], $0x5FFFF  }
0xad: {  	[dreg:$0x1] =	wrdreg $0xFFFFFFFF  }
0xae: {  	[dreg:$0x0] =	wrdreg $0x60  }
0xaf: {  	[dreg:$0x2] =	wrdreg s24  }
0xb0: {  	[dreg:$0x3] =	wrdreg s2  }
0xb1: {  	[dreg:$0x4] =	wrdreg s18  }
0xb2: {  	[dreg:$0x5] =	wrdreg $0x0  }
0xb3: {  	[dreg:$0x6] =	wrdreg $0x4F000  }
0xb4: {  	[dreg:$0x7] =	wrdreg $0x9  }
0xb5: {  	_ =	task.clear_ibuf [dreg:s8], $0x8FFFF;
	_ =	strace $0x9000004C  }
0xb6: {  	s29 =	simm.s32 $0x9;
	_ =	strace $0x8000004E  }
0xb7: {  	_ =	swait.ge [sflag:s29], $0x1  }
0xb8: {  	[sflag:s29] =	ssyncadd.s32 $0xFFFFFFFF  }
0xb9: {  	_ =	strace $0x9000004E  }
0xba: {  	_ =	sfence  }
0xbb: {  	s30 =	sld [smem:$0x0];
	_ =	sdelay $0x2  }
0xbc: {  	s31 =	sshll.u32 s1, $0xD;
	s1 =	sshrl.u32 s1, $0x2  }
0xbd: {  	s3 =	sand.u32 $0x4000, s31;
	s1 =	sadd.s32 s1, s30  }
0xbe: {  	s0 =	sor.u32 s3, s0;
	s1 =	sshll.u32 s1, $0x11  }
0xbf: {  	s0 =	sor.u32 s1, s0  }
0xc0: {  	s0 =	sadd.s32 $0x8F2B, s0  }
0xc1: {  	[sflag:s0] =	ssyncadd.remote.s32 $0x1  }
0xc2: {  	_ =	sfence.sel $0xFFFF  }
0xc3: {  	[dreg:$0x0] =	wrdreg $0xFFFFFFFF;
	(pc) =	sbr.abs _section_cstart, $3  }
0xc4: {  	[dreg:$0x1] =	wrdreg $0xFFFFFFFF  }
0xc5: {  	_ =	task.clear_ibuf [dreg:s8], $0x2FFFF;
	_ =	strace $0x9FFFFFFF  }
0xc6: {  	(tm) =	ssettm $0x7FFFFFFF  }
0xc7: {  	_ =	shalt  }
tec
execute0_lowered:
.L_overlay_start_1:
0x0: {  	(tag) =	ssettag $0x1  }
0x1: {  	s0 =	srdreg.scid;
	s1 =	rddreg [dreg:$0x0]  }
0x2: {  	s17 =	stileid.u32;
	s3 =	rddreg [dreg:$0x2]  }
0x3: {  	s0 =	sand.u32 $0x1, s0;
	s2 =	sshll.u32 s17, $0x1;
	s5 =	smul.u32 $0x4F00, s17  }
0x4: {  	s6 =	sadd.s32 $0x29200, s1;
	s7 =	sadd.s32 $0x15600, s1;
	s2 =	sor.u32 s0, s2  }
0x5: {  	s8 =	sadd.s32 $0x3CE00, s1;
	s4 =	smul.u32 $0x2710, s2;
	s9 =	sshrl.u32 s5, $0x3  }
0x6: {  	s2 =	rddreg [dreg:$0x3];
	s12 =	sadd.s32 $0x13C0, s5;
	s19 =	sadd.s32 s6, s9  }
0x7: {  	s13 =	sadd.s32 s7, s9;
	s23 =	sshrl.u32 s12, $0x3;
	s25 =	sadd.s32 s8, s9  }
0x8: {  	s4 =	sshrl.u32 s4, $0x3;
	[dreg:$0x7] =	wrdreg s13;
	s24 =	sadd.s32 s6, s23  }
0x9: {  	s14 =	sadd.s32 s7, s23;
	s13 =	sadd.s32 $0x3B40, s5;
	s4 =	sadd.s32 s4, s1  }
0xa: {  	s1 =	sadd.s32 s9, s1;
	[dreg:$0x8] =	wrdreg s24;
	s18 =	sshrl.u32 s13, $0x3  }
0xb: {  	s9 =	sadd.s32 $0x2780, s5;
	[dreg:$0x9] =	wrdreg s14;
	s20 =	sadd.s32 s7, s18  }
0xc: {  	s26 =	sshrl.u32 s9, $0x3;
	s21 =	sadd.s32 s8, s18;
	[dreg:$0xd] =	wrdreg s20  }
0xd: {  	s22 =	smul.u32 $0x278, s17;
	s16 =	sadd.s32 s6, s26;
	[dreg:$0xe] =	wrdreg s21  }
0xe: {  	s10 =	ssub.s32 $0x2, s0;
	s6 =	sadd.s32 s6, s18;
	[dreg:$0xa] =	wrdreg s16  }
0xf: {  	s15 =	smul.u32 $0x2780, s0;
	s18 =	simm.s32 $0x0;
	[dreg:$0xc] =	wrdreg s6  }
0x10: {  	p0 =	sne.s32 s0, $0x0;
	s16 =	sadd.s32 s7, s26;
	[smem:$0x7FF] =	sst s18  }
0x11: {  	s11 =	sshrl.u32 s10, $0x1;
	s28 =	sadd.s32 s8, s23;
	[dreg:$0xb] =	wrdreg s16  }
0x12: {  	s23 =	sshll.u32 s17, $0x6;
	s1 =	sadd.s32 $0x1F400, s1;
	s16 =	rddreg [dreg:$0x4]  }
0x13: {  	s0 =	sor.u32 $0x1C09, s23;
	_ =	strace $0x8000004D;
	[dreg:$0x10] =	wrdreg s1  }
0x14: {  	s10 =	ssub.s32 s10, s11;
	s24 =	sadd.s32 s5, s2;
	[dreg:$0x11] =	wrdreg s0  }
0x15: {  	s11 =	sadd.s32 s22, s15;
	s7 =	sadd.s32 s12, s2;
	[dreg:$0x12] =	wrdreg s24  }
0x16: {  	s22 =	sshll.u32 s11, $0x2;
	s11 =	sadd.s32 s9, s2;
	[dreg:$0x17] =	wrdreg s7  }
0x17: {  	s14 =	sadd.s32 s13, s2;
	[dreg:$0x19] =	wrdreg s11  }
0x18: {  	s15 =	smax.u32 s10, $0x1;
	[dreg:$0x1b] =	wrdreg s14  }
0x19: {  	s17 =	sadd.s32 $0x9E00, s19;
	[dreg:$0x1c] =	wrdreg s15  }
0x1a: {  	s20 =	sadd.s32 $0xA078, s19;
	[dreg:$0x1d] =	wrdreg s17  }
0x1b: {  	s29 =	simm.s32 $0x176A0;
	s21 =	sadd.s32 $0xA2F0, s19;
	[dreg:$0x1e] =	wrdreg s20  }
0x1c: {  	s31 =	simm.s32 $0x18A60;
	s10 =	simm.s32 $0x7;
	[dreg:$0x1f] =	wrdreg s21  }
0x1d: {  	s3 =	sadd.s32 s3, s22;
	s22 =	sadd.s32 $0xA568, s19;
	[dreg:$0x6] =	wrdreg s19  }
0x1e: {  	s23 =	sadd.s32 $0x278, s3;
	s30 =	sadd.s32 s8, s26;
	[smem:$0x7FA] =	sst s22  }
0x1f: {  	s26 =	sadd.s32 s5, s16;
	s1 =	sadd.s32 $0x1C00, s4;
	[smem:$0x7FB] =	sst s23  }
0x20: {  	s5 =	sadd.s32 $0xB840, s4;
	s6 =	sadd.s32 s12, s16;
	[dreg:$0xf] =	wrdreg s3  }
0x21: {  	s8 =	sadd.s32 s9, s16;
	s12 =	sadd.s32 s13, s16;
	[dreg:$0x13] =	wrdreg s26  }
0x22: {  	s24 =	sadd.s32 $0x4F0, s3;
	s13 =	simm.s32 $0xB;
	[dreg:$0x14] =	wrdreg s1  }
0x23: {  	s23 =	simm.s32 $0x10020;
	s19 =	simm.s32 $0x113E0;
	[dreg:$0x15] =	wrdreg s5  }
0x24: {  	s0 =	simm.s32 $0x2;
	s4 =	simm.s32 $0x4;
	[dreg:$0x16] =	wrdreg s6  }
0x25: {  	s7 =	simm.s32 $0x5;
	s9 =	simm.s32 $0x6;
	[dreg:$0x18] =	wrdreg s8  }
.Ltmp0:
0x26: {  	s17 =	simm.s32 $0x8;
	[dreg:$0x1a] =	wrdreg s12;
	(pc) =	sbr.rel .LBB2_1-.Ltmp0, $4  }
0x27: {  	s11 =	simm.s32 $0x0;
	[smem:$0x7FC] =	sst s24;
	s26 =	sadd.s32 $0x768, s3  }
0x28: {  	s24 =	simm.s32 $0x14F20;
	s12 =	simm.s32 $0x1;
	s1 =	simm.s32 $0x3  }
0x29: {  	s6 =	simm.s32 $0xA;
	s3 =	simm.s32 $0x50;
	s5 =	simm.s32 $0xEC20  }
0x2a: {  	s8 =	simm.s32 $0xF620;
	[smem:$0x7FD] =	sst s26;
	s26 =	simm.s32 $0x162E0  }
.LBB2_38:
0x2b: {  	v7 =	vld [tilespmem:s15+$0x162E0];
	_ =	sdelay $0x1  }
0x2c: {  	v2 =	vmul.f32 v5, v2  }
0x2d: {  	v4 =	vmul.f32 v6, v4  }
0x2e: {  	v1 =	vmul.f32 v1, v3;
	[tilespmem:s15+$0x162B0] =	vst v2  }
0x2f: {  	[tilespmem:s15+$0x162C0] =	vst v4;
	v0 =	vmul.f32 v0, v7  }
0x30: {  	[tilespmem:s15+$0x162D0] =	vst v1  }
0x31: {  	[tilespmem:s15+$0x162E0] =	vst v0  }
.LBB2_39:
0x32: {  	s14 =	sld [smem:$0x7FD];
	_ =	sdelay $0x2  }
0x33: {  	[hbm4b:s14+s18] =	stream.linear.scatter [tilespmem:s26], [sflag:$0xA], $0x13C0, $0x38;
	[tilespmem:$0x19E40] =	vst v63  }
0x34: {  	_ =	swait.ge [sflag:s6], $0x13C0  }
0x35: {  	[sflag:s6] =	ssyncset.done $0x0  }
0x36: {  	[sflag:s6] =	ssyncadd.s32 $0xFFFFEC40  }
0x37: {  	_ =	swait.ge [sflag:s6], $0x13C0  }
0x38: {  	s11 =	sadd.s32 $0x1, s11;
	s22 =	rddreg [dreg:$0x1c]  }
0x39: {  	p1 =	sne.s32 s11, s22  }
.Ltmp1:
0x3a: {  	_ = 	snop;
	(pc) =	sbr.rel @!p1 .LBB2_40-.Ltmp1, $3  }
0x3b: {  	_ =	sdelay $0x1  }
0x3c: {  	[sflag:s6] =	ssyncset.done $0x0  }
0x3d: {  	[sflag:s6] =	ssyncadd.s32 $0xFFFFEC40  }
.LBB2_1:
0x3e: {  	s14 =	rddreg [dreg:$0x12]  }
0x3f: {  	s21 =	rddreg [dreg:$0x10]  }
0x40: {  	s20 =	rddreg [dreg:$0x11];
	s15 =	sshrl.u32 s14, $0x3  }
0x41: {  	[spmem:s15], [sflag:s20] =	dma.local [hbm:s21], $0x9E0  }
0x42: {  	s22 =	simm.s32 $0x19E20;
	s15 =	rddreg [dreg:$0x1]  }
0x43: {  	[tilespmem:s22], [sflag:$0xB] =	stream.linear.gather [hbm4b:s15+s18], $0x20, $0x38;
	[tilespmem:$0x19E40] =	vst v63  }
0x44: {  	_ =	swait.ge [sflag:s13], $0x20  }
0x45: {  	[sflag:s13] =	ssyncset.done $0x0  }
0x46: {  	s20 =	rddreg [dreg:$0x6];
	[sflag:s13] =	ssyncadd.s32 $0xFFFFFFE0  }
0x47: {  	[tilespmem:s23], [sflag:$0x1] =	stream.linear.gather [hbm4b:s20+s18], $0x13C0, $0x38;
	[tilespmem:$0x19E40] =	vst v63  }
0x48: {  	s21 =	rddreg [dreg:$0x1d]  }
0x49: {  	[tilespmem:s19], [sflag:$0x2] =	stream.linear.gather [hbm4b:s21+s18], $0x13C0, $0x38;
	[tilespmem:$0x19E40] =	vst v63  }
0x4a: {  	s22 =	rddreg [dreg:$0x7];
	s23 =	simm.s32 $0x127A0  }
0x4b: {  	[tilespmem:s23], [sflag:$0x3] =	stream.linear.gather [hbm4b:s22+s18], $0x13C0, $0x38;
	[tilespmem:$0x19E40] =	vst v63  }
0x4c: {  	s20 =	simm.s32 $0x13B60  }
0x4d: {  	[tilespmem:s20], [sflag:$0x4] =	stream.linear.gather [hbm4b:s25+s18], $0x13C0, $0x38;
	[tilespmem:$0x19E40] =	vst v63  }
0x4e: {  	s21 =	rddreg [dreg:$0x8]  }
0x4f: {  	[tilespmem:s24], [sflag:$0x5] =	stream.linear.gather [hbm4b:s21+s18], $0x13C0, $0x38;
	[tilespmem:$0x19E40] =	vst v63  }
0x50: {  	s22 =	rddreg [dreg:$0x1e]  }
0x51: {  	[tilespmem:s26], [sflag:$0x6] =	stream.linear.gather [hbm4b:s22+s18], $0x13C0, $0x38;
	[tilespmem:$0x19E40] =	vst v63  }
0x52: {  	s23 =	rddreg [dreg:$0x9]  }
0x53: {  	[tilespmem:s29], [sflag:$0x7] =	stream.linear.gather [hbm4b:s23+s18], $0x13C0, $0x38;
	[tilespmem:$0x19E40] =	vst v63  }
0x54: {  	_ = 	snop  }
0x55: {  	[tilespmem:s31], [sflag:$0x8] =	stream.linear.gather [hbm4b:s28+s18], $0x13C0, $0x38;
	[tilespmem:$0x19E40] =	vst v63  }
0x56: {  	_ =	swait.ge [sflag:s12], $0x13C0  }
0x57: {  	[sflag:s12] =	ssyncset.done $0x0  }
0x58: {  	[sflag:s12] =	ssyncadd.s32 $0xFFFFEC40  }
0x59: {  	_ =	swait.ge [sflag:s0], $0x13C0  }
0x5a: {  	[sflag:s0] =	ssyncset.done $0x0  }
0x5b: {  	[sflag:s0] =	ssyncadd.s32 $0xFFFFEC40  }
0x5c: {  	_ =	swait.ge [sflag:s1], $0x13C0  }
0x5d: {  	[sflag:s1] =	ssyncset.done $0x0  }
0x5e: {  	[sflag:s1] =	ssyncadd.s32 $0xFFFFEC40  }
0x5f: {  	_ =	swait.ge [sflag:s4], $0x13C0  }
0x60: {  	[sflag:s4] =	ssyncset.done $0x0  }
0x61: {  	s15 =	simm.s32 $0x30;
	[sflag:s4] =	ssyncadd.s32 $0xFFFFEC40  }
0x62: {  	v0 =	vld [tilespmem:s15+$0x113B0]  }
0x63: {  	v1 =	vld [tilespmem:s15+$0xFFF0];
	_ =	sdelay $0x1  }
0x64: {  	v2 =	vld [tilespmem:s15+$0x12770];
	_ =	sdelay $0x1  }
0x65: {  	v3 =	vld [tilespmem:s15+$0x13B30]  }
0x66: {  	v0 =	vadd.f32 v0, v1  }
0x67: {  	v1 =	vld [tilespmem:$0x19E20]  }
0x68: {  	v0 =	vadd.f32 v2, v0;
	_ =	sdelay $0x1  }
0x69: {  	v0 =	vmul.f32 v0, v3  }
0x6a: {  	v2 =	vld [tilespmem:s15+$0x113C0]  }
0x6b: {  	v0 =	vadd.f32 v0, v1;
	v1 =	vld [tilespmem:s15+$0x10000];
	_ =	sdelay $0x1  }
0x6c: {  	v4 =	vld [tilespmem:s15+$0x12780];
	v0 =	vmax.f32 v0, $0.0e+00  }
0x6d: {  	v0 =	vmul.f32 v0, v3  }
0x6e: {  	v3 =	vld [tilespmem:s15+$0x13B40]  }
0x6f: {  	[tilespmem:s15+$0xFFF0] =	vst v0;
	v0 =	vadd.f32 v2, v1  }
0x70: {  	v1 =	vld [tilespmem:$0x19E30]  }
0x71: {  	v0 =	vadd.f32 v4, v0;
	_ =	sdelay $0x1  }
0x72: {  	v0 =	vmul.f32 v0, v3  }
0x73: {  	v2 =	vld [tilespmem:s15+$0x113D0]  }
0x74: {  	v0 =	vadd.f32 v0, v1;
	v1 =	vld [tilespmem:s15+$0x10010];
	_ =	sdelay $0x1  }
0x75: {  	v4 =	vld [tilespmem:s15+$0x12790];
	v0 =	vmax.f32 v0, $0.0e+00  }
0x76: {  	v0 =	vmul.f32 v0, v3  }
0x77: {  	v3 =	vld [tilespmem:s15+$0x13B50]  }
0x78: {  	[tilespmem:s15+$0x10000] =	vst v0;
	v0 =	vadd.f32 v2, v1  }
0x79: {  	v1 =	vld [tilespmem:$0x19E20]  }
0x7a: {  	v0 =	vadd.f32 v4, v0;
	_ =	sdelay $0x1  }
0x7b: {  	v2 =	vld [tilespmem:s15+$0x113E0];
	v0 =	vmul.f32 v0, v3  }
0x7c: {  	v4 =	vld [tilespmem:s15+$0x10020]  }
0x7d: {  	v0 =	vadd.f32 v0, v1  }
0x7e: {  	v1 =	vld [tilespmem:s15+$0x127A0]  }
0x7f: {  	v5 =	vmax.f32 v0, $0.0e+00  }
0x80: {  	v3 =	vmul.f32 v5, v3  }
0x81: {  	v2 =	vadd.f32 v2, v4;
	v0 =	vld [tilespmem:s15+$0x13B60]  }
0x82: {  	[tilespmem:s15+$0x10010] =	vst v3  }
0x83: {  	v1 =	vadd.f32 v1, v2;
	v2 =	vld [tilespmem:$0x19E30];
	_ =	sdelay $0x2  }
0x84: {  	s22 =	simm.s32 $0x70;
	v3 =	vmul.f32 v1, v0  }
0x85: {  	s21 =	simm.s32 $0x2C0;
	v1 =	vld [tilespmem:s22+$0x113B0]  }
.LBB2_2:
0x86: {  	p1 =	sne.s32 s21, $0x4EC0;
	v4 =	vld [tilespmem:s22+$0xFFF0];
	v2 =	vadd.f32 v3, v2;
	_ =	sdelay $0x1  }
0x87: {  	v3 =	vld [tilespmem:s22+$0x12770];
	v2 =	vmax.f32 v2, $0.0e+00  }
0x88: {  	v0 =	vmul.f32 v2, v0  }
0x89: {  	v2 =	vld [tilespmem:s22+$0x13B30]  }
0x8a: {  	v1 =	vadd.f32 v1, v4;
	[tilespmem:s15+$0x10020] =	vst v0;
	s15 =	smov.u32 s22  }
0x8b: {  	v0 =	vld [tilespmem:$0x19E20]  }
0x8c: {  	v1 =	vadd.f32 v3, v1;
	_ =	sdelay $0x1  }
0x8d: {  	v1 =	vmul.f32 v1, v2  }
0x8e: {  	v3 =	vld [tilespmem:s15+$0x113C0]  }
0x8f: {  	v0 =	vadd.f32 v1, v0;
	v1 =	vld [tilespmem:s15+$0x10000];
	_ =	sdelay $0x1  }
0x90: {  	v0 =	vmax.f32 v0, $0.0e+00;
	v4 =	vld [tilespmem:s15+$0x12780]  }
0x91: {  	v0 =	vmul.f32 v0, v2  }
0x92: {  	v2 =	vld [tilespmem:s15+$0x13B40]  }
0x93: {  	[tilespmem:s15+$0xFFF0] =	vst v0;
	v0 =	vadd.f32 v3, v1  }
0x94: {  	v1 =	vld [tilespmem:$0x19E30]  }
0x95: {  	v0 =	vadd.f32 v4, v0;
	_ =	sdelay $0x1  }
0x96: {  	v0 =	vmul.f32 v0, v2  }
0x97: {  	v3 =	vld [tilespmem:s15+$0x113D0]  }
0x98: {  	v0 =	vadd.f32 v0, v1;
	v1 =	vld [tilespmem:s15+$0x10010];
	_ =	sdelay $0x1  }
0x99: {  	v0 =	vmax.f32 v0, $0.0e+00;
	v4 =	vld [tilespmem:s15+$0x12790]  }
0x9a: {  	v0 =	vmul.f32 v0, v2  }
0x9b: {  	v2 =	vld [tilespmem:s15+$0x13B50]  }
0x9c: {  	[tilespmem:s15+$0x10000] =	vst v0;
	v0 =	vadd.f32 v3, v1  }
0x9d: {  	v1 =	vld [tilespmem:$0x19E20]  }
0x9e: {  	v0 =	vadd.f32 v4, v0;
	_ =	sdelay $0x1  }
0x9f: {  	v0 =	vmul.f32 v0, v2  }
0xa0: {  	v3 =	vld [tilespmem:s15+$0x113E0]  }
0xa1: {  	v0 =	vadd.f32 v0, v1;
	v1 =	vld [tilespmem:s15+$0x10020];
	_ =	sdelay $0x1  }
0xa2: {  	v0 =	vmax.f32 v0, $0.0e+00;
	v4 =	vld [tilespmem:s15+$0x127A0]  }
0xa3: {  	v2 =	vmul.f32 v0, v2  }
0xa4: {  	v0 =	vld [tilespmem:s15+$0x13B60]  }
0xa5: {  	[tilespmem:s15+$0x10010] =	vst v2;
	v1 =	vadd.f32 v3, v1  }
.Ltmp2:
0xa6: {  	v2 =	vld [tilespmem:$0x19E30];
	(pc) =	sbr.rel @p1 .LBB2_2-.Ltmp2, $3  }
0xa7: {  	v1 =	vadd.f32 v4, v1;
	_ =	sdelay $0x1  }
0xa8: {  	s22 =	sshra.s32 s21, $0x2;
	v3 =	vmul.f32 v1, v0  }
0xa9: {  	s21 =	sadd.s32 $0x100, s21;
	v1 =	vld [tilespmem:s22+$0x113B0]  }
0xaa: {  	v4 =	vld [tilespmem:s22+$0xFFF0];
	v2 =	vadd.f32 v3, v2;
	_ =	sdelay $0x1  }
0xab: {  	v3 =	vld [tilespmem:s22+$0x12770];
	v2 =	vmax.f32 v2, $0.0e+00  }
0xac: {  	v0 =	vmul.f32 v2, v0  }
0xad: {  	v2 =	vld [tilespmem:s22+$0x13B30]  }
0xae: {  	v1 =	vadd.f32 v1, v4;
	[tilespmem:s15+$0x10020] =	vst v0  }
0xaf: {  	v0 =	vld [tilespmem:$0x19E20]  }
0xb0: {  	v1 =	vadd.f32 v3, v1;
	_ =	sdelay $0x1  }
0xb1: {  	v1 =	vmul.f32 v1, v2  }
0xb2: {  	v3 =	vld [tilespmem:s22+$0x113C0]  }
0xb3: {  	v0 =	vadd.f32 v1, v0;
	v1 =	vld [tilespmem:s22+$0x10000];
	_ =	sdelay $0x1  }
0xb4: {  	v4 =	vld [tilespmem:s22+$0x12780];
	v0 =	vmax.f32 v0, $0.0e+00  }
0xb5: {  	v0 =	vmul.f32 v0, v2  }
0xb6: {  	v2 =	vld [tilespmem:s22+$0x13B40]  }
0xb7: {  	[tilespmem:s22+$0xFFF0] =	vst v0;
	v0 =	vadd.f32 v3, v1  }
0xb8: {  	v1 =	vld [tilespmem:$0x19E30]  }
0xb9: {  	v0 =	vadd.f32 v4, v0;
	_ =	sdelay $0x1  }
0xba: {  	v0 =	vmul.f32 v0, v2  }
0xbb: {  	v3 =	vld [tilespmem:s22+$0x113D0]  }
0xbc: {  	v0 =	vadd.f32 v0, v1;
	v1 =	vld [tilespmem:s22+$0x10010];
	_ =	sdelay $0x1  }
0xbd: {  	v4 =	vld [tilespmem:s22+$0x12790];
	v0 =	vmax.f32 v0, $0.0e+00  }
0xbe: {  	v0 =	vmul.f32 v0, v2  }
0xbf: {  	v2 =	vld [tilespmem:s22+$0x13B50]  }
0xc0: {  	[tilespmem:s22+$0x10000] =	vst v0;
	v0 =	vadd.f32 v3, v1  }
0xc1: {  	v1 =	vld [tilespmem:$0x19E20]  }
0xc2: {  	v0 =	vadd.f32 v4, v0;
	_ =	sdelay $0x1  }
0xc3: {  	v0 =	vmul.f32 v0, v2  }
0xc4: {  	v3 =	vld [tilespmem:s22+$0x113E0]  }
0xc5: {  	v0 =	vadd.f32 v0, v1;
	v1 =	vld [tilespmem:s22+$0x10020];
	_ =	sdelay $0x1  }
0xc6: {  	v4 =	vld [tilespmem:s22+$0x127A0];
	v0 =	vmax.f32 v0, $0.0e+00  }
0xc7: {  	v0 =	vmul.f32 v0, v2  }
0xc8: {  	v2 =	vld [tilespmem:s22+$0x13B60]  }
0xc9: {  	[tilespmem:s22+$0x10010] =	vst v0;
	v0 =	vadd.f32 v3, v1  }
0xca: {  	v1 =	vld [tilespmem:$0x19E30]  }
0xcb: {  	v0 =	vadd.f32 v4, v0;
	_ =	sdelay $0x1  }
0xcc: {  	v0 =	vmul.f32 v0, v2;
	_ =	sdelay $0x1  }
0xcd: {  	v0 =	vadd.f32 v0, v1;
	_ =	sdelay $0x1  }
0xce: {  	v0 =	vmax.f32 v0, $0.0e+00  }
0xcf: {  	v0 =	vmul.f32 v0, v2;
	_ =	sdelay $0x1  }
0xd0: {  	s14 =	rddreg [dreg:$0x13];
	s21 =	simm.s32 $0x10020;
	[tilespmem:s22+$0x10020] =	vst v0  }
0xd1: {  	[spmem:s14] =	stream.linear.scatter [tilespmem:s21], [sflag:$0xA], $0x13C0, $0x38;
	[tilespmem:$0x19E40] =	vst v63  }
0xd2: {  	_ =	swait.ge [sflag:s6], $0x13C0  }
0xd3: {  	[sflag:s6] =	ssyncset.done $0x0  }
0xd4: {  	s22 =	rddreg [dreg:$0xa];
	[sflag:s6] =	ssyncadd.s32 $0xFFFFEC40  }
0xd5: {  	[tilespmem:s21], [sflag:$0x1] =	stream.linear.gather [hbm4b:s22+s18], $0x13C0, $0x38;
	[tilespmem:$0x19E40] =	vst v63  }
0xd6: {  	s15 =	rddreg [dreg:$0x1f]  }
0xd7: {  	[tilespmem:s19], [sflag:$0x2] =	stream.linear.gather [hbm4b:s15+s18], $0x13C0, $0x38;
	[tilespmem:$0x19E40] =	vst v63  }
0xd8: {  	s20 =	rddreg [dreg:$0xb];
	s21 =	simm.s32 $0x127A0  }
0xd9: {  	[tilespmem:s21], [sflag:$0x3] =	stream.linear.gather [hbm4b:s20+s18], $0x13C0, $0x38;
	[tilespmem:$0x19E40] =	vst v63  }
0xda: {  	s22 =	simm.s32 $0x13B60  }
0xdb: {  	[tilespmem:s22], [sflag:$0x4] =	stream.linear.gather [hbm4b:s30+s18], $0x13C0, $0x38;
	[tilespmem:$0x19E40] =	vst v63  }
0xdc: {  	_ =	swait.ge [sflag:s7], $0x13C0  }
0xdd: {  	[sflag:s7] =	ssyncset.done $0x0  }
0xde: {  	[sflag:s7] =	ssyncadd.s32 $0xFFFFEC40  }
0xdf: {  	_ =	swait.ge [sflag:s9], $0x13C0  }
0xe0: {  	[sflag:s9] =	ssyncset.done $0x0  }
0xe1: {  	[sflag:s9] =	ssyncadd.s32 $0xFFFFEC40  }
0xe2: {  	_ =	swait.ge [sflag:s10], $0x13C0  }
0xe3: {  	[sflag:s10] =	ssyncset.done $0x0  }
0xe4: {  	[sflag:s10] =	ssyncadd.s32 $0xFFFFEC40  }
0xe5: {  	_ =	swait.ge [sflag:s17], $0x13C0  }
0xe6: {  	[sflag:s17] =	ssyncset.done $0x0  }
0xe7: {  	s15 =	simm.s32 $0x30;
	[sflag:s17] =	ssyncadd.s32 $0xFFFFEC40  }
0xe8: {  	v0 =	vld [tilespmem:s15+$0x162B0]  }
0xe9: {  	v1 =	vld [tilespmem:s15+$0x14EF0];
	_ =	sdelay $0x1  }
0xea: {  	v2 =	vld [tilespmem:s15+$0x17670];
	_ =	sdelay $0x1  }
0xeb: {  	v3 =	vld [tilespmem:s15+$0x18A30]  }
0xec: {  	v0 =	vadd.f32 v0, v1  }
0xed: {  	v1 =	vld [tilespmem:$0x19E20]  }
0xee: {  	v0 =	vadd.f32 v2, v0;
	_ =	sdelay $0x1  }
0xef: {  	v0 =	vmul.f32 v0, v3  }
0xf0: {  	v2 =	vld [tilespmem:s15+$0x162C0]  }
0xf1: {  	v0 =	vadd.f32 v0, v1;
	v1 =	vld [tilespmem:s15+$0x14F00];
	_ =	sdelay $0x1  }
0xf2: {  	v4 =	vld [tilespmem:s15+$0x17680];
	v0 =	vmax.f32 v0, $0.0e+00  }
0xf3: {  	v0 =	vmul.f32 v0, v3  }
0xf4: {  	v3 =	vld [tilespmem:s15+$0x18A40]  }
0xf5: {  	[tilespmem:s15+$0x14EF0] =	vst v0;
	v0 =	vadd.f32 v2, v1  }
0xf6: {  	v1 =	vld [tilespmem:$0x19E30]  }
0xf7: {  	v0 =	vadd.f32 v4, v0;
	_ =	sdelay $0x1  }
0xf8: {  	v0 =	vmul.f32 v0, v3  }
0xf9: {  	v2 =	vld [tilespmem:s15+$0x162D0]  }
0xfa: {  	v0 =	vadd.f32 v0, v1;
	v1 =	vld [tilespmem:s15+$0x14F10];
	_ =	sdelay $0x1  }
0xfb: {  	v4 =	vld [tilespmem:s15+$0x17690];
	v0 =	vmax.f32 v0, $0.0e+00  }
0xfc: {  	v0 =	vmul.f32 v0, v3  }
0xfd: {  	v3 =	vld [tilespmem:s15+$0x18A50]  }
0xfe: {  	[tilespmem:s15+$0x14F00] =	vst v0;
	v0 =	vadd.f32 v2, v1  }
0xff: {  	v1 =	vld [tilespmem:$0x19E20]  }
0x100: {  	v0 =	vadd.f32 v4, v0;
	_ =	sdelay $0x1  }
0x101: {  	v2 =	vld [tilespmem:s15+$0x162E0];
	v0 =	vmul.f32 v0, v3  }
0x102: {  	v4 =	vld [tilespmem:s15+$0x14F20]  }
0x103: {  	v0 =	vadd.f32 v0, v1  }
0x104: {  	v1 =	vld [tilespmem:s15+$0x176A0]  }
0x105: {  	v5 =	vmax.f32 v0, $0.0e+00  }
0x106: {  	v3 =	vmul.f32 v5, v3  }
0x107: {  	v2 =	vadd.f32 v2, v4;
	v0 =	vld [tilespmem:s15+$0x18A60]  }
0x108: {  	[tilespmem:s15+$0x14F10] =	vst v3  }
0x109: {  	v1 =	vadd.f32 v1, v2;
	v2 =	vld [tilespmem:$0x19E30];
	_ =	sdelay $0x2  }
0x10a: {  	s22 =	simm.s32 $0x70;
	v3 =	vmul.f32 v1, v0  }
0x10b: {  	s23 =	simm.s32 $0x10020;
	s20 =	smov.u32 s30;
	s21 =	simm.s32 $0x2C0;
	v1 =	vld [tilespmem:s22+$0x162B0]  }
.LBB2_4:
0x10c: {  	p1 =	sne.s32 s21, $0x4EC0;
	v4 =	vld [tilespmem:s22+$0x14EF0];
	v2 =	vadd.f32 v3, v2;
	_ =	sdelay $0x1  }
0x10d: {  	v3 =	vld [tilespmem:s22+$0x17670];
	v2 =	vmax.f32 v2, $0.0e+00  }
0x10e: {  	v0 =	vmul.f32 v2, v0  }
0x10f: {  	v2 =	vld [tilespmem:s22+$0x18A30]  }
0x110: {  	v1 =	vadd.f32 v1, v4;
	[tilespmem:s15+$0x14F20] =	vst v0;
	s15 =	smov.u32 s22  }
0x111: {  	v0 =	vld [tilespmem:$0x19E20]  }
0x112: {  	v1 =	vadd.f32 v3, v1;
	_ =	sdelay $0x1  }
0x113: {  	v1 =	vmul.f32 v1, v2  }
0x114: {  	v3 =	vld [tilespmem:s15+$0x162C0]  }
0x115: {  	v0 =	vadd.f32 v1, v0;
	v1 =	vld [tilespmem:s15+$0x14F00];
	_ =	sdelay $0x1  }
0x116: {  	v0 =	vmax.f32 v0, $0.0e+00;
	v4 =	vld [tilespmem:s15+$0x17680]  }
0x117: {  	v0 =	vmul.f32 v0, v2  }
0x118: {  	v2 =	vld [tilespmem:s15+$0x18A40]  }
0x119: {  	[tilespmem:s15+$0x14EF0] =	vst v0;
	v0 =	vadd.f32 v3, v1  }
0x11a: {  	v1 =	vld [tilespmem:$0x19E30]  }
0x11b: {  	v0 =	vadd.f32 v4, v0;
	_ =	sdelay $0x1  }
0x11c: {  	v0 =	vmul.f32 v0, v2  }
0x11d: {  	v3 =	vld [tilespmem:s15+$0x162D0]  }
0x11e: {  	v0 =	vadd.f32 v0, v1;
	v1 =	vld [tilespmem:s15+$0x14F10];
	_ =	sdelay $0x1  }
0x11f: {  	v0 =	vmax.f32 v0, $0.0e+00;
	v4 =	vld [tilespmem:s15+$0x17690]  }
0x120: {  	v0 =	vmul.f32 v0, v2  }
0x121: {  	v2 =	vld [tilespmem:s15+$0x18A50]  }
0x122: {  	[tilespmem:s15+$0x14F00] =	vst v0;
	v0 =	vadd.f32 v3, v1  }
0x123: {  	v1 =	vld [tilespmem:$0x19E20]  }
0x124: {  	v0 =	vadd.f32 v4, v0;
	_ =	sdelay $0x1  }
0x125: {  	v0 =	vmul.f32 v0, v2  }
0x126: {  	v3 =	vld [tilespmem:s15+$0x162E0]  }
0x127: {  	v0 =	vadd.f32 v0, v1;
	v1 =	vld [tilespmem:s15+$0x14F20];
	_ =	sdelay $0x1  }
0x128: {  	v0 =	vmax.f32 v0, $0.0e+00;
	v4 =	vld [tilespmem:s15+$0x176A0]  }
0x129: {  	v2 =	vmul.f32 v0, v2  }
0x12a: {  	v0 =	vld [tilespmem:s15+$0x18A60]  }
0x12b: {  	[tilespmem:s15+$0x14F10] =	vst v2;
	v1 =	vadd.f32 v3, v1  }
.Ltmp3:
0x12c: {  	v2 =	vld [tilespmem:$0x19E30];
	(pc) =	sbr.rel @p1 .LBB2_4-.Ltmp3, $3  }
0x12d: {  	v1 =	vadd.f32 v4, v1;
	_ =	sdelay $0x1  }
0x12e: {  	s22 =	sshra.s32 s21, $0x2;
	v3 =	vmul.f32 v1, v0  }
0x12f: {  	s21 =	sadd.s32 $0x100, s21;
	v1 =	vld [tilespmem:s22+$0x162B0]  }
0x130: {  	v4 =	vld [tilespmem:s22+$0x14EF0];
	v2 =	vadd.f32 v3, v2;
	_ =	sdelay $0x1  }
0x131: {  	v3 =	vld [tilespmem:s22+$0x17670];
	v2 =	vmax.f32 v2, $0.0e+00  }
0x132: {  	v0 =	vmul.f32 v2, v0  }
0x133: {  	v2 =	vld [tilespmem:s22+$0x18A30]  }
0x134: {  	v1 =	vadd.f32 v1, v4;
	[tilespmem:s15+$0x14F20] =	vst v0  }
0x135: {  	v0 =	vld [tilespmem:$0x19E20]  }
0x136: {  	v1 =	vadd.f32 v3, v1;
	_ =	sdelay $0x1  }
0x137: {  	v1 =	vmul.f32 v1, v2  }
0x138: {  	v3 =	vld [tilespmem:s22+$0x162C0]  }
0x139: {  	v0 =	vadd.f32 v1, v0;
	v1 =	vld [tilespmem:s22+$0x14F00];
	_ =	sdelay $0x1  }
0x13a: {  	v4 =	vld [tilespmem:s22+$0x17680];
	v0 =	vmax.f32 v0, $0.0e+00  }
0x13b: {  	v0 =	vmul.f32 v0, v2  }
0x13c: {  	v2 =	vld [tilespmem:s22+$0x18A40]  }
0x13d: {  	[tilespmem:s22+$0x14EF0] =	vst v0;
	v0 =	vadd.f32 v3, v1  }
0x13e: {  	v1 =	vld [tilespmem:$0x19E30]  }
0x13f: {  	v0 =	vadd.f32 v4, v0;
	_ =	sdelay $0x1  }
0x140: {  	v0 =	vmul.f32 v0, v2  }
0x141: {  	v3 =	vld [tilespmem:s22+$0x162D0]  }
0x142: {  	v0 =	vadd.f32 v0, v1;
	v1 =	vld [tilespmem:s22+$0x14F10];
	_ =	sdelay $0x1  }
0x143: {  	v4 =	vld [tilespmem:s22+$0x17690];
	v0 =	vmax.f32 v0, $0.0e+00  }
0x144: {  	v0 =	vmul.f32 v0, v2  }
0x145: {  	v2 =	vld [tilespmem:s22+$0x18A50]  }
0x146: {  	[tilespmem:s22+$0x14F00] =	vst v0;
	v0 =	vadd.f32 v3, v1  }
0x147: {  	v1 =	vld [tilespmem:$0x19E20]  }
0x148: {  	v0 =	vadd.f32 v4, v0;
	_ =	sdelay $0x1  }
0x149: {  	v0 =	vmul.f32 v0, v2  }
0x14a: {  	v3 =	vld [tilespmem:s22+$0x162E0]  }
0x14b: {  	v0 =	vadd.f32 v0, v1;
	v1 =	vld [tilespmem:s22+$0x14F20];
	_ =	sdelay $0x1  }
0x14c: {  	v4 =	vld [tilespmem:s22+$0x176A0];
	v0 =	vmax.f32 v0, $0.0e+00  }
0x14d: {  	v0 =	vmul.f32 v0, v2  }
0x14e: {  	v2 =	vld [tilespmem:s22+$0x18A60]  }
0x14f: {  	[tilespmem:s22+$0x14F10] =	vst v0;
	v0 =	vadd.f32 v3, v1  }
0x150: {  	v1 =	vld [tilespmem:$0x19E30]  }
0x151: {  	v0 =	vadd.f32 v4, v0;
	_ =	sdelay $0x1  }
0x152: {  	v0 =	vmul.f32 v0, v2;
	_ =	sdelay $0x1  }
0x153: {  	v0 =	vadd.f32 v0, v1;
	_ =	sdelay $0x1  }
0x154: {  	v0 =	vmax.f32 v0, $0.0e+00  }
0x155: {  	v0 =	vmul.f32 v0, v2;
	_ =	sdelay $0x1  }
0x156: {  	s30 =	smov.u32 s28;
	s28 =	rddreg [dreg:$0x16];
	[tilespmem:s22+$0x14F20] =	vst v0  }
0x157: {  	[spmem:s28] =	stream.linear.scatter [tilespmem:s24], [sflag:$0xA], $0x13C0, $0x38;
	[tilespmem:$0x19E40] =	vst v63  }
0x158: {  	_ =	swait.ge [sflag:s6], $0x13C0  }
0x159: {  	[sflag:s6] =	ssyncset.done $0x0;
	s21 =	rddreg [dreg:$0xc]  }
0x15a: {  	s22 =	sld [smem:$0x7FA];
	[sflag:s6] =	ssyncadd.s32 $0xFFFFEC40  }
0x15b: {  	[tilespmem:s24], [sflag:$0x5] =	stream.linear.gather [hbm4b:s21+s18], $0x13C0, $0x38;
	[tilespmem:$0x19E40] =	vst v63  }
0x15c: {  	_ = 	snop  }
0x15d: {  	[tilespmem:s26], [sflag:$0x6] =	stream.linear.gather [hbm4b:s22+s18], $0x13C0, $0x38;
	[tilespmem:$0x19E40] =	vst v63  }
0x15e: {  	s14 =	smov.u32 s25;
	s25 =	rddreg [dreg:$0xd]  }
0x15f: {  	[tilespmem:s29], [sflag:$0x7] =	stream.linear.gather [hbm4b:s25+s18], $0x13C0, $0x38;
	[tilespmem:$0x19E40] =	vst v63  }
0x160: {  	s28 =	rddreg [dreg:$0xe]  }
0x161: {  	[tilespmem:s31], [sflag:$0x8] =	stream.linear.gather [hbm4b:s28+s18], $0x13C0, $0x38;
	[tilespmem:$0x19E40] =	vst v63  }
0x162: {  	_ =	swait.ge [sflag:s12], $0x13C0  }
0x163: {  	[sflag:s12] =	ssyncset.done $0x0  }
0x164: {  	[sflag:s12] =	ssyncadd.s32 $0xFFFFEC40  }
0x165: {  	_ =	swait.ge [sflag:s0], $0x13C0  }
0x166: {  	[sflag:s0] =	ssyncset.done $0x0  }
0x167: {  	[sflag:s0] =	ssyncadd.s32 $0xFFFFEC40  }
0x168: {  	_ =	swait.ge [sflag:s1], $0x13C0  }
0x169: {  	[sflag:s1] =	ssyncset.done $0x0  }
0x16a: {  	[sflag:s1] =	ssyncadd.s32 $0xFFFFEC40  }
0x16b: {  	_ =	swait.ge [sflag:s4], $0x13C0  }
0x16c: {  	[sflag:s4] =	ssyncset.done $0x0  }
0x16d: {  	s15 =	simm.s32 $0x30;
	[sflag:s4] =	ssyncadd.s32 $0xFFFFEC40  }
0x16e: {  	v0 =	vld [tilespmem:s15+$0x113B0]  }
0x16f: {  	v1 =	vld [tilespmem:s15+$0xFFF0];
	_ =	sdelay $0x1  }
0x170: {  	v2 =	vld [tilespmem:s15+$0x12770];
	_ =	sdelay $0x1  }
0x171: {  	v3 =	vld [tilespmem:s15+$0x13B30]  }
0x172: {  	v0 =	vadd.f32 v0, v1  }
0x173: {  	v1 =	vld [tilespmem:$0x19E20]  }
0x174: {  	v0 =	vadd.f32 v2, v0;
	_ =	sdelay $0x1  }
0x175: {  	v0 =	vmul.f32 v0, v3  }
0x176: {  	v2 =	vld [tilespmem:s15+$0x113C0]  }
0x177: {  	v0 =	vadd.f32 v0, v1;
	v1 =	vld [tilespmem:s15+$0x10000];
	_ =	sdelay $0x1  }
0x178: {  	v4 =	vld [tilespmem:s15+$0x12780];
	v0 =	vmax.f32 v0, $0.0e+00  }
0x179: {  	v0 =	vmul.f32 v0, v3  }
0x17a: {  	v3 =	vld [tilespmem:s15+$0x13B40]  }
0x17b: {  	[tilespmem:s15+$0xFFF0] =	vst v0;
	v0 =	vadd.f32 v2, v1  }
0x17c: {  	v1 =	vld [tilespmem:$0x19E30]  }
0x17d: {  	v0 =	vadd.f32 v4, v0;
	_ =	sdelay $0x1  }
0x17e: {  	v0 =	vmul.f32 v0, v3  }
0x17f: {  	v2 =	vld [tilespmem:s15+$0x113D0]  }
0x180: {  	v0 =	vadd.f32 v0, v1;
	v1 =	vld [tilespmem:s15+$0x10010];
	_ =	sdelay $0x1  }
0x181: {  	v4 =	vld [tilespmem:s15+$0x12790];
	v0 =	vmax.f32 v0, $0.0e+00  }
0x182: {  	v0 =	vmul.f32 v0, v3  }
0x183: {  	v3 =	vld [tilespmem:s15+$0x13B50]  }
0x184: {  	[tilespmem:s15+$0x10000] =	vst v0;
	v0 =	vadd.f32 v2, v1  }
0x185: {  	v1 =	vld [tilespmem:$0x19E20]  }
0x186: {  	v0 =	vadd.f32 v4, v0;
	_ =	sdelay $0x1  }
0x187: {  	v2 =	vld [tilespmem:s15+$0x113E0];
	v0 =	vmul.f32 v0, v3  }
0x188: {  	v4 =	vld [tilespmem:s15+$0x10020]  }
0x189: {  	v0 =	vadd.f32 v0, v1  }
0x18a: {  	v1 =	vld [tilespmem:s15+$0x127A0]  }
0x18b: {  	v5 =	vmax.f32 v0, $0.0e+00  }
0x18c: {  	v3 =	vmul.f32 v5, v3  }
0x18d: {  	v2 =	vadd.f32 v2, v4;
	v0 =	vld [tilespmem:s15+$0x13B60]  }
0x18e: {  	[tilespmem:s15+$0x10010] =	vst v3  }
0x18f: {  	v1 =	vadd.f32 v1, v2;
	v2 =	vld [tilespmem:$0x19E30];
	_ =	sdelay $0x2  }
0x190: {  	s22 =	simm.s32 $0x70;
	v3 =	vmul.f32 v1, v0  }
0x191: {  	s21 =	simm.s32 $0x2C0;
	v1 =	vld [tilespmem:s22+$0x113B0]  }
.LBB2_6:
0x192: {  	p1 =	sne.s32 s21, $0x4EC0;
	v4 =	vld [tilespmem:s22+$0xFFF0];
	v2 =	vadd.f32 v3, v2;
	_ =	sdelay $0x1  }
0x193: {  	v3 =	vld [tilespmem:s22+$0x12770];
	v2 =	vmax.f32 v2, $0.0e+00  }
0x194: {  	v0 =	vmul.f32 v2, v0  }
0x195: {  	v2 =	vld [tilespmem:s22+$0x13B30]  }
0x196: {  	v1 =	vadd.f32 v1, v4;
	[tilespmem:s15+$0x10020] =	vst v0;
	s15 =	smov.u32 s22  }
0x197: {  	v0 =	vld [tilespmem:$0x19E20]  }
0x198: {  	v1 =	vadd.f32 v3, v1;
	_ =	sdelay $0x1  }
0x199: {  	v1 =	vmul.f32 v1, v2  }
0x19a: {  	v3 =	vld [tilespmem:s15+$0x113C0]  }
0x19b: {  	v0 =	vadd.f32 v1, v0;
	v1 =	vld [tilespmem:s15+$0x10000];
	_ =	sdelay $0x1  }
0x19c: {  	v0 =	vmax.f32 v0, $0.0e+00;
	v4 =	vld [tilespmem:s15+$0x12780]  }
0x19d: {  	v0 =	vmul.f32 v0, v2  }
0x19e: {  	v2 =	vld [tilespmem:s15+$0x13B40]  }
0x19f: {  	[tilespmem:s15+$0xFFF0] =	vst v0;
	v0 =	vadd.f32 v3, v1  }
0x1a0: {  	v1 =	vld [tilespmem:$0x19E30]  }
0x1a1: {  	v0 =	vadd.f32 v4, v0;
	_ =	sdelay $0x1  }
0x1a2: {  	v0 =	vmul.f32 v0, v2  }
0x1a3: {  	v3 =	vld [tilespmem:s15+$0x113D0]  }
0x1a4: {  	v0 =	vadd.f32 v0, v1;
	v1 =	vld [tilespmem:s15+$0x10010];
	_ =	sdelay $0x1  }
0x1a5: {  	v0 =	vmax.f32 v0, $0.0e+00;
	v4 =	vld [tilespmem:s15+$0x12790]  }
0x1a6: {  	v0 =	vmul.f32 v0, v2  }
0x1a7: {  	v2 =	vld [tilespmem:s15+$0x13B50]  }
0x1a8: {  	[tilespmem:s15+$0x10000] =	vst v0;
	v0 =	vadd.f32 v3, v1  }
0x1a9: {  	v1 =	vld [tilespmem:$0x19E20]  }
0x1aa: {  	v0 =	vadd.f32 v4, v0;
	_ =	sdelay $0x1  }
0x1ab: {  	v0 =	vmul.f32 v0, v2  }
0x1ac: {  	v3 =	vld [tilespmem:s15+$0x113E0]  }
0x1ad: {  	v0 =	vadd.f32 v0, v1;
	v1 =	vld [tilespmem:s15+$0x10020];
	_ =	sdelay $0x1  }
0x1ae: {  	v0 =	vmax.f32 v0, $0.0e+00;
	v4 =	vld [tilespmem:s15+$0x127A0]  }
0x1af: {  	v2 =	vmul.f32 v0, v2  }
0x1b0: {  	v0 =	vld [tilespmem:s15+$0x13B60]  }
0x1b1: {  	[tilespmem:s15+$0x10010] =	vst v2;
	v1 =	vadd.f32 v3, v1  }
.Ltmp4:
0x1b2: {  	v2 =	vld [tilespmem:$0x19E30];
	(pc) =	sbr.rel @p1 .LBB2_6-.Ltmp4, $3  }
0x1b3: {  	v1 =	vadd.f32 v4, v1;
	_ =	sdelay $0x1  }
0x1b4: {  	s22 =	sshra.s32 s21, $0x2;
	v3 =	vmul.f32 v1, v0  }
0x1b5: {  	s21 =	sadd.s32 $0x100, s21;
	v1 =	vld [tilespmem:s22+$0x113B0]  }
0x1b6: {  	v4 =	vld [tilespmem:s22+$0xFFF0];
	v2 =	vadd.f32 v3, v2;
	_ =	sdelay $0x1  }
0x1b7: {  	v3 =	vld [tilespmem:s22+$0x12770];
	v2 =	vmax.f32 v2, $0.0e+00  }
0x1b8: {  	v0 =	vmul.f32 v2, v0  }
0x1b9: {  	v2 =	vld [tilespmem:s22+$0x13B30]  }
0x1ba: {  	v1 =	vadd.f32 v1, v4;
	[tilespmem:s15+$0x10020] =	vst v0  }
0x1bb: {  	v0 =	vld [tilespmem:$0x19E20]  }
0x1bc: {  	v1 =	vadd.f32 v3, v1;
	_ =	sdelay $0x1  }
0x1bd: {  	v1 =	vmul.f32 v1, v2  }
0x1be: {  	v3 =	vld [tilespmem:s22+$0x113C0]  }
0x1bf: {  	v0 =	vadd.f32 v1, v0;
	v1 =	vld [tilespmem:s22+$0x10000];
	_ =	sdelay $0x1  }
0x1c0: {  	v4 =	vld [tilespmem:s22+$0x12780];
	v0 =	vmax.f32 v0, $0.0e+00  }
0x1c1: {  	v0 =	vmul.f32 v0, v2  }
0x1c2: {  	v2 =	vld [tilespmem:s22+$0x13B40]  }
0x1c3: {  	[tilespmem:s22+$0xFFF0] =	vst v0;
	v0 =	vadd.f32 v3, v1  }
0x1c4: {  	v1 =	vld [tilespmem:$0x19E30]  }
0x1c5: {  	v0 =	vadd.f32 v4, v0;
	_ =	sdelay $0x1  }
0x1c6: {  	v0 =	vmul.f32 v0, v2  }
0x1c7: {  	v3 =	vld [tilespmem:s22+$0x113D0]  }
0x1c8: {  	v0 =	vadd.f32 v0, v1;
	v1 =	vld [tilespmem:s22+$0x10010];
	_ =	sdelay $0x1  }
0x1c9: {  	v4 =	vld [tilespmem:s22+$0x12790];
	v0 =	vmax.f32 v0, $0.0e+00  }
0x1ca: {  	v0 =	vmul.f32 v0, v2  }
0x1cb: {  	v2 =	vld [tilespmem:s22+$0x13B50]  }
0x1cc: {  	[tilespmem:s22+$0x10000] =	vst v0;
	v0 =	vadd.f32 v3, v1  }
0x1cd: {  	v1 =	vld [tilespmem:$0x19E20]  }
0x1ce: {  	v0 =	vadd.f32 v4, v0;
	_ =	sdelay $0x1  }
0x1cf: {  	v0 =	vmul.f32 v0, v2  }
0x1d0: {  	v3 =	vld [tilespmem:s22+$0x113E0]  }
0x1d1: {  	v0 =	vadd.f32 v0, v1;
	v1 =	vld [tilespmem:s22+$0x10020];
	_ =	sdelay $0x1  }
0x1d2: {  	v4 =	vld [tilespmem:s22+$0x127A0];
	v0 =	vmax.f32 v0, $0.0e+00  }
0x1d3: {  	v0 =	vmul.f32 v0, v2  }
0x1d4: {  	v2 =	vld [tilespmem:s22+$0x13B60]  }
0x1d5: {  	[tilespmem:s22+$0x10010] =	vst v0;
	v0 =	vadd.f32 v3, v1  }
0x1d6: {  	v1 =	vld [tilespmem:$0x19E30]  }
0x1d7: {  	v0 =	vadd.f32 v4, v0;
	_ =	sdelay $0x1  }
0x1d8: {  	v0 =	vmul.f32 v0, v2;
	_ =	sdelay $0x1  }
0x1d9: {  	v0 =	vadd.f32 v0, v1;
	_ =	sdelay $0x1  }
0x1da: {  	v0 =	vmax.f32 v0, $0.0e+00  }
0x1db: {  	v0 =	vmul.f32 v0, v2;
	_ =	sdelay $0x1  }
0x1dc: {  	s28 =	rddreg [dreg:$0x18];
	[tilespmem:s22+$0x10020] =	vst v0  }
0x1dd: {  	[spmem:s28] =	stream.linear.scatter [tilespmem:s23], [sflag:$0xA], $0x13C0, $0x38;
	[tilespmem:$0x19E40] =	vst v63  }
0x1de: {  	_ =	swait.ge [sflag:s7], $0x13C0  }
0x1df: {  	[sflag:s7] =	ssyncset.done $0x0  }
0x1e0: {  	[sflag:s7] =	ssyncadd.s32 $0xFFFFEC40  }
0x1e1: {  	_ =	swait.ge [sflag:s9], $0x13C0  }
0x1e2: {  	[sflag:s9] =	ssyncset.done $0x0  }
0x1e3: {  	[sflag:s9] =	ssyncadd.s32 $0xFFFFEC40  }
0x1e4: {  	_ =	swait.ge [sflag:s10], $0x13C0  }
0x1e5: {  	[sflag:s10] =	ssyncset.done $0x0  }
0x1e6: {  	[sflag:s10] =	ssyncadd.s32 $0xFFFFEC40  }
0x1e7: {  	_ =	swait.ge [sflag:s17], $0x13C0  }
0x1e8: {  	[sflag:s17] =	ssyncset.done $0x0  }
0x1e9: {  	s15 =	simm.s32 $0x30;
	[sflag:s17] =	ssyncadd.s32 $0xFFFFEC40  }
0x1ea: {  	v0 =	vld [tilespmem:s15+$0x162B0]  }
0x1eb: {  	v1 =	vld [tilespmem:s15+$0x14EF0];
	_ =	sdelay $0x1  }
0x1ec: {  	v2 =	vld [tilespmem:s15+$0x17670];
	_ =	sdelay $0x1  }
0x1ed: {  	v3 =	vld [tilespmem:s15+$0x18A30]  }
0x1ee: {  	v0 =	vadd.f32 v0, v1  }
0x1ef: {  	v1 =	vld [tilespmem:$0x19E20]  }
0x1f0: {  	v0 =	vadd.f32 v2, v0;
	_ =	sdelay $0x1  }
0x1f1: {  	v0 =	vmul.f32 v0, v3  }
0x1f2: {  	v2 =	vld [tilespmem:s15+$0x162C0]  }
0x1f3: {  	v0 =	vadd.f32 v0, v1;
	v1 =	vld [tilespmem:s15+$0x14F00];
	_ =	sdelay $0x1  }
0x1f4: {  	v4 =	vld [tilespmem:s15+$0x17680];
	v0 =	vmax.f32 v0, $0.0e+00  }
0x1f5: {  	v0 =	vmul.f32 v0, v3  }
0x1f6: {  	v3 =	vld [tilespmem:s15+$0x18A40]  }
0x1f7: {  	[tilespmem:s15+$0x14EF0] =	vst v0;
	v0 =	vadd.f32 v2, v1  }
0x1f8: {  	v1 =	vld [tilespmem:$0x19E30]  }
0x1f9: {  	v0 =	vadd.f32 v4, v0;
	_ =	sdelay $0x1  }
0x1fa: {  	v0 =	vmul.f32 v0, v3  }
0x1fb: {  	v2 =	vld [tilespmem:s15+$0x162D0]  }
0x1fc: {  	v0 =	vadd.f32 v0, v1;
	v1 =	vld [tilespmem:s15+$0x14F10];
	_ =	sdelay $0x1  }
0x1fd: {  	v4 =	vld [tilespmem:s15+$0x17690];
	v0 =	vmax.f32 v0, $0.0e+00  }
0x1fe: {  	v0 =	vmul.f32 v0, v3  }
0x1ff: {  	v3 =	vld [tilespmem:s15+$0x18A50]  }
0x200: {  	[tilespmem:s15+$0x14F00] =	vst v0;
	v0 =	vadd.f32 v2, v1  }
0x201: {  	v1 =	vld [tilespmem:$0x19E20]  }
0x202: {  	v0 =	vadd.f32 v4, v0;
	_ =	sdelay $0x1  }
0x203: {  	v2 =	vld [tilespmem:s15+$0x162E0];
	v0 =	vmul.f32 v0, v3  }
0x204: {  	v4 =	vld [tilespmem:s15+$0x14F20]  }
0x205: {  	v0 =	vadd.f32 v0, v1  }
0x206: {  	v1 =	vld [tilespmem:s15+$0x176A0]  }
0x207: {  	v5 =	vmax.f32 v0, $0.0e+00  }
0x208: {  	v3 =	vmul.f32 v5, v3  }
0x209: {  	v2 =	vadd.f32 v2, v4;
	v0 =	vld [tilespmem:s15+$0x18A60]  }
0x20a: {  	[tilespmem:s15+$0x14F10] =	vst v3  }
0x20b: {  	v1 =	vadd.f32 v1, v2;
	v2 =	vld [tilespmem:$0x19E30];
	_ =	sdelay $0x2  }
0x20c: {  	s22 =	simm.s32 $0x70;
	v3 =	vmul.f32 v1, v0  }
0x20d: {  	s21 =	simm.s32 $0x2C0;
	v1 =	vld [tilespmem:s22+$0x162B0]  }
.LBB2_8:
0x20e: {  	p1 =	sne.s32 s21, $0x4EC0;
	v4 =	vld [tilespmem:s22+$0x14EF0];
	v2 =	vadd.f32 v3, v2;
	_ =	sdelay $0x1  }
0x20f: {  	v3 =	vld [tilespmem:s22+$0x17670];
	v2 =	vmax.f32 v2, $0.0e+00  }
0x210: {  	v0 =	vmul.f32 v2, v0  }
0x211: {  	v2 =	vld [tilespmem:s22+$0x18A30]  }
0x212: {  	v1 =	vadd.f32 v1, v4;
	[tilespmem:s15+$0x14F20] =	vst v0;
	s15 =	smov.u32 s22  }
0x213: {  	v0 =	vld [tilespmem:$0x19E20]  }
0x214: {  	v1 =	vadd.f32 v3, v1;
	_ =	sdelay $0x1  }
0x215: {  	v1 =	vmul.f32 v1, v2  }
0x216: {  	v3 =	vld [tilespmem:s15+$0x162C0]  }
0x217: {  	v0 =	vadd.f32 v1, v0;
	v1 =	vld [tilespmem:s15+$0x14F00];
	_ =	sdelay $0x1  }
0x218: {  	v0 =	vmax.f32 v0, $0.0e+00;
	v4 =	vld [tilespmem:s15+$0x17680]  }
0x219: {  	v0 =	vmul.f32 v0, v2  }
0x21a: {  	v2 =	vld [tilespmem:s15+$0x18A40]  }
0x21b: {  	[tilespmem:s15+$0x14EF0] =	vst v0;
	v0 =	vadd.f32 v3, v1  }
0x21c: {  	v1 =	vld [tilespmem:$0x19E30]  }
0x21d: {  	v0 =	vadd.f32 v4, v0;
	_ =	sdelay $0x1  }
0x21e: {  	v0 =	vmul.f32 v0, v2  }
0x21f: {  	v3 =	vld [tilespmem:s15+$0x162D0]  }
0x220: {  	v0 =	vadd.f32 v0, v1;
	v1 =	vld [tilespmem:s15+$0x14F10];
	_ =	sdelay $0x1  }
0x221: {  	v0 =	vmax.f32 v0, $0.0e+00;
	v4 =	vld [tilespmem:s15+$0x17690]  }
0x222: {  	v0 =	vmul.f32 v0, v2  }
0x223: {  	v2 =	vld [tilespmem:s15+$0x18A50]  }
0x224: {  	[tilespmem:s15+$0x14F00] =	vst v0;
	v0 =	vadd.f32 v3, v1  }
0x225: {  	v1 =	vld [tilespmem:$0x19E20]  }
0x226: {  	v0 =	vadd.f32 v4, v0;
	_ =	sdelay $0x1  }
0x227: {  	v0 =	vmul.f32 v0, v2  }
0x228: {  	v3 =	vld [tilespmem:s15+$0x162E0]  }
0x229: {  	v0 =	vadd.f32 v0, v1;
	v1 =	vld [tilespmem:s15+$0x14F20];
	_ =	sdelay $0x1  }
0x22a: {  	v0 =	vmax.f32 v0, $0.0e+00;
	v4 =	vld [tilespmem:s15+$0x176A0]  }
0x22b: {  	v2 =	vmul.f32 v0, v2  }
0x22c: {  	v0 =	vld [tilespmem:s15+$0x18A60]  }
0x22d: {  	[tilespmem:s15+$0x14F10] =	vst v2;
	v1 =	vadd.f32 v3, v1  }
.Ltmp5:
0x22e: {  	v2 =	vld [tilespmem:$0x19E30];
	(pc) =	sbr.rel @p1 .LBB2_8-.Ltmp5, $3  }
0x22f: {  	v1 =	vadd.f32 v4, v1;
	_ =	sdelay $0x1  }
0x230: {  	s22 =	sshra.s32 s21, $0x2;
	v3 =	vmul.f32 v1, v0  }
0x231: {  	s21 =	sadd.s32 $0x100, s21;
	v1 =	vld [tilespmem:s22+$0x162B0]  }
0x232: {  	v4 =	vld [tilespmem:s22+$0x14EF0];
	v2 =	vadd.f32 v3, v2;
	_ =	sdelay $0x1  }
0x233: {  	v44 =	vld [tilespmem:s22+$0x17670];
	v2 =	vmax.f32 v2, $0.0e+00  }
0x234: {  	v0 =	vmul.f32 v2, v0  }
0x235: {  	v45 =	vld [tilespmem:s22+$0x18A30]  }
0x236: {  	v1 =	vadd.f32 v1, v4;
	[tilespmem:s15+$0x14F20] =	vst v0  }
0x237: {  	v0 =	vld [tilespmem:$0x19E20]  }
0x238: {  	v1 =	vadd.f32 v44, v1;
	_ =	sdelay $0x1  }
0x239: {  	v1 =	vmul.f32 v1, v45  }
0x23a: {  	v46 =	vld [tilespmem:s22+$0x162C0]  }
0x23b: {  	v47 =	vld [tilespmem:s22+$0x14F00];
	v0 =	vadd.f32 v1, v0;
	_ =	sdelay $0x1  }
0x23c: {  	v48 =	vld [tilespmem:s22+$0x17680];
	v0 =	vmax.f32 v0, $0.0e+00  }
0x23d: {  	v0 =	vmul.f32 v0, v45  }
0x23e: {  	v49 =	vld [tilespmem:s22+$0x18A40]  }
0x23f: {  	v50 =	vadd.f32 v46, v47;
	[tilespmem:s22+$0x14EF0] =	vst v0  }
0x240: {  	v51 =	vld [tilespmem:$0x19E30]  }
0x241: {  	v0 =	vadd.f32 v48, v50;
	_ =	sdelay $0x1  }
0x242: {  	v0 =	vmul.f32 v0, v49  }
0x243: {  	v52 =	vld [tilespmem:s22+$0x162D0]  }
0x244: {  	v53 =	vld [tilespmem:s22+$0x14F10];
	v0 =	vadd.f32 v0, v51;
	_ =	sdelay $0x1  }
0x245: {  	v54 =	vld [tilespmem:s22+$0x17690];
	v0 =	vmax.f32 v0, $0.0e+00  }
0x246: {  	v0 =	vmul.f32 v0, v49  }
0x247: {  	v55 =	vld [tilespmem:s22+$0x18A50]  }
0x248: {  	v56 =	vadd.f32 v52, v53;
	[tilespmem:s22+$0x14F00] =	vst v0  }
0x249: {  	v57 =	vld [tilespmem:$0x19E20]  }
0x24a: {  	v0 =	vadd.f32 v54, v56;
	_ =	sdelay $0x1  }
0x24b: {  	v0 =	vmul.f32 v0, v55  }
0x24c: {  	v58 =	vld [tilespmem:s22+$0x162E0]  }
0x24d: {  	v59 =	vld [tilespmem:s22+$0x14F20];
	v0 =	vadd.f32 v0, v57;
	_ =	sdelay $0x1  }
0x24e: {  	v60 =	vld [tilespmem:s22+$0x176A0];
	v0 =	vmax.f32 v0, $0.0e+00  }
0x24f: {  	v0 =	vmul.f32 v0, v55  }
0x250: {  	v61 =	vld [tilespmem:s22+$0x18A60]  }
0x251: {  	v62 =	vadd.f32 v58, v59;
	[tilespmem:s22+$0x14F10] =	vst v0  }
0x252: {  	v63 =	vld [tilespmem:$0x19E30]  }
0x253: {  	v0 =	vadd.f32 v60, v62;
	_ =	sdelay $0x1  }
0x254: {  	v0 =	vmul.f32 v0, v61;
	_ =	sdelay $0x1  }
0x255: {  	v0 =	vadd.f32 v0, v63;
	_ =	sdelay $0x1  }
0x256: {  	v0 =	vmax.f32 v0, $0.0e+00  }
0x257: {  	v0 =	vmul.f32 v0, v61;
	_ =	sdelay $0x1  }
0x258: {  	[tilespmem:s22+$0x14F20] =	vst v0;
	s22 =	rddreg [dreg:$0x1a]  }
0x259: {  	[spmem:s22] =	stream.linear.scatter [tilespmem:s24], [sflag:$0xA], $0x13C0, $0x38;
	[tilespmem:$0x19E40] =	vst v63  }
0x25a: {  	_ =	swait.ge [sflag:s6], $0x13C0  }
0x25b: {  	[sflag:s6] =	ssyncset.done $0x0  }
0x25c: {  	[sflag:s6] =	ssyncadd.s32 $0xFFFFEC40  }
0x25d: {  	_ =	swait.ge [sflag:s6], $0x13C0  }
0x25e: {  	[sflag:s6] =	ssyncset.done $0x0  }
0x25f: {  	s25 =	simm.s32 $0x9;
	[sflag:s6] =	ssyncadd.s32 $0xFFFFEC40  }
0x260: {  	_ =	swait.ge [sflag:s25], $0x9E0  }
0x261: {  	[sflag:s25] =	ssyncset.done $0x0  }
0x262: {  	[sflag:s25] =	ssyncadd.s32 $0xFFFFF620  }
0x263: {  	[bflag:$0x0] =	sbarrier.arrive $0xFFFF  }
0x264: {  	s15 =	simm.s32 $0x0;
	s22 =	simm.s32 $0x9E00;
	s21 =	rddreg [dreg:$0x14]  }
0x265: {  	[tilespmem:s22], [sflag:$0xB] =	stream.linear.gather [hbm4b:s21+s15], $0x2710, $0x38;
	[tilespmem:$0x19E40] =	vst v63  }
0x266: {  	_ =	swait.ge [sflag:s13], $0x2710  }
0x267: {  	[sflag:s13] =	ssyncset.done $0x0  }
0x268: {  	s25 =	simm.s32 $0xC510;
	s28 =	rddreg [dreg:$0x15];
	[sflag:s13] =	ssyncadd.s32 $0xFFFFD8F0  }
0x269: {  	[tilespmem:s25], [sflag:$0xB] =	stream.linear.gather [hbm4b:s28+s15], $0x2710, $0x38;
	[tilespmem:$0x19E40] =	vst v63  }
0x26a: {  	_ =	swait.ge [sflag:s13], $0x2710  }
0x26b: {  	[sflag:s13] =	ssyncset.done $0x0  }
0x26c: {  	[sflag:s13] =	ssyncadd.s32 $0xFFFFD8F0  }
0x26d: {  	[tilespmem:s5], [sflag:$0x1] =	stream.indirect.gather [spmem:s16], $0x20, s22, s3, $0xb8;
	[tilespmem:$0x19E40] =	vst v63  }
0x26e: {  	s21 =	simm.s32 $0x9E50  }
0x26f: {  	[tilespmem:s8], [sflag:$0x5] =	stream.indirect.gather [spmem:s16], $0x20, s21, s3, $0xb8;
	[tilespmem:$0x19E40] =	vst v63  }
0x270: {  	_ =	swait.ge [sflag:s12], $0xA00  }
0x271: {  	[sflag:s12] =	ssyncset.done $0x0  }
0x272: {  	s22 =	simm.s32 $0xC510;
	[sflag:s12] =	ssyncadd.s32 $0xFFFFF600  }
0x273: {  	[spmem:s2] =	stream.indirect.scatter.add.f32 [tilespmem:s5], [sflag:$0xB], $0x20, s22, s3, $0xb8;
	[tilespmem:$0x19E40] =	vst v63  }
0x274: {  	_ =	swait.ge [sflag:s13], $0xA00  }
0x275: {  	[sflag:s13] =	ssyncset.done $0x0  }
0x276: {  	s25 =	simm.s32 $0x9EA0;
	[sflag:s13] =	ssyncadd.s32 $0xFFFFF600  }
0x277: {  	[tilespmem:s5], [sflag:$0x1] =	stream.indirect.gather [spmem:s16], $0x20, s25, s3, $0xb8;
	[tilespmem:$0x19E40] =	vst v63  }
0x278: {  	_ =	swait.ge [sflag:s7], $0xA00  }
0x279: {  	[sflag:s7] =	ssyncset.done $0x0  }
0x27a: {  	s28 =	simm.s32 $0xC560;
	[sflag:s7] =	ssyncadd.s32 $0xFFFFF600  }
0x27b: {  	[spmem:s2] =	stream.indirect.scatter.add.f32 [tilespmem:s8], [sflag:$0xB], $0x20, s28, s3, $0xb8;
	[tilespmem:$0x19E40] =	vst v63  }
0x27c: {  	_ =	swait.ge [sflag:s13], $0xA00  }
0x27d: {  	s15 =	simm.s32 $0xA0;
	s21 =	simm.s32 $0x500;
	[sflag:s13] =	ssyncset.done $0x0  }
.LBB2_10:
0x27e: {  	s22 =	sadd.s32 $0x9E50, s15  }
0x27f: {  	[sflag:s13] =	ssyncadd.s32 $0xFFFFF600;
	s25 =	smov.u32 s21;
	s28 =	sadd.s32 $0x280, s21  }
0x280: {  	[tilespmem:s8], [sflag:$0x5] =	stream.indirect.gather [spmem:s16], $0x20, s22, s3, $0xb8;
	[tilespmem:$0x19E40] =	vst v63  }
0x281: {  	p1 =	sne.s32 s21, $0x9880;
	_ =	swait.ge [sflag:s12], $0xA00  }
0x282: {  	[sflag:s12] =	ssyncset.done $0x0  }
0x283: {  	s21 =	sadd.s32 $0xC510, s15;
	[sflag:s12] =	ssyncadd.s32 $0xFFFFF600  }
0x284: {  	[spmem:s2] =	stream.indirect.scatter.add.f32 [tilespmem:s5], [sflag:$0xB], $0x20, s21, s3, $0xb8;
	[tilespmem:$0x19E40] =	vst v63  }
0x285: {  	_ =	swait.ge [sflag:s13], $0xA00  }
0x286: {  	[sflag:s13] =	ssyncset.done $0x0  }
0x287: {  	s21 =	sadd.s32 $0x9EA0, s15;
	[sflag:s13] =	ssyncadd.s32 $0xFFFFF600  }
0x288: {  	[tilespmem:s5], [sflag:$0x1] =	stream.indirect.gather [spmem:s16], $0x20, s21, s3, $0xb8;
	[tilespmem:$0x19E40] =	vst v63  }
0x289: {  	_ =	swait.ge [sflag:s7], $0xA00  }
.Ltmp6:
0x28a: {  	[sflag:s7] =	ssyncset.done $0x0;
	(pc) =	sbr.rel @p1 .LBB2_10-.Ltmp6, $4  }
0x28b: {  	s15 =	sadd.s32 $0xC560, s15;
	[sflag:s7] =	ssyncadd.s32 $0xFFFFF600  }
0x28c: {  	[spmem:s2] =	stream.indirect.scatter.add.f32 [tilespmem:s8], [sflag:$0xB], $0x20, s15, s3, $0xb8;
	[tilespmem:$0x19E40] =	vst v63  }
0x28d: {  	_ =	swait.ge [sflag:s13], $0xA00  }
0x28e: {  	s21 =	smov.u32 s28;
	s15 =	sshra.s32 s25, $0x2;
	[sflag:s13] =	ssyncset.done $0x0  }
0x28f: {  	s21 =	sadd.s32 $0x9E50, s15;
	[sflag:s13] =	ssyncadd.s32 $0xFFFFF600  }
0x290: {  	[tilespmem:s8], [sflag:$0x5] =	stream.indirect.gather [spmem:s16], $0x20, s21, s3, $0xb8;
	[tilespmem:$0x19E40] =	vst v63  }
0x291: {  	_ =	swait.ge [sflag:s12], $0xA00  }
0x292: {  	[sflag:s12] =	ssyncset.done $0x0  }
0x293: {  	s22 =	sadd.s32 $0xC510, s15;
	[sflag:s12] =	ssyncadd.s32 $0xFFFFF600  }
0x294: {  	[spmem:s2] =	stream.indirect.scatter.add.f32 [tilespmem:s5], [sflag:$0xB], $0x20, s22, s3, $0xb8;
	[tilespmem:$0x19E40] =	vst v63  }
0x295: {  	_ =	swait.ge [sflag:s13], $0xA00  }
0x296: {  	[sflag:s13] =	ssyncset.done $0x0  }
0x297: {  	s25 =	sadd.s32 $0x9EA0, s15;
	[sflag:s13] =	ssyncadd.s32 $0xFFFFF600  }
0x298: {  	[tilespmem:s5], [sflag:$0x1] =	stream.indirect.gather [spmem:s16], $0x20, s25, s3, $0xb8;
	[tilespmem:$0x19E40] =	vst v63  }
0x299: {  	_ =	swait.ge [sflag:s7], $0xA00  }
0x29a: {  	[sflag:s7] =	ssyncset.done $0x0  }
0x29b: {  	s22 =	sadd.s32 $0xC560, s15;
	[sflag:s7] =	ssyncadd.s32 $0xFFFFF600  }
0x29c: {  	[spmem:s2] =	stream.indirect.scatter.add.f32 [tilespmem:s8], [sflag:$0xB], $0x20, s22, s3, $0xb8;
	[tilespmem:$0x19E40] =	vst v63  }
0x29d: {  	_ =	swait.ge [sflag:s13], $0xA00  }
0x29e: {  	[sflag:s13] =	ssyncset.done $0x0  }
0x29f: {  	[sflag:s13] =	ssyncadd.s32 $0xFFFFF600  }
0x2a0: {  	_ =	swait.ge [sflag:s12], $0xA00  }
0x2a1: {  	[sflag:s12] =	ssyncset.done $0x0  }
0x2a2: {  	s25 =	simm.s32 $0xEBD0;
	[sflag:s12] =	ssyncadd.s32 $0xFFFFF600  }
0x2a3: {  	[spmem:s2] =	stream.indirect.scatter.add.f32 [tilespmem:s5], [sflag:$0xB], $0x20, s25, s3, $0xb8;
	[tilespmem:$0x19E40] =	vst v63  }
0x2a4: {  	_ =	swait.ge [sflag:s13], $0xA00  }
0x2a5: {  	[sflag:s13] =	ssyncset.done $0x0  }
0x2a6: {  	[sflag:s13] =	ssyncadd.s32 $0xFFFFF600  }
0x2a7: {  	[bflag:$0x0] =	sbarrier.arrive $0xFFFF  }
0x2a8: {  	s21 =	rddreg [dreg:$0x12]  }
0x2a9: {  	[tilespmem:s19], [sflag:$0x1] =	stream.linear.gather [spmem:s21], $0x13C0, $0x38;
	[tilespmem:$0x19E40] =	vst v63  }
0x2aa: {  	s22 =	simm.s32 $0x13B60;
	s25 =	smov.u32 s14  }
0x2ab: {  	[tilespmem:s22], [sflag:$0x2] =	stream.linear.gather [hbm4b:s25+s18], $0x13C0, $0x38;
	[tilespmem:$0x19E40] =	vst v63  }
0x2ac: {  	s15 =	rddreg [dreg:$0x13];
	s21 =	simm.s32 $0x127A0  }
0x2ad: {  	[tilespmem:s21], [sflag:$0x3] =	stream.linear.gather [spmem:s15], $0x13C0, $0x38;
	[tilespmem:$0x19E40] =	vst v63  }
0x2ae: {  	s22 =	rddreg [dreg:$0x17]  }
0x2af: {  	[tilespmem:s26], [sflag:$0x5] =	stream.linear.gather [spmem:s22], $0x13C0, $0x38;
	[tilespmem:$0x19E40] =	vst v63  }
0x2b0: {  	_ = 	snop  }
0x2b1: {  	[tilespmem:s31], [sflag:$0x6] =	stream.linear.gather [hbm4b:s30+s18], $0x13C0, $0x38;
	[tilespmem:$0x19E40] =	vst v63  }
0x2b2: {  	s28 =	smov.u32 s30;
	s30 =	rddreg [dreg:$0x16]  }
0x2b3: {  	[tilespmem:s29], [sflag:$0x7] =	stream.linear.gather [spmem:s30], $0x13C0, $0x38;
	[tilespmem:$0x19E40] =	vst v63  }
0x2b4: {  	_ =	swait.ge [sflag:s12], $0x13C0  }
0x2b5: {  	[sflag:s12] =	ssyncset.done $0x0  }
0x2b6: {  	[sflag:s12] =	ssyncadd.s32 $0xFFFFEC40  }
0x2b7: {  	_ =	swait.ge [sflag:s0], $0x13C0  }
.Ltmp7:
0x2b8: {  	[sflag:s0] =	ssyncset.done $0x0;
	(pc) =	sbr.rel @p0 .LBB2_15-.Ltmp7, $4  }
0x2b9: {  	[sflag:s0] =	ssyncadd.s32 $0xFFFFEC40  }
0x2ba: {  	_ =	swait.ge [sflag:s1], $0x13C0  }
0x2bb: {  	[sflag:s1] =	ssyncset.done $0x0  }
0x2bc: {  	s15 =	simm.s32 $0x30;
	[sflag:s1] =	ssyncadd.s32 $0xFFFFEC40  }
0x2bd: {  	v5 =	vld [tilespmem:s15+$0x13B30]  }
0x2be: {  	v4 =	vld [tilespmem:s15+$0x13B40]  }
0x2bf: {  	v3 =	vld [tilespmem:s15+$0x12770]  }
0x2c0: {  	v2 =	vld [tilespmem:s15+$0x12780]  }
0x2c1: {  	v1 =	vld [tilespmem:s15+$0x12790]  }
0x2c2: {  	v0 =	vld [tilespmem:s15+$0x127A0]  }
0x2c3: {  	v7 =	vld [tilespmem:s15+$0x113B0]  }
0x2c4: {  	v8 =	vld [tilespmem:s15+$0x113C0]  }
0x2c5: {  	v6 =	vld [tilespmem:s15+$0x113D0];
	s21 =	simm.s32 $0x1C0;
	s30 =	smov.u32 s20  }
.LBB2_13:
0x2c6: {  	p1 =	seq.s32 s21, $0x4EC0;
	v9 =	vld [tilespmem:s15+$0x113E0]  }
0x2c7: {  	v10 =	vld [tilespmem:s15+$0x13B50]  }
0x2c8: {  	s22 =	sshra.s32 s21, $0x2;
	v3 =	vadd.f32 v3, v7;
	v7 =	vld [tilespmem:s15+$0x13B60]  }
0x2c9: {  	v11 =	vld [tilespmem:s22+$0x13B30];
	v2 =	vadd.f32 v2, v8  }
0x2ca: {  	v8 =	vld [tilespmem:s22+$0x13B40];
	v5 =	vmul.f32 v3, v5;
	v1 =	vadd.f32 v1, v6  }
0x2cb: {  	v3 =	vld [tilespmem:s22+$0x12770];
	v4 =	vmul.f32 v2, v4;
	v0 =	vadd.f32 v0, v9  }
0x2cc: {  	v2 =	vld [tilespmem:s22+$0x12780];
	[tilespmem:s15+$0x113B0] =	vst v5;
	v6 =	vmul.f32 v1, v10  }
.Ltmp8:
0x2cd: {  	v1 =	vld [tilespmem:s22+$0x12790];
	[tilespmem:s15+$0x113C0] =	vst v4;
	v9 =	vmul.f32 v0, v7;
	(pc) =	sbr.rel @!p1 .LBB2_13-.Ltmp8, $4  }
0x2ce: {  	v0 =	vld [tilespmem:s22+$0x127A0];
	[tilespmem:s15+$0x113D0] =	vst v6;
	v5 =	vmov v11  }
0x2cf: {  	v7 =	vld [tilespmem:s22+$0x113B0];
	[tilespmem:s15+$0x113E0] =	vst v9;
	v4 =	vmov v8;
	s15 =	smov.u32 s22  }
0x2d0: {  	v8 =	vld [tilespmem:s15+$0x113C0]  }
0x2d1: {  	s21 =	sadd.s32 $0x100, s21;
	v6 =	vld [tilespmem:s15+$0x113D0]  }
0x2d2: {  	v9 =	vld [tilespmem:s15+$0x113E0]  }
0x2d3: {  	v10 =	vld [tilespmem:s15+$0x13B50]  }
0x2d4: {  	v63 =	vld [tilespmem:s15+$0x13B60];
	v3 =	vadd.f32 v3, v7  }
0x2d5: {  	v2 =	vadd.f32 v2, v8  }
0x2d6: {  	v3 =	vmul.f32 v3, v5;
	v1 =	vadd.f32 v1, v6  }
.Ltmp9:
0x2d7: {  	v2 =	vmul.f32 v2, v4;
	v0 =	vadd.f32 v0, v9;
	(pc) =	sbr.rel .LBB2_18-.Ltmp9, $4  }
0x2d8: {  	[tilespmem:s15+$0x113B0] =	vst v3;
	v1 =	vmul.f32 v1, v10  }
0x2d9: {  	[tilespmem:s15+$0x113C0] =	vst v2;
	v0 =	vmul.f32 v0, v63  }
0x2da: {  	[tilespmem:s15+$0x113D0] =	vst v1  }
0x2db: {  	[tilespmem:s15+$0x113E0] =	vst v0  }
.LBB2_15:
0x2dc: {  	v5 =	vld [tilespmem:s15+$0x13B30]  }
0x2dd: {  	v6 =	vld [tilespmem:s15+$0x13B40]  }
0x2de: {  	v1 =	vld [tilespmem:s15+$0x13B50]  }
0x2df: {  	v0 =	vld [tilespmem:s15+$0x13B60]  }
0x2e0: {  	v2 =	vld [tilespmem:s15+$0x113B0]  }
0x2e1: {  	v4 =	vld [tilespmem:s15+$0x113C0]  }
0x2e2: {  	v3 =	vld [tilespmem:s15+$0x113D0];
	s21 =	simm.s32 $0x1C0;
	s30 =	smov.u32 s20  }
.LBB2_16:
0x2e3: {  	s22 =	sshra.s32 s21, $0x2;
	p1 =	sne.s32 s21, $0x4EC0;
	v7 =	vld [tilespmem:s15+$0x113E0];
	v8 =	vmov v1  }
0x2e4: {  	v9 =	vld [tilespmem:s22+$0x13B30];
	v10 =	vmov v0  }
0x2e5: {  	v11 =	vld [tilespmem:s22+$0x13B40];
	v2 =	vmul.f32 v5, v2  }
.Ltmp10:
0x2e6: {  	v1 =	vld [tilespmem:s22+$0x13B50];
	v4 =	vmul.f32 v6, v4;
	(pc) =	sbr.rel @p1 .LBB2_16-.Ltmp10, $4  }
0x2e7: {  	v0 =	vld [tilespmem:s22+$0x13B60];
	[tilespmem:s15+$0x113B0] =	vst v2;
	v3 =	vmul.f32 v8, v3  }
0x2e8: {  	v2 =	vld [tilespmem:s22+$0x113B0];
	[tilespmem:s15+$0x113C0] =	vst v4;
	v7 =	vmul.f32 v10, v7  }
0x2e9: {  	v4 =	vld [tilespmem:s22+$0x113C0];
	[tilespmem:s15+$0x113D0] =	vst v3;
	v5 =	vmov v9  }
0x2ea: {  	s21 =	sadd.s32 $0x100, s21;
	v3 =	vld [tilespmem:s22+$0x113D0];
	[tilespmem:s15+$0x113E0] =	vst v7;
	v6 =	vmov v11;
	s15 =	smov.u32 s22  }
0x2eb: {  	v7 =	vld [tilespmem:s15+$0x113E0];
	_ =	sdelay $0x1  }
0x2ec: {  	v2 =	vmul.f32 v5, v2  }
0x2ed: {  	v4 =	vmul.f32 v6, v4  }
0x2ee: {  	[tilespmem:s15+$0x113B0] =	vst v2;
	v1 =	vmul.f32 v1, v3  }
0x2ef: {  	[tilespmem:s15+$0x113C0] =	vst v4;
	v0 =	vmul.f32 v0, v7  }
0x2f0: {  	[tilespmem:s15+$0x113D0] =	vst v1  }
0x2f1: {  	[tilespmem:s15+$0x113E0] =	vst v0  }
.LBB2_18:
0x2f2: {  	s14 =	rddreg [dreg:$0xf]  }
0x2f3: {  	[hbm4b:s14+s18] =	stream.linear.scatter [tilespmem:s19], [sflag:$0xA], $0x13C0, $0x38;
	[tilespmem:$0x19E40] =	vst v63  }
0x2f4: {  	_ =	swait.ge [sflag:s6], $0x13C0  }
0x2f5: {  	[sflag:s6] =	ssyncset.done $0x0  }
0x2f6: {  	s20 =	rddreg [dreg:$0x19];
	[sflag:s6] =	ssyncadd.s32 $0xFFFFEC40  }
0x2f7: {  	[tilespmem:s19], [sflag:$0x1] =	stream.linear.gather [spmem:s20], $0x13C0, $0x38;
	[tilespmem:$0x19E40] =	vst v63  }
0x2f8: {  	s21 =	simm.s32 $0x13B60  }
0x2f9: {  	[tilespmem:s21], [sflag:$0x2] =	stream.linear.gather [hbm4b:s30+s18], $0x13C0, $0x38;
	[tilespmem:$0x19E40] =	vst v63  }
0x2fa: {  	s15 =	simm.s32 $0x127A0;
	s22 =	rddreg [dreg:$0x18]  }
0x2fb: {  	[tilespmem:s15], [sflag:$0x3] =	stream.linear.gather [spmem:s22], $0x13C0, $0x38;
	[tilespmem:$0x19E40] =	vst v63  }
0x2fc: {  	_ =	swait.ge [sflag:s7], $0x13C0  }
0x2fd: {  	[sflag:s7] =	ssyncset.done $0x0  }
0x2fe: {  	[sflag:s7] =	ssyncadd.s32 $0xFFFFEC40  }
0x2ff: {  	_ =	swait.ge [sflag:s9], $0x13C0  }
.Ltmp11:
0x300: {  	[sflag:s9] =	ssyncset.done $0x0;
	(pc) =	sbr.rel @p0 .LBB2_22-.Ltmp11, $4  }
0x301: {  	[sflag:s9] =	ssyncadd.s32 $0xFFFFEC40  }
0x302: {  	_ =	swait.ge [sflag:s10], $0x13C0  }
0x303: {  	[sflag:s10] =	ssyncset.done $0x0  }
0x304: {  	s15 =	simm.s32 $0x30;
	[sflag:s10] =	ssyncadd.s32 $0xFFFFEC40  }
0x305: {  	v5 =	vld [tilespmem:s15+$0x18A30]  }
0x306: {  	v4 =	vld [tilespmem:s15+$0x18A40]  }
0x307: {  	v3 =	vld [tilespmem:s15+$0x17670]  }
0x308: {  	v2 =	vld [tilespmem:s15+$0x17680]  }
0x309: {  	v1 =	vld [tilespmem:s15+$0x17690]  }
0x30a: {  	v0 =	vld [tilespmem:s15+$0x176A0]  }
0x30b: {  	v7 =	vld [tilespmem:s15+$0x162B0]  }
0x30c: {  	v8 =	vld [tilespmem:s15+$0x162C0]  }
0x30d: {  	v6 =	vld [tilespmem:s15+$0x162D0];
	s21 =	simm.s32 $0x1C0  }
.LBB2_20:
0x30e: {  	p1 =	seq.s32 s21, $0x4EC0;
	v9 =	vld [tilespmem:s15+$0x162E0]  }
0x30f: {  	v10 =	vld [tilespmem:s15+$0x18A50]  }
0x310: {  	s22 =	sshra.s32 s21, $0x2;
	v3 =	vadd.f32 v3, v7;
	v7 =	vld [tilespmem:s15+$0x18A60]  }
0x311: {  	v11 =	vld [tilespmem:s22+$0x18A30];
	v2 =	vadd.f32 v2, v8  }
0x312: {  	v8 =	vld [tilespmem:s22+$0x18A40];
	v5 =	vmul.f32 v3, v5;
	v1 =	vadd.f32 v1, v6  }
0x313: {  	v3 =	vld [tilespmem:s22+$0x17670];
	v4 =	vmul.f32 v2, v4;
	v0 =	vadd.f32 v0, v9  }
0x314: {  	v2 =	vld [tilespmem:s22+$0x17680];
	[tilespmem:s15+$0x162B0] =	vst v5;
	v6 =	vmul.f32 v1, v10  }
.Ltmp12:
0x315: {  	v1 =	vld [tilespmem:s22+$0x17690];
	[tilespmem:s15+$0x162C0] =	vst v4;
	v9 =	vmul.f32 v0, v7;
	(pc) =	sbr.rel @!p1 .LBB2_20-.Ltmp12, $4  }
0x316: {  	v0 =	vld [tilespmem:s22+$0x176A0];
	[tilespmem:s15+$0x162D0] =	vst v6;
	v5 =	vmov v11  }
0x317: {  	v7 =	vld [tilespmem:s22+$0x162B0];
	[tilespmem:s15+$0x162E0] =	vst v9;
	v4 =	vmov v8;
	s15 =	smov.u32 s22  }
0x318: {  	v8 =	vld [tilespmem:s15+$0x162C0]  }
0x319: {  	s21 =	sadd.s32 $0x100, s21;
	v6 =	vld [tilespmem:s15+$0x162D0]  }
0x31a: {  	v9 =	vld [tilespmem:s15+$0x162E0]  }
0x31b: {  	v10 =	vld [tilespmem:s15+$0x18A50]  }
0x31c: {  	v63 =	vld [tilespmem:s15+$0x18A60];
	v3 =	vadd.f32 v3, v7  }
0x31d: {  	v2 =	vadd.f32 v2, v8  }
0x31e: {  	v3 =	vmul.f32 v3, v5;
	v1 =	vadd.f32 v1, v6  }
.Ltmp13:
0x31f: {  	v2 =	vmul.f32 v2, v4;
	v0 =	vadd.f32 v0, v9;
	(pc) =	sbr.rel .LBB2_25-.Ltmp13, $4  }
0x320: {  	[tilespmem:s15+$0x162B0] =	vst v3;
	v1 =	vmul.f32 v1, v10  }
0x321: {  	[tilespmem:s15+$0x162C0] =	vst v2;
	v0 =	vmul.f32 v0, v63  }
0x322: {  	[tilespmem:s15+$0x162D0] =	vst v1  }
0x323: {  	[tilespmem:s15+$0x162E0] =	vst v0  }
.LBB2_22:
0x324: {  	v5 =	vld [tilespmem:s15+$0x18A30]  }
0x325: {  	v6 =	vld [tilespmem:s15+$0x18A40]  }
0x326: {  	v1 =	vld [tilespmem:s15+$0x18A50]  }
0x327: {  	v0 =	vld [tilespmem:s15+$0x18A60]  }
0x328: {  	v2 =	vld [tilespmem:s15+$0x162B0]  }
0x329: {  	v4 =	vld [tilespmem:s15+$0x162C0]  }
0x32a: {  	v3 =	vld [tilespmem:s15+$0x162D0];
	s21 =	simm.s32 $0x1C0  }
.LBB2_23:
0x32b: {  	s22 =	sshra.s32 s21, $0x2;
	p1 =	sne.s32 s21, $0x4EC0;
	v7 =	vld [tilespmem:s15+$0x162E0];
	v8 =	vmov v1  }
0x32c: {  	v9 =	vld [tilespmem:s22+$0x18A30];
	v10 =	vmov v0  }
0x32d: {  	v11 =	vld [tilespmem:s22+$0x18A40];
	v2 =	vmul.f32 v5, v2  }
.Ltmp14:
0x32e: {  	v1 =	vld [tilespmem:s22+$0x18A50];
	v4 =	vmul.f32 v6, v4;
	(pc) =	sbr.rel @p1 .LBB2_23-.Ltmp14, $4  }
0x32f: {  	v0 =	vld [tilespmem:s22+$0x18A60];
	[tilespmem:s15+$0x162B0] =	vst v2;
	v3 =	vmul.f32 v8, v3  }
0x330: {  	v2 =	vld [tilespmem:s22+$0x162B0];
	[tilespmem:s15+$0x162C0] =	vst v4;
	v7 =	vmul.f32 v10, v7  }
0x331: {  	v4 =	vld [tilespmem:s22+$0x162C0];
	[tilespmem:s15+$0x162D0] =	vst v3;
	v5 =	vmov v9  }
0x332: {  	s21 =	sadd.s32 $0x100, s21;
	v3 =	vld [tilespmem:s22+$0x162D0];
	[tilespmem:s15+$0x162E0] =	vst v7;
	v6 =	vmov v11;
	s15 =	smov.u32 s22  }
0x333: {  	v7 =	vld [tilespmem:s15+$0x162E0];
	_ =	sdelay $0x1  }
0x334: {  	v2 =	vmul.f32 v5, v2  }
0x335: {  	v4 =	vmul.f32 v6, v4  }
0x336: {  	[tilespmem:s15+$0x162B0] =	vst v2;
	v1 =	vmul.f32 v1, v3  }
0x337: {  	[tilespmem:s15+$0x162C0] =	vst v4;
	v0 =	vmul.f32 v0, v7  }
0x338: {  	[tilespmem:s15+$0x162D0] =	vst v1  }
0x339: {  	[tilespmem:s15+$0x162E0] =	vst v0  }
.LBB2_25:
0x33a: {  	s14 =	sld [smem:$0x7FB];
	_ =	sdelay $0x2  }
0x33b: {  	[hbm4b:s14+s18] =	stream.linear.scatter [tilespmem:s26], [sflag:$0xA], $0x13C0, $0x38;
	[tilespmem:$0x19E40] =	vst v63  }
0x33c: {  	_ =	swait.ge [sflag:s6], $0x13C0  }
0x33d: {  	[sflag:s6] =	ssyncset.done $0x0  }
0x33e: {  	s20 =	rddreg [dreg:$0x1b];
	[sflag:s6] =	ssyncadd.s32 $0xFFFFEC40  }
0x33f: {  	[tilespmem:s26], [sflag:$0x5] =	stream.linear.gather [spmem:s20], $0x13C0, $0x38;
	[tilespmem:$0x19E40] =	vst v63  }
0x340: {  	s21 =	rddreg [dreg:$0xe]  }
0x341: {  	[tilespmem:s31], [sflag:$0x6] =	stream.linear.gather [hbm4b:s21+s18], $0x13C0, $0x38;
	[tilespmem:$0x19E40] =	vst v63  }
0x342: {  	s22 =	rddreg [dreg:$0x1a]  }
0x343: {  	[tilespmem:s29], [sflag:$0x7] =	stream.linear.gather [spmem:s22], $0x13C0, $0x38;
	[tilespmem:$0x19E40] =	vst v63  }
0x344: {  	_ =	swait.ge [sflag:s12], $0x13C0  }
0x345: {  	[sflag:s12] =	ssyncset.done $0x0  }
0x346: {  	[sflag:s12] =	ssyncadd.s32 $0xFFFFEC40  }
0x347: {  	_ =	swait.ge [sflag:s0], $0x13C0  }
.Ltmp15:
0x348: {  	[sflag:s0] =	ssyncset.done $0x0;
	(pc) =	sbr.rel @p0 .LBB2_29-.Ltmp15, $4  }
0x349: {  	[sflag:s0] =	ssyncadd.s32 $0xFFFFEC40  }
0x34a: {  	_ =	swait.ge [sflag:s1], $0x13C0  }
0x34b: {  	[sflag:s1] =	ssyncset.done $0x0  }
0x34c: {  	s15 =	simm.s32 $0x30;
	[sflag:s1] =	ssyncadd.s32 $0xFFFFEC40  }
0x34d: {  	v5 =	vld [tilespmem:s15+$0x13B30]  }
0x34e: {  	v4 =	vld [tilespmem:s15+$0x13B40]  }
0x34f: {  	v3 =	vld [tilespmem:s15+$0x12770]  }
0x350: {  	v2 =	vld [tilespmem:s15+$0x12780]  }
0x351: {  	v1 =	vld [tilespmem:s15+$0x12790]  }
0x352: {  	v0 =	vld [tilespmem:s15+$0x127A0]  }
0x353: {  	v7 =	vld [tilespmem:s15+$0x113B0]  }
0x354: {  	v8 =	vld [tilespmem:s15+$0x113C0]  }
0x355: {  	v6 =	vld [tilespmem:s15+$0x113D0];
	s21 =	simm.s32 $0x1C0  }
.LBB2_27:
0x356: {  	p1 =	seq.s32 s21, $0x4EC0;
	v9 =	vld [tilespmem:s15+$0x113E0]  }
0x357: {  	v10 =	vld [tilespmem:s15+$0x13B50]  }
0x358: {  	s22 =	sshra.s32 s21, $0x2;
	v3 =	vadd.f32 v3, v7;
	v7 =	vld [tilespmem:s15+$0x13B60]  }
0x359: {  	v11 =	vld [tilespmem:s22+$0x13B30];
	v2 =	vadd.f32 v2, v8  }
0x35a: {  	v8 =	vld [tilespmem:s22+$0x13B40];
	v5 =	vmul.f32 v3, v5;
	v1 =	vadd.f32 v1, v6  }
0x35b: {  	v3 =	vld [tilespmem:s22+$0x12770];
	v4 =	vmul.f32 v2, v4;
	v0 =	vadd.f32 v0, v9  }
0x35c: {  	v2 =	vld [tilespmem:s22+$0x12780];
	[tilespmem:s15+$0x113B0] =	vst v5;
	v6 =	vmul.f32 v1, v10  }
.Ltmp16:
0x35d: {  	v1 =	vld [tilespmem:s22+$0x12790];
	[tilespmem:s15+$0x113C0] =	vst v4;
	v9 =	vmul.f32 v0, v7;
	(pc) =	sbr.rel @!p1 .LBB2_27-.Ltmp16, $4  }
0x35e: {  	v0 =	vld [tilespmem:s22+$0x127A0];
	[tilespmem:s15+$0x113D0] =	vst v6;
	v5 =	vmov v11  }
0x35f: {  	v7 =	vld [tilespmem:s22+$0x113B0];
	[tilespmem:s15+$0x113E0] =	vst v9;
	v4 =	vmov v8;
	s15 =	smov.u32 s22  }
0x360: {  	v8 =	vld [tilespmem:s15+$0x113C0]  }
0x361: {  	s21 =	sadd.s32 $0x100, s21;
	v6 =	vld [tilespmem:s15+$0x113D0]  }
0x362: {  	v9 =	vld [tilespmem:s15+$0x113E0]  }
0x363: {  	v10 =	vld [tilespmem:s15+$0x13B50]  }
0x364: {  	v63 =	vld [tilespmem:s15+$0x13B60];
	v3 =	vadd.f32 v3, v7  }
0x365: {  	v2 =	vadd.f32 v2, v8  }
0x366: {  	v3 =	vmul.f32 v3, v5;
	v1 =	vadd.f32 v1, v6  }
.Ltmp17:
0x367: {  	v2 =	vmul.f32 v2, v4;
	v0 =	vadd.f32 v0, v9;
	(pc) =	sbr.rel .LBB2_32-.Ltmp17, $4  }
0x368: {  	[tilespmem:s15+$0x113B0] =	vst v3;
	v1 =	vmul.f32 v1, v10  }
0x369: {  	[tilespmem:s15+$0x113C0] =	vst v2;
	v0 =	vmul.f32 v0, v63  }
0x36a: {  	[tilespmem:s15+$0x113D0] =	vst v1  }
0x36b: {  	[tilespmem:s15+$0x113E0] =	vst v0  }
.LBB2_29:
0x36c: {  	v5 =	vld [tilespmem:s15+$0x13B30]  }
0x36d: {  	v6 =	vld [tilespmem:s15+$0x13B40]  }
0x36e: {  	v1 =	vld [tilespmem:s15+$0x13B50]  }
0x36f: {  	v0 =	vld [tilespmem:s15+$0x13B60]  }
0x370: {  	v2 =	vld [tilespmem:s15+$0x113B0]  }
0x371: {  	v4 =	vld [tilespmem:s15+$0x113C0]  }
0x372: {  	v3 =	vld [tilespmem:s15+$0x113D0];
	s21 =	simm.s32 $0x1C0  }
.LBB2_30:
0x373: {  	s22 =	sshra.s32 s21, $0x2;
	p1 =	sne.s32 s21, $0x4EC0;
	v7 =	vld [tilespmem:s15+$0x113E0];
	v8 =	vmov v1  }
0x374: {  	v9 =	vld [tilespmem:s22+$0x13B30];
	v10 =	vmov v0  }
0x375: {  	v11 =	vld [tilespmem:s22+$0x13B40];
	v2 =	vmul.f32 v5, v2  }
.Ltmp18:
0x376: {  	v1 =	vld [tilespmem:s22+$0x13B50];
	v4 =	vmul.f32 v6, v4;
	(pc) =	sbr.rel @p1 .LBB2_30-.Ltmp18, $4  }
0x377: {  	v0 =	vld [tilespmem:s22+$0x13B60];
	[tilespmem:s15+$0x113B0] =	vst v2;
	v3 =	vmul.f32 v8, v3  }
0x378: {  	v2 =	vld [tilespmem:s22+$0x113B0];
	[tilespmem:s15+$0x113C0] =	vst v4;
	v7 =	vmul.f32 v10, v7  }
0x379: {  	v4 =	vld [tilespmem:s22+$0x113C0];
	[tilespmem:s15+$0x113D0] =	vst v3;
	v5 =	vmov v9  }
0x37a: {  	s21 =	sadd.s32 $0x100, s21;
	v3 =	vld [tilespmem:s22+$0x113D0];
	[tilespmem:s15+$0x113E0] =	vst v7;
	v6 =	vmov v11;
	s15 =	smov.u32 s22  }
0x37b: {  	v7 =	vld [tilespmem:s15+$0x113E0];
	_ =	sdelay $0x1  }
0x37c: {  	v2 =	vmul.f32 v5, v2  }
0x37d: {  	v4 =	vmul.f32 v6, v4  }
0x37e: {  	[tilespmem:s15+$0x113B0] =	vst v2;
	v1 =	vmul.f32 v1, v3  }
0x37f: {  	[tilespmem:s15+$0x113C0] =	vst v4;
	v0 =	vmul.f32 v0, v7  }
0x380: {  	[tilespmem:s15+$0x113D0] =	vst v1  }
0x381: {  	[tilespmem:s15+$0x113E0] =	vst v0  }
.LBB2_32:
0x382: {  	s14 =	sld [smem:$0x7FC];
	_ =	sdelay $0x2  }
0x383: {  	[hbm4b:s14+s18] =	stream.linear.scatter [tilespmem:s19], [sflag:$0xA], $0x13C0, $0x38;
	[tilespmem:$0x19E40] =	vst v63  }
0x384: {  	_ =	swait.ge [sflag:s7], $0x13C0  }
0x385: {  	[sflag:s7] =	ssyncset.done $0x0  }
0x386: {  	[sflag:s7] =	ssyncadd.s32 $0xFFFFEC40  }
0x387: {  	_ =	swait.ge [sflag:s9], $0x13C0  }
.Ltmp19:
0x388: {  	[sflag:s9] =	ssyncset.done $0x0;
	(pc) =	sbr.rel @p0 .LBB2_36-.Ltmp19, $4  }
0x389: {  	[sflag:s9] =	ssyncadd.s32 $0xFFFFEC40  }
0x38a: {  	_ =	swait.ge [sflag:s10], $0x13C0  }
0x38b: {  	[sflag:s10] =	ssyncset.done $0x0  }
0x38c: {  	s15 =	simm.s32 $0x30;
	[sflag:s10] =	ssyncadd.s32 $0xFFFFEC40  }
0x38d: {  	v5 =	vld [tilespmem:s15+$0x18A30]  }
0x38e: {  	v4 =	vld [tilespmem:s15+$0x18A40]  }
0x38f: {  	v3 =	vld [tilespmem:s15+$0x17670]  }
0x390: {  	v2 =	vld [tilespmem:s15+$0x17680]  }
0x391: {  	v1 =	vld [tilespmem:s15+$0x17690]  }
0x392: {  	v0 =	vld [tilespmem:s15+$0x176A0]  }
0x393: {  	v7 =	vld [tilespmem:s15+$0x162B0]  }
0x394: {  	v8 =	vld [tilespmem:s15+$0x162C0]  }
0x395: {  	v6 =	vld [tilespmem:s15+$0x162D0];
	s21 =	simm.s32 $0x1C0  }
.LBB2_34:
0x396: {  	p1 =	seq.s32 s21, $0x4EC0;
	v9 =	vld [tilespmem:s15+$0x162E0]  }
0x397: {  	v10 =	vld [tilespmem:s15+$0x18A50]  }
0x398: {  	s22 =	sshra.s32 s21, $0x2;
	v3 =	vadd.f32 v3, v7;
	v7 =	vld [tilespmem:s15+$0x18A60]  }
0x399: {  	v11 =	vld [tilespmem:s22+$0x18A30];
	v2 =	vadd.f32 v2, v8  }
0x39a: {  	v8 =	vld [tilespmem:s22+$0x18A40];
	v5 =	vmul.f32 v3, v5;
	v1 =	vadd.f32 v1, v6  }
0x39b: {  	v3 =	vld [tilespmem:s22+$0x17670];
	v4 =	vmul.f32 v2, v4;
	v0 =	vadd.f32 v0, v9  }
0x39c: {  	v2 =	vld [tilespmem:s22+$0x17680];
	[tilespmem:s15+$0x162B0] =	vst v5;
	v6 =	vmul.f32 v1, v10  }
.Ltmp20:
0x39d: {  	v1 =	vld [tilespmem:s22+$0x17690];
	[tilespmem:s15+$0x162C0] =	vst v4;
	v9 =	vmul.f32 v0, v7;
	(pc) =	sbr.rel @!p1 .LBB2_34-.Ltmp20, $4  }
0x39e: {  	v0 =	vld [tilespmem:s22+$0x176A0];
	[tilespmem:s15+$0x162D0] =	vst v6;
	v5 =	vmov v11  }
0x39f: {  	v7 =	vld [tilespmem:s22+$0x162B0];
	[tilespmem:s15+$0x162E0] =	vst v9;
	v4 =	vmov v8;
	s15 =	smov.u32 s22  }
0x3a0: {  	v8 =	vld [tilespmem:s15+$0x162C0]  }
0x3a1: {  	s21 =	sadd.s32 $0x100, s21;
	v6 =	vld [tilespmem:s15+$0x162D0]  }
0x3a2: {  	v9 =	vld [tilespmem:s15+$0x162E0]  }
0x3a3: {  	v10 =	vld [tilespmem:s15+$0x18A50]  }
0x3a4: {  	v63 =	vld [tilespmem:s15+$0x18A60];
	v3 =	vadd.f32 v3, v7  }
0x3a5: {  	v2 =	vadd.f32 v2, v8  }
0x3a6: {  	v3 =	vmul.f32 v3, v5;
	v1 =	vadd.f32 v1, v6  }
.Ltmp21:
0x3a7: {  	v2 =	vmul.f32 v2, v4;
	v0 =	vadd.f32 v0, v9;
	(pc) =	sbr.rel .LBB2_39-.Ltmp21, $4  }
0x3a8: {  	[tilespmem:s15+$0x162B0] =	vst v3;
	v1 =	vmul.f32 v1, v10  }
0x3a9: {  	[tilespmem:s15+$0x162C0] =	vst v2;
	v0 =	vmul.f32 v0, v63  }
0x3aa: {  	[tilespmem:s15+$0x162D0] =	vst v1  }
0x3ab: {  	[tilespmem:s15+$0x162E0] =	vst v0  }
.LBB2_36:
0x3ac: {  	v5 =	vld [tilespmem:s15+$0x18A30]  }
0x3ad: {  	v6 =	vld [tilespmem:s15+$0x18A40]  }
0x3ae: {  	v1 =	vld [tilespmem:s15+$0x18A50]  }
0x3af: {  	v0 =	vld [tilespmem:s15+$0x18A60]  }
0x3b0: {  	v2 =	vld [tilespmem:s15+$0x162B0]  }
0x3b1: {  	v4 =	vld [tilespmem:s15+$0x162C0]  }
0x3b2: {  	v3 =	vld [tilespmem:s15+$0x162D0];
	s21 =	simm.s32 $0x1C0  }
.LBB2_37:
0x3b3: {  	s22 =	sshra.s32 s21, $0x2;
	p1 =	sne.s32 s21, $0x4EC0;
	v7 =	vld [tilespmem:s15+$0x162E0];
	v8 =	vmov v1  }
0x3b4: {  	v10 =	vmov v0;
	v9 =	vld [tilespmem:s22+$0x18A30]  }
0x3b5: {  	v2 =	vmul.f32 v5, v2;
	v11 =	vld [tilespmem:s22+$0x18A40]  }
.Ltmp22:
0x3b6: {  	v4 =	vmul.f32 v6, v4;
	v1 =	vld [tilespmem:s22+$0x18A50];
	(pc) =	sbr.rel @p1 .LBB2_37-.Ltmp22, $4  }
0x3b7: {  	v3 =	vmul.f32 v8, v3;
	v0 =	vld [tilespmem:s22+$0x18A60];
	[tilespmem:s15+$0x162B0] =	vst v2  }
0x3b8: {  	v2 =	vld [tilespmem:s22+$0x162B0];
	[tilespmem:s15+$0x162C0] =	vst v4;
	v7 =	vmul.f32 v10, v7  }
0x3b9: {  	v4 =	vld [tilespmem:s22+$0x162C0];
	[tilespmem:s15+$0x162D0] =	vst v3;
	v5 =	vmov v9  }
0x3ba: {  	s21 =	sadd.s32 $0x100, s21;
	v3 =	vld [tilespmem:s22+$0x162D0];
	[tilespmem:s15+$0x162E0] =	vst v7;
	v6 =	vmov v11;
	s15 =	smov.u32 s22  }
.Ltmp23:
0x3bb: {  	_ = 	snop;
	(pc) =	sbr.rel .LBB2_38-.Ltmp23, $1  }
0x3bc: {  	_ =	sdelay $0x3  }
.LBB2_40:
0x3bd: {  	_ =	sfence.sel $0x180000  }
0x3be: {  	[bflag:$0x0] =	sbarrier.arrive $0xFFFF  }
0x3bf: {  	_ =	strace $0x9000004D  }
0x3c0: {  	s0 =	stileid.u32;
	[bflag:$0x2] =	sbarrier.arrive $0xFFFF  }
0x3c1: {  	p0 =	sne.s32 s0, $0x0;
	s0 =	rddreg [dreg:$0x5]  }
0x3c2: {  	s0 =	sadd.s32 @!p0 $0x100000, s0  }
0x3c3: {  	[sflag:s0] =	ssyncadd.tile.s32 @!p0 $0x1;
	_ =	shalt  }
.Lfunc_end2:
_tile_overlayer_lowered:
.L_overlay_start_2:
0x3c4: {  	(tag) =	ssettag $0x2  }
0x3c5: {  	s0 =	rddreg [dreg:$0x0];
	s2 =	stileid.u32  }
0x3c6: {  	s1 =	rddreg [dreg:$0x1];
	p0 =	sne.s32 s2, $0x0  }
0x3c7: {  	s3 =	rddreg [dreg:$0x2];
	[bflag:$0x3] =	sbarrier.arrive $0xFFFF;
	s2 =	simm.s32 @!p0 $0x1C0B  }
0x3c8: {  	[timem:s3], [sflag:s2] =	dma.local @!p0 [hbm:s0], s1  }
0x3c9: {  	s0 =	simm.s32 @!p0 $0xB  }
0x3ca: {  	_ =	swait.ge @!p0 [sflag:s0], s1  }
0x3cb: {  	s1 =	ssub.s32 @!p0 $0x0, s1;
	[sflag:s0] =	ssyncset.done @!p0 $0x0  }
0x3cc: {  	[sflag:s0] =	ssyncadd.s32 @!p0 s1  }
0x3cd: {  	[bflag:$0x3] =	sbarrier.arrive $0xFFFF  }
0x3ce: {  	_ =	shalt  }

// kernel: kernel.8.cloned.1.call-start
scs
__scs_entry_jumppad:
0x0: {  	(pc) =	sbr.rel $0x88, $3  }
0x1: {  	(tag) =	ssettag $0x0;
	lr =	simm.s32 $0x1  }
0x2: {  	[smem:$0x3F9B] =	sst lr;
	_ =	strace $0xD0000000  }
0x3: {  	_ = 	snop  }
0x4: {  	_ = 	snop  }
0x5: {  	_ = 	snop  }
0x6: {  	_ = 	snop  }
0x7: {  	_ = 	snop  }
__scs_overlays_trampoline_lowered:
0x8: {  	[smem:$0x3FAA] =	sst s0  }
0x9: {  	[smem:$0x3FAB] =	sst s1  }
0xa: {  	[smem:$0x3FAC] =	sst s2  }
0xb: {  	[smem:$0x3FAD] =	sst s3  }
0xc: {  	[smem:$0x3FAE] =	sst s4  }
0xd: {  	[smem:$0x3FAF] =	sst s5  }
0xe: {  	[smem:$0x3FB0] =	sst s6  }
0xf: {  	[smem:$0x3FB1] =	sst s7  }
0x10: {  	[smem:$0x3FB2] =	sst s8  }
0x11: {  	[smem:$0x3FB3] =	sst s9;
	s0 =	simm.s32 @!p0 $0x0  }
0x12: {  	s1 =	sld [smem:$0x3F99];
	s0 =	simm.s32 @p0 $0x1  }
0x13: {  	[smem:$0x3FB4] =	sst s0;
	s0 =	simm.s32 @!p1 $0x0  }
0x14: {  	s2 =	sld [smem:$0x3F98];
	s0 =	simm.s32 @p1 $0x1  }
0x15: {  	[smem:$0x3FB5] =	sst s0;
	s0 =	simm.s32 @!p2 $0x0  }
0x16: {  	s3 =	sld [smem:$0x3FDB];
	s0 =	simm.s32 @p2 $0x1  }
0x17: {  	s4 =	simm.s32 $0x1BF5;
	[smem:$0x3FB7] =	sst s0  }
0x18: {  	s0 =	sld [smem:$0x3F9A];
	_ =	swait.ge [sflag:s4], $0x0  }
0x19: {  	s7 =	sld [smem:$0x3F9B]  }
0x1a: {  	s8 =	sadd.s32 $0xFFFFE003, lr  }
0x1b: {  	s9 =	sadd.s32 $0xFFFFFEF7, lr;
	s5 =	simm.s32 $0xFFFFFFFF;
	p2 =	slt.u32 s8, $0xFFFFF086  }
0x1c: {  	p1 =	slt.u32 s9, $0xF7A;
	s5 =	simm.s32 @!p2 $0x0  }
0x1d: {  	s5 =	simm.s32 @p1 $0x1;
	p0 =	seq.s32 s7, s2  }
0x1e: {  	s7 =	smul.u32 @!p0 $0xF7A, s2;
	p2 =	seq.s32 @!p0 s5, $0x0  }
0x1f: {  	s9 =	smul.u32 $0xF7A, s1;
	s8 =	simm.s32 @!p0 $0x1BF5;
	p2 =	por !p2, p0  }
0x20: {  	[sflag:s8] =	ssyncset.s32 @!p0 $0xFFFFF086;
	s6 =	sadd.s32 @!p0 s3, s7;
	s7 =	simm.s32 @!p0 $0x108  }
0x21: {  	s3 =	sadd.s32 s3, s9;
	s6 =	sadd.s32 @!p0 $0x88, s6;
	s7 =	simm.s32 @p2 $0x1082  }
0x22: {  	[simem:s7], [sflag:s8] =	dma.local @!p0 [hbm:s6], $0xF7A  }
0x23: {  	s9 =	sor.u32 $0xD0000000, s2;
	s6 =	simm.s32 $0x108;
	_ =	swait.ge @!p0 [sflag:s8], $0x0  }
0x24: {  	s3 =	sadd.s32 $0x88, s3;
	s6 =	simm.s32 @!p1 $0x1082;
	[sflag:s4] =	ssyncset.s32 $0xFFFFF086  }
0x25: {  	[simem:s6], [sflag:s4] =	dma.local [hbm:s3], $0xF7A  }
0x26: {  	[smem:$0x3F9B] =	sst s1;
	(tag) =	ssettag s2;
	_ =	strace s9  }
0x27: {  	s1 =	sld [smem:$0x3FAB]  }
0x28: {  	s2 =	sld [smem:$0x3FAC]  }
0x29: {  	s4 =	sld [smem:$0x3FAE]  }
0x2a: {  	p0 =	seq.s32 s5, $0x0;
	s5 =	sld [smem:$0x3FAF]  }
0x2b: {  	s6 =	sld [smem:$0x3FB0]  }
0x2c: {  	s7 =	sld [smem:$0x3FB1]  }
0x2d: {  	s3 =	simm.s32 $0x108;
	s8 =	sld [smem:$0x3FB2]  }
0x2e: {  	s3 =	simm.s32 @!p0 $0x1082;
	s9 =	sld [smem:$0x3FB3]  }
0x2f: {  	lr =	sadd.s32 s0, s3;
	s0 =	sld [smem:$0x3FAA]  }
0x30: {  	s3 =	sld [smem:$0x3FAD]  }
0x31: {  	[smem:$0x3FB6] =	sst s10  }
0x32: {  	s10 =	sld [smem:$0x3FB4];
	_ =	sdelay $0x3  }
0x33: {  	p0 =	seq.s32 s10, $0x1;
	s10 =	sld [smem:$0x3FB6];
	_ =	sdelay $0x3  }
0x34: {  	[smem:$0x3FB6] =	sst s10  }
0x35: {  	s10 =	sld [smem:$0x3FB5];
	_ =	sdelay $0x3  }
0x36: {  	p1 =	seq.s32 s10, $0x1;
	s10 =	sld [smem:$0x3FB6];
	_ =	sdelay $0x3  }
0x37: {  	[smem:$0x3FB6] =	sst s10  }
0x38: {  	s10 =	sld [smem:$0x3FB7]  }
0x39: {  	_ = 	snop;
	(pc) =	sbr.ind lr, $3  }
0x3a: {  	_ = 	snop  }
0x3b: {  	_ = 	snop  }
0x3c: {  	p2 =	seq.s32 s10, $0x1;
	s10 =	sld [smem:$0x3FB6]  }
0x3d: {  	_ =	shalt  }
0x3e: {  	_ =	shalt  }
0x3f: {  	_ =	shalt  }
0x40: {  	_ =	shalt  }
0x41: {  	_ =	shalt  }
0x42: {  	_ =	shalt  }
0x43: {  	_ =	shalt  }
0x44: {  	_ =	shalt  }
0x45: {  	_ =	shalt  }
0x46: {  	_ =	shalt  }
0x47: {  	_ =	shalt  }
0x48: {  	_ =	shalt  }
0x49: {  	_ =	shalt  }
0x4a: {  	_ =	shalt  }
0x4b: {  	_ =	shalt  }
0x4c: {  	_ =	shalt  }
0x4d: {  	_ =	shalt  }
0x4e: {  	_ =	shalt  }
0x4f: {  	_ =	shalt  }
0x50: {  	_ =	shalt  }
0x51: {  	_ =	shalt  }
0x52: {  	_ =	shalt  }
0x53: {  	_ =	shalt  }
0x54: {  	_ =	shalt  }
0x55: {  	_ =	shalt  }
0x56: {  	_ =	shalt  }
0x57: {  	_ =	shalt  }
0x58: {  	_ =	shalt  }
0x59: {  	_ =	shalt  }
0x5a: {  	_ =	shalt  }
0x5b: {  	_ =	shalt  }
0x5c: {  	_ =	shalt  }
0x5d: {  	_ =	shalt  }
0x5e: {  	_ =	shalt  }
0x5f: {  	_ =	shalt  }
0x60: {  	_ =	shalt  }
0x61: {  	_ =	shalt  }
0x62: {  	_ =	shalt  }
0x63: {  	_ =	shalt  }
0x64: {  	_ =	shalt  }
0x65: {  	_ =	shalt  }
0x66: {  	_ =	shalt  }
0x67: {  	_ =	shalt  }
0x68: {  	_ =	shalt  }
0x69: {  	_ =	shalt  }
0x6a: {  	_ =	shalt  }
0x6b: {  	_ =	shalt  }
0x6c: {  	_ =	shalt  }
0x6d: {  	_ =	shalt  }
0x6e: {  	_ =	shalt  }
0x6f: {  	_ =	shalt  }
0x70: {  	_ =	shalt  }
0x71: {  	_ =	shalt  }
0x72: {  	_ =	shalt  }
0x73: {  	_ =	shalt  }
0x74: {  	_ =	shalt  }
0x75: {  	_ =	shalt  }
0x76: {  	_ =	shalt  }
0x77: {  	_ =	shalt  }
0x78: {  	_ =	shalt  }
0x79: {  	_ =	shalt  }
0x7a: {  	_ =	shalt  }
0x7b: {  	_ =	shalt  }
0x7c: {  	_ =	shalt  }
0x7d: {  	_ =	shalt  }
0x7e: {  	_ =	shalt  }
0x7f: {  	_ =	shalt  }
0x80: {  	_ =	shalt  }
0x81: {  	_ =	shalt  }
0x82: {  	_ =	shalt  }
0x83: {  	_ =	shalt  }
0x84: {  	_ =	shalt  }
0x85: {  	_ =	shalt  }
0x86: {  	_ =	shalt  }
0x87: {  	_ =	shalt  }
.Lfunc_end0:
.L_simem_size_0:
called_computation_lowered:
.L_overlay_start_0:
0x88: {  	s2 =	sld [smem:$0x3FD9]  }
0x89: {  	s3 =	sld [smem:$0x3FFE];
	_ =	sdelay $0x1  }
0x8a: {  	s1 =	srdreg.scid  }
0x8b: {  	s0 =	sand.u32 $0x1, s1  }
0x8c: {  	s17 =	sshll.u32 s0, $0xA;
	s2 =	sadd.s32 s3, s2  }
0x8d: {  	s2 =	sadd.s32 s2, s17  }
0x8e: {  	[smem:$0x3FC2] =	sst s2  }
0x8f: {  	_ = 	snop  }
0x90: {  	s2 =	sld [smem:$0x3FD0];
	(tm) =	ssettm $0x1  }
0x91: {  	s18 =	sld [smem:$0x3FFB];
	_ =	sdelay $0x3  }
0x92: {  	_ =	strace s18  }
0x93: {  	s3 =	sld [smem:$0x3FFC];
	_ =	sdelay $0x3  }
0x94: {  	_ =	strace s3  }
0x95: {  	s3 =	sld [smem:$0x3FFD];
	_ =	sdelay $0x3  }
0x96: {  	_ =	strace s3  }
0x97: {  	_ =	strace $0x8FFFFFFF  }
0x98: {  	s19 =	sld [smem:$0x3FDB];
	_ =	sdelay $0x1  }
0x99: {  	s4 =	simm.s32 $_scs_section_size  }
0x9a: {  	s5 =	simm.s32 $_size__tile_overlayer_lowered;
	s6 =	simm.s32 $_tile_overlayer_lowered  }
0x9b: {  	s22 =	simm.s32 $0x1BFF;
	s21 =	sshll.u32 s6, $0x1;
	s3 =	sadd.s32 s4, s19  }
0x9c: {  	s7 =	simm.s32 $0x0;
	s20 =	sshll.u32 s5, $0x1;
	s5 =	sadd.s32 s21, s3  }
0x9d: {  	[timem:s7], [sflag:s22] =	dma.local [hbm:s5], s20  }
0x9e: {  	_ =	swait.ge [sflag:s22], s20  }
0x9f: {  	s4 =	ssub.s32 $0x0, s20;
	[sflag:s22] =	ssyncset.done $0x0  }
0xa0: {  	[sflag:s22] =	ssyncadd.s32 s4;
	_ =	sdelay $0x1  }
0xa1: {  	s23 =	simm.s32 $0x1B8B  }
0xa2: {  	_ =	swait.ge [sflag:s23], $0x1  }
0xa3: {  	[sflag:s23] =	ssyncset.done $0x0  }
0xa4: {  	s25 =	simm.s32 $0x1B8E;
	s24 =	sld [smem:$0x3FFE];
	[sflag:s23] =	ssyncadd.s32 $0xFFFFFFFF  }
0xa5: {  	s26 =	simm.s32 $execute0_lowered;
	[smem:$0x3FD2] =	sst s25  }
0xa6: {  	s5 =	sshll.u32 s26, $0x1;
	_ =	strace $0x80000046;
	[dreg:$0x1] =	wrdreg $0xFFFFFFFF  }
0xa7: {  	s28 =	simm.s32 $_size_execute0_lowered;
	s3 =	sadd.s32 s3, s5;
	[dreg:$0x0] =	wrdreg $0x0  }
0xa8: {  	s5 =	sshll.u32 s28, $0x1;
	[dreg:$0x2] =	wrdreg s3  }
0xa9: {  	[dreg:$0x3] =	wrdreg s5  }
0xaa: {  	[dreg:$0x4] =	wrdreg $0xC0  }
0xab: {  	_ =	task [dreg:s7], $0x5FFFF  }
0xac: {  	[dreg:$0x1] =	wrdreg $0xFFFFFFFF  }
0xad: {  	[dreg:$0x0] =	wrdreg $0x60  }
0xae: {  	[dreg:$0x2] =	wrdreg s24  }
0xaf: {  	[dreg:$0x3] =	wrdreg s2  }
0xb0: {  	[dreg:$0x4] =	wrdreg $0x9  }
0xb1: {  	_ =	task.clear_ibuf [dreg:s7], $0x5FFFF;
	_ =	strace $0x90000046  }
0xb2: {  	s29 =	simm.s32 $0x9;
	_ =	strace $0x80000048  }
0xb3: {  	_ =	swait.ge [sflag:s29], $0x1  }
0xb4: {  	[sflag:s29] =	ssyncadd.s32 $0xFFFFFFFF  }
0xb5: {  	_ =	strace $0x90000048  }
0xb6: {  	_ =	sfence  }
0xb7: {  	s30 =	sld [smem:$0x0];
	_ =	sdelay $0x2  }
0xb8: {  	s31 =	sshll.u32 s1, $0xD;
	s1 =	sshrl.u32 s1, $0x2  }
0xb9: {  	s3 =	sand.u32 $0x4000, s31;
	s1 =	sadd.s32 s1, s30  }
0xba: {  	s0 =	sor.u32 s3, s0;
	s1 =	sshll.u32 s1, $0x11  }
0xbb: {  	s0 =	sor.u32 s1, s0  }
0xbc: {  	s0 =	sadd.s32 $0x8F2B, s0  }
0xbd: {  	[sflag:s0] =	ssyncadd.remote.s32 $0x1  }
0xbe: {  	_ =	sfence.sel $0xFFFF  }
0xbf: {  	[dreg:$0x0] =	wrdreg $0xFFFFFFFF;
	(pc) =	sbr.abs _section_cstart, $3  }
0xc0: {  	[dreg:$0x1] =	wrdreg $0xFFFFFFFF  }
0xc1: {  	_ =	task.clear_ibuf [dreg:s7], $0x2FFFF;
	_ =	strace $0x9FFFFFFF  }
0xc2: {  	(tm) =	ssettm $0x7FFFFFFF  }
0xc3: {  	_ =	shalt  }
tec
execute0_lowered:
.L_overlay_start_1:
0x0: {  	(tag) =	ssettag $0x1  }
0x1: {  	s1 =	srdreg.scid;
	s0 =	stileid.u32  }
0x2: {  	s4 =	sand.u32 $0x1, s1;
	s31 =	sshll.u32 s0, $0x1  }
0x3: {  	s3 =	rddreg [dreg:$0x0];
	s6 =	sor.u32 s4, s31  }
0x4: {  	s5 =	rddreg [dreg:$0x1];
	s2 =	simm.s32 $0x0;
	s7 =	smul.u32 $0x2710, s6  }
0x5: {  	[smem:$0x7FF] =	sst s2;
	s4 =	ssub.s32 $0x2, s4;
	s6 =	smul.u32 $0x4F0, s6  }
0x6: {  	s1 =	rddreg [dreg:$0x2];
	_ =	strace $0x80000047;
	s8 =	sshrl.u32 s4, $0x1  }
0x7: {  	s8 =	ssub.s32 s4, s8;
	s7 =	sshrl.u32 s7, $0x3;
	s4 =	sadd.s32 s5, s6  }
0x8: {  	s5 =	smax.u32 s8, $0x1;
	s6 =	simm.s32 $0x2780;
	s3 =	sadd.s32 s3, s7  }
0x9: {  	v0 =	vimm.f32 $0.0e+00;
	v1 =	vimm.f32 $1.000000000e+00;
	s8 =	simm.s32 $0x0;
	s7 =	simm.s32 $0x1;
	s3 =	sadd.s32 $0xB840, s3  }
.LBB2_1:
0xa: {  	[tilespmem:s6], [sflag:$0x1] =	stream.linear.gather [hbm4b:s3+s2], $0x2710, $0x38;
	[tilespmem:$0x4E90] =	vst v63  }
0xb: {  	_ =	swait.ge [sflag:s7], $0x2710  }
0xc: {  	[sflag:s7] =	ssyncset.done $0x0  }
0xd: {  	s9 =	simm.s32 $0x0;
	[sflag:s7] =	ssyncadd.s32 $0xFFFFD8F0  }
.LBB2_2:
0xe: {  	p0 =	sne.s32 s9, $0x9D00  }
.Ltmp0:
0xf: {  	s10 =	sshra.s32 s9, $0x2;
	(pc) =	sbr.rel @p0 .LBB2_2-.Ltmp0, $4  }
0x10: {  	[tilespmem:s10+$0x0] =	vst v0  }
0x11: {  	[tilespmem:s10+$0x10] =	vst v0  }
0x12: {  	[tilespmem:s10+$0x20] =	vst v0  }
0x13: {  	s9 =	sadd.s32 $0x100, s9;
	[tilespmem:s10+$0x30] =	vst v0  }
0x14: {  	s9 =	simm.s32 $0x0  }
.LBB2_4:
0x15: {  	s10 =	sshra.s32 s9, $0x2  }
0x16: {  	v2 =	vld [tilespmem:s10+$0x2780];
	_ =	sdelay $0x7  }
0x17: {  	[tilespmem:v2+s2+$0x0] =	vst.idx.add.f32.msk $0xffff, v1  }
0x18: {  	v2 =	vld [tilespmem:s10+$0x2790];
	_ =	sdelay $0x7  }
0x19: {  	[tilespmem:v2+s2+$0x0] =	vst.idx.add.f32.msk $0xffff, v1  }
0x1a: {  	v2 =	vld [tilespmem:s10+$0x27A0];
	_ =	sdelay $0x7  }
0x1b: {  	[tilespmem:v2+s2+$0x0] =	vst.idx.add.f32.msk $0xffff, v1  }
0x1c: {  	v2 =	vld [tilespmem:s10+$0x27B0];
	_ =	sdelay $0x7  }
0x1d: {  	[tilespmem:v2+s2+$0x0] =	vst.idx.add.f32.msk $0xffff, v1  }
0x1e: {  	v2 =	vld [tilespmem:s10+$0x27C0];
	_ =	sdelay $0x2  }
0x1f: {  	p0 =	sne.s32 s9, $0x9B00  }
.Ltmp1:
0x20: {  	_ = 	snop;
	(pc) =	sbr.rel @p0 .LBB2_4-.Ltmp1, $2  }
0x21: {  	_ =	sdelay $0x2  }
0x22: {  	s9 =	sadd.s32 $0x140, s9;
	[tilespmem:v2+s2+$0x0] =	vst.idx.add.f32.msk $0xffff, v1  }
0x23: {  	s8 =	sadd.s32 $0x1, s8  }
0x24: {  	p0 =	sne.s32 s8, s5  }
.Ltmp2:
0x25: {  	_ = 	snop;
	(pc) =	sbr.rel @p0 .LBB2_1-.Ltmp2, $4  }
0x26: {  	[hbm4b:s4+s2] =	stream.linear.scatter [tilespmem:s2], [sflag:$0x1], $0x2780, $0x38;
	[tilespmem:$0x4E90] =	vst v63  }
0x27: {  	_ =	swait.ge [sflag:s7], $0x2780  }
0x28: {  	[sflag:s7] =	ssyncset.done $0x0  }
0x29: {  	[sflag:s7] =	ssyncadd.s32 $0xFFFFD880  }
0x2a: {  	_ =	sfence.sel $0x180000  }
0x2b: {  	[bflag:$0x0] =	sbarrier.arrive $0xFFFF  }
0x2c: {  	p0 =	sne.s32 s0, $0x0;
	_ =	strace $0x90000047  }
0x2d: {  	s0 =	sadd.s32 @!p0 $0x100000, s1;
	[bflag:$0x2] =	sbarrier.arrive $0xFFFF  }
0x2e: {  	[sflag:s0] =	ssyncadd.tile.s32 @!p0 $0x1;
	_ =	shalt  }
.Lfunc_end2:
_tile_overlayer_lowered:
.L_overlay_start_2:
0x2f: {  	(tag) =	ssettag $0x2  }
0x30: {  	s0 =	rddreg [dreg:$0x0];
	s2 =	stileid.u32  }
0x31: {  	s1 =	rddreg [dreg:$0x1];
	p0 =	sne.s32 s2, $0x0  }
0x32: {  	s3 =	rddreg [dreg:$0x2];
	[bflag:$0x3] =	sbarrier.arrive $0xFFFF;
	s2 =	simm.s32 @!p0 $0x1C01  }
0x33: {  	[timem:s3], [sflag:s2] =	dma.local @!p0 [hbm:s0], s1  }
0x34: {  	s0 =	simm.s32 @!p0 $0x1  }
0x35: {  	_ =	swait.ge @!p0 [sflag:s0], s1  }
0x36: {  	s1 =	ssub.s32 @!p0 $0x0, s1;
	[sflag:s0] =	ssyncset.done @!p0 $0x0  }
0x37: {  	[sflag:s0] =	ssyncadd.s32 @!p0 s1  }
0x38: {  	[bflag:$0x3] =	sbarrier.arrive $0xFFFF  }
0x39: {  	_ =	shalt  }

</sc_bundles>
